<compile_context>
chip_gen: v7x
topology: tpu7x:2x2x1
jax: 0.10.2.dev20260603
libtpu: 0.0.44.dev20260713+nightly
codegen_flags: <defaults>
</compile_context>

<pallas_src>
import jax
import jax.numpy as jnp
from jax import lax
from jax.experimental import pallas as pl
from jax.experimental.pallas import tpu as pltpu
from jax.experimental.pallas import tpu_sc as plsc

D = 16
B = 16384
N = 100000
NC, NS, L = 2, 16, 16
NW = NC * NS
PER_W = B // NW
CH = 128
NCHUNK = PER_W // CH
NG = CH // L

AC = 2048


def _pack_body(ct_ref, a_ref, b_ref):
    t = ct_ref[...]
    a_ref[...] = t[:128, :].T
    b_ref[...] = t[128:, :].T


_pack = pl.pallas_call(
    _pack_body,
    grid=(pl.cdiv(N, AC),),
    in_specs=[pl.BlockSpec((D * D, AC), lambda k: (0, k))],
    out_specs=[pl.BlockSpec((AC, 128), lambda k: (k, 0)),
               pl.BlockSpec((AC, 128), lambda k: (k, 0))],
    out_shape=[jax.ShapeDtypeStruct((N, 128), jnp.float32),
               jax.ShapeDtypeStruct((N, 128), jnp.float32)],
)


def _sc_body(ann_hbm, mu_hbm, covA_hbm, covB_hbm, eps_hbm, z_hbm,
             idx_v, covA_v, covB_v, mu_v, eps_v, out_v, sem):
    wid = lax.axis_index("s") * NC + lax.axis_index("c")
    base = wid * PER_W
    lane = lax.iota(jnp.int32, L)

    for c in range(NCHUNK):
        off = base + c * CH
        pltpu.sync_copy(ann_hbm.at[pl.ds(off, CH)], idx_v)
        cpA = pltpu.async_copy(covA_hbm.at[idx_v], covA_v, sem)
        cpB = pltpu.async_copy(covB_hbm.at[idx_v], covB_v, sem)
        cpM = pltpu.async_copy(mu_hbm.at[idx_v], mu_v, sem)
        pltpu.sync_copy(eps_hbm.at[pl.ds(off, CH)], eps_v)
        cpA.wait()
        cpB.wait()
        cpM.wait()

        def group(g, carry):
            s_idx = g * L + lane
            e = [plsc.load_gather(eps_v, [s_idx, jnp.full((L,), j, jnp.int32)])
                 for j in range(D)]
            for i in range(D):
                z0 = plsc.load_gather(
                    mu_v, [s_idx, jnp.full((L,), i, jnp.int32)])
                z1 = None
                for j in range(i + 1):
                    col = i * D + j
                    src = covA_v if col < 128 else covB_v
                    cij = plsc.load_gather(
                        src, [s_idx, jnp.full((L,), col % 128, jnp.int32)])
                    if j % 2 == 0:
                        z0 = z0 + cij * e[j]
                    else:
                        z1 = cij * e[j] if z1 is None else z1 + cij * e[j]
                z = z0 if z1 is None else z0 + z1
                plsc.store_scatter(out_v, [s_idx, jnp.full((L,), i, jnp.int32)], z)
            return carry

        lax.fori_loop(0, NG, group, None)
        pltpu.sync_copy(out_v, z_hbm.at[pl.ds(off, CH)])


def _make_sc_kernel(interpret=False):
    return pl.kernel(
        _sc_body,
        out_type=jax.ShapeDtypeStruct((B, D), jnp.float32),
        mesh=plsc.VectorSubcoreMesh(core_axis_name="c", subcore_axis_name="s",
                                    num_cores=NC, num_subcores=NS),
        scratch_types=[
            pltpu.VMEM((CH,), jnp.int32),
            pltpu.VMEM((CH, 128), jnp.float32),
            pltpu.VMEM((CH, 128), jnp.float32),
            pltpu.VMEM((CH, D), jnp.float32),
            pltpu.VMEM((CH, D), jnp.float32),
            pltpu.VMEM((CH, D), jnp.float32),
            pltpu.SemaphoreType.DMA,
        ],
        compiler_params=pltpu.CompilerParams(needs_layout_passes=False,
                                             use_tc_tiling_on_sc=False),
        interpret=interpret,
    )


def _get_eps():
    return jax.random.normal(
        jax.random.fold_in(jax.random.key(1), 7), (B, D), jnp.float32)


def kernel(annotator, posterior_mu, posterior_cov):
    covT = jnp.transpose(posterior_cov, (1, 2, 0)).reshape(D * D, N)
    covA, covB = _pack(covT)
    return _make_sc_kernel()(annotator.astype(jnp.int32), posterior_mu,
                             covA, covB, _get_eps())

# --- scband reference (transcript-rebuilt; emitter-appended) ---
"""Pipeline reference for scband-latent-variable-15444702396648 (READ-ONLY COPY).

The authoritative reference and input builder live on the scoring server;
editing this copy changes nothing except your own understanding.
"""

import jax, jax.numpy as jnp
import numpy as np

NUM_ANNOTATORS = 100000
LATENT_DIMS = 16
BATCH = 16384

def setup_inputs(seed: int = 0) -> dict:
    key = jax.random.key(seed)
    annotator = jax.random.randint(key, (BATCH,), 0, NUM_ANNOTATORS, dtype=jnp.int64 if jax.config.jax_enable_x64 else jnp.int32).astype(jnp.int32)
    # Parameters initialized exactly as the torch module does:
    # posterior_mu = ones*prior_mu_value (=0.0), posterior_cov = eye*prior_sigma^2 (=1.0)
    posterior_mu = jnp.zeros((NUM_ANNOTATORS, LATENT_DIMS), dtype=jnp.float32)
    posterior_cov = jnp.tile(jnp.eye(LATENT_DIMS, dtype=jnp.float32)[None, :, :], (NUM_ANNOTATORS, 1, 1))
    return {"annotator": annotator, "posterior_mu": posterior_mu, "posterior_cov": posterior_cov}

def reference(annotator, posterior_mu, posterior_cov):
    # Faithful vectorization of the per-sample loop:
    # z_i = mu[a_i] + tril(cov[a_i]) @ eps_i  (rsample of MultivariateNormal with scale_tril)
    ann = annotator.astype(jnp.int32)
    mu = jnp.take(posterior_mu, ann, axis=0)                 # [B, D] gather
    L = jnp.tril(jnp.take(posterior_cov, ann, axis=0))       # [B, D, D] gather + tril
    eps = jax.random.normal(jax.random.fold_in(jax.random.key(1), 7), mu.shape, dtype=mu.dtype)
    z = mu + jnp.einsum('bij,bj->bi', L, eps)
    return z

if __name__ == "__main__":
    import jax
    _d = setup_inputs()
    print(jax.jit(kernel)(*tuple(_d.values())))

</pallas_src>

<mosaic_0001>
#map = affine_map<(d0, d1) -> (0)>
#map1 = affine_map<(d0, d1) -> (0, 0)>
module attributes {stable_mosaic.version = 14 : i64} {
  func.func @_sc_body(%arg0: i32, %arg1: i32, %arg2: memref<16384xi32, #tpu.memory_space<hbm>>, %arg3: memref<100000x16xf32, #tpu.memory_space<hbm>>, %arg4: memref<100000x128xf32, #tpu.memory_space<hbm>>, %arg5: memref<100000x128xf32, #tpu.memory_space<hbm>>, %arg6: memref<16384x16xf32, #tpu.memory_space<hbm>>, %arg7: memref<16384x16xf32, #tpu.memory_space<hbm>>, %arg8: memref<128xi32, #tpu.memory_space<vmem>>, %arg9: memref<128x128xf32, #tpu.memory_space<vmem>>, %arg10: memref<128x128xf32, #tpu.memory_space<vmem>>, %arg11: memref<128x16xf32, #tpu.memory_space<vmem>>, %arg12: memref<128x16xf32, #tpu.memory_space<vmem>>, %arg13: memref<128x16xf32, #tpu.memory_space<vmem>>, %arg14: memref<!tpu.dma_semaphore, #tpu.memory_space<semaphore_mem>>) attributes {dimension_semantics = [#tpu.dimension_semantics<core_parallel>, #tpu.dimension_semantics<subcore_parallel>], iteration_bounds = array<i64: 2, 16>, scalar_prefetch = 0 : i64, scratch_operands = 7 : i64, tpu.core_type = #tpu.core_type<sc_vector_subcore>, window_params = [{transform_indices = #map}, {transform_indices = #map1}, {transform_indices = #map1}, {transform_indices = #map1}, {transform_indices = #map1}, {transform_indices = #map1}]} {
    %mul3A = arith.constant 2 : i32
    %mul3A_0 = arith.muli %arg1, %mul3A : i32
    %add3A = arith.addi %mul3A_0, %arg0 : i32
    %mul3A_1 = arith.constant 512 : i32
    %mul3A_2 = arith.muli %add3A, %mul3A_1 : i32
    %iota3A = tpu.iota {dimensions = array<i32: 0>} : vector<16xi32>
    %add3A_3 = arith.constant 0 : i32
    %add3A_4 = arith.addi %mul3A_2, %add3A_3 : i32
    "tpu.region"() ({
      %run_scoped3A = tpu.sem_alloc : memref<!tpu.dma_semaphore, #tpu.memory_space<semaphore_mem>>
      %dma_start3A_100 = tpu.memref_slice %arg2[%add3A_4] : memref<16384xi32, #tpu.memory_space<hbm>> -> memref<128xi32, #tpu.memory_space<hbm>>
      %dma_start3A_101 = tpu.memref_slice %arg2[%add3A_4] : memref<16384xi32, #tpu.memory_space<hbm>> -> memref<128xi32, #tpu.memory_space<hbm>>
      tpu.enqueue_dma source(%dma_start3A_101 : memref<128xi32, #tpu.memory_space<hbm>>) target(%arg8 : memref<128xi32, #tpu.memory_space<vmem>>) target_semaphore(%run_scoped3A : memref<!tpu.dma_semaphore, #tpu.memory_space<semaphore_mem>>)
      %dma_wait3A_102 = tpu.memref_slice %arg2[%add3A_4] : memref<16384xi32, #tpu.memory_space<hbm>> -> memref<128xi32, #tpu.memory_space<hbm>>
      %dma_wait3A_103 = tpu.memref_slice %arg2[%add3A_4] : memref<16384xi32, #tpu.memory_space<hbm>> -> memref<128xi32, #tpu.memory_space<hbm>>
      tpu.wait_dma2 semaphore(%run_scoped3A : memref<!tpu.dma_semaphore, #tpu.memory_space<semaphore_mem>>) src(%dma_wait3A_103 : memref<128xi32, #tpu.memory_space<hbm>>) dst(%arg8 : memref<128xi32, #tpu.memory_space<vmem>>)
      tpu.yield
    }) : () -> ()
    %dma_start3A = arith.constant 0 : i32
    %dma_start3A_5 = arith.constant 0 : i32
    %dma_start3A_6 = tpu.memref_slice %arg4[%dma_start3A, %dma_start3A_5] : memref<100000x128xf32, #tpu.memory_space<hbm>> -> memref<100000x128xf32, #tpu.memory_space<hbm>>
    tpu.enqueue_indirect_dma source(%dma_start3A_6 : memref<100000x128xf32, #tpu.memory_space<hbm>>) target(%arg9 : memref<128x128xf32, #tpu.memory_space<vmem>>) offsets(%arg8 : memref<128xi32, #tpu.memory_space<vmem>>) semaphore(%arg14 : memref<!tpu.dma_semaphore, #tpu.memory_space<semaphore_mem>>)
    %dma_start3A_7 = arith.constant 0 : i32
    %dma_start3A_8 = arith.constant 0 : i32
    %dma_start3A_9 = tpu.memref_slice %arg5[%dma_start3A_7, %dma_start3A_8] : memref<100000x128xf32, #tpu.memory_space<hbm>> -> memref<100000x128xf32, #tpu.memory_space<hbm>>
    tpu.enqueue_indirect_dma source(%dma_start3A_9 : memref<100000x128xf32, #tpu.memory_space<hbm>>) target(%arg10 : memref<128x128xf32, #tpu.memory_space<vmem>>) offsets(%arg8 : memref<128xi32, #tpu.memory_space<vmem>>) semaphore(%arg14 : memref<!tpu.dma_semaphore, #tpu.memory_space<semaphore_mem>>)
    %dma_start3A_10 = arith.constant 0 : i32
    %dma_start3A_11 = arith.constant 0 : i32
    %dma_start3A_12 = tpu.memref_slice %arg3[%dma_start3A_10, %dma_start3A_11] : memref<100000x16xf32, #tpu.memory_space<hbm>> -> memref<100000x16xf32, #tpu.memory_space<hbm>>
    tpu.enqueue_indirect_dma source(%dma_start3A_12 : memref<100000x16xf32, #tpu.memory_space<hbm>>) target(%arg11 : memref<128x16xf32, #tpu.memory_space<vmem>>) offsets(%arg8 : memref<128xi32, #tpu.memory_space<vmem>>) semaphore(%arg14 : memref<!tpu.dma_semaphore, #tpu.memory_space<semaphore_mem>>)
    "tpu.region"() ({
      %run_scoped3A = tpu.sem_alloc : memref<!tpu.dma_semaphore, #tpu.memory_space<semaphore_mem>>
      %dma_start3A_100 = arith.constant 0 : i32
      %dma_start3A_101 = tpu.memref_slice %arg6[%add3A_4, %dma_start3A_100] : memref<16384x16xf32, #tpu.memory_space<hbm>> -> memref<128x16xf32, #tpu.memory_space<hbm>>
      %dma_start3A_102 = arith.constant 0 : i32
      %dma_start3A_103 = tpu.memref_slice %arg6[%add3A_4, %dma_start3A_102] : memref<16384x16xf32, #tpu.memory_space<hbm>> -> memref<128x16xf32, #tpu.memory_space<hbm>>
      tpu.enqueue_dma source(%dma_start3A_103 : memref<128x16xf32, #tpu.memory_space<hbm>>) target(%arg12 : memref<128x16xf32, #tpu.memory_space<vmem>>) target_semaphore(%run_scoped3A : memref<!tpu.dma_semaphore, #tpu.memory_space<semaphore_mem>>)
      %dma_wait3A_104 = arith.constant 0 : i32
      %dma_wait3A_105 = tpu.memref_slice %arg6[%add3A_4, %dma_wait3A_104] : memref<16384x16xf32, #tpu.memory_space<hbm>> -> memref<128x16xf32, #tpu.memory_space<hbm>>
      %dma_wait3A_106 = arith.constant 0 : i32
      %dma_wait3A_107 = tpu.memref_slice %arg6[%add3A_4, %dma_wait3A_106] : memref<16384x16xf32, #tpu.memory_space<hbm>> -> memref<128x16xf32, #tpu.memory_space<hbm>>
      tpu.wait_dma2 semaphore(%run_scoped3A : memref<!tpu.dma_semaphore, #tpu.memory_space<semaphore_mem>>) src(%dma_wait3A_107 : memref<128x16xf32, #tpu.memory_space<hbm>>) dst(%arg12 : memref<128x16xf32, #tpu.memory_space<vmem>>)
      tpu.yield
    }) : () -> ()
    %dma_wait3A = arith.constant 0 : i32
    %dma_wait3A_13 = arith.constant 0 : i32
    %dma_wait3A_14 = tpu.memref_slice %arg4[%dma_wait3A, %dma_wait3A_13] : memref<100000x128xf32, #tpu.memory_space<hbm>> -> memref<100000x128xf32, #tpu.memory_space<hbm>>
    tpu.wait_indirect_dma semaphore(%arg14 : memref<!tpu.dma_semaphore, #tpu.memory_space<semaphore_mem>>) src(%dma_wait3A_14 : memref<100000x128xf32, #tpu.memory_space<hbm>>) dst(%arg9 : memref<128x128xf32, #tpu.memory_space<vmem>>)
    %dma_wait3A_15 = arith.constant 0 : i32
    %dma_wait3A_16 = arith.constant 0 : i32
    %dma_wait3A_17 = tpu.memref_slice %arg5[%dma_wait3A_15, %dma_wait3A_16] : memref<100000x128xf32, #tpu.memory_space<hbm>> -> memref<100000x128xf32, #tpu.memory_space<hbm>>
    tpu.wait_indirect_dma semaphore(%arg14 : memref<!tpu.dma_semaphore, #tpu.memory_space<semaphore_mem>>) src(%dma_wait3A_17 : memref<100000x128xf32, #tpu.memory_space<hbm>>) dst(%arg10 : memref<128x128xf32, #tpu.memory_space<vmem>>)
    %dma_wait3A_18 = arith.constant 0 : i32
    %dma_wait3A_19 = arith.constant 0 : i32
    %dma_wait3A_20 = tpu.memref_slice %arg3[%dma_wait3A_18, %dma_wait3A_19] : memref<100000x16xf32, #tpu.memory_space<hbm>> -> memref<100000x16xf32, #tpu.memory_space<hbm>>
    tpu.wait_indirect_dma semaphore(%arg14 : memref<!tpu.dma_semaphore, #tpu.memory_space<semaphore_mem>>) src(%dma_wait3A_20 : memref<100000x16xf32, #tpu.memory_space<hbm>>) dst(%arg11 : memref<128x16xf32, #tpu.memory_space<vmem>>)
    %scan3A = arith.constant 0 : i32
    %scan3A_21 = arith.constant 8 : i32
    %scan3A_22 = arith.addi %scan3A, %scan3A_21 : i32
    %scan3A_23 = arith.constant 1 : i32
    scf.for %scan3A_100 = %scan3A to %scan3A_22 step %scan3A_23  : i32 {
      %mul3A_101 = arith.constant 16 : i32
      %mul3A_102 = arith.muli %scan3A_100, %mul3A_101 : i32
      %add3A_103 = vector.broadcast %mul3A_102 : i32 to vector<16xi32>
      %add3A_104 = arith.addi %add3A_103, %iota3A : vector<16xi32>
      %broadcast_in_dim3A = arith.constant 0 : i32
      %broadcast_in_dim3A_105 = vector.broadcast %broadcast_in_dim3A : i32 to vector<16xi32>
      %gather3A = tpu.vector_load_idx %arg12[%add3A_104, %broadcast_in_dim3A_105] : memref<128x16xf32, #tpu.memory_space<vmem>>[vector<16xi32>, vector<16xi32>], vector<16xf32>,
      %broadcast_in_dim3A_106 = arith.constant 1 : i32
      %broadcast_in_dim3A_107 = vector.broadcast %broadcast_in_dim3A_106 : i32 to vector<16xi32>
      %gather3A_108 = tpu.vector_load_idx %arg12[%add3A_104, %broadcast_in_dim3A_107] : memref<128x16xf32, #tpu.memory_space<vmem>>[vector<16xi32>, vector<16xi32>], vector<16xf32>,
      %broadcast_in_dim3A_109 = arith.constant 2 : i32
      %broadcast_in_dim3A_110 = vector.broadcast %broadcast_in_dim3A_109 : i32 to vector<16xi32>
      %gather3A_111 = tpu.vector_load_idx %arg12[%add3A_104, %broadcast_in_dim3A_110] : memref<128x16xf32, #tpu.memory_space<vmem>>[vector<16xi32>, vector<16xi32>], vector<16xf32>,
      %broadcast_in_dim3A_112 = arith.constant 3 : i32
      %broadcast_in_dim3A_113 = vector.broadcast %broadcast_in_dim3A_112 : i32 to vector<16xi32>
      %gather3A_114 = tpu.vector_load_idx %arg12[%add3A_104, %broadcast_in_dim3A_113] : memref<128x16xf32, #tpu.memory_space<vmem>>[vector<16xi32>, vector<16xi32>], vector<16xf32>,
      %broadcast_in_dim3A_115 = arith.constant 4 : i32
      %broadcast_in_dim3A_116 = vector.broadcast %broadcast_in_dim3A_115 : i32 to vector<16xi32>
      %gather3A_117 = tpu.vector_load_idx %arg12[%add3A_104, %broadcast_in_dim3A_116] : memref<128x16xf32, #tpu.memory_space<vmem>>[vector<16xi32>, vector<16xi32>], vector<16xf32>,
      %broadcast_in_dim3A_118 = arith.constant 5 : i32
      %broadcast_in_dim3A_119 = vector.broadcast %broadcast_in_dim3A_118 : i32 to vector<16xi32>
      %gather3A_120 = tpu.vector_load_idx %arg12[%add3A_104, %broadcast_in_dim3A_119] : memref<128x16xf32, #tpu.memory_space<vmem>>[vector<16xi32>, vector<16xi32>], vector<16xf32>,
      %broadcast_in_dim3A_121 = arith.constant 6 : i32
      %broadcast_in_dim3A_122 = vector.broadcast %broadcast_in_dim3A_121 : i32 to vector<16xi32>
      %gather3A_123 = tpu.vector_load_idx %arg12[%add3A_104, %broadcast_in_dim3A_122] : memref<128x16xf32, #tpu.memory_space<vmem>>[vector<16xi32>, vector<16xi32>], vector<16xf32>,
      %broadcast_in_dim3A_124 = arith.constant 7 : i32
      %broadcast_in_dim3A_125 = vector.broadcast %broadcast_in_dim3A_124 : i32 to vector<16xi32>
      %gather3A_126 = tpu.vector_load_idx %arg12[%add3A_104, %broadcast_in_dim3A_125] : memref<128x16xf32, #tpu.memory_space<vmem>>[vector<16xi32>, vector<16xi32>], vector<16xf32>,
      %broadcast_in_dim3A_127 = arith.constant 8 : i32
      %broadcast_in_dim3A_128 = vector.broadcast %broadcast_in_dim3A_127 : i32 to vector<16xi32>
      %gather3A_129 = tpu.vector_load_idx %arg12[%add3A_104, %broadcast_in_dim3A_128] : memref<128x16xf32, #tpu.memory_space<vmem>>[vector<16xi32>, vector<16xi32>], vector<16xf32>,
      %broadcast_in_dim3A_130 = arith.constant 9 : i32
      %broadcast_in_dim3A_131 = vector.broadcast %broadcast_in_dim3A_130 : i32 to vector<16xi32>
      %gather3A_132 = tpu.vector_load_idx %arg12[%add3A_104, %broadcast_in_dim3A_131] : memref<128x16xf32, #tpu.memory_space<vmem>>[vector<16xi32>, vector<16xi32>], vector<16xf32>,
      %broadcast_in_dim3A_133 = arith.constant 10 : i32
      %broadcast_in_dim3A_134 = vector.broadcast %broadcast_in_dim3A_133 : i32 to vector<16xi32>
      %gather3A_135 = tpu.vector_load_idx %arg12[%add3A_104, %broadcast_in_dim3A_134] : memref<128x16xf32, #tpu.memory_space<vmem>>[vector<16xi32>, vector<16xi32>], vector<16xf32>,
      %broadcast_in_dim3A_136 = arith.constant 11 : i32
      %broadcast_in_dim3A_137 = vector.broadcast %broadcast_in_dim3A_136 : i32 to vector<16xi32>
      %gather3A_138 = tpu.vector_load_idx %arg12[%add3A_104, %broadcast_in_dim3A_137] : memref<128x16xf32, #tpu.memory_space<vmem>>[vector<16xi32>, vector<16xi32>], vector<16xf32>,
      %broadcast_in_dim3A_139 = arith.constant 12 : i32
      %broadcast_in_dim3A_140 = vector.broadcast %broadcast_in_dim3A_139 : i32 to vector<16xi32>
      %gather3A_141 = tpu.vector_load_idx %arg12[%add3A_104, %broadcast_in_dim3A_140] : memref<128x16xf32, #tpu.memory_space<vmem>>[vector<16xi32>, vector<16xi32>], vector<16xf32>,
      %broadcast_in_dim3A_142 = arith.constant 13 : i32
      %broadcast_in_dim3A_143 = vector.broadcast %broadcast_in_dim3A_142 : i32 to vector<16xi32>
      %gather3A_144 = tpu.vector_load_idx %arg12[%add3A_104, %broadcast_in_dim3A_143] : memref<128x16xf32, #tpu.memory_space<vmem>>[vector<16xi32>, vector<16xi32>], vector<16xf32>,
      %broadcast_in_dim3A_145 = arith.constant 14 : i32
      %broadcast_in_dim3A_146 = vector.broadcast %broadcast_in_dim3A_145 : i32 to vector<16xi32>
      %gather3A_147 = tpu.vector_load_idx %arg12[%add3A_104, %broadcast_in_dim3A_146] : memref<128x16xf32, #tpu.memory_space<vmem>>[vector<16xi32>, vector<16xi32>], vector<16xf32>,
      %broadcast_in_dim3A_148 = arith.constant 15 : i32
      %broadcast_in_dim3A_149 = vector.broadcast %broadcast_in_dim3A_148 : i32 to vector<16xi32>
      %gather3A_150 = tpu.vector_load_idx %arg12[%add3A_104, %broadcast_in_dim3A_149] : memref<128x16xf32, #tpu.memory_space<vmem>>[vector<16xi32>, vector<16xi32>], vector<16xf32>,
      %broadcast_in_dim3A_151 = arith.constant 0 : i32
      %broadcast_in_dim3A_152 = vector.broadcast %broadcast_in_dim3A_151 : i32 to vector<16xi32>
      %gather3A_153 = tpu.vector_load_idx %arg11[%add3A_104, %broadcast_in_dim3A_152] : memref<128x16xf32, #tpu.memory_space<vmem>>[vector<16xi32>, vector<16xi32>], vector<16xf32>,
      %broadcast_in_dim3A_154 = arith.constant 0 : i32
      %broadcast_in_dim3A_155 = vector.broadcast %broadcast_in_dim3A_154 : i32 to vector<16xi32>
      %gather3A_156 = tpu.vector_load_idx %arg9[%add3A_104, %broadcast_in_dim3A_155] : memref<128x128xf32, #tpu.memory_space<vmem>>[vector<16xi32>, vector<16xi32>], vector<16xf32>,
      %mul3A_157 = arith.mulf %gather3A_156, %gather3A : vector<16xf32>
      %add3A_158 = arith.addf %gather3A_153, %mul3A_157 : vector<16xf32>
      %broadcast_in_dim3A_159 = arith.constant 0 : i32
      %broadcast_in_dim3A_160 = vector.broadcast %broadcast_in_dim3A_159 : i32 to vector<16xi32>
      tpu.vector_store_idx %arg13[%add3A_104, %broadcast_in_dim3A_160], %add3A_158 : memref<128x16xf32, #tpu.memory_space<vmem>>[vector<16xi32>, vector<16xi32>], vector<16xf32>,
      %broadcast_in_dim3A_161 = arith.constant 1 : i32
      %broadcast_in_dim3A_162 = vector.broadcast %broadcast_in_dim3A_161 : i32 to vector<16xi32>
      %gather3A_163 = tpu.vector_load_idx %arg11[%add3A_104, %broadcast_in_dim3A_162] : memref<128x16xf32, #tpu.memory_space<vmem>>[vector<16xi32>, vector<16xi32>], vector<16xf32>,
      %broadcast_in_dim3A_164 = arith.constant 16 : i32
      %broadcast_in_dim3A_165 = vector.broadcast %broadcast_in_dim3A_164 : i32 to vector<16xi32>
      %gather3A_166 = tpu.vector_load_idx %arg9[%add3A_104, %broadcast_in_dim3A_165] : memref<128x128xf32, #tpu.memory_space<vmem>>[vector<16xi32>, vector<16xi32>], vector<16xf32>,
      %mul3A_167 = arith.mulf %gather3A_166, %gather3A : vector<16xf32>
      %add3A_168 = arith.addf %gather3A_163, %mul3A_167 : vector<16xf32>
      %broadcast_in_dim3A_169 = arith.constant 17 : i32
      %broadcast_in_dim3A_170 = vector.broadcast %broadcast_in_dim3A_169 : i32 to vector<16xi32>
      %gather3A_171 = tpu.vector_load_idx %arg9[%add3A_104, %broadcast_in_dim3A_170] : memref<128x128xf32, #tpu.memory_space<vmem>>[vector<16xi32>, vector<16xi32>], vector<16xf32>,
      %mul3A_172 = arith.mulf %gather3A_171, %gather3A_108 : vector<16xf32>
      %add3A_173 = arith.addf %add3A_168, %mul3A_172 : vector<16xf32>
      %broadcast_in_dim3A_174 = arith.constant 1 : i32
      %broadcast_in_dim3A_175 = vector.broadcast %broadcast_in_dim3A_174 : i32 to vector<16xi32>
      tpu.vector_store_idx %arg13[%add3A_104, %broadcast_in_dim3A_175], %add3A_173 : memref<128x16xf32, #tpu.memory_space<vmem>>[vector<16xi32>, vector<16xi32>], vector<16xf32>,
      %broadcast_in_dim3A_176 = arith.constant 2 : i32
      %broadcast_in_dim3A_177 = vector.broadcast %broadcast_in_dim3A_176 : i32 to vector<16xi32>
      %gather3A_178 = tpu.vector_load_idx %arg11[%add3A_104, %broadcast_in_dim3A_177] : memref<128x16xf32, #tpu.memory_space<vmem>>[vector<16xi32>, vector<16xi32>], vector<16xf32>,
      %broadcast_in_dim3A_179 = arith.constant 32 : i32
      %broadcast_in_dim3A_180 = vector.broadcast %broadcast_in_dim3A_179 : i32 to vector<16xi32>
      %gather3A_181 = tpu.vector_load_idx %arg9[%add3A_104, %broadcast_in_dim3A_180] : memref<128x128xf32, #tpu.memory_space<vmem>>[vector<16xi32>, vector<16xi32>], vector<16xf32>,
      %mul3A_182 = arith.mulf %gather3A_181, %gather3A : vector<16xf32>
      %add3A_183 = arith.addf %gather3A_178, %mul3A_182 : vector<16xf32>
      %broadcast_in_dim3A_184 = arith.constant 33 : i32
      %broadcast_in_dim3A_185 = vector.broadcast %broadcast_in_dim3A_184 : i32 to vector<16xi32>
      %gather3A_186 = tpu.vector_load_idx %arg9[%add3A_104, %broadcast_in_dim3A_185] : memref<128x128xf32, #tpu.memory_space<vmem>>[vector<16xi32>, vector<16xi32>], vector<16xf32>,
      %mul3A_187 = arith.mulf %gather3A_186, %gather3A_108 : vector<16xf32>
      %broadcast_in_dim3A_188 = arith.constant 34 : i32
      %broadcast_in_dim3A_189 = vector.broadcast %broadcast_in_dim3A_188 : i32 to vector<16xi32>
      %gather3A_190 = tpu.vector_load_idx %arg9[%add3A_104, %broadcast_in_dim3A_189] : memref<128x128xf32, #tpu.memory_space<vmem>>[vector<16xi32>, vector<16xi32>], vector<16xf32>,
      %mul3A_191 = arith.mulf %gather3A_190, %gather3A_111 : vector<16xf32>
      %add3A_192 = arith.addf %add3A_183, %mul3A_191 : vector<16xf32>
      %add3A_193 = arith.addf %add3A_192, %mul3A_187 : vector<16xf32>
      %broadcast_in_dim3A_194 = arith.constant 2 : i32
      %broadcast_in_dim3A_195 = vector.broadcast %broadcast_in_dim3A_194 : i32 to vector<16xi32>
      tpu.vector_store_idx %arg13[%add3A_104, %broadcast_in_dim3A_195], %add3A_193 : memref<128x16xf32, #tpu.memory_space<vmem>>[vector<16xi32>, vector<16xi32>], vector<16xf32>,
      %broadcast_in_dim3A_196 = arith.constant 3 : i32
      %broadcast_in_dim3A_197 = vector.broadcast %broadcast_in_dim3A_196 : i32 to vector<16xi32>
      %gather3A_198 = tpu.vector_load_idx %arg11[%add3A_104, %broadcast_in_dim3A_197] : memref<128x16xf32, #tpu.memory_space<vmem>>[vector<16xi32>, vector<16xi32>], vector<16xf32>,
      %broadcast_in_dim3A_199 = arith.constant 48 : i32
      %broadcast_in_dim3A_200 = vector.broadcast %broadcast_in_dim3A_199 : i32 to vector<16xi32>
      %gather3A_201 = tpu.vector_load_idx %arg9[%add3A_104, %broadcast_in_dim3A_200] : memref<128x128xf32, #tpu.memory_space<vmem>>[vector<16xi32>, vector<16xi32>], vector<16xf32>,
      %mul3A_202 = arith.mulf %gather3A_201, %gather3A : vector<16xf32>
      %add3A_203 = arith.addf %gather3A_198, %mul3A_202 : vector<16xf32>
      %broadcast_in_dim3A_204 = arith.constant 49 : i32
      %broadcast_in_dim3A_205 = vector.broadcast %broadcast_in_dim3A_204 : i32 to vector<16xi32>
      %gather3A_206 = tpu.vector_load_idx %arg9[%add3A_104, %broadcast_in_dim3A_205] : memref<128x128xf32, #tpu.memory_space<vmem>>[vector<16xi32>, vector<16xi32>], vector<16xf32>,
      %mul3A_207 = arith.mulf %gather3A_206, %gather3A_108 : vector<16xf32>
      %broadcast_in_dim3A_208 = arith.constant 50 : i32
      %broadcast_in_dim3A_209 = vector.broadcast %broadcast_in_dim3A_208 : i32 to vector<16xi32>
      %gather3A_210 = tpu.vector_load_idx %arg9[%add3A_104, %broadcast_in_dim3A_209] : memref<128x128xf32, #tpu.memory_space<vmem>>[vector<16xi32>, vector<16xi32>], vector<16xf32>,
      %mul3A_211 = arith.mulf %gather3A_210, %gather3A_111 : vector<16xf32>
      %add3A_212 = arith.addf %add3A_203, %mul3A_211 : vector<16xf32>
      %broadcast_in_dim3A_213 = arith.constant 51 : i32
      %broadcast_in_dim3A_214 = vector.broadcast %broadcast_in_dim3A_213 : i32 to vector<16xi32>
      %gather3A_215 = tpu.vector_load_idx %arg9[%add3A_104, %broadcast_in_dim3A_214] : memref<128x128xf32, #tpu.memory_space<vmem>>[vector<16xi32>, vector<16xi32>], vector<16xf32>,
      %mul3A_216 = arith.mulf %gather3A_215, %gather3A_114 : vector<16xf32>
      %add3A_217 = arith.addf %mul3A_207, %mul3A_216 : vector<16xf32>
      %add3A_218 = arith.addf %add3A_212, %add3A_217 : vector<16xf32>
      %broadcast_in_dim3A_219 = arith.constant 3 : i32
      %broadcast_in_dim3A_220 = vector.broadcast %broadcast_in_dim3A_219 : i32 to vector<16xi32>
      tpu.vector_store_idx %arg13[%add3A_104, %broadcast_in_dim3A_220], %add3A_218 : memref<128x16xf32, #tpu.memory_space<vmem>>[vector<16xi32>, vector<16xi32>], vector<16xf32>,
      %broadcast_in_dim3A_221 = arith.constant 4 : i32
      %broadcast_in_dim3A_222 = vector.broadcast %broadcast_in_dim3A_221 : i32 to vector<16xi32>
      %gather3A_223 = tpu.vector_load_idx %arg11[%add3A_104, %broadcast_in_dim3A_222] : memref<128x16xf32, #tpu.memory_space<vmem>>[vector<16xi32>, vector<16xi32>], vector<16xf32>,
      %broadcast_in_dim3A_224 = arith.constant 64 : i32
      %broadcast_in_dim3A_225 = vector.broadcast %broadcast_in_dim3A_224 : i32 to vector<16xi32>
      %gather3A_226 = tpu.vector_load_idx %arg9[%add3A_104, %broadcast_in_dim3A_225] : memref<128x128xf32, #tpu.memory_space<vmem>>[vector<16xi32>, vector<16xi32>], vector<16xf32>,
      %mul3A_227 = arith.mulf %gather3A_226, %gather3A : vector<16xf32>
      %add3A_228 = arith.addf %gather3A_223, %mul3A_227 : vector<16xf32>
      %broadcast_in_dim3A_229 = arith.constant 65 : i32
      %broadcast_in_dim3A_230 = vector.broadcast %broadcast_in_dim3A_229 : i32 to vector<16xi32>
      %gather3A_231 = tpu.vector_load_idx %arg9[%add3A_104, %broadcast_in_dim3A_230] : memref<128x128xf32, #tpu.memory_space<vmem>>[vector<16xi32>, vector<16xi32>], vector<16xf32>,
      %mul3A_232 = arith.mulf %gather3A_231, %gather3A_108 : vector<16xf32>
      %broadcast_in_dim3A_233 = arith.constant 66 : i32
      %broadcast_in_dim3A_234 = vector.broadcast %broadcast_in_dim3A_233 : i32 to vector<16xi32>
      %gather3A_235 = tpu.vector_load_idx %arg9[%add3A_104, %broadcast_in_dim3A_234] : memref<128x128xf32, #tpu.memory_space<vmem>>[vector<16xi32>, vector<16xi32>], vector<16xf32>,
      %mul3A_236 = arith.mulf %gather3A_235, %gather3A_111 : vector<16xf32>
      %add3A_237 = arith.addf %add3A_228, %mul3A_236 : vector<16xf32>
      %broadcast_in_dim3A_238 = arith.constant 67 : i32
      %broadcast_in_dim3A_239 = vector.broadcast %broadcast_in_dim3A_238 : i32 to vector<16xi32>
      %gather3A_240 = tpu.vector_load_idx %arg9[%add3A_104, %broadcast_in_dim3A_239] : memref<128x128xf32, #tpu.memory_space<vmem>>[vector<16xi32>, vector<16xi32>], vector<16xf32>,
      %mul3A_241 = arith.mulf %gather3A_240, %gather3A_114 : vector<16xf32>
      %add3A_242 = arith.addf %mul3A_232, %mul3A_241 : vector<16xf32>
      %broadcast_in_dim3A_243 = arith.constant 68 : i32
      %broadcast_in_dim3A_244 = vector.broadcast %broadcast_in_dim3A_243 : i32 to vector<16xi32>
      %gather3A_245 = tpu.vector_load_idx %arg9[%add3A_104, %broadcast_in_dim3A_244] : memref<128x128xf32, #tpu.memory_space<vmem>>[vector<16xi32>, vector<16xi32>], vector<16xf32>,
      %mul3A_246 = arith.mulf %gather3A_245, %gather3A_117 : vector<16xf32>
      %add3A_247 = arith.addf %add3A_237, %mul3A_246 : vector<16xf32>
      %add3A_248 = arith.addf %add3A_247, %add3A_242 : vector<16xf32>
      %broadcast_in_dim3A_249 = arith.constant 4 : i32
      %broadcast_in_dim3A_250 = vector.broadcast %broadcast_in_dim3A_249 : i32 to vector<16xi32>
      tpu.vector_store_idx %arg13[%add3A_104, %broadcast_in_dim3A_250], %add3A_248 : memref<128x16xf32, #tpu.memory_space<vmem>>[vector<16xi32>, vector<16xi32>], vector<16xf32>,
      %broadcast_in_dim3A_251 = arith.constant 5 : i32
      %broadcast_in_dim3A_252 = vector.broadcast %broadcast_in_dim3A_251 : i32 to vector<16xi32>
      %gather3A_253 = tpu.vector_load_idx %arg11[%add3A_104, %broadcast_in_dim3A_252] : memref<128x16xf32, #tpu.memory_space<vmem>>[vector<16xi32>, vector<16xi32>], vector<16xf32>,
      %broadcast_in_dim3A_254 = arith.constant 80 : i32
      %broadcast_in_dim3A_255 = vector.broadcast %broadcast_in_dim3A_254 : i32 to vector<16xi32>
      %gather3A_256 = tpu.vector_load_idx %arg9[%add3A_104, %broadcast_in_dim3A_255] : memref<128x128xf32, #tpu.memory_space<vmem>>[vector<16xi32>, vector<16xi32>], vector<16xf32>,
      %mul3A_257 = arith.mulf %gather3A_256, %gather3A : vector<16xf32>
      %add3A_258 = arith.addf %gather3A_253, %mul3A_257 : vector<16xf32>
      %broadcast_in_dim3A_259 = arith.constant 81 : i32
      %broadcast_in_dim3A_260 = vector.broadcast %broadcast_in_dim3A_259 : i32 to vector<16xi32>
      %gather3A_261 = tpu.vector_load_idx %arg9[%add3A_104, %broadcast_in_dim3A_260] : memref<128x128xf32, #tpu.memory_space<vmem>>[vector<16xi32>, vector<16xi32>], vector<16xf32>,
      %mul3A_262 = arith.mulf %gather3A_261, %gather3A_108 : vector<16xf32>
      %broadcast_in_dim3A_263 = arith.constant 82 : i32
      %broadcast_in_dim3A_264 = vector.broadcast %broadcast_in_dim3A_263 : i32 to vector<16xi32>
      %gather3A_265 = tpu.vector_load_idx %arg9[%add3A_104, %broadcast_in_dim3A_264] : memref<128x128xf32, #tpu.memory_space<vmem>>[vector<16xi32>, vector<16xi32>], vector<16xf32>,
      %mul3A_266 = arith.mulf %gather3A_265, %gather3A_111 : vector<16xf32>
      %add3A_267 = arith.addf %add3A_258, %mul3A_266 : vector<16xf32>
      %broadcast_in_dim3A_268 = arith.constant 83 : i32
      %broadcast_in_dim3A_269 = vector.broadcast %broadcast_in_dim3A_268 : i32 to vector<16xi32>
      %gather3A_270 = tpu.vector_load_idx %arg9[%add3A_104, %broadcast_in_dim3A_269] : memref<128x128xf32, #tpu.memory_space<vmem>>[vector<16xi32>, vector<16xi32>], vector<16xf32>,
      %mul3A_271 = arith.mulf %gather3A_270, %gather3A_114 : vector<16xf32>
      %add3A_272 = arith.addf %mul3A_262, %mul3A_271 : vector<16xf32>
      %broadcast_in_dim3A_273 = arith.constant 84 : i32
      %broadcast_in_dim3A_274 = vector.broadcast %broadcast_in_dim3A_273 : i32 to vector<16xi32>
      %gather3A_275 = tpu.vector_load_idx %arg9[%add3A_104, %broadcast_in_dim3A_274] : memref<128x128xf32, #tpu.memory_space<vmem>>[vector<16xi32>, vector<16xi32>], vector<16xf32>,
      %mul3A_276 = arith.mulf %gather3A_275, %gather3A_117 : vector<16xf32>
      %add3A_277 = arith.addf %add3A_267, %mul3A_276 : vector<16xf32>
      %broadcast_in_dim3A_278 = arith.constant 85 : i32
      %broadcast_in_dim3A_279 = vector.broadcast %broadcast_in_dim3A_278 : i32 to vector<16xi32>
      %gather3A_280 = tpu.vector_load_idx %arg9[%add3A_104, %broadcast_in_dim3A_279] : memref<128x128xf32, #tpu.memory_space<vmem>>[vector<16xi32>, vector<16xi32>], vector<16xf32>,
      %mul3A_281 = arith.mulf %gather3A_280, %gather3A_120 : vector<16xf32>
      %add3A_282 = arith.addf %add3A_272, %mul3A_281 : vector<16xf32>
      %add3A_283 = arith.addf %add3A_277, %add3A_282 : vector<16xf32>
      %broadcast_in_dim3A_284 = arith.constant 5 : i32
      %broadcast_in_dim3A_285 = vector.broadcast %broadcast_in_dim3A_284 : i32 to vector<16xi32>
      tpu.vector_store_idx %arg13[%add3A_104, %broadcast_in_dim3A_285], %add3A_283 : memref<128x16xf32, #tpu.memory_space<vmem>>[vector<16xi32>, vector<16xi32>], vector<16xf32>,
      %broadcast_in_dim3A_286 = arith.constant 6 : i32
      %broadcast_in_dim3A_287 = vector.broadcast %broadcast_in_dim3A_286 : i32 to vector<16xi32>
      %gather3A_288 = tpu.vector_load_idx %arg11[%add3A_104, %broadcast_in_dim3A_287] : memref<128x16xf32, #tpu.memory_space<vmem>>[vector<16xi32>, vector<16xi32>], vector<16xf32>,
      %broadcast_in_dim3A_289 = arith.constant 96 : i32
      %broadcast_in_dim3A_290 = vector.broadcast %broadcast_in_dim3A_289 : i32 to vector<16xi32>
      %gather3A_291 = tpu.vector_load_idx %arg9[%add3A_104, %broadcast_in_dim3A_290] : memref<128x128xf32, #tpu.memory_space<vmem>>[vector<16xi32>, vector<16xi32>], vector<16xf32>,
      %mul3A_292 = arith.mulf %gather3A_291, %gather3A : vector<16xf32>
      %add3A_293 = arith.addf %gather3A_288, %mul3A_292 : vector<16xf32>
      %broadcast_in_dim3A_294 = arith.constant 97 : i32
      %broadcast_in_dim3A_295 = vector.broadcast %broadcast_in_dim3A_294 : i32 to vector<16xi32>
      %gather3A_296 = tpu.vector_load_idx %arg9[%add3A_104, %broadcast_in_dim3A_295] : memref<128x128xf32, #tpu.memory_space<vmem>>[vector<16xi32>, vector<16xi32>], vector<16xf32>,
      %mul3A_297 = arith.mulf %gather3A_296, %gather3A_108 : vector<16xf32>
      %broadcast_in_dim3A_298 = arith.constant 98 : i32
      %broadcast_in_dim3A_299 = vector.broadcast %broadcast_in_dim3A_298 : i32 to vector<16xi32>
      %gather3A_300 = tpu.vector_load_idx %arg9[%add3A_104, %broadcast_in_dim3A_299] : memref<128x128xf32, #tpu.memory_space<vmem>>[vector<16xi32>, vector<16xi32>], vector<16xf32>,
      %mul3A_301 = arith.mulf %gather3A_300, %gather3A_111 : vector<16xf32>
      %add3A_302 = arith.addf %add3A_293, %mul3A_301 : vector<16xf32>
      %broadcast_in_dim3A_303 = arith.constant 99 : i32
      %broadcast_in_dim3A_304 = vector.broadcast %broadcast_in_dim3A_303 : i32 to vector<16xi32>
      %gather3A_305 = tpu.vector_load_idx %arg9[%add3A_104, %broadcast_in_dim3A_304] : memref<128x128xf32, #tpu.memory_space<vmem>>[vector<16xi32>, vector<16xi32>], vector<16xf32>,
      %mul3A_306 = arith.mulf %gather3A_305, %gather3A_114 : vector<16xf32>
      %add3A_307 = arith.addf %mul3A_297, %mul3A_306 : vector<16xf32>
      %broadcast_in_dim3A_308 = arith.constant 100 : i32
      %broadcast_in_dim3A_309 = vector.broadcast %broadcast_in_dim3A_308 : i32 to vector<16xi32>
      %gather3A_310 = tpu.vector_load_idx %arg9[%add3A_104, %broadcast_in_dim3A_309] : memref<128x128xf32, #tpu.memory_space<vmem>>[vector<16xi32>, vector<16xi32>], vector<16xf32>,
      %mul3A_311 = arith.mulf %gather3A_310, %gather3A_117 : vector<16xf32>
      %add3A_312 = arith.addf %add3A_302, %mul3A_311 : vector<16xf32>
      %broadcast_in_dim3A_313 = arith.constant 101 : i32
      %broadcast_in_dim3A_314 = vector.broadcast %broadcast_in_dim3A_313 : i32 to vector<16xi32>
      %gather3A_315 = tpu.vector_load_idx %arg9[%add3A_104, %broadcast_in_dim3A_314] : memref<128x128xf32, #tpu.memory_space<vmem>>[vector<16xi32>, vector<16xi32>], vector<16xf32>,
      %mul3A_316 = arith.mulf %gather3A_315, %gather3A_120 : vector<16xf32>
      %add3A_317 = arith.addf %add3A_307, %mul3A_316 : vector<16xf32>
      %broadcast_in_dim3A_318 = arith.constant 102 : i32
      %broadcast_in_dim3A_319 = vector.broadcast %broadcast_in_dim3A_318 : i32 to vector<16xi32>
      %gather3A_320 = tpu.vector_load_idx %arg9[%add3A_104, %broadcast_in_dim3A_319] : memref<128x128xf32, #tpu.memory_space<vmem>>[vector<16xi32>, vector<16xi32>], vector<16xf32>,
      %mul3A_321 = arith.mulf %gather3A_320, %gather3A_123 : vector<16xf32>
      %add3A_322 = arith.addf %add3A_312, %mul3A_321 : vector<16xf32>
      %add3A_323 = arith.addf %add3A_322, %add3A_317 : vector<16xf32>
      %broadcast_in_dim3A_324 = arith.constant 6 : i32
      %broadcast_in_dim3A_325 = vector.broadcast %broadcast_in_dim3A_324 : i32 to vector<16xi32>
      tpu.vector_store_idx %arg13[%add3A_104, %broadcast_in_dim3A_325], %add3A_323 : memref<128x16xf32, #tpu.memory_space<vmem>>[vector<16xi32>, vector<16xi32>], vector<16xf32>,
      %broadcast_in_dim3A_326 = arith.constant 7 : i32
      %broadcast_in_dim3A_327 = vector.broadcast %broadcast_in_dim3A_326 : i32 to vector<16xi32>
      %gather3A_328 = tpu.vector_load_idx %arg11[%add3A_104, %broadcast_in_dim3A_327] : memref<128x16xf32, #tpu.memory_space<vmem>>[vector<16xi32>, vector<16xi32>], vector<16xf32>,
      %broadcast_in_dim3A_329 = arith.constant 112 : i32
      %broadcast_in_dim3A_330 = vector.broadcast %broadcast_in_dim3A_329 : i32 to vector<16xi32>
      %gather3A_331 = tpu.vector_load_idx %arg9[%add3A_104, %broadcast_in_dim3A_330] : memref<128x128xf32, #tpu.memory_space<vmem>>[vector<16xi32>, vector<16xi32>], vector<16xf32>,
      %mul3A_332 = arith.mulf %gather3A_331, %gather3A : vector<16xf32>
      %add3A_333 = arith.addf %gather3A_328, %mul3A_332 : vector<16xf32>
      %broadcast_in_dim3A_334 = arith.constant 113 : i32
      %broadcast_in_dim3A_335 = vector.broadcast %broadcast_in_dim3A_334 : i32 to vector<16xi32>
      %gather3A_336 = tpu.vector_load_idx %arg9[%add3A_104, %broadcast_in_dim3A_335] : memref<128x128xf32, #tpu.memory_space<vmem>>[vector<16xi32>, vector<16xi32>], vector<16xf32>,
      %mul3A_337 = arith.mulf %gather3A_336, %gather3A_108 : vector<16xf32>
      %broadcast_in_dim3A_338 = arith.constant 114 : i32
      %broadcast_in_dim3A_339 = vector.broadcast %broadcast_in_dim3A_338 : i32 to vector<16xi32>
      %gather3A_340 = tpu.vector_load_idx %arg9[%add3A_104, %broadcast_in_dim3A_339] : memref<128x128xf32, #tpu.memory_space<vmem>>[vector<16xi32>, vector<16xi32>], vector<16xf32>,
      %mul3A_341 = arith.mulf %gather3A_340, %gather3A_111 : vector<16xf32>
      %add3A_342 = arith.addf %add3A_333, %mul3A_341 : vector<16xf32>
      %broadcast_in_dim3A_343 = arith.constant 115 : i32
      %broadcast_in_dim3A_344 = vector.broadcast %broadcast_in_dim3A_343 : i32 to vector<16xi32>
      %gather3A_345 = tpu.vector_load_idx %arg9[%add3A_104, %broadcast_in_dim3A_344] : memref<128x128xf32, #tpu.memory_space<vmem>>[vector<16xi32>, vector<16xi32>], vector<16xf32>,
      %mul3A_346 = arith.mulf %gather3A_345, %gather3A_114 : vector<16xf32>
      %add3A_347 = arith.addf %mul3A_337, %mul3A_346 : vector<16xf32>
      %broadcast_in_dim3A_348 = arith.constant 116 : i32
      %broadcast_in_dim3A_349 = vector.broadcast %broadcast_in_dim3A_348 : i32 to vector<16xi32>
      %gather3A_350 = tpu.vector_load_idx %arg9[%add3A_104, %broadcast_in_dim3A_349] : memref<128x128xf32, #tpu.memory_space<vmem>>[vector<16xi32>, vector<16xi32>], vector<16xf32>,
      %mul3A_351 = arith.mulf %gather3A_350, %gather3A_117 : vector<16xf32>
      %add3A_352 = arith.addf %add3A_342, %mul3A_351 : vector<16xf32>
      %broadcast_in_dim3A_353 = arith.constant 117 : i32
      %broadcast_in_dim3A_354 = vector.broadcast %broadcast_in_dim3A_353 : i32 to vector<16xi32>
      %gather3A_355 = tpu.vector_load_idx %arg9[%add3A_104, %broadcast_in_dim3A_354] : memref<128x128xf32, #tpu.memory_space<vmem>>[vector<16xi32>, vector<16xi32>], vector<16xf32>,
      %mul3A_356 = arith.mulf %gather3A_355, %gather3A_120 : vector<16xf32>
      %add3A_357 = arith.addf %add3A_347, %mul3A_356 : vector<16xf32>
      %broadcast_in_dim3A_358 = arith.constant 118 : i32
      %broadcast_in_dim3A_359 = vector.broadcast %broadcast_in_dim3A_358 : i32 to vector<16xi32>
      %gather3A_360 = tpu.vector_load_idx %arg9[%add3A_104, %broadcast_in_dim3A_359] : memref<128x128xf32, #tpu.memory_space<vmem>>[vector<16xi32>, vector<16xi32>], vector<16xf32>,
      %mul3A_361 = arith.mulf %gather3A_360, %gather3A_123 : vector<16xf32>
      %add3A_362 = arith.addf %add3A_352, %mul3A_361 : vector<16xf32>
      %broadcast_in_dim3A_363 = arith.constant 119 : i32
      %broadcast_in_dim3A_364 = vector.broadcast %broadcast_in_dim3A_363 : i32 to vector<16xi32>
      %gather3A_365 = tpu.vector_load_idx %arg9[%add3A_104, %broadcast_in_dim3A_364] : memref<128x128xf32, #tpu.memory_space<vmem>>[vector<16xi32>, vector<16xi32>], vector<16xf32>,
      %mul3A_366 = arith.mulf %gather3A_365, %gather3A_126 : vector<16xf32>
      %add3A_367 = arith.addf %add3A_357, %mul3A_366 : vector<16xf32>
      %add3A_368 = arith.addf %add3A_362, %add3A_367 : vector<16xf32>
      %broadcast_in_dim3A_369 = arith.constant 7 : i32
      %broadcast_in_dim3A_370 = vector.broadcast %broadcast_in_dim3A_369 : i32 to vector<16xi32>
      tpu.vector_store_idx %arg13[%add3A_104, %broadcast_in_dim3A_370], %add3A_368 : memref<128x16xf32, #tpu.memory_space<vmem>>[vector<16xi32>, vector<16xi32>], vector<16xf32>,
      %broadcast_in_dim3A_371 = arith.constant 8 : i32
      %broadcast_in_dim3A_372 = vector.broadcast %broadcast_in_dim3A_371 : i32 to vector<16xi32>
      %gather3A_373 = tpu.vector_load_idx %arg11[%add3A_104, %broadcast_in_dim3A_372] : memref<128x16xf32, #tpu.memory_space<vmem>>[vector<16xi32>, vector<16xi32>], vector<16xf32>,
      %broadcast_in_dim3A_374 = arith.constant 0 : i32
      %broadcast_in_dim3A_375 = vector.broadcast %broadcast_in_dim3A_374 : i32 to vector<16xi32>
      %gather3A_376 = tpu.vector_load_idx %arg10[%add3A_104, %broadcast_in_dim3A_375] : memref<128x128xf32, #tpu.memory_space<vmem>>[vector<16xi32>, vector<16xi32>], vector<16xf32>,
      %mul3A_377 = arith.mulf %gather3A_376, %gather3A : vector<16xf32>
      %add3A_378 = arith.addf %gather3A_373, %mul3A_377 : vector<16xf32>
      %broadcast_in_dim3A_379 = arith.constant 1 : i32
      %broadcast_in_dim3A_380 = vector.broadcast %broadcast_in_dim3A_379 : i32 to vector<16xi32>
      %gather3A_381 = tpu.vector_load_idx %arg10[%add3A_104, %broadcast_in_dim3A_380] : memref<128x128xf32, #tpu.memory_space<vmem>>[vector<16xi32>, vector<16xi32>], vector<16xf32>,
      %mul3A_382 = arith.mulf %gather3A_381, %gather3A_108 : vector<16xf32>
      %broadcast_in_dim3A_383 = arith.constant 2 : i32
      %broadcast_in_dim3A_384 = vector.broadcast %broadcast_in_dim3A_383 : i32 to vector<16xi32>
      %gather3A_385 = tpu.vector_load_idx %arg10[%add3A_104, %broadcast_in_dim3A_384] : memref<128x128xf32, #tpu.memory_space<vmem>>[vector<16xi32>, vector<16xi32>], vector<16xf32>,
      %mul3A_386 = arith.mulf %gather3A_385, %gather3A_111 : vector<16xf32>
      %add3A_387 = arith.addf %add3A_378, %mul3A_386 : vector<16xf32>
      %broadcast_in_dim3A_388 = arith.constant 3 : i32
      %broadcast_in_dim3A_389 = vector.broadcast %broadcast_in_dim3A_388 : i32 to vector<16xi32>
      %gather3A_390 = tpu.vector_load_idx %arg10[%add3A_104, %broadcast_in_dim3A_389] : memref<128x128xf32, #tpu.memory_space<vmem>>[vector<16xi32>, vector<16xi32>], vector<16xf32>,
      %mul3A_391 = arith.mulf %gather3A_390, %gather3A_114 : vector<16xf32>
      %add3A_392 = arith.addf %mul3A_382, %mul3A_391 : vector<16xf32>
      %broadcast_in_dim3A_393 = arith.constant 4 : i32
      %broadcast_in_dim3A_394 = vector.broadcast %broadcast_in_dim3A_393 : i32 to vector<16xi32>
      %gather3A_395 = tpu.vector_load_idx %arg10[%add3A_104, %broadcast_in_dim3A_394] : memref<128x128xf32, #tpu.memory_space<vmem>>[vector<16xi32>, vector<16xi32>], vector<16xf32>,
      %mul3A_396 = arith.mulf %gather3A_395, %gather3A_117 : vector<16xf32>
      %add3A_397 = arith.addf %add3A_387, %mul3A_396 : vector<16xf32>
      %broadcast_in_dim3A_398 = arith.constant 5 : i32
      %broadcast_in_dim3A_399 = vector.broadcast %broadcast_in_dim3A_398 : i32 to vector<16xi32>
      %gather3A_400 = tpu.vector_load_idx %arg10[%add3A_104, %broadcast_in_dim3A_399] : memref<128x128xf32, #tpu.memory_space<vmem>>[vector<16xi32>, vector<16xi32>], vector<16xf32>,
      %mul3A_401 = arith.mulf %gather3A_400, %gather3A_120 : vector<16xf32>
      %add3A_402 = arith.addf %add3A_392, %mul3A_401 : vector<16xf32>
      %broadcast_in_dim3A_403 = arith.constant 6 : i32
      %broadcast_in_dim3A_404 = vector.broadcast %broadcast_in_dim3A_403 : i32 to vector<16xi32>
      %gather3A_405 = tpu.vector_load_idx %arg10[%add3A_104, %broadcast_in_dim3A_404] : memref<128x128xf32, #tpu.memory_space<vmem>>[vector<16xi32>, vector<16xi32>], vector<16xf32>,
      %mul3A_406 = arith.mulf %gather3A_405, %gather3A_123 : vector<16xf32>
      %add3A_407 = arith.addf %add3A_397, %mul3A_406 : vector<16xf32>
      %broadcast_in_dim3A_408 = arith.constant 7 : i32
      %broadcast_in_dim3A_409 = vector.broadcast %broadcast_in_dim3A_408 : i32 to vector<16xi32>
      %gather3A_410 = tpu.vector_load_idx %arg10[%add3A_104, %broadcast_in_dim3A_409] : memref<128x128xf32, #tpu.memory_space<vmem>>[vector<16xi32>, vector<16xi32>], vector<16xf32>,
      %mul3A_411 = arith.mulf %gather3A_410, %gather3A_126 : vector<16xf32>
      %add3A_412 = arith.addf %add3A_402, %mul3A_411 : vector<16xf32>
      %broadcast_in_dim3A_413 = arith.constant 8 : i32
      %broadcast_in_dim3A_414 = vector.broadcast %broadcast_in_dim3A_413 : i32 to vector<16xi32>
      %gather3A_415 = tpu.vector_load_idx %arg10[%add3A_104, %broadcast_in_dim3A_414] : memref<128x128xf32, #tpu.memory_space<vmem>>[vector<16xi32>, vector<16xi32>], vector<16xf32>,
      %mul3A_416 = arith.mulf %gather3A_415, %gather3A_129 : vector<16xf32>
      %add3A_417 = arith.addf %add3A_407, %mul3A_416 : vector<16xf32>
      %add3A_418 = arith.addf %add3A_417, %add3A_412 : vector<16xf32>
      %broadcast_in_dim3A_419 = arith.constant 8 : i32
      %broadcast_in_dim3A_420 = vector.broadcast %broadcast_in_dim3A_419 : i32 to vector<16xi32>
      tpu.vector_store_idx %arg13[%add3A_104, %broadcast_in_dim3A_420], %add3A_418 : memref<128x16xf32, #tpu.memory_space<vmem>>[vector<16xi32>, vector<16xi32>], vector<16xf32>,
      %broadcast_in_dim3A_421 = arith.constant 9 : i32
      %broadcast_in_dim3A_422 = vector.broadcast %broadcast_in_dim3A_421 : i32 to vector<16xi32>
      %gather3A_423 = tpu.vector_load_idx %arg11[%add3A_104, %broadcast_in_dim3A_422] : memref<128x16xf32, #tpu.memory_space<vmem>>[vector<16xi32>, vector<16xi32>], vector<16xf32>,
      %broadcast_in_dim3A_424 = arith.constant 16 : i32
      %broadcast_in_dim3A_425 = vector.broadcast %broadcast_in_dim3A_424 : i32 to vector<16xi32>
      %gather3A_426 = tpu.vector_load_idx %arg10[%add3A_104, %broadcast_in_dim3A_425] : memref<128x128xf32, #tpu.memory_space<vmem>>[vector<16xi32>, vector<16xi32>], vector<16xf32>,
      %mul3A_427 = arith.mulf %gather3A_426, %gather3A : vector<16xf32>
      %add3A_428 = arith.addf %gather3A_423, %mul3A_427 : vector<16xf32>
      %broadcast_in_dim3A_429 = arith.constant 17 : i32
      %broadcast_in_dim3A_430 = vector.broadcast %broadcast_in_dim3A_429 : i32 to vector<16xi32>
      %gather3A_431 = tpu.vector_load_idx %arg10[%add3A_104, %broadcast_in_dim3A_430] : memref<128x128xf32, #tpu.memory_space<vmem>>[vector<16xi32>, vector<16xi32>], vector<16xf32>,
      %mul3A_432 = arith.mulf %gather3A_431, %gather3A_108 : vector<16xf32>
      %broadcast_in_dim3A_433 = arith.constant 18 : i32
      %broadcast_in_dim3A_434 = vector.broadcast %broadcast_in_dim3A_433 : i32 to vector<16xi32>
      %gather3A_435 = tpu.vector_load_idx %arg10[%add3A_104, %broadcast_in_dim3A_434] : memref<128x128xf32, #tpu.memory_space<vmem>>[vector<16xi32>, vector<16xi32>], vector<16xf32>,
      %mul3A_436 = arith.mulf %gather3A_435, %gather3A_111 : vector<16xf32>
      %add3A_437 = arith.addf %add3A_428, %mul3A_436 : vector<16xf32>
      %broadcast_in_dim3A_438 = arith.constant 19 : i32
      %broadcast_in_dim3A_439 = vector.broadcast %broadcast_in_dim3A_438 : i32 to vector<16xi32>
      %gather3A_440 = tpu.vector_load_idx %arg10[%add3A_104, %broadcast_in_dim3A_439] : memref<128x128xf32, #tpu.memory_space<vmem>>[vector<16xi32>, vector<16xi32>], vector<16xf32>,
      %mul3A_441 = arith.mulf %gather3A_440, %gather3A_114 : vector<16xf32>
      %add3A_442 = arith.addf %mul3A_432, %mul3A_441 : vector<16xf32>
      %broadcast_in_dim3A_443 = arith.constant 20 : i32
      %broadcast_in_dim3A_444 = vector.broadcast %broadcast_in_dim3A_443 : i32 to vector<16xi32>
      %gather3A_445 = tpu.vector_load_idx %arg10[%add3A_104, %broadcast_in_dim3A_444] : memref<128x128xf32, #tpu.memory_space<vmem>>[vector<16xi32>, vector<16xi32>], vector<16xf32>,
      %mul3A_446 = arith.mulf %gather3A_445, %gather3A_117 : vector<16xf32>
      %add3A_447 = arith.addf %add3A_437, %mul3A_446 : vector<16xf32>
      %broadcast_in_dim3A_448 = arith.constant 21 : i32
      %broadcast_in_dim3A_449 = vector.broadcast %broadcast_in_dim3A_448 : i32 to vector<16xi32>
      %gather3A_450 = tpu.vector_load_idx %arg10[%add3A_104, %broadcast_in_dim3A_449] : memref<128x128xf32, #tpu.memory_space<vmem>>[vector<16xi32>, vector<16xi32>], vector<16xf32>,
      %mul3A_451 = arith.mulf %gather3A_450, %gather3A_120 : vector<16xf32>
      %add3A_452 = arith.addf %add3A_442, %mul3A_451 : vector<16xf32>
      %broadcast_in_dim3A_453 = arith.constant 22 : i32
      %broadcast_in_dim3A_454 = vector.broadcast %broadcast_in_dim3A_453 : i32 to vector<16xi32>
      %gather3A_455 = tpu.vector_load_idx %arg10[%add3A_104, %broadcast_in_dim3A_454] : memref<128x128xf32, #tpu.memory_space<vmem>>[vector<16xi32>, vector<16xi32>], vector<16xf32>,
      %mul3A_456 = arith.mulf %gather3A_455, %gather3A_123 : vector<16xf32>
      %add3A_457 = arith.addf %add3A_447, %mul3A_456 : vector<16xf32>
      %broadcast_in_dim3A_458 = arith.constant 23 : i32
      %broadcast_in_dim3A_459 = vector.broadcast %broadcast_in_dim3A_458 : i32 to vector<16xi32>
      %gather3A_460 = tpu.vector_load_idx %arg10[%add3A_104, %broadcast_in_dim3A_459] : memref<128x128xf32, #tpu.memory_space<vmem>>[vector<16xi32>, vector<16xi32>], vector<16xf32>,
      %mul3A_461 = arith.mulf %gather3A_460, %gather3A_126 : vector<16xf32>
      %add3A_462 = arith.addf %add3A_452, %mul3A_461 : vector<16xf32>
      %broadcast_in_dim3A_463 = arith.constant 24 : i32
      %broadcast_in_dim3A_464 = vector.broadcast %broadcast_in_dim3A_463 : i32 to vector<16xi32>
      %gather3A_465 = tpu.vector_load_idx %arg10[%add3A_104, %broadcast_in_dim3A_464] : memref<128x128xf32, #tpu.memory_space<vmem>>[vector<16xi32>, vector<16xi32>], vector<16xf32>,
      %mul3A_466 = arith.mulf %gather3A_465, %gather3A_129 : vector<16xf32>
      %add3A_467 = arith.addf %add3A_457, %mul3A_466 : vector<16xf32>
      %broadcast_in_dim3A_468 = arith.constant 25 : i32
      %broadcast_in_dim3A_469 = vector.broadcast %broadcast_in_dim3A_468 : i32 to vector<16xi32>
      %gather3A_470 = tpu.vector_load_idx %arg10[%add3A_104, %broadcast_in_dim3A_469] : memref<128x128xf32, #tpu.memory_space<vmem>>[vector<16xi32>, vector<16xi32>], vector<16xf32>,
      %mul3A_471 = arith.mulf %gather3A_470, %gather3A_132 : vector<16xf32>
      %add3A_472 = arith.addf %add3A_462, %mul3A_471 : vector<16xf32>
      %add3A_473 = arith.addf %add3A_467, %add3A_472 : vector<16xf32>
      %broadcast_in_dim3A_474 = arith.constant 9 : i32
      %broadcast_in_dim3A_475 = vector.broadcast %broadcast_in_dim3A_474 : i32 to vector<16xi32>
      tpu.vector_store_idx %arg13[%add3A_104, %broadcast_in_dim3A_475], %add3A_473 : memref<128x16xf32, #tpu.memory_space<vmem>>[vector<16xi32>, vector<16xi32>], vector<16xf32>,
      %broadcast_in_dim3A_476 = arith.constant 10 : i32
      %broadcast_in_dim3A_477 = vector.broadcast %broadcast_in_dim3A_476 : i32 to vector<16xi32>
      %gather3A_478 = tpu.vector_load_idx %arg11[%add3A_104, %broadcast_in_dim3A_477] : memref<128x16xf32, #tpu.memory_space<vmem>>[vector<16xi32>, vector<16xi32>], vector<16xf32>,
      %broadcast_in_dim3A_479 = arith.constant 32 : i32
      %broadcast_in_dim3A_480 = vector.broadcast %broadcast_in_dim3A_479 : i32 to vector<16xi32>
      %gather3A_481 = tpu.vector_load_idx %arg10[%add3A_104, %broadcast_in_dim3A_480] : memref<128x128xf32, #tpu.memory_space<vmem>>[vector<16xi32>, vector<16xi32>], vector<16xf32>,
      %mul3A_482 = arith.mulf %gather3A_481, %gather3A : vector<16xf32>
      %add3A_483 = arith.addf %gather3A_478, %mul3A_482 : vector<16xf32>
      %broadcast_in_dim3A_484 = arith.constant 33 : i32
      %broadcast_in_dim3A_485 = vector.broadcast %broadcast_in_dim3A_484 : i32 to vector<16xi32>
      %gather3A_486 = tpu.vector_load_idx %arg10[%add3A_104, %broadcast_in_dim3A_485] : memref<128x128xf32, #tpu.memory_space<vmem>>[vector<16xi32>, vector<16xi32>], vector<16xf32>,
      %mul3A_487 = arith.mulf %gather3A_486, %gather3A_108 : vector<16xf32>
      %broadcast_in_dim3A_488 = arith.constant 34 : i32
      %broadcast_in_dim3A_489 = vector.broadcast %broadcast_in_dim3A_488 : i32 to vector<16xi32>
      %gather3A_490 = tpu.vector_load_idx %arg10[%add3A_104, %broadcast_in_dim3A_489] : memref<128x128xf32, #tpu.memory_space<vmem>>[vector<16xi32>, vector<16xi32>], vector<16xf32>,
      %mul3A_491 = arith.mulf %gather3A_490, %gather3A_111 : vector<16xf32>
      %add3A_492 = arith.addf %add3A_483, %mul3A_491 : vector<16xf32>
      %broadcast_in_dim3A_493 = arith.constant 35 : i32
      %broadcast_in_dim3A_494 = vector.broadcast %broadcast_in_dim3A_493 : i32 to vector<16xi32>
      %gather3A_495 = tpu.vector_load_idx %arg10[%add3A_104, %broadcast_in_dim3A_494] : memref<128x128xf32, #tpu.memory_space<vmem>>[vector<16xi32>, vector<16xi32>], vector<16xf32>,
      %mul3A_496 = arith.mulf %gather3A_495, %gather3A_114 : vector<16xf32>
      %add3A_497 = arith.addf %mul3A_487, %mul3A_496 : vector<16xf32>
      %broadcast_in_dim3A_498 = arith.constant 36 : i32
      %broadcast_in_dim3A_499 = vector.broadcast %broadcast_in_dim3A_498 : i32 to vector<16xi32>
      %gather3A_500 = tpu.vector_load_idx %arg10[%add3A_104, %broadcast_in_dim3A_499] : memref<128x128xf32, #tpu.memory_space<vmem>>[vector<16xi32>, vector<16xi32>], vector<16xf32>,
      %mul3A_501 = arith.mulf %gather3A_500, %gather3A_117 : vector<16xf32>
      %add3A_502 = arith.addf %add3A_492, %mul3A_501 : vector<16xf32>
      %broadcast_in_dim3A_503 = arith.constant 37 : i32
      %broadcast_in_dim3A_504 = vector.broadcast %broadcast_in_dim3A_503 : i32 to vector<16xi32>
      %gather3A_505 = tpu.vector_load_idx %arg10[%add3A_104, %broadcast_in_dim3A_504] : memref<128x128xf32, #tpu.memory_space<vmem>>[vector<16xi32>, vector<16xi32>], vector<16xf32>,
      %mul3A_506 = arith.mulf %gather3A_505, %gather3A_120 : vector<16xf32>
      %add3A_507 = arith.addf %add3A_497, %mul3A_506 : vector<16xf32>
      %broadcast_in_dim3A_508 = arith.constant 38 : i32
      %broadcast_in_dim3A_509 = vector.broadcast %broadcast_in_dim3A_508 : i32 to vector<16xi32>
      %gather3A_510 = tpu.vector_load_idx %arg10[%add3A_104, %broadcast_in_dim3A_509] : memref<128x128xf32, #tpu.memory_space<vmem>>[vector<16xi32>, vector<16xi32>], vector<16xf32>,
      %mul3A_511 = arith.mulf %gather3A_510, %gather3A_123 : vector<16xf32>
      %add3A_512 = arith.addf %add3A_502, %mul3A_511 : vector<16xf32>
      %broadcast_in_dim3A_513 = arith.constant 39 : i32
      %broadcast_in_dim3A_514 = vector.broadcast %broadcast_in_dim3A_513 : i32 to vector<16xi32>
      %gather3A_515 = tpu.vector_load_idx %arg10[%add3A_104, %broadcast_in_dim3A_514] : memref<128x128xf32, #tpu.memory_space<vmem>>[vector<16xi32>, vector<16xi32>], vector<16xf32>,
      %mul3A_516 = arith.mulf %gather3A_515, %gather3A_126 : vector<16xf32>
      %add3A_517 = arith.addf %add3A_507, %mul3A_516 : vector<16xf32>
      %broadcast_in_dim3A_518 = arith.constant 40 : i32
      %broadcast_in_dim3A_519 = vector.broadcast %broadcast_in_dim3A_518 : i32 to vector<16xi32>
      %gather3A_520 = tpu.vector_load_idx %arg10[%add3A_104, %broadcast_in_dim3A_519] : memref<128x128xf32, #tpu.memory_space<vmem>>[vector<16xi32>, vector<16xi32>], vector<16xf32>,
      %mul3A_521 = arith.mulf %gather3A_520, %gather3A_129 : vector<16xf32>
      %add3A_522 = arith.addf %add3A_512, %mul3A_521 : vector<16xf32>
      %broadcast_in_dim3A_523 = arith.constant 41 : i32
      %broadcast_in_dim3A_524 = vector.broadcast %broadcast_in_dim3A_523 : i32 to vector<16xi32>
      %gather3A_525 = tpu.vector_load_idx %arg10[%add3A_104, %broadcast_in_dim3A_524] : memref<128x128xf32, #tpu.memory_space<vmem>>[vector<16xi32>, vector<16xi32>], vector<16xf32>,
      %mul3A_526 = arith.mulf %gather3A_525, %gather3A_132 : vector<16xf32>
      %add3A_527 = arith.addf %add3A_517, %mul3A_526 : vector<16xf32>
      %broadcast_in_dim3A_528 = arith.constant 42 : i32
      %broadcast_in_dim3A_529 = vector.broadcast %broadcast_in_dim3A_528 : i32 to vector<16xi32>
      %gather3A_530 = tpu.vector_load_idx %arg10[%add3A_104, %broadcast_in_dim3A_529] : memref<128x128xf32, #tpu.memory_space<vmem>>[vector<16xi32>, vector<16xi32>], vector<16xf32>,
      %mul3A_531 = arith.mulf %gather3A_530, %gather3A_135 : vector<16xf32>
      %add3A_532 = arith.addf %add3A_522, %mul3A_531 : vector<16xf32>
      %add3A_533 = arith.addf %add3A_532, %add3A_527 : vector<16xf32>
      %broadcast_in_dim3A_534 = arith.constant 10 : i32
      %broadcast_in_dim3A_535 = vector.broadcast %broadcast_in_dim3A_534 : i32 to vector<16xi32>
      tpu.vector_store_idx %arg13[%add3A_104, %broadcast_in_dim3A_535], %add3A_533 : memref<128x16xf32, #tpu.memory_space<vmem>>[vector<16xi32>, vector<16xi32>], vector<16xf32>,
      %broadcast_in_dim3A_536 = arith.constant 11 : i32
      %broadcast_in_dim3A_537 = vector.broadcast %broadcast_in_dim3A_536 : i32 to vector<16xi32>
      %gather3A_538 = tpu.vector_load_idx %arg11[%add3A_104, %broadcast_in_dim3A_537] : memref<128x16xf32, #tpu.memory_space<vmem>>[vector<16xi32>, vector<16xi32>], vector<16xf32>,
      %broadcast_in_dim3A_539 = arith.constant 48 : i32
      %broadcast_in_dim3A_540 = vector.broadcast %broadcast_in_dim3A_539 : i32 to vector<16xi32>
      %gather3A_541 = tpu.vector_load_idx %arg10[%add3A_104, %broadcast_in_dim3A_540] : memref<128x128xf32, #tpu.memory_space<vmem>>[vector<16xi32>, vector<16xi32>], vector<16xf32>,
      %mul3A_542 = arith.mulf %gather3A_541, %gather3A : vector<16xf32>
      %add3A_543 = arith.addf %gather3A_538, %mul3A_542 : vector<16xf32>
      %broadcast_in_dim3A_544 = arith.constant 49 : i32
      %broadcast_in_dim3A_545 = vector.broadcast %broadcast_in_dim3A_544 : i32 to vector<16xi32>
      %gather3A_546 = tpu.vector_load_idx %arg10[%add3A_104, %broadcast_in_dim3A_545] : memref<128x128xf32, #tpu.memory_space<vmem>>[vector<16xi32>, vector<16xi32>], vector<16xf32>,
      %mul3A_547 = arith.mulf %gather3A_546, %gather3A_108 : vector<16xf32>
      %broadcast_in_dim3A_548 = arith.constant 50 : i32
      %broadcast_in_dim3A_549 = vector.broadcast %broadcast_in_dim3A_548 : i32 to vector<16xi32>
      %gather3A_550 = tpu.vector_load_idx %arg10[%add3A_104, %broadcast_in_dim3A_549] : memref<128x128xf32, #tpu.memory_space<vmem>>[vector<16xi32>, vector<16xi32>], vector<16xf32>,
      %mul3A_551 = arith.mulf %gather3A_550, %gather3A_111 : vector<16xf32>
      %add3A_552 = arith.addf %add3A_543, %mul3A_551 : vector<16xf32>
      %broadcast_in_dim3A_553 = arith.constant 51 : i32
      %broadcast_in_dim3A_554 = vector.broadcast %broadcast_in_dim3A_553 : i32 to vector<16xi32>
      %gather3A_555 = tpu.vector_load_idx %arg10[%add3A_104, %broadcast_in_dim3A_554] : memref<128x128xf32, #tpu.memory_space<vmem>>[vector<16xi32>, vector<16xi32>], vector<16xf32>,
      %mul3A_556 = arith.mulf %gather3A_555, %gather3A_114 : vector<16xf32>
      %add3A_557 = arith.addf %mul3A_547, %mul3A_556 : vector<16xf32>
      %broadcast_in_dim3A_558 = arith.constant 52 : i32
      %broadcast_in_dim3A_559 = vector.broadcast %broadcast_in_dim3A_558 : i32 to vector<16xi32>
      %gather3A_560 = tpu.vector_load_idx %arg10[%add3A_104, %broadcast_in_dim3A_559] : memref<128x128xf32, #tpu.memory_space<vmem>>[vector<16xi32>, vector<16xi32>], vector<16xf32>,
      %mul3A_561 = arith.mulf %gather3A_560, %gather3A_117 : vector<16xf32>
      %add3A_562 = arith.addf %add3A_552, %mul3A_561 : vector<16xf32>
      %broadcast_in_dim3A_563 = arith.constant 53 : i32
      %broadcast_in_dim3A_564 = vector.broadcast %broadcast_in_dim3A_563 : i32 to vector<16xi32>
      %gather3A_565 = tpu.vector_load_idx %arg10[%add3A_104, %broadcast_in_dim3A_564] : memref<128x128xf32, #tpu.memory_space<vmem>>[vector<16xi32>, vector<16xi32>], vector<16xf32>,
      %mul3A_566 = arith.mulf %gather3A_565, %gather3A_120 : vector<16xf32>
      %add3A_567 = arith.addf %add3A_557, %mul3A_566 : vector<16xf32>
      %broadcast_in_dim3A_568 = arith.constant 54 : i32
      %broadcast_in_dim3A_569 = vector.broadcast %broadcast_in_dim3A_568 : i32 to vector<16xi32>
      %gather3A_570 = tpu.vector_load_idx %arg10[%add3A_104, %broadcast_in_dim3A_569] : memref<128x128xf32, #tpu.memory_space<vmem>>[vector<16xi32>, vector<16xi32>], vector<16xf32>,
      %mul3A_571 = arith.mulf %gather3A_570, %gather3A_123 : vector<16xf32>
      %add3A_572 = arith.addf %add3A_562, %mul3A_571 : vector<16xf32>
      %broadcast_in_dim3A_573 = arith.constant 55 : i32
      %broadcast_in_dim3A_574 = vector.broadcast %broadcast_in_dim3A_573 : i32 to vector<16xi32>
      %gather3A_575 = tpu.vector_load_idx %arg10[%add3A_104, %broadcast_in_dim3A_574] : memref<128x128xf32, #tpu.memory_space<vmem>>[vector<16xi32>, vector<16xi32>], vector<16xf32>,
      %mul3A_576 = arith.mulf %gather3A_575, %gather3A_126 : vector<16xf32>
      %add3A_577 = arith.addf %add3A_567, %mul3A_576 : vector<16xf32>
      %broadcast_in_dim3A_578 = arith.constant 56 : i32
      %broadcast_in_dim3A_579 = vector.broadcast %broadcast_in_dim3A_578 : i32 to vector<16xi32>
      %gather3A_580 = tpu.vector_load_idx %arg10[%add3A_104, %broadcast_in_dim3A_579] : memref<128x128xf32, #tpu.memory_space<vmem>>[vector<16xi32>, vector<16xi32>], vector<16xf32>,
      %mul3A_581 = arith.mulf %gather3A_580, %gather3A_129 : vector<16xf32>
      %add3A_582 = arith.addf %add3A_572, %mul3A_581 : vector<16xf32>
      %broadcast_in_dim3A_583 = arith.constant 57 : i32
      %broadcast_in_dim3A_584 = vector.broadcast %broadcast_in_dim3A_583 : i32 to vector<16xi32>
      %gather3A_585 = tpu.vector_load_idx %arg10[%add3A_104, %broadcast_in_dim3A_584] : memref<128x128xf32, #tpu.memory_space<vmem>>[vector<16xi32>, vector<16xi32>], vector<16xf32>,
      %mul3A_586 = arith.mulf %gather3A_585, %gather3A_132 : vector<16xf32>
      %add3A_587 = arith.addf %add3A_577, %mul3A_586 : vector<16xf32>
      %broadcast_in_dim3A_588 = arith.constant 58 : i32
      %broadcast_in_dim3A_589 = vector.broadcast %broadcast_in_dim3A_588 : i32 to vector<16xi32>
      %gather3A_590 = tpu.vector_load_idx %arg10[%add3A_104, %broadcast_in_dim3A_589] : memref<128x128xf32, #tpu.memory_space<vmem>>[vector<16xi32>, vector<16xi32>], vector<16xf32>,
      %mul3A_591 = arith.mulf %gather3A_590, %gather3A_135 : vector<16xf32>
      %add3A_592 = arith.addf %add3A_582, %mul3A_591 : vector<16xf32>
      %broadcast_in_dim3A_593 = arith.constant 59 : i32
      %broadcast_in_dim3A_594 = vector.broadcast %broadcast_in_dim3A_593 : i32 to vector<16xi32>
      %gather3A_595 = tpu.vector_load_idx %arg10[%add3A_104, %broadcast_in_dim3A_594] : memref<128x128xf32, #tpu.memory_space<vmem>>[vector<16xi32>, vector<16xi32>], vector<16xf32>,
      %mul3A_596 = arith.mulf %gather3A_595, %gather3A_138 : vector<16xf32>
      %add3A_597 = arith.addf %add3A_587, %mul3A_596 : vector<16xf32>
      %add3A_598 = arith.addf %add3A_592, %add3A_597 : vector<16xf32>
      %broadcast_in_dim3A_599 = arith.constant 11 : i32
      %broadcast_in_dim3A_600 = vector.broadcast %broadcast_in_dim3A_599 : i32 to vector<16xi32>
      tpu.vector_store_idx %arg13[%add3A_104, %broadcast_in_dim3A_600], %add3A_598 : memref<128x16xf32, #tpu.memory_space<vmem>>[vector<16xi32>, vector<16xi32>], vector<16xf32>,
      %broadcast_in_dim3A_601 = arith.constant 12 : i32
      %broadcast_in_dim3A_602 = vector.broadcast %broadcast_in_dim3A_601 : i32 to vector<16xi32>
      %gather3A_603 = tpu.vector_load_idx %arg11[%add3A_104, %broadcast_in_dim3A_602] : memref<128x16xf32, #tpu.memory_space<vmem>>[vector<16xi32>, vector<16xi32>], vector<16xf32>,
      %broadcast_in_dim3A_604 = arith.constant 64 : i32
      %broadcast_in_dim3A_605 = vector.broadcast %broadcast_in_dim3A_604 : i32 to vector<16xi32>
      %gather3A_606 = tpu.vector_load_idx %arg10[%add3A_104, %broadcast_in_dim3A_605] : memref<128x128xf32, #tpu.memory_space<vmem>>[vector<16xi32>, vector<16xi32>], vector<16xf32>,
      %mul3A_607 = arith.mulf %gather3A_606, %gather3A : vector<16xf32>
      %add3A_608 = arith.addf %gather3A_603, %mul3A_607 : vector<16xf32>
      %broadcast_in_dim3A_609 = arith.constant 65 : i32
      %broadcast_in_dim3A_610 = vector.broadcast %broadcast_in_dim3A_609 : i32 to vector<16xi32>
      %gather3A_611 = tpu.vector_load_idx %arg10[%add3A_104, %broadcast_in_dim3A_610] : memref<128x128xf32, #tpu.memory_space<vmem>>[vector<16xi32>, vector<16xi32>], vector<16xf32>,
      %mul3A_612 = arith.mulf %gather3A_611, %gather3A_108 : vector<16xf32>
      %broadcast_in_dim3A_613 = arith.constant 66 : i32
      %broadcast_in_dim3A_614 = vector.broadcast %broadcast_in_dim3A_613 : i32 to vector<16xi32>
      %gather3A_615 = tpu.vector_load_idx %arg10[%add3A_104, %broadcast_in_dim3A_614] : memref<128x128xf32, #tpu.memory_space<vmem>>[vector<16xi32>, vector<16xi32>], vector<16xf32>,
      %mul3A_616 = arith.mulf %gather3A_615, %gather3A_111 : vector<16xf32>
      %add3A_617 = arith.addf %add3A_608, %mul3A_616 : vector<16xf32>
      %broadcast_in_dim3A_618 = arith.constant 67 : i32
      %broadcast_in_dim3A_619 = vector.broadcast %broadcast_in_dim3A_618 : i32 to vector<16xi32>
      %gather3A_620 = tpu.vector_load_idx %arg10[%add3A_104, %broadcast_in_dim3A_619] : memref<128x128xf32, #tpu.memory_space<vmem>>[vector<16xi32>, vector<16xi32>], vector<16xf32>,
      %mul3A_621 = arith.mulf %gather3A_620, %gather3A_114 : vector<16xf32>
      %add3A_622 = arith.addf %mul3A_612, %mul3A_621 : vector<16xf32>
      %broadcast_in_dim3A_623 = arith.constant 68 : i32
      %broadcast_in_dim3A_624 = vector.broadcast %broadcast_in_dim3A_623 : i32 to vector<16xi32>
      %gather3A_625 = tpu.vector_load_idx %arg10[%add3A_104, %broadcast_in_dim3A_624] : memref<128x128xf32, #tpu.memory_space<vmem>>[vector<16xi32>, vector<16xi32>], vector<16xf32>,
      %mul3A_626 = arith.mulf %gather3A_625, %gather3A_117 : vector<16xf32>
      %add3A_627 = arith.addf %add3A_617, %mul3A_626 : vector<16xf32>
      %broadcast_in_dim3A_628 = arith.constant 69 : i32
      %broadcast_in_dim3A_629 = vector.broadcast %broadcast_in_dim3A_628 : i32 to vector<16xi32>
      %gather3A_630 = tpu.vector_load_idx %arg10[%add3A_104, %broadcast_in_dim3A_629] : memref<128x128xf32, #tpu.memory_space<vmem>>[vector<16xi32>, vector<16xi32>], vector<16xf32>,
      %mul3A_631 = arith.mulf %gather3A_630, %gather3A_120 : vector<16xf32>
      %add3A_632 = arith.addf %add3A_622, %mul3A_631 : vector<16xf32>
      %broadcast_in_dim3A_633 = arith.constant 70 : i32
      %broadcast_in_dim3A_634 = vector.broadcast %broadcast_in_dim3A_633 : i32 to vector<16xi32>
      %gather3A_635 = tpu.vector_load_idx %arg10[%add3A_104, %broadcast_in_dim3A_634] : memref<128x128xf32, #tpu.memory_space<vmem>>[vector<16xi32>, vector<16xi32>], vector<16xf32>,
      %mul3A_636 = arith.mulf %gather3A_635, %gather3A_123 : vector<16xf32>
      %add3A_637 = arith.addf %add3A_627, %mul3A_636 : vector<16xf32>
      %broadcast_in_dim3A_638 = arith.constant 71 : i32
      %broadcast_in_dim3A_639 = vector.broadcast %broadcast_in_dim3A_638 : i32 to vector<16xi32>
      %gather3A_640 = tpu.vector_load_idx %arg10[%add3A_104, %broadcast_in_dim3A_639] : memref<128x128xf32, #tpu.memory_space<vmem>>[vector<16xi32>, vector<16xi32>], vector<16xf32>,
      %mul3A_641 = arith.mulf %gather3A_640, %gather3A_126 : vector<16xf32>
      %add3A_642 = arith.addf %add3A_632, %mul3A_641 : vector<16xf32>
      %broadcast_in_dim3A_643 = arith.constant 72 : i32
      %broadcast_in_dim3A_644 = vector.broadcast %broadcast_in_dim3A_643 : i32 to vector<16xi32>
      %gather3A_645 = tpu.vector_load_idx %arg10[%add3A_104, %broadcast_in_dim3A_644] : memref<128x128xf32, #tpu.memory_space<vmem>>[vector<16xi32>, vector<16xi32>], vector<16xf32>,
      %mul3A_646 = arith.mulf %gather3A_645, %gather3A_129 : vector<16xf32>
      %add3A_647 = arith.addf %add3A_637, %mul3A_646 : vector<16xf32>
      %broadcast_in_dim3A_648 = arith.constant 73 : i32
      %broadcast_in_dim3A_649 = vector.broadcast %broadcast_in_dim3A_648 : i32 to vector<16xi32>
      %gather3A_650 = tpu.vector_load_idx %arg10[%add3A_104, %broadcast_in_dim3A_649] : memref<128x128xf32, #tpu.memory_space<vmem>>[vector<16xi32>, vector<16xi32>], vector<16xf32>,
      %mul3A_651 = arith.mulf %gather3A_650, %gather3A_132 : vector<16xf32>
      %add3A_652 = arith.addf %add3A_642, %mul3A_651 : vector<16xf32>
      %broadcast_in_dim3A_653 = arith.constant 74 : i32
      %broadcast_in_dim3A_654 = vector.broadcast %broadcast_in_dim3A_653 : i32 to vector<16xi32>
      %gather3A_655 = tpu.vector_load_idx %arg10[%add3A_104, %broadcast_in_dim3A_654] : memref<128x128xf32, #tpu.memory_space<vmem>>[vector<16xi32>, vector<16xi32>], vector<16xf32>,
      %mul3A_656 = arith.mulf %gather3A_655, %gather3A_135 : vector<16xf32>
      %add3A_657 = arith.addf %add3A_647, %mul3A_656 : vector<16xf32>
      %broadcast_in_dim3A_658 = arith.constant 75 : i32
      %broadcast_in_dim3A_659 = vector.broadcast %broadcast_in_dim3A_658 : i32 to vector<16xi32>
      %gather3A_660 = tpu.vector_load_idx %arg10[%add3A_104, %broadcast_in_dim3A_659] : memref<128x128xf32, #tpu.memory_space<vmem>>[vector<16xi32>, vector<16xi32>], vector<16xf32>,
      %mul3A_661 = arith.mulf %gather3A_660, %gather3A_138 : vector<16xf32>
      %add3A_662 = arith.addf %add3A_652, %mul3A_661 : vector<16xf32>
      %broadcast_in_dim3A_663 = arith.constant 76 : i32
      %broadcast_in_dim3A_664 = vector.broadcast %broadcast_in_dim3A_663 : i32 to vector<16xi32>
      %gather3A_665 = tpu.vector_load_idx %arg10[%add3A_104, %broadcast_in_dim3A_664] : memref<128x128xf32, #tpu.memory_space<vmem>>[vector<16xi32>, vector<16xi32>], vector<16xf32>,
      %mul3A_666 = arith.mulf %gather3A_665, %gather3A_141 : vector<16xf32>
      %add3A_667 = arith.addf %add3A_657, %mul3A_666 : vector<16xf32>
      %add3A_668 = arith.addf %add3A_667, %add3A_662 : vector<16xf32>
      %broadcast_in_dim3A_669 = arith.constant 12 : i32
      %broadcast_in_dim3A_670 = vector.broadcast %broadcast_in_dim3A_669 : i32 to vector<16xi32>
      tpu.vector_store_idx %arg13[%add3A_104, %broadcast_in_dim3A_670], %add3A_668 : memref<128x16xf32, #tpu.memory_space<vmem>>[vector<16xi32>, vector<16xi32>], vector<16xf32>,
      %broadcast_in_dim3A_671 = arith.constant 13 : i32
      %broadcast_in_dim3A_672 = vector.broadcast %broadcast_in_dim3A_671 : i32 to vector<16xi32>
      %gather3A_673 = tpu.vector_load_idx %arg11[%add3A_104, %broadcast_in_dim3A_672] : memref<128x16xf32, #tpu.memory_space<vmem>>[vector<16xi32>, vector<16xi32>], vector<16xf32>,
      %broadcast_in_dim3A_674 = arith.constant 80 : i32
      %broadcast_in_dim3A_675 = vector.broadcast %broadcast_in_dim3A_674 : i32 to vector<16xi32>
      %gather3A_676 = tpu.vector_load_idx %arg10[%add3A_104, %broadcast_in_dim3A_675] : memref<128x128xf32, #tpu.memory_space<vmem>>[vector<16xi32>, vector<16xi32>], vector<16xf32>,
      %mul3A_677 = arith.mulf %gather3A_676, %gather3A : vector<16xf32>
      %add3A_678 = arith.addf %gather3A_673, %mul3A_677 : vector<16xf32>
      %broadcast_in_dim3A_679 = arith.constant 81 : i32
      %broadcast_in_dim3A_680 = vector.broadcast %broadcast_in_dim3A_679 : i32 to vector<16xi32>
      %gather3A_681 = tpu.vector_load_idx %arg10[%add3A_104, %broadcast_in_dim3A_680] : memref<128x128xf32, #tpu.memory_space<vmem>>[vector<16xi32>, vector<16xi32>], vector<16xf32>,
      %mul3A_682 = arith.mulf %gather3A_681, %gather3A_108 : vector<16xf32>
      %broadcast_in_dim3A_683 = arith.constant 82 : i32
      %broadcast_in_dim3A_684 = vector.broadcast %broadcast_in_dim3A_683 : i32 to vector<16xi32>
      %gather3A_685 = tpu.vector_load_idx %arg10[%add3A_104, %broadcast_in_dim3A_684] : memref<128x128xf32, #tpu.memory_space<vmem>>[vector<16xi32>, vector<16xi32>], vector<16xf32>,
      %mul3A_686 = arith.mulf %gather3A_685, %gather3A_111 : vector<16xf32>
      %add3A_687 = arith.addf %add3A_678, %mul3A_686 : vector<16xf32>
      %broadcast_in_dim3A_688 = arith.constant 83 : i32
      %broadcast_in_dim3A_689 = vector.broadcast %broadcast_in_dim3A_688 : i32 to vector<16xi32>
      %gather3A_690 = tpu.vector_load_idx %arg10[%add3A_104, %broadcast_in_dim3A_689] : memref<128x128xf32, #tpu.memory_space<vmem>>[vector<16xi32>, vector<16xi32>], vector<16xf32>,
      %mul3A_691 = arith.mulf %gather3A_690, %gather3A_114 : vector<16xf32>
      %add3A_692 = arith.addf %mul3A_682, %mul3A_691 : vector<16xf32>
      %broadcast_in_dim3A_693 = arith.constant 84 : i32
      %broadcast_in_dim3A_694 = vector.broadcast %broadcast_in_dim3A_693 : i32 to vector<16xi32>
      %gather3A_695 = tpu.vector_load_idx %arg10[%add3A_104, %broadcast_in_dim3A_694] : memref<128x128xf32, #tpu.memory_space<vmem>>[vector<16xi32>, vector<16xi32>], vector<16xf32>,
      %mul3A_696 = arith.mulf %gather3A_695, %gather3A_117 : vector<16xf32>
      %add3A_697 = arith.addf %add3A_687, %mul3A_696 : vector<16xf32>
      %broadcast_in_dim3A_698 = arith.constant 85 : i32
      %broadcast_in_dim3A_699 = vector.broadcast %broadcast_in_dim3A_698 : i32 to vector<16xi32>
      %gather3A_700 = tpu.vector_load_idx %arg10[%add3A_104, %broadcast_in_dim3A_699] : memref<128x128xf32, #tpu.memory_space<vmem>>[vector<16xi32>, vector<16xi32>], vector<16xf32>,
      %mul3A_701 = arith.mulf %gather3A_700, %gather3A_120 : vector<16xf32>
      %add3A_702 = arith.addf %add3A_692, %mul3A_701 : vector<16xf32>
      %broadcast_in_dim3A_703 = arith.constant 86 : i32
      %broadcast_in_dim3A_704 = vector.broadcast %broadcast_in_dim3A_703 : i32 to vector<16xi32>
      %gather3A_705 = tpu.vector_load_idx %arg10[%add3A_104, %broadcast_in_dim3A_704] : memref<128x128xf32, #tpu.memory_space<vmem>>[vector<16xi32>, vector<16xi32>], vector<16xf32>,
      %mul3A_706 = arith.mulf %gather3A_705, %gather3A_123 : vector<16xf32>
      %add3A_707 = arith.addf %add3A_697, %mul3A_706 : vector<16xf32>
      %broadcast_in_dim3A_708 = arith.constant 87 : i32
      %broadcast_in_dim3A_709 = vector.broadcast %broadcast_in_dim3A_708 : i32 to vector<16xi32>
      %gather3A_710 = tpu.vector_load_idx %arg10[%add3A_104, %broadcast_in_dim3A_709] : memref<128x128xf32, #tpu.memory_space<vmem>>[vector<16xi32>, vector<16xi32>], vector<16xf32>,
      %mul3A_711 = arith.mulf %gather3A_710, %gather3A_126 : vector<16xf32>
      %add3A_712 = arith.addf %add3A_702, %mul3A_711 : vector<16xf32>
      %broadcast_in_dim3A_713 = arith.constant 88 : i32
      %broadcast_in_dim3A_714 = vector.broadcast %broadcast_in_dim3A_713 : i32 to vector<16xi32>
      %gather3A_715 = tpu.vector_load_idx %arg10[%add3A_104, %broadcast_in_dim3A_714] : memref<128x128xf32, #tpu.memory_space<vmem>>[vector<16xi32>, vector<16xi32>], vector<16xf32>,
      %mul3A_716 = arith.mulf %gather3A_715, %gather3A_129 : vector<16xf32>
      %add3A_717 = arith.addf %add3A_707, %mul3A_716 : vector<16xf32>
      %broadcast_in_dim3A_718 = arith.constant 89 : i32
      %broadcast_in_dim3A_719 = vector.broadcast %broadcast_in_dim3A_718 : i32 to vector<16xi32>
      %gather3A_720 = tpu.vector_load_idx %arg10[%add3A_104, %broadcast_in_dim3A_719] : memref<128x128xf32, #tpu.memory_space<vmem>>[vector<16xi32>, vector<16xi32>], vector<16xf32>,
      %mul3A_721 = arith.mulf %gather3A_720, %gather3A_132 : vector<16xf32>
      %add3A_722 = arith.addf %add3A_712, %mul3A_721 : vector<16xf32>
      %broadcast_in_dim3A_723 = arith.constant 90 : i32
      %broadcast_in_dim3A_724 = vector.broadcast %broadcast_in_dim3A_723 : i32 to vector<16xi32>
      %gather3A_725 = tpu.vector_load_idx %arg10[%add3A_104, %broadcast_in_dim3A_724] : memref<128x128xf32, #tpu.memory_space<vmem>>[vector<16xi32>, vector<16xi32>], vector<16xf32>,
      %mul3A_726 = arith.mulf %gather3A_725, %gather3A_135 : vector<16xf32>
      %add3A_727 = arith.addf %add3A_717, %mul3A_726 : vector<16xf32>
      %broadcast_in_dim3A_728 = arith.constant 91 : i32
      %broadcast_in_dim3A_729 = vector.broadcast %broadcast_in_dim3A_728 : i32 to vector<16xi32>
      %gather3A_730 = tpu.vector_load_idx %arg10[%add3A_104, %broadcast_in_dim3A_729] : memref<128x128xf32, #tpu.memory_space<vmem>>[vector<16xi32>, vector<16xi32>], vector<16xf32>,
      %mul3A_731 = arith.mulf %gather3A_730, %gather3A_138 : vector<16xf32>
      %add3A_732 = arith.addf %add3A_722, %mul3A_731 : vector<16xf32>
      %broadcast_in_dim3A_733 = arith.constant 92 : i32
      %broadcast_in_dim3A_734 = vector.broadcast %broadcast_in_dim3A_733 : i32 to vector<16xi32>
      %gather3A_735 = tpu.vector_load_idx %arg10[%add3A_104, %broadcast_in_dim3A_734] : memref<128x128xf32, #tpu.memory_space<vmem>>[vector<16xi32>, vector<16xi32>], vector<16xf32>,
      %mul3A_736 = arith.mulf %gather3A_735, %gather3A_141 : vector<16xf32>
      %add3A_737 = arith.addf %add3A_727, %mul3A_736 : vector<16xf32>
      %broadcast_in_dim3A_738 = arith.constant 93 : i32
      %broadcast_in_dim3A_739 = vector.broadcast %broadcast_in_dim3A_738 : i32 to vector<16xi32>
      %gather3A_740 = tpu.vector_load_idx %arg10[%add3A_104, %broadcast_in_dim3A_739] : memref<128x128xf32, #tpu.memory_space<vmem>>[vector<16xi32>, vector<16xi32>], vector<16xf32>,
      %mul3A_741 = arith.mulf %gather3A_740, %gather3A_144 : vector<16xf32>
      %add3A_742 = arith.addf %add3A_732, %mul3A_741 : vector<16xf32>
      %add3A_743 = arith.addf %add3A_737, %add3A_742 : vector<16xf32>
      %broadcast_in_dim3A_744 = arith.constant 13 : i32
      %broadcast_in_dim3A_745 = vector.broadcast %broadcast_in_dim3A_744 : i32 to vector<16xi32>
      tpu.vector_store_idx %arg13[%add3A_104, %broadcast_in_dim3A_745], %add3A_743 : memref<128x16xf32, #tpu.memory_space<vmem>>[vector<16xi32>, vector<16xi32>], vector<16xf32>,
      %broadcast_in_dim3A_746 = arith.constant 14 : i32
      %broadcast_in_dim3A_747 = vector.broadcast %broadcast_in_dim3A_746 : i32 to vector<16xi32>
      %gather3A_748 = tpu.vector_load_idx %arg11[%add3A_104, %broadcast_in_dim3A_747] : memref<128x16xf32, #tpu.memory_space<vmem>>[vector<16xi32>, vector<16xi32>], vector<16xf32>,
      %broadcast_in_dim3A_749 = arith.constant 96 : i32
      %broadcast_in_dim3A_750 = vector.broadcast %broadcast_in_dim3A_749 : i32 to vector<16xi32>
      %gather3A_751 = tpu.vector_load_idx %arg10[%add3A_104, %broadcast_in_dim3A_750] : memref<128x128xf32, #tpu.memory_space<vmem>>[vector<16xi32>, vector<16xi32>], vector<16xf32>,
      %mul3A_752 = arith.mulf %gather3A_751, %gather3A : vector<16xf32>
      %add3A_753 = arith.addf %gather3A_748, %mul3A_752 : vector<16xf32>
      %broadcast_in_dim3A_754 = arith.constant 97 : i32
      %broadcast_in_dim3A_755 = vector.broadcast %broadcast_in_dim3A_754 : i32 to vector<16xi32>
      %gather3A_756 = tpu.vector_load_idx %arg10[%add3A_104, %broadcast_in_dim3A_755] : memref<128x128xf32, #tpu.memory_space<vmem>>[vector<16xi32>, vector<16xi32>], vector<16xf32>,
      %mul3A_757 = arith.mulf %gather3A_756, %gather3A_108 : vector<16xf32>
      %broadcast_in_dim3A_758 = arith.constant 98 : i32
      %broadcast_in_dim3A_759 = vector.broadcast %broadcast_in_dim3A_758 : i32 to vector<16xi32>
      %gather3A_760 = tpu.vector_load_idx %arg10[%add3A_104, %broadcast_in_dim3A_759] : memref<128x128xf32, #tpu.memory_space<vmem>>[vector<16xi32>, vector<16xi32>], vector<16xf32>,
      %mul3A_761 = arith.mulf %gather3A_760, %gather3A_111 : vector<16xf32>
      %add3A_762 = arith.addf %add3A_753, %mul3A_761 : vector<16xf32>
      %broadcast_in_dim3A_763 = arith.constant 99 : i32
      %broadcast_in_dim3A_764 = vector.broadcast %broadcast_in_dim3A_763 : i32 to vector<16xi32>
      %gather3A_765 = tpu.vector_load_idx %arg10[%add3A_104, %broadcast_in_dim3A_764] : memref<128x128xf32, #tpu.memory_space<vmem>>[vector<16xi32>, vector<16xi32>], vector<16xf32>,
      %mul3A_766 = arith.mulf %gather3A_765, %gather3A_114 : vector<16xf32>
      %add3A_767 = arith.addf %mul3A_757, %mul3A_766 : vector<16xf32>
      %broadcast_in_dim3A_768 = arith.constant 100 : i32
      %broadcast_in_dim3A_769 = vector.broadcast %broadcast_in_dim3A_768 : i32 to vector<16xi32>
      %gather3A_770 = tpu.vector_load_idx %arg10[%add3A_104, %broadcast_in_dim3A_769] : memref<128x128xf32, #tpu.memory_space<vmem>>[vector<16xi32>, vector<16xi32>], vector<16xf32>,
      %mul3A_771 = arith.mulf %gather3A_770, %gather3A_117 : vector<16xf32>
      %add3A_772 = arith.addf %add3A_762, %mul3A_771 : vector<16xf32>
      %broadcast_in_dim3A_773 = arith.constant 101 : i32
      %broadcast_in_dim3A_774 = vector.broadcast %broadcast_in_dim3A_773 : i32 to vector<16xi32>
      %gather3A_775 = tpu.vector_load_idx %arg10[%add3A_104, %broadcast_in_dim3A_774] : memref<128x128xf32, #tpu.memory_space<vmem>>[vector<16xi32>, vector<16xi32>], vector<16xf32>,
      %mul3A_776 = arith.mulf %gather3A_775, %gather3A_120 : vector<16xf32>
      %add3A_777 = arith.addf %add3A_767, %mul3A_776 : vector<16xf32>
      %broadcast_in_dim3A_778 = arith.constant 102 : i32
      %broadcast_in_dim3A_779 = vector.broadcast %broadcast_in_dim3A_778 : i32 to vector<16xi32>
      %gather3A_780 = tpu.vector_load_idx %arg10[%add3A_104, %broadcast_in_dim3A_779] : memref<128x128xf32, #tpu.memory_space<vmem>>[vector<16xi32>, vector<16xi32>], vector<16xf32>,
      %mul3A_781 = arith.mulf %gather3A_780, %gather3A_123 : vector<16xf32>
      %add3A_782 = arith.addf %add3A_772, %mul3A_781 : vector<16xf32>
      %broadcast_in_dim3A_783 = arith.constant 103 : i32
      %broadcast_in_dim3A_784 = vector.broadcast %broadcast_in_dim3A_783 : i32 to vector<16xi32>
      %gather3A_785 = tpu.vector_load_idx %arg10[%add3A_104, %broadcast_in_dim3A_784] : memref<128x128xf32, #tpu.memory_space<vmem>>[vector<16xi32>, vector<16xi32>], vector<16xf32>,
      %mul3A_786 = arith.mulf %gather3A_785, %gather3A_126 : vector<16xf32>
      %add3A_787 = arith.addf %add3A_777, %mul3A_786 : vector<16xf32>
      %broadcast_in_dim3A_788 = arith.constant 104 : i32
      %broadcast_in_dim3A_789 = vector.broadcast %broadcast_in_dim3A_788 : i32 to vector<16xi32>
      %gather3A_790 = tpu.vector_load_idx %arg10[%add3A_104, %broadcast_in_dim3A_789] : memref<128x128xf32, #tpu.memory_space<vmem>>[vector<16xi32>, vector<16xi32>], vector<16xf32>,
      %mul3A_791 = arith.mulf %gather3A_790, %gather3A_129 : vector<16xf32>
      %add3A_792 = arith.addf %add3A_782, %mul3A_791 : vector<16xf32>
      %broadcast_in_dim3A_793 = arith.constant 105 : i32
      %broadcast_in_dim3A_794 = vector.broadcast %broadcast_in_dim3A_793 : i32 to vector<16xi32>
      %gather3A_795 = tpu.vector_load_idx %arg10[%add3A_104, %broadcast_in_dim3A_794] : memref<128x128xf32, #tpu.memory_space<vmem>>[vector<16xi32>, vector<16xi32>], vector<16xf32>,
      %mul3A_796 = arith.mulf %gather3A_795, %gather3A_132 : vector<16xf32>
      %add3A_797 = arith.addf %add3A_787, %mul3A_796 : vector<16xf32>
      %broadcast_in_dim3A_798 = arith.constant 106 : i32
      %broadcast_in_dim3A_799 = vector.broadcast %broadcast_in_dim3A_798 : i32 to vector<16xi32>
      %gather3A_800 = tpu.vector_load_idx %arg10[%add3A_104, %broadcast_in_dim3A_799] : memref<128x128xf32, #tpu.memory_space<vmem>>[vector<16xi32>, vector<16xi32>], vector<16xf32>,
      %mul3A_801 = arith.mulf %gather3A_800, %gather3A_135 : vector<16xf32>
      %add3A_802 = arith.addf %add3A_792, %mul3A_801 : vector<16xf32>
      %broadcast_in_dim3A_803 = arith.constant 107 : i32
      %broadcast_in_dim3A_804 = vector.broadcast %broadcast_in_dim3A_803 : i32 to vector<16xi32>
      %gather3A_805 = tpu.vector_load_idx %arg10[%add3A_104, %broadcast_in_dim3A_804] : memref<128x128xf32, #tpu.memory_space<vmem>>[vector<16xi32>, vector<16xi32>], vector<16xf32>,
      %mul3A_806 = arith.mulf %gather3A_805, %gather3A_138 : vector<16xf32>
      %add3A_807 = arith.addf %add3A_797, %mul3A_806 : vector<16xf32>
      %broadcast_in_dim3A_808 = arith.constant 108 : i32
      %broadcast_in_dim3A_809 = vector.broadcast %broadcast_in_dim3A_808 : i32 to vector<16xi32>
      %gather3A_810 = tpu.vector_load_idx %arg10[%add3A_104, %broadcast_in_dim3A_809] : memref<128x128xf32, #tpu.memory_space<vmem>>[vector<16xi32>, vector<16xi32>], vector<16xf32>,
      %mul3A_811 = arith.mulf %gather3A_810, %gather3A_141 : vector<16xf32>
      %add3A_812 = arith.addf %add3A_802, %mul3A_811 : vector<16xf32>
      %broadcast_in_dim3A_813 = arith.constant 109 : i32
      %broadcast_in_dim3A_814 = vector.broadcast %broadcast_in_dim3A_813 : i32 to vector<16xi32>
      %gather3A_815 = tpu.vector_load_idx %arg10[%add3A_104, %broadcast_in_dim3A_814] : memref<128x128xf32, #tpu.memory_space<vmem>>[vector<16xi32>, vector<16xi32>], vector<16xf32>,
      %mul3A_816 = arith.mulf %gather3A_815, %gather3A_144 : vector<16xf32>
      %add3A_817 = arith.addf %add3A_807, %mul3A_816 : vector<16xf32>
      %broadcast_in_dim3A_818 = arith.constant 110 : i32
      %broadcast_in_dim3A_819 = vector.broadcast %broadcast_in_dim3A_818 : i32 to vector<16xi32>
      %gather3A_820 = tpu.vector_load_idx %arg10[%add3A_104, %broadcast_in_dim3A_819] : memref<128x128xf32, #tpu.memory_space<vmem>>[vector<16xi32>, vector<16xi32>], vector<16xf32>,
      %mul3A_821 = arith.mulf %gather3A_820, %gather3A_147 : vector<16xf32>
      %add3A_822 = arith.addf %add3A_812, %mul3A_821 : vector<16xf32>
      %add3A_823 = arith.addf %add3A_822, %add3A_817 : vector<16xf32>
      %broadcast_in_dim3A_824 = arith.constant 14 : i32
      %broadcast_in_dim3A_825 = vector.broadcast %broadcast_in_dim3A_824 : i32 to vector<16xi32>
      tpu.vector_store_idx %arg13[%add3A_104, %broadcast_in_dim3A_825], %add3A_823 : memref<128x16xf32, #tpu.memory_space<vmem>>[vector<16xi32>, vector<16xi32>], vector<16xf32>,
      %broadcast_in_dim3A_826 = arith.constant 15 : i32
      %broadcast_in_dim3A_827 = vector.broadcast %broadcast_in_dim3A_826 : i32 to vector<16xi32>
      %gather3A_828 = tpu.vector_load_idx %arg11[%add3A_104, %broadcast_in_dim3A_827] : memref<128x16xf32, #tpu.memory_space<vmem>>[vector<16xi32>, vector<16xi32>], vector<16xf32>,
      %broadcast_in_dim3A_829 = arith.constant 112 : i32
      %broadcast_in_dim3A_830 = vector.broadcast %broadcast_in_dim3A_829 : i32 to vector<16xi32>
      %gather3A_831 = tpu.vector_load_idx %arg10[%add3A_104, %broadcast_in_dim3A_830] : memref<128x128xf32, #tpu.memory_space<vmem>>[vector<16xi32>, vector<16xi32>], vector<16xf32>,
      %mul3A_832 = arith.mulf %gather3A_831, %gather3A : vector<16xf32>
      %add3A_833 = arith.addf %gather3A_828, %mul3A_832 : vector<16xf32>
      %broadcast_in_dim3A_834 = arith.constant 113 : i32
      %broadcast_in_dim3A_835 = vector.broadcast %broadcast_in_dim3A_834 : i32 to vector<16xi32>
      %gather3A_836 = tpu.vector_load_idx %arg10[%add3A_104, %broadcast_in_dim3A_835] : memref<128x128xf32, #tpu.memory_space<vmem>>[vector<16xi32>, vector<16xi32>], vector<16xf32>,
      %mul3A_837 = arith.mulf %gather3A_836, %gather3A_108 : vector<16xf32>
      %broadcast_in_dim3A_838 = arith.constant 114 : i32
      %broadcast_in_dim3A_839 = vector.broadcast %broadcast_in_dim3A_838 : i32 to vector<16xi32>
      %gather3A_840 = tpu.vector_load_idx %arg10[%add3A_104, %broadcast_in_dim3A_839] : memref<128x128xf32, #tpu.memory_space<vmem>>[vector<16xi32>, vector<16xi32>], vector<16xf32>,
      %mul3A_841 = arith.mulf %gather3A_840, %gather3A_111 : vector<16xf32>
      %add3A_842 = arith.addf %add3A_833, %mul3A_841 : vector<16xf32>
      %broadcast_in_dim3A_843 = arith.constant 115 : i32
      %broadcast_in_dim3A_844 = vector.broadcast %broadcast_in_dim3A_843 : i32 to vector<16xi32>
      %gather3A_845 = tpu.vector_load_idx %arg10[%add3A_104, %broadcast_in_dim3A_844] : memref<128x128xf32, #tpu.memory_space<vmem>>[vector<16xi32>, vector<16xi32>], vector<16xf32>,
      %mul3A_846 = arith.mulf %gather3A_845, %gather3A_114 : vector<16xf32>
      %add3A_847 = arith.addf %mul3A_837, %mul3A_846 : vector<16xf32>
      %broadcast_in_dim3A_848 = arith.constant 116 : i32
      %broadcast_in_dim3A_849 = vector.broadcast %broadcast_in_dim3A_848 : i32 to vector<16xi32>
      %gather3A_850 = tpu.vector_load_idx %arg10[%add3A_104, %broadcast_in_dim3A_849] : memref<128x128xf32, #tpu.memory_space<vmem>>[vector<16xi32>, vector<16xi32>], vector<16xf32>,
      %mul3A_851 = arith.mulf %gather3A_850, %gather3A_117 : vector<16xf32>
      %add3A_852 = arith.addf %add3A_842, %mul3A_851 : vector<16xf32>
      %broadcast_in_dim3A_853 = arith.constant 117 : i32
      %broadcast_in_dim3A_854 = vector.broadcast %broadcast_in_dim3A_853 : i32 to vector<16xi32>
      %gather3A_855 = tpu.vector_load_idx %arg10[%add3A_104, %broadcast_in_dim3A_854] : memref<128x128xf32, #tpu.memory_space<vmem>>[vector<16xi32>, vector<16xi32>], vector<16xf32>,
      %mul3A_856 = arith.mulf %gather3A_855, %gather3A_120 : vector<16xf32>
      %add3A_857 = arith.addf %add3A_847, %mul3A_856 : vector<16xf32>
      %broadcast_in_dim3A_858 = arith.constant 118 : i32
      %broadcast_in_dim3A_859 = vector.broadcast %broadcast_in_dim3A_858 : i32 to vector<16xi32>
      %gather3A_860 = tpu.vector_load_idx %arg10[%add3A_104, %broadcast_in_dim3A_859] : memref<128x128xf32, #tpu.memory_space<vmem>>[vector<16xi32>, vector<16xi32>], vector<16xf32>,
      %mul3A_861 = arith.mulf %gather3A_860, %gather3A_123 : vector<16xf32>
      %add3A_862 = arith.addf %add3A_852, %mul3A_861 : vector<16xf32>
      %broadcast_in_dim3A_863 = arith.constant 119 : i32
      %broadcast_in_dim3A_864 = vector.broadcast %broadcast_in_dim3A_863 : i32 to vector<16xi32>
      %gather3A_865 = tpu.vector_load_idx %arg10[%add3A_104, %broadcast_in_dim3A_864] : memref<128x128xf32, #tpu.memory_space<vmem>>[vector<16xi32>, vector<16xi32>], vector<16xf32>,
      %mul3A_866 = arith.mulf %gather3A_865, %gather3A_126 : vector<16xf32>
      %add3A_867 = arith.addf %add3A_857, %mul3A_866 : vector<16xf32>
      %broadcast_in_dim3A_868 = arith.constant 120 : i32
      %broadcast_in_dim3A_869 = vector.broadcast %broadcast_in_dim3A_868 : i32 to vector<16xi32>
      %gather3A_870 = tpu.vector_load_idx %arg10[%add3A_104, %broadcast_in_dim3A_869] : memref<128x128xf32, #tpu.memory_space<vmem>>[vector<16xi32>, vector<16xi32>], vector<16xf32>,
      %mul3A_871 = arith.mulf %gather3A_870, %gather3A_129 : vector<16xf32>
      %add3A_872 = arith.addf %add3A_862, %mul3A_871 : vector<16xf32>
      %broadcast_in_dim3A_873 = arith.constant 121 : i32
      %broadcast_in_dim3A_874 = vector.broadcast %broadcast_in_dim3A_873 : i32 to vector<16xi32>
      %gather3A_875 = tpu.vector_load_idx %arg10[%add3A_104, %broadcast_in_dim3A_874] : memref<128x128xf32, #tpu.memory_space<vmem>>[vector<16xi32>, vector<16xi32>], vector<16xf32>,
      %mul3A_876 = arith.mulf %gather3A_875, %gather3A_132 : vector<16xf32>
      %add3A_877 = arith.addf %add3A_867, %mul3A_876 : vector<16xf32>
      %broadcast_in_dim3A_878 = arith.constant 122 : i32
      %broadcast_in_dim3A_879 = vector.broadcast %broadcast_in_dim3A_878 : i32 to vector<16xi32>
      %gather3A_880 = tpu.vector_load_idx %arg10[%add3A_104, %broadcast_in_dim3A_879] : memref<128x128xf32, #tpu.memory_space<vmem>>[vector<16xi32>, vector<16xi32>], vector<16xf32>,
      %mul3A_881 = arith.mulf %gather3A_880, %gather3A_135 : vector<16xf32>
      %add3A_882 = arith.addf %add3A_872, %mul3A_881 : vector<16xf32>
      %broadcast_in_dim3A_883 = arith.constant 123 : i32
      %broadcast_in_dim3A_884 = vector.broadcast %broadcast_in_dim3A_883 : i32 to vector<16xi32>
      %gather3A_885 = tpu.vector_load_idx %arg10[%add3A_104, %broadcast_in_dim3A_884] : memref<128x128xf32, #tpu.memory_space<vmem>>[vector<16xi32>, vector<16xi32>], vector<16xf32>,
      %mul3A_886 = arith.mulf %gather3A_885, %gather3A_138 : vector<16xf32>
      %add3A_887 = arith.addf %add3A_877, %mul3A_886 : vector<16xf32>
      %broadcast_in_dim3A_888 = arith.constant 124 : i32
      %broadcast_in_dim3A_889 = vector.broadcast %broadcast_in_dim3A_888 : i32 to vector<16xi32>
      %gather3A_890 = tpu.vector_load_idx %arg10[%add3A_104, %broadcast_in_dim3A_889] : memref<128x128xf32, #tpu.memory_space<vmem>>[vector<16xi32>, vector<16xi32>], vector<16xf32>,
      %mul3A_891 = arith.mulf %gather3A_890, %gather3A_141 : vector<16xf32>
      %add3A_892 = arith.addf %add3A_882, %mul3A_891 : vector<16xf32>
      %broadcast_in_dim3A_893 = arith.constant 125 : i32
      %broadcast_in_dim3A_894 = vector.broadcast %broadcast_in_dim3A_893 : i32 to vector<16xi32>
      %gather3A_895 = tpu.vector_load_idx %arg10[%add3A_104, %broadcast_in_dim3A_894] : memref<128x128xf32, #tpu.memory_space<vmem>>[vector<16xi32>, vector<16xi32>], vector<16xf32>,
      %mul3A_896 = arith.mulf %gather3A_895, %gather3A_144 : vector<16xf32>
      %add3A_897 = arith.addf %add3A_887, %mul3A_896 : vector<16xf32>
      %broadcast_in_dim3A_898 = arith.constant 126 : i32
      %broadcast_in_dim3A_899 = vector.broadcast %broadcast_in_dim3A_898 : i32 to vector<16xi32>
      %gather3A_900 = tpu.vector_load_idx %arg10[%add3A_104, %broadcast_in_dim3A_899] : memref<128x128xf32, #tpu.memory_space<vmem>>[vector<16xi32>, vector<16xi32>], vector<16xf32>,
      %mul3A_901 = arith.mulf %gather3A_900, %gather3A_147 : vector<16xf32>
      %add3A_902 = arith.addf %add3A_892, %mul3A_901 : vector<16xf32>
      %broadcast_in_dim3A_903 = arith.constant 127 : i32
      %broadcast_in_dim3A_904 = vector.broadcast %broadcast_in_dim3A_903 : i32 to vector<16xi32>
      %gather3A_905 = tpu.vector_load_idx %arg10[%add3A_104, %broadcast_in_dim3A_904] : memref<128x128xf32, #tpu.memory_space<vmem>>[vector<16xi32>, vector<16xi32>], vector<16xf32>,
      %mul3A_906 = arith.mulf %gather3A_905, %gather3A_150 : vector<16xf32>
      %add3A_907 = arith.addf %add3A_897, %mul3A_906 : vector<16xf32>
      %add3A_908 = arith.addf %add3A_902, %add3A_907 : vector<16xf32>
      %broadcast_in_dim3A_909 = arith.constant 15 : i32
      %broadcast_in_dim3A_910 = vector.broadcast %broadcast_in_dim3A_909 : i32 to vector<16xi32>
      tpu.vector_store_idx %arg13[%add3A_104, %broadcast_in_dim3A_910], %add3A_908 : memref<128x16xf32, #tpu.memory_space<vmem>>[vector<16xi32>, vector<16xi32>], vector<16xf32>,
    }
    %scan3A_24 = arith.constant 8 : i32
    "tpu.region"() ({
      %run_scoped3A = tpu.sem_alloc : memref<!tpu.dma_semaphore, #tpu.memory_space<semaphore_mem>>
      %dma_start3A_100 = arith.constant 0 : i32
      %dma_start3A_101 = tpu.memref_slice %arg7[%add3A_4, %dma_start3A_100] : memref<16384x16xf32, #tpu.memory_space<hbm>> -> memref<128x16xf32, #tpu.memory_space<hbm>>
      %dma_start3A_102 = arith.constant 0 : i32
      %dma_start3A_103 = tpu.memref_slice %arg7[%add3A_4, %dma_start3A_102] : memref<16384x16xf32, #tpu.memory_space<hbm>> -> memref<128x16xf32, #tpu.memory_space<hbm>>
      tpu.enqueue_dma source(%arg13 : memref<128x16xf32, #tpu.memory_space<vmem>>) target(%dma_start3A_103 : memref<128x16xf32, #tpu.memory_space<hbm>>) target_semaphore(%run_scoped3A : memref<!tpu.dma_semaphore, #tpu.memory_space<semaphore_mem>>)
      %dma_wait3A_104 = arith.constant 0 : i32
      %dma_wait3A_105 = tpu.memref_slice %arg7[%add3A_4, %dma_wait3A_104] : memref<16384x16xf32, #tpu.memory_space<hbm>> -> memref<128x16xf32, #tpu.memory_space<hbm>>
      %dma_wait3A_106 = arith.constant 0 : i32
      %dma_wait3A_107 = tpu.memref_slice %arg7[%add3A_4, %dma_wait3A_106] : memref<16384x16xf32, #tpu.memory_space<hbm>> -> memref<128x16xf32, #tpu.memory_space<hbm>>
      tpu.wait_dma2 semaphore(%run_scoped3A : memref<!tpu.dma_semaphore, #tpu.memory_space<semaphore_mem>>) src(%arg13 : memref<128x16xf32, #tpu.memory_space<vmem>>) dst(%dma_wait3A_107 : memref<128x16xf32, #tpu.memory_space<hbm>>)
      tpu.yield
    }) : () -> ()
    %add3A_25 = arith.constant 128 : i32
    %add3A_26 = arith.addi %mul3A_2, %add3A_25 : i32
    "tpu.region"() ({
      %run_scoped3A = tpu.sem_alloc : memref<!tpu.dma_semaphore, #tpu.memory_space<semaphore_mem>>
      %dma_start3A_100 = tpu.memref_slice %arg2[%add3A_26] : memref<16384xi32, #tpu.memory_space<hbm>> -> memref<128xi32, #tpu.memory_space<hbm>>
      %dma_start3A_101 = tpu.memref_slice %arg2[%add3A_26] : memref<16384xi32, #tpu.memory_space<hbm>> -> memref<128xi32, #tpu.memory_space<hbm>>
      tpu.enqueue_dma source(%dma_start3A_101 : memref<128xi32, #tpu.memory_space<hbm>>) target(%arg8 : memref<128xi32, #tpu.memory_space<vmem>>) target_semaphore(%run_scoped3A : memref<!tpu.dma_semaphore, #tpu.memory_space<semaphore_mem>>)
      %dma_wait3A_102 = tpu.memref_slice %arg2[%add3A_26] : memref<16384xi32, #tpu.memory_space<hbm>> -> memref<128xi32, #tpu.memory_space<hbm>>
      %dma_wait3A_103 = tpu.memref_slice %arg2[%add3A_26] : memref<16384xi32, #tpu.memory_space<hbm>> -> memref<128xi32, #tpu.memory_space<hbm>>
      tpu.wait_dma2 semaphore(%run_scoped3A : memref<!tpu.dma_semaphore, #tpu.memory_space<semaphore_mem>>) src(%dma_wait3A_103 : memref<128xi32, #tpu.memory_space<hbm>>) dst(%arg8 : memref<128xi32, #tpu.memory_space<vmem>>)
      tpu.yield
    }) : () -> ()
    %dma_start3A_27 = arith.constant 0 : i32
    %dma_start3A_28 = arith.constant 0 : i32
    %dma_start3A_29 = tpu.memref_slice %arg4[%dma_start3A_27, %dma_start3A_28] : memref<100000x128xf32, #tpu.memory_space<hbm>> -> memref<100000x128xf32, #tpu.memory_space<hbm>>
    tpu.enqueue_indirect_dma source(%dma_start3A_29 : memref<100000x128xf32, #tpu.memory_space<hbm>>) target(%arg9 : memref<128x128xf32, #tpu.memory_space<vmem>>) offsets(%arg8 : memref<128xi32, #tpu.memory_space<vmem>>) semaphore(%arg14 : memref<!tpu.dma_semaphore, #tpu.memory_space<semaphore_mem>>)
    %dma_start3A_30 = arith.constant 0 : i32
    %dma_start3A_31 = arith.constant 0 : i32
    %dma_start3A_32 = tpu.memref_slice %arg5[%dma_start3A_30, %dma_start3A_31] : memref<100000x128xf32, #tpu.memory_space<hbm>> -> memref<100000x128xf32, #tpu.memory_space<hbm>>
    tpu.enqueue_indirect_dma source(%dma_start3A_32 : memref<100000x128xf32, #tpu.memory_space<hbm>>) target(%arg10 : memref<128x128xf32, #tpu.memory_space<vmem>>) offsets(%arg8 : memref<128xi32, #tpu.memory_space<vmem>>) semaphore(%arg14 : memref<!tpu.dma_semaphore, #tpu.memory_space<semaphore_mem>>)
    %dma_start3A_33 = arith.constant 0 : i32
    %dma_start3A_34 = arith.constant 0 : i32
    %dma_start3A_35 = tpu.memref_slice %arg3[%dma_start3A_33, %dma_start3A_34] : memref<100000x16xf32, #tpu.memory_space<hbm>> -> memref<100000x16xf32, #tpu.memory_space<hbm>>
    tpu.enqueue_indirect_dma source(%dma_start3A_35 : memref<100000x16xf32, #tpu.memory_space<hbm>>) target(%arg11 : memref<128x16xf32, #tpu.memory_space<vmem>>) offsets(%arg8 : memref<128xi32, #tpu.memory_space<vmem>>) semaphore(%arg14 : memref<!tpu.dma_semaphore, #tpu.memory_space<semaphore_mem>>)
    "tpu.region"() ({
      %run_scoped3A = tpu.sem_alloc : memref<!tpu.dma_semaphore, #tpu.memory_space<semaphore_mem>>
      %dma_start3A_100 = arith.constant 0 : i32
      %dma_start3A_101 = tpu.memref_slice %arg6[%add3A_26, %dma_start3A_100] : memref<16384x16xf32, #tpu.memory_space<hbm>> -> memref<128x16xf32, #tpu.memory_space<hbm>>
      %dma_start3A_102 = arith.constant 0 : i32
      %dma_start3A_103 = tpu.memref_slice %arg6[%add3A_26, %dma_start3A_102] : memref<16384x16xf32, #tpu.memory_space<hbm>> -> memref<128x16xf32, #tpu.memory_space<hbm>>
      tpu.enqueue_dma source(%dma_start3A_103 : memref<128x16xf32, #tpu.memory_space<hbm>>) target(%arg12 : memref<128x16xf32, #tpu.memory_space<vmem>>) target_semaphore(%run_scoped3A : memref<!tpu.dma_semaphore, #tpu.memory_space<semaphore_mem>>)
      %dma_wait3A_104 = arith.constant 0 : i32
      %dma_wait3A_105 = tpu.memref_slice %arg6[%add3A_26, %dma_wait3A_104] : memref<16384x16xf32, #tpu.memory_space<hbm>> -> memref<128x16xf32, #tpu.memory_space<hbm>>
      %dma_wait3A_106 = arith.constant 0 : i32
      %dma_wait3A_107 = tpu.memref_slice %arg6[%add3A_26, %dma_wait3A_106] : memref<16384x16xf32, #tpu.memory_space<hbm>> -> memref<128x16xf32, #tpu.memory_space<hbm>>
      tpu.wait_dma2 semaphore(%run_scoped3A : memref<!tpu.dma_semaphore, #tpu.memory_space<semaphore_mem>>) src(%dma_wait3A_107 : memref<128x16xf32, #tpu.memory_space<hbm>>) dst(%arg12 : memref<128x16xf32, #tpu.memory_space<vmem>>)
      tpu.yield
    }) : () -> ()
    %dma_wait3A_36 = arith.constant 0 : i32
    %dma_wait3A_37 = arith.constant 0 : i32
    %dma_wait3A_38 = tpu.memref_slice %arg4[%dma_wait3A_36, %dma_wait3A_37] : memref<100000x128xf32, #tpu.memory_space<hbm>> -> memref<100000x128xf32, #tpu.memory_space<hbm>>
    tpu.wait_indirect_dma semaphore(%arg14 : memref<!tpu.dma_semaphore, #tpu.memory_space<semaphore_mem>>) src(%dma_wait3A_38 : memref<100000x128xf32, #tpu.memory_space<hbm>>) dst(%arg9 : memref<128x128xf32, #tpu.memory_space<vmem>>)
    %dma_wait3A_39 = arith.constant 0 : i32
    %dma_wait3A_40 = arith.constant 0 : i32
    %dma_wait3A_41 = tpu.memref_slice %arg5[%dma_wait3A_39, %dma_wait3A_40] : memref<100000x128xf32, #tpu.memory_space<hbm>> -> memref<100000x128xf32, #tpu.memory_space<hbm>>
    tpu.wait_indirect_dma semaphore(%arg14 : memref<!tpu.dma_semaphore, #tpu.memory_space<semaphore_mem>>) src(%dma_wait3A_41 : memref<100000x128xf32, #tpu.memory_space<hbm>>) dst(%arg10 : memref<128x128xf32, #tpu.memory_space<vmem>>)
    %dma_wait3A_42 = arith.constant 0 : i32
    %dma_wait3A_43 = arith.constant 0 : i32
    %dma_wait3A_44 = tpu.memref_slice %arg3[%dma_wait3A_42, %dma_wait3A_43] : memref<100000x16xf32, #tpu.memory_space<hbm>> -> memref<100000x16xf32, #tpu.memory_space<hbm>>
    tpu.wait_indirect_dma semaphore(%arg14 : memref<!tpu.dma_semaphore, #tpu.memory_space<semaphore_mem>>) src(%dma_wait3A_44 : memref<100000x16xf32, #tpu.memory_space<hbm>>) dst(%arg11 : memref<128x16xf32, #tpu.memory_space<vmem>>)
    %scan3A_45 = arith.constant 0 : i32
    %scan3A_46 = arith.constant 8 : i32
    %scan3A_47 = arith.addi %scan3A_45, %scan3A_46 : i32
    %scan3A_48 = arith.constant 1 : i32
    scf.for %scan3A_100 = %scan3A_45 to %scan3A_47 step %scan3A_48  : i32 {
      %mul3A_101 = arith.constant 16 : i32
      %mul3A_102 = arith.muli %scan3A_100, %mul3A_101 : i32
      %add3A_103 = vector.broadcast %mul3A_102 : i32 to vector<16xi32>
      %add3A_104 = arith.addi %add3A_103, %iota3A : vector<16xi32>
      %broadcast_in_dim3A = arith.constant 0 : i32
      %broadcast_in_dim3A_105 = vector.broadcast %broadcast_in_dim3A : i32 to vector<16xi32>
      %gather3A = tpu.vector_load_idx %arg12[%add3A_104, %broadcast_in_dim3A_105] : memref<128x16xf32, #tpu.memory_space<vmem>>[vector<16xi32>, vector<16xi32>], vector<16xf32>,
      %broadcast_in_dim3A_106 = arith.constant 1 : i32
      %broadcast_in_dim3A_107 = vector.broadcast %broadcast_in_dim3A_106 : i32 to vector<16xi32>
      %gather3A_108 = tpu.vector_load_idx %arg12[%add3A_104, %broadcast_in_dim3A_107] : memref<128x16xf32, #tpu.memory_space<vmem>>[vector<16xi32>, vector<16xi32>], vector<16xf32>,
      %broadcast_in_dim3A_109 = arith.constant 2 : i32
      %broadcast_in_dim3A_110 = vector.broadcast %broadcast_in_dim3A_109 : i32 to vector<16xi32>
      %gather3A_111 = tpu.vector_load_idx %arg12[%add3A_104, %broadcast_in_dim3A_110] : memref<128x16xf32, #tpu.memory_space<vmem>>[vector<16xi32>, vector<16xi32>], vector<16xf32>,
      %broadcast_in_dim3A_112 = arith.constant 3 : i32
      %broadcast_in_dim3A_113 = vector.broadcast %broadcast_in_dim3A_112 : i32 to vector<16xi32>
      %gather3A_114 = tpu.vector_load_idx %arg12[%add3A_104, %broadcast_in_dim3A_113] : memref<128x16xf32, #tpu.memory_space<vmem>>[vector<16xi32>, vector<16xi32>], vector<16xf32>,
      %broadcast_in_dim3A_115 = arith.constant 4 : i32
      %broadcast_in_dim3A_116 = vector.broadcast %broadcast_in_dim3A_115 : i32 to vector<16xi32>
      %gather3A_117 = tpu.vector_load_idx %arg12[%add3A_104, %broadcast_in_dim3A_116] : memref<128x16xf32, #tpu.memory_space<vmem>>[vector<16xi32>, vector<16xi32>], vector<16xf32>,
      %broadcast_in_dim3A_118 = arith.constant 5 : i32
      %broadcast_in_dim3A_119 = vector.broadcast %broadcast_in_dim3A_118 : i32 to vector<16xi32>
      %gather3A_120 = tpu.vector_load_idx %arg12[%add3A_104, %broadcast_in_dim3A_119] : memref<128x16xf32, #tpu.memory_space<vmem>>[vector<16xi32>, vector<16xi32>], vector<16xf32>,
      %broadcast_in_dim3A_121 = arith.constant 6 : i32
      %broadcast_in_dim3A_122 = vector.broadcast %broadcast_in_dim3A_121 : i32 to vector<16xi32>
      %gather3A_123 = tpu.vector_load_idx %arg12[%add3A_104, %broadcast_in_dim3A_122] : memref<128x16xf32, #tpu.memory_space<vmem>>[vector<16xi32>, vector<16xi32>], vector<16xf32>,
      %broadcast_in_dim3A_124 = arith.constant 7 : i32
      %broadcast_in_dim3A_125 = vector.broadcast %broadcast_in_dim3A_124 : i32 to vector<16xi32>
      %gather3A_126 = tpu.vector_load_idx %arg12[%add3A_104, %broadcast_in_dim3A_125] : memref<128x16xf32, #tpu.memory_space<vmem>>[vector<16xi32>, vector<16xi32>], vector<16xf32>,
      %broadcast_in_dim3A_127 = arith.constant 8 : i32
      %broadcast_in_dim3A_128 = vector.broadcast %broadcast_in_dim3A_127 : i32 to vector<16xi32>
      %gather3A_129 = tpu.vector_load_idx %arg12[%add3A_104, %broadcast_in_dim3A_128] : memref<128x16xf32, #tpu.memory_space<vmem>>[vector<16xi32>, vector<16xi32>], vector<16xf32>,
      %broadcast_in_dim3A_130 = arith.constant 9 : i32
      %broadcast_in_dim3A_131 = vector.broadcast %broadcast_in_dim3A_130 : i32 to vector<16xi32>
      %gather3A_132 = tpu.vector_load_idx %arg12[%add3A_104, %broadcast_in_dim3A_131] : memref<128x16xf32, #tpu.memory_space<vmem>>[vector<16xi32>, vector<16xi32>], vector<16xf32>,
      %broadcast_in_dim3A_133 = arith.constant 10 : i32
      %broadcast_in_dim3A_134 = vector.broadcast %broadcast_in_dim3A_133 : i32 to vector<16xi32>
      %gather3A_135 = tpu.vector_load_idx %arg12[%add3A_104, %broadcast_in_dim3A_134] : memref<128x16xf32, #tpu.memory_space<vmem>>[vector<16xi32>, vector<16xi32>], vector<16xf32>,
      %broadcast_in_dim3A_136 = arith.constant 11 : i32
      %broadcast_in_dim3A_137 = vector.broadcast %broadcast_in_dim3A_136 : i32 to vector<16xi32>
      %gather3A_138 = tpu.vector_load_idx %arg12[%add3A_104, %broadcast_in_dim3A_137] : memref<128x16xf32, #tpu.memory_space<vmem>>[vector<16xi32>, vector<16xi32>], vector<16xf32>,
      %broadcast_in_dim3A_139 = arith.constant 12 : i32
      %broadcast_in_dim3A_140 = vector.broadcast %broadcast_in_dim3A_139 : i32 to vector<16xi32>
      %gather3A_141 = tpu.vector_load_idx %arg12[%add3A_104, %broadcast_in_dim3A_140] : memref<128x16xf32, #tpu.memory_space<vmem>>[vector<16xi32>, vector<16xi32>], vector<16xf32>,
      %broadcast_in_dim3A_142 = arith.constant 13 : i32
      %broadcast_in_dim3A_143 = vector.broadcast %broadcast_in_dim3A_142 : i32 to vector<16xi32>
      %gather3A_144 = tpu.vector_load_idx %arg12[%add3A_104, %broadcast_in_dim3A_143] : memref<128x16xf32, #tpu.memory_space<vmem>>[vector<16xi32>, vector<16xi32>], vector<16xf32>,
      %broadcast_in_dim3A_145 = arith.constant 14 : i32
      %broadcast_in_dim3A_146 = vector.broadcast %broadcast_in_dim3A_145 : i32 to vector<16xi32>
      %gather3A_147 = tpu.vector_load_idx %arg12[%add3A_104, %broadcast_in_dim3A_146] : memref<128x16xf32, #tpu.memory_space<vmem>>[vector<16xi32>, vector<16xi32>], vector<16xf32>,
      %broadcast_in_dim3A_148 = arith.constant 15 : i32
      %broadcast_in_dim3A_149 = vector.broadcast %broadcast_in_dim3A_148 : i32 to vector<16xi32>
      %gather3A_150 = tpu.vector_load_idx %arg12[%add3A_104, %broadcast_in_dim3A_149] : memref<128x16xf32, #tpu.memory_space<vmem>>[vector<16xi32>, vector<16xi32>], vector<16xf32>,
      %broadcast_in_dim3A_151 = arith.constant 0 : i32
      %broadcast_in_dim3A_152 = vector.broadcast %broadcast_in_dim3A_151 : i32 to vector<16xi32>
      %gather3A_153 = tpu.vector_load_idx %arg11[%add3A_104, %broadcast_in_dim3A_152] : memref<128x16xf32, #tpu.memory_space<vmem>>[vector<16xi32>, vector<16xi32>], vector<16xf32>,
      %broadcast_in_dim3A_154 = arith.constant 0 : i32
      %broadcast_in_dim3A_155 = vector.broadcast %broadcast_in_dim3A_154 : i32 to vector<16xi32>
      %gather3A_156 = tpu.vector_load_idx %arg9[%add3A_104, %broadcast_in_dim3A_155] : memref<128x128xf32, #tpu.memory_space<vmem>>[vector<16xi32>, vector<16xi32>], vector<16xf32>,
      %mul3A_157 = arith.mulf %gather3A_156, %gather3A : vector<16xf32>
      %add3A_158 = arith.addf %gather3A_153, %mul3A_157 : vector<16xf32>
      %broadcast_in_dim3A_159 = arith.constant 0 : i32
      %broadcast_in_dim3A_160 = vector.broadcast %broadcast_in_dim3A_159 : i32 to vector<16xi32>
      tpu.vector_store_idx %arg13[%add3A_104, %broadcast_in_dim3A_160], %add3A_158 : memref<128x16xf32, #tpu.memory_space<vmem>>[vector<16xi32>, vector<16xi32>], vector<16xf32>,
      %broadcast_in_dim3A_161 = arith.constant 1 : i32
      %broadcast_in_dim3A_162 = vector.broadcast %broadcast_in_dim3A_161 : i32 to vector<16xi32>
      %gather3A_163 = tpu.vector_load_idx %arg11[%add3A_104, %broadcast_in_dim3A_162] : memref<128x16xf32, #tpu.memory_space<vmem>>[vector<16xi32>, vector<16xi32>], vector<16xf32>,
      %broadcast_in_dim3A_164 = arith.constant 16 : i32
      %broadcast_in_dim3A_165 = vector.broadcast %broadcast_in_dim3A_164 : i32 to vector<16xi32>
      %gather3A_166 = tpu.vector_load_idx %arg9[%add3A_104, %broadcast_in_dim3A_165] : memref<128x128xf32, #tpu.memory_space<vmem>>[vector<16xi32>, vector<16xi32>], vector<16xf32>,
      %mul3A_167 = arith.mulf %gather3A_166, %gather3A : vector<16xf32>
      %add3A_168 = arith.addf %gather3A_163, %mul3A_167 : vector<16xf32>
      %broadcast_in_dim3A_169 = arith.constant 17 : i32
      %broadcast_in_dim3A_170 = vector.broadcast %broadcast_in_dim3A_169 : i32 to vector<16xi32>
      %gather3A_171 = tpu.vector_load_idx %arg9[%add3A_104, %broadcast_in_dim3A_170] : memref<128x128xf32, #tpu.memory_space<vmem>>[vector<16xi32>, vector<16xi32>], vector<16xf32>,
      %mul3A_172 = arith.mulf %gather3A_171, %gather3A_108 : vector<16xf32>
      %add3A_173 = arith.addf %add3A_168, %mul3A_172 : vector<16xf32>
      %broadcast_in_dim3A_174 = arith.constant 1 : i32
      %broadcast_in_dim3A_175 = vector.broadcast %broadcast_in_dim3A_174 : i32 to vector<16xi32>
      tpu.vector_store_idx %arg13[%add3A_104, %broadcast_in_dim3A_175], %add3A_173 : memref<128x16xf32, #tpu.memory_space<vmem>>[vector<16xi32>, vector<16xi32>], vector<16xf32>,
      %broadcast_in_dim3A_176 = arith.constant 2 : i32
      %broadcast_in_dim3A_177 = vector.broadcast %broadcast_in_dim3A_176 : i32 to vector<16xi32>
      %gather3A_178 = tpu.vector_load_idx %arg11[%add3A_104, %broadcast_in_dim3A_177] : memref<128x16xf32, #tpu.memory_space<vmem>>[vector<16xi32>, vector<16xi32>], vector<16xf32>,
      %broadcast_in_dim3A_179 = arith.constant 32 : i32
      %broadcast_in_dim3A_180 = vector.broadcast %broadcast_in_dim3A_179 : i32 to vector<16xi32>
      %gather3A_181 = tpu.vector_load_idx %arg9[%add3A_104, %broadcast_in_dim3A_180] : memref<128x128xf32, #tpu.memory_space<vmem>>[vector<16xi32>, vector<16xi32>], vector<16xf32>,
      %mul3A_182 = arith.mulf %gather3A_181, %gather3A : vector<16xf32>
      %add3A_183 = arith.addf %gather3A_178, %mul3A_182 : vector<16xf32>
      %broadcast_in_dim3A_184 = arith.constant 33 : i32
      %broadcast_in_dim3A_185 = vector.broadcast %broadcast_in_dim3A_184 : i32 to vector<16xi32>
      %gather3A_186 = tpu.vector_load_idx %arg9[%add3A_104, %broadcast_in_dim3A_185] : memref<128x128xf32, #tpu.memory_space<vmem>>[vector<16xi32>, vector<16xi32>], vector<16xf32>,
      %mul3A_187 = arith.mulf %gather3A_186, %gather3A_108 : vector<16xf32>
      %broadcast_in_dim3A_188 = arith.constant 34 : i32
      %broadcast_in_dim3A_189 = vector.broadcast %broadcast_in_dim3A_188 : i32 to vector<16xi32>
      %gather3A_190 = tpu.vector_load_idx %arg9[%add3A_104, %broadcast_in_dim3A_189] : memref<128x128xf32, #tpu.memory_space<vmem>>[vector<16xi32>, vector<16xi32>], vector<16xf32>,
      %mul3A_191 = arith.mulf %gather3A_190, %gather3A_111 : vector<16xf32>
      %add3A_192 = arith.addf %add3A_183, %mul3A_191 : vector<16xf32>
      %add3A_193 = arith.addf %add3A_192, %mul3A_187 : vector<16xf32>
      %broadcast_in_dim3A_194 = arith.constant 2 : i32
      %broadcast_in_dim3A_195 = vector.broadcast %broadcast_in_dim3A_194 : i32 to vector<16xi32>
      tpu.vector_store_idx %arg13[%add3A_104, %broadcast_in_dim3A_195], %add3A_193 : memref<128x16xf32, #tpu.memory_space<vmem>>[vector<16xi32>, vector<16xi32>], vector<16xf32>,
      %broadcast_in_dim3A_196 = arith.constant 3 : i32
      %broadcast_in_dim3A_197 = vector.broadcast %broadcast_in_dim3A_196 : i32 to vector<16xi32>
      %gather3A_198 = tpu.vector_load_idx %arg11[%add3A_104, %broadcast_in_dim3A_197] : memref<128x16xf32, #tpu.memory_space<vmem>>[vector<16xi32>, vector<16xi32>], vector<16xf32>,
      %broadcast_in_dim3A_199 = arith.constant 48 : i32
      %broadcast_in_dim3A_200 = vector.broadcast %broadcast_in_dim3A_199 : i32 to vector<16xi32>
      %gather3A_201 = tpu.vector_load_idx %arg9[%add3A_104, %broadcast_in_dim3A_200] : memref<128x128xf32, #tpu.memory_space<vmem>>[vector<16xi32>, vector<16xi32>], vector<16xf32>,
      %mul3A_202 = arith.mulf %gather3A_201, %gather3A : vector<16xf32>
      %add3A_203 = arith.addf %gather3A_198, %mul3A_202 : vector<16xf32>
      %broadcast_in_dim3A_204 = arith.constant 49 : i32
      %broadcast_in_dim3A_205 = vector.broadcast %broadcast_in_dim3A_204 : i32 to vector<16xi32>
      %gather3A_206 = tpu.vector_load_idx %arg9[%add3A_104, %broadcast_in_dim3A_205] : memref<128x128xf32, #tpu.memory_space<vmem>>[vector<16xi32>, vector<16xi32>], vector<16xf32>,
      %mul3A_207 = arith.mulf %gather3A_206, %gather3A_108 : vector<16xf32>
      %broadcast_in_dim3A_208 = arith.constant 50 : i32
      %broadcast_in_dim3A_209 = vector.broadcast %broadcast_in_dim3A_208 : i32 to vector<16xi32>
      %gather3A_210 = tpu.vector_load_idx %arg9[%add3A_104, %broadcast_in_dim3A_209] : memref<128x128xf32, #tpu.memory_space<vmem>>[vector<16xi32>, vector<16xi32>], vector<16xf32>,
      %mul3A_211 = arith.mulf %gather3A_210, %gather3A_111 : vector<16xf32>
      %add3A_212 = arith.addf %add3A_203, %mul3A_211 : vector<16xf32>
      %broadcast_in_dim3A_213 = arith.constant 51 : i32
      %broadcast_in_dim3A_214 = vector.broadcast %broadcast_in_dim3A_213 : i32 to vector<16xi32>
      %gather3A_215 = tpu.vector_load_idx %arg9[%add3A_104, %broadcast_in_dim3A_214] : memref<128x128xf32, #tpu.memory_space<vmem>>[vector<16xi32>, vector<16xi32>], vector<16xf32>,
      %mul3A_216 = arith.mulf %gather3A_215, %gather3A_114 : vector<16xf32>
      %add3A_217 = arith.addf %mul3A_207, %mul3A_216 : vector<16xf32>
      %add3A_218 = arith.addf %add3A_212, %add3A_217 : vector<16xf32>
      %broadcast_in_dim3A_219 = arith.constant 3 : i32
      %broadcast_in_dim3A_220 = vector.broadcast %broadcast_in_dim3A_219 : i32 to vector<16xi32>
      tpu.vector_store_idx %arg13[%add3A_104, %broadcast_in_dim3A_220], %add3A_218 : memref<128x16xf32, #tpu.memory_space<vmem>>[vector<16xi32>, vector<16xi32>], vector<16xf32>,
      %broadcast_in_dim3A_221 = arith.constant 4 : i32
      %broadcast_in_dim3A_222 = vector.broadcast %broadcast_in_dim3A_221 : i32 to vector<16xi32>
      %gather3A_223 = tpu.vector_load_idx %arg11[%add3A_104, %broadcast_in_dim3A_222] : memref<128x16xf32, #tpu.memory_space<vmem>>[vector<16xi32>, vector<16xi32>], vector<16xf32>,
      %broadcast_in_dim3A_224 = arith.constant 64 : i32
      %broadcast_in_dim3A_225 = vector.broadcast %broadcast_in_dim3A_224 : i32 to vector<16xi32>
      %gather3A_226 = tpu.vector_load_idx %arg9[%add3A_104, %broadcast_in_dim3A_225] : memref<128x128xf32, #tpu.memory_space<vmem>>[vector<16xi32>, vector<16xi32>], vector<16xf32>,
      %mul3A_227 = arith.mulf %gather3A_226, %gather3A : vector<16xf32>
      %add3A_228 = arith.addf %gather3A_223, %mul3A_227 : vector<16xf32>
      %broadcast_in_dim3A_229 = arith.constant 65 : i32
      %broadcast_in_dim3A_230 = vector.broadcast %broadcast_in_dim3A_229 : i32 to vector<16xi32>
      %gather3A_231 = tpu.vector_load_idx %arg9[%add3A_104, %broadcast_in_dim3A_230] : memref<128x128xf32, #tpu.memory_space<vmem>>[vector<16xi32>, vector<16xi32>], vector<16xf32>,
      %mul3A_232 = arith.mulf %gather3A_231, %gather3A_108 : vector<16xf32>
      %broadcast_in_dim3A_233 = arith.constant 66 : i32
      %broadcast_in_dim3A_234 = vector.broadcast %broadcast_in_dim3A_233 : i32 to vector<16xi32>
      %gather3A_235 = tpu.vector_load_idx %arg9[%add3A_104, %broadcast_in_dim3A_234] : memref<128x128xf32, #tpu.memory_space<vmem>>[vector<16xi32>, vector<16xi32>], vector<16xf32>,
      %mul3A_236 = arith.mulf %gather3A_235, %gather3A_111 : vector<16xf32>
      %add3A_237 = arith.addf %add3A_228, %mul3A_236 : vector<16xf32>
      %broadcast_in_dim3A_238 = arith.constant 67 : i32
      %broadcast_in_dim3A_239 = vector.broadcast %broadcast_in_dim3A_238 : i32 to vector<16xi32>
      %gather3A_240 = tpu.vector_load_idx %arg9[%add3A_104, %broadcast_in_dim3A_239] : memref<128x128xf32, #tpu.memory_space<vmem>>[vector<16xi32>, vector<16xi32>], vector<16xf32>,
      %mul3A_241 = arith.mulf %gather3A_240, %gather3A_114 : vector<16xf32>
      %add3A_242 = arith.addf %mul3A_232, %mul3A_241 : vector<16xf32>
      %broadcast_in_dim3A_243 = arith.constant 68 : i32
      %broadcast_in_dim3A_244 = vector.broadcast %broadcast_in_dim3A_243 : i32 to vector<16xi32>
      %gather3A_245 = tpu.vector_load_idx %arg9[%add3A_104, %broadcast_in_dim3A_244] : memref<128x128xf32, #tpu.memory_space<vmem>>[vector<16xi32>, vector<16xi32>], vector<16xf32>,
      %mul3A_246 = arith.mulf %gather3A_245, %gather3A_117 : vector<16xf32>
      %add3A_247 = arith.addf %add3A_237, %mul3A_246 : vector<16xf32>
      %add3A_248 = arith.addf %add3A_247, %add3A_242 : vector<16xf32>
      %broadcast_in_dim3A_249 = arith.constant 4 : i32
      %broadcast_in_dim3A_250 = vector.broadcast %broadcast_in_dim3A_249 : i32 to vector<16xi32>
      tpu.vector_store_idx %arg13[%add3A_104, %broadcast_in_dim3A_250], %add3A_248 : memref<128x16xf32, #tpu.memory_space<vmem>>[vector<16xi32>, vector<16xi32>], vector<16xf32>,
      %broadcast_in_dim3A_251 = arith.constant 5 : i32
      %broadcast_in_dim3A_252 = vector.broadcast %broadcast_in_dim3A_251 : i32 to vector<16xi32>
      %gather3A_253 = tpu.vector_load_idx %arg11[%add3A_104, %broadcast_in_dim3A_252] : memref<128x16xf32, #tpu.memory_space<vmem>>[vector<16xi32>, vector<16xi32>], vector<16xf32>,
      %broadcast_in_dim3A_254 = arith.constant 80 : i32
      %broadcast_in_dim3A_255 = vector.broadcast %broadcast_in_dim3A_254 : i32 to vector<16xi32>
      %gather3A_256 = tpu.vector_load_idx %arg9[%add3A_104, %broadcast_in_dim3A_255] : memref<128x128xf32, #tpu.memory_space<vmem>>[vector<16xi32>, vector<16xi32>], vector<16xf32>,
      %mul3A_257 = arith.mulf %gather3A_256, %gather3A : vector<16xf32>
      %add3A_258 = arith.addf %gather3A_253, %mul3A_257 : vector<16xf32>
      %broadcast_in_dim3A_259 = arith.constant 81 : i32
      %broadcast_in_dim3A_260 = vector.broadcast %broadcast_in_dim3A_259 : i32 to vector<16xi32>
      %gather3A_261 = tpu.vector_load_idx %arg9[%add3A_104, %broadcast_in_dim3A_260] : memref<128x128xf32, #tpu.memory_space<vmem>>[vector<16xi32>, vector<16xi32>], vector<16xf32>,
      %mul3A_262 = arith.mulf %gather3A_261, %gather3A_108 : vector<16xf32>
      %broadcast_in_dim3A_263 = arith.constant 82 : i32
      %broadcast_in_dim3A_264 = vector.broadcast %broadcast_in_dim3A_263 : i32 to vector<16xi32>
      %gather3A_265 = tpu.vector_load_idx %arg9[%add3A_104, %broadcast_in_dim3A_264] : memref<128x128xf32, #tpu.memory_space<vmem>>[vector<16xi32>, vector<16xi32>], vector<16xf32>,
      %mul3A_266 = arith.mulf %gather3A_265, %gather3A_111 : vector<16xf32>
      %add3A_267 = arith.addf %add3A_258, %mul3A_266 : vector<16xf32>
      %broadcast_in_dim3A_268 = arith.constant 83 : i32
      %broadcast_in_dim3A_269 = vector.broadcast %broadcast_in_dim3A_268 : i32 to vector<16xi32>
      %gather3A_270 = tpu.vector_load_idx %arg9[%add3A_104, %broadcast_in_dim3A_269] : memref<128x128xf32, #tpu.memory_space<vmem>>[vector<16xi32>, vector<16xi32>], vector<16xf32>,
      %mul3A_271 = arith.mulf %gather3A_270, %gather3A_114 : vector<16xf32>
      %add3A_272 = arith.addf %mul3A_262, %mul3A_271 : vector<16xf32>
      %broadcast_in_dim3A_273 = arith.constant 84 : i32
      %broadcast_in_dim3A_274 = vector.broadcast %broadcast_in_dim3A_273 : i32 to vector<16xi32>
      %gather3A_275 = tpu.vector_load_idx %arg9[%add3A_104, %broadcast_in_dim3A_274] : memref<128x128xf32, #tpu.memory_space<vmem>>[vector<16xi32>, vector<16xi32>], vector<16xf32>,
      %mul3A_276 = arith.mulf %gather3A_275, %gather3A_117 : vector<16xf32>
      %add3A_277 = arith.addf %add3A_267, %mul3A_276 : vector<16xf32>
      %broadcast_in_dim3A_278 = arith.constant 85 : i32
      %broadcast_in_dim3A_279 = vector.broadcast %broadcast_in_dim3A_278 : i32 to vector<16xi32>
      %gather3A_280 = tpu.vector_load_idx %arg9[%add3A_104, %broadcast_in_dim3A_279] : memref<128x128xf32, #tpu.memory_space<vmem>>[vector<16xi32>, vector<16xi32>], vector<16xf32>,
      %mul3A_281 = arith.mulf %gather3A_280, %gather3A_120 : vector<16xf32>
      %add3A_282 = arith.addf %add3A_272, %mul3A_281 : vector<16xf32>
      %add3A_283 = arith.addf %add3A_277, %add3A_282 : vector<16xf32>
      %broadcast_in_dim3A_284 = arith.constant 5 : i32
      %broadcast_in_dim3A_285 = vector.broadcast %broadcast_in_dim3A_284 : i32 to vector<16xi32>
      tpu.vector_store_idx %arg13[%add3A_104, %broadcast_in_dim3A_285], %add3A_283 : memref<128x16xf32, #tpu.memory_space<vmem>>[vector<16xi32>, vector<16xi32>], vector<16xf32>,
      %broadcast_in_dim3A_286 = arith.constant 6 : i32
      %broadcast_in_dim3A_287 = vector.broadcast %broadcast_in_dim3A_286 : i32 to vector<16xi32>
      %gather3A_288 = tpu.vector_load_idx %arg11[%add3A_104, %broadcast_in_dim3A_287] : memref<128x16xf32, #tpu.memory_space<vmem>>[vector<16xi32>, vector<16xi32>], vector<16xf32>,
      %broadcast_in_dim3A_289 = arith.constant 96 : i32
      %broadcast_in_dim3A_290 = vector.broadcast %broadcast_in_dim3A_289 : i32 to vector<16xi32>
      %gather3A_291 = tpu.vector_load_idx %arg9[%add3A_104, %broadcast_in_dim3A_290] : memref<128x128xf32, #tpu.memory_space<vmem>>[vector<16xi32>, vector<16xi32>], vector<16xf32>,
      %mul3A_292 = arith.mulf %gather3A_291, %gather3A : vector<16xf32>
      %add3A_293 = arith.addf %gather3A_288, %mul3A_292 : vector<16xf32>
      %broadcast_in_dim3A_294 = arith.constant 97 : i32
      %broadcast_in_dim3A_295 = vector.broadcast %broadcast_in_dim3A_294 : i32 to vector<16xi32>
      %gather3A_296 = tpu.vector_load_idx %arg9[%add3A_104, %broadcast_in_dim3A_295] : memref<128x128xf32, #tpu.memory_space<vmem>>[vector<16xi32>, vector<16xi32>], vector<16xf32>,
      %mul3A_297 = arith.mulf %gather3A_296, %gather3A_108 : vector<16xf32>
      %broadcast_in_dim3A_298 = arith.constant 98 : i32
      %broadcast_in_dim3A_299 = vector.broadcast %broadcast_in_dim3A_298 : i32 to vector<16xi32>
      %gather3A_300 = tpu.vector_load_idx %arg9[%add3A_104, %broadcast_in_dim3A_299] : memref<128x128xf32, #tpu.memory_space<vmem>>[vector<16xi32>, vector<16xi32>], vector<16xf32>,
      %mul3A_301 = arith.mulf %gather3A_300, %gather3A_111 : vector<16xf32>
      %add3A_302 = arith.addf %add3A_293, %mul3A_301 : vector<16xf32>
      %broadcast_in_dim3A_303 = arith.constant 99 : i32
      %broadcast_in_dim3A_304 = vector.broadcast %broadcast_in_dim3A_303 : i32 to vector<16xi32>
      %gather3A_305 = tpu.vector_load_idx %arg9[%add3A_104, %broadcast_in_dim3A_304] : memref<128x128xf32, #tpu.memory_space<vmem>>[vector<16xi32>, vector<16xi32>], vector<16xf32>,
      %mul3A_306 = arith.mulf %gather3A_305, %gather3A_114 : vector<16xf32>
      %add3A_307 = arith.addf %mul3A_297, %mul3A_306 : vector<16xf32>
      %broadcast_in_dim3A_308 = arith.constant 100 : i32
      %broadcast_in_dim3A_309 = vector.broadcast %broadcast_in_dim3A_308 : i32 to vector<16xi32>
      %gather3A_310 = tpu.vector_load_idx %arg9[%add3A_104, %broadcast_in_dim3A_309] : memref<128x128xf32, #tpu.memory_space<vmem>>[vector<16xi32>, vector<16xi32>], vector<16xf32>,
      %mul3A_311 = arith.mulf %gather3A_310, %gather3A_117 : vector<16xf32>
      %add3A_312 = arith.addf %add3A_302, %mul3A_311 : vector<16xf32>
      %broadcast_in_dim3A_313 = arith.constant 101 : i32
      %broadcast_in_dim3A_314 = vector.broadcast %broadcast_in_dim3A_313 : i32 to vector<16xi32>
      %gather3A_315 = tpu.vector_load_idx %arg9[%add3A_104, %broadcast_in_dim3A_314] : memref<128x128xf32, #tpu.memory_space<vmem>>[vector<16xi32>, vector<16xi32>], vector<16xf32>,
      %mul3A_316 = arith.mulf %gather3A_315, %gather3A_120 : vector<16xf32>
      %add3A_317 = arith.addf %add3A_307, %mul3A_316 : vector<16xf32>
      %broadcast_in_dim3A_318 = arith.constant 102 : i32
      %broadcast_in_dim3A_319 = vector.broadcast %broadcast_in_dim3A_318 : i32 to vector<16xi32>
      %gather3A_320 = tpu.vector_load_idx %arg9[%add3A_104, %broadcast_in_dim3A_319] : memref<128x128xf32, #tpu.memory_space<vmem>>[vector<16xi32>, vector<16xi32>], vector<16xf32>,
      %mul3A_321 = arith.mulf %gather3A_320, %gather3A_123 : vector<16xf32>
      %add3A_322 = arith.addf %add3A_312, %mul3A_321 : vector<16xf32>
      %add3A_323 = arith.addf %add3A_322, %add3A_317 : vector<16xf32>
      %broadcast_in_dim3A_324 = arith.constant 6 : i32
      %broadcast_in_dim3A_325 = vector.broadcast %broadcast_in_dim3A_324 : i32 to vector<16xi32>
      tpu.vector_store_idx %arg13[%add3A_104, %broadcast_in_dim3A_325], %add3A_323 : memref<128x16xf32, #tpu.memory_space<vmem>>[vector<16xi32>, vector<16xi32>], vector<16xf32>,
      %broadcast_in_dim3A_326 = arith.constant 7 : i32
      %broadcast_in_dim3A_327 = vector.broadcast %broadcast_in_dim3A_326 : i32 to vector<16xi32>
      %gather3A_328 = tpu.vector_load_idx %arg11[%add3A_104, %broadcast_in_dim3A_327] : memref<128x16xf32, #tpu.memory_space<vmem>>[vector<16xi32>, vector<16xi32>], vector<16xf32>,
      %broadcast_in_dim3A_329 = arith.constant 112 : i32
      %broadcast_in_dim3A_330 = vector.broadcast %broadcast_in_dim3A_329 : i32 to vector<16xi32>
      %gather3A_331 = tpu.vector_load_idx %arg9[%add3A_104, %broadcast_in_dim3A_330] : memref<128x128xf32, #tpu.memory_space<vmem>>[vector<16xi32>, vector<16xi32>], vector<16xf32>,
      %mul3A_332 = arith.mulf %gather3A_331, %gather3A : vector<16xf32>
      %add3A_333 = arith.addf %gather3A_328, %mul3A_332 : vector<16xf32>
      %broadcast_in_dim3A_334 = arith.constant 113 : i32
      %broadcast_in_dim3A_335 = vector.broadcast %broadcast_in_dim3A_334 : i32 to vector<16xi32>
      %gather3A_336 = tpu.vector_load_idx %arg9[%add3A_104, %broadcast_in_dim3A_335] : memref<128x128xf32, #tpu.memory_space<vmem>>[vector<16xi32>, vector<16xi32>], vector<16xf32>,
      %mul3A_337 = arith.mulf %gather3A_336, %gather3A_108 : vector<16xf32>
      %broadcast_in_dim3A_338 = arith.constant 114 : i32
      %broadcast_in_dim3A_339 = vector.broadcast %broadcast_in_dim3A_338 : i32 to vector<16xi32>
      %gather3A_340 = tpu.vector_load_idx %arg9[%add3A_104, %broadcast_in_dim3A_339] : memref<128x128xf32, #tpu.memory_space<vmem>>[vector<16xi32>, vector<16xi32>], vector<16xf32>,
      %mul3A_341 = arith.mulf %gather3A_340, %gather3A_111 : vector<16xf32>
      %add3A_342 = arith.addf %add3A_333, %mul3A_341 : vector<16xf32>
      %broadcast_in_dim3A_343 = arith.constant 115 : i32
      %broadcast_in_dim3A_344 = vector.broadcast %broadcast_in_dim3A_343 : i32 to vector<16xi32>
      %gather3A_345 = tpu.vector_load_idx %arg9[%add3A_104, %broadcast_in_dim3A_344] : memref<128x128xf32, #tpu.memory_space<vmem>>[vector<16xi32>, vector<16xi32>], vector<16xf32>,
      %mul3A_346 = arith.mulf %gather3A_345, %gather3A_114 : vector<16xf32>
      %add3A_347 = arith.addf %mul3A_337, %mul3A_346 : vector<16xf32>
      %broadcast_in_dim3A_348 = arith.constant 116 : i32
      %broadcast_in_dim3A_349 = vector.broadcast %broadcast_in_dim3A_348 : i32 to vector<16xi32>
      %gather3A_350 = tpu.vector_load_idx %arg9[%add3A_104, %broadcast_in_dim3A_349] : memref<128x128xf32, #tpu.memory_space<vmem>>[vector<16xi32>, vector<16xi32>], vector<16xf32>,
      %mul3A_351 = arith.mulf %gather3A_350, %gather3A_117 : vector<16xf32>
      %add3A_352 = arith.addf %add3A_342, %mul3A_351 : vector<16xf32>
      %broadcast_in_dim3A_353 = arith.constant 117 : i32
      %broadcast_in_dim3A_354 = vector.broadcast %broadcast_in_dim3A_353 : i32 to vector<16xi32>
      %gather3A_355 = tpu.vector_load_idx %arg9[%add3A_104, %broadcast_in_dim3A_354] : memref<128x128xf32, #tpu.memory_space<vmem>>[vector<16xi32>, vector<16xi32>], vector<16xf32>,
      %mul3A_356 = arith.mulf %gather3A_355, %gather3A_120 : vector<16xf32>
      %add3A_357 = arith.addf %add3A_347, %mul3A_356 : vector<16xf32>
      %broadcast_in_dim3A_358 = arith.constant 118 : i32
      %broadcast_in_dim3A_359 = vector.broadcast %broadcast_in_dim3A_358 : i32 to vector<16xi32>
      %gather3A_360 = tpu.vector_load_idx %arg9[%add3A_104, %broadcast_in_dim3A_359] : memref<128x128xf32, #tpu.memory_space<vmem>>[vector<16xi32>, vector<16xi32>], vector<16xf32>,
      %mul3A_361 = arith.mulf %gather3A_360, %gather3A_123 : vector<16xf32>
      %add3A_362 = arith.addf %add3A_352, %mul3A_361 : vector<16xf32>
      %broadcast_in_dim3A_363 = arith.constant 119 : i32
      %broadcast_in_dim3A_364 = vector.broadcast %broadcast_in_dim3A_363 : i32 to vector<16xi32>
      %gather3A_365 = tpu.vector_load_idx %arg9[%add3A_104, %broadcast_in_dim3A_364] : memref<128x128xf32, #tpu.memory_space<vmem>>[vector<16xi32>, vector<16xi32>], vector<16xf32>,
      %mul3A_366 = arith.mulf %gather3A_365, %gather3A_126 : vector<16xf32>
      %add3A_367 = arith.addf %add3A_357, %mul3A_366 : vector<16xf32>
      %add3A_368 = arith.addf %add3A_362, %add3A_367 : vector<16xf32>
      %broadcast_in_dim3A_369 = arith.constant 7 : i32
      %broadcast_in_dim3A_370 = vector.broadcast %broadcast_in_dim3A_369 : i32 to vector<16xi32>
      tpu.vector_store_idx %arg13[%add3A_104, %broadcast_in_dim3A_370], %add3A_368 : memref<128x16xf32, #tpu.memory_space<vmem>>[vector<16xi32>, vector<16xi32>], vector<16xf32>,
      %broadcast_in_dim3A_371 = arith.constant 8 : i32
      %broadcast_in_dim3A_372 = vector.broadcast %broadcast_in_dim3A_371 : i32 to vector<16xi32>
      %gather3A_373 = tpu.vector_load_idx %arg11[%add3A_104, %broadcast_in_dim3A_372] : memref<128x16xf32, #tpu.memory_space<vmem>>[vector<16xi32>, vector<16xi32>], vector<16xf32>,
      %broadcast_in_dim3A_374 = arith.constant 0 : i32
      %broadcast_in_dim3A_375 = vector.broadcast %broadcast_in_dim3A_374 : i32 to vector<16xi32>
      %gather3A_376 = tpu.vector_load_idx %arg10[%add3A_104, %broadcast_in_dim3A_375] : memref<128x128xf32, #tpu.memory_space<vmem>>[vector<16xi32>, vector<16xi32>], vector<16xf32>,
      %mul3A_377 = arith.mulf %gather3A_376, %gather3A : vector<16xf32>
      %add3A_378 = arith.addf %gather3A_373, %mul3A_377 : vector<16xf32>
      %broadcast_in_dim3A_379 = arith.constant 1 : i32
      %broadcast_in_dim3A_380 = vector.broadcast %broadcast_in_dim3A_379 : i32 to vector<16xi32>
      %gather3A_381 = tpu.vector_load_idx %arg10[%add3A_104, %broadcast_in_dim3A_380] : memref<128x128xf32, #tpu.memory_space<vmem>>[vector<16xi32>, vector<16xi32>], vector<16xf32>,
      %mul3A_382 = arith.mulf %gather3A_381, %gather3A_108 : vector<16xf32>
      %broadcast_in_dim3A_383 = arith.constant 2 : i32
      %broadcast_in_dim3A_384 = vector.broadcast %broadcast_in_dim3A_383 : i32 to vector<16xi32>
      %gather3A_385 = tpu.vector_load_idx %arg10[%add3A_104, %broadcast_in_dim3A_384] : memref<128x128xf32, #tpu.memory_space<vmem>>[vector<16xi32>, vector<16xi32>], vector<16xf32>,
      %mul3A_386 = arith.mulf %gather3A_385, %gather3A_111 : vector<16xf32>
      %add3A_387 = arith.addf %add3A_378, %mul3A_386 : vector<16xf32>
      %broadcast_in_dim3A_388 = arith.constant 3 : i32
      %broadcast_in_dim3A_389 = vector.broadcast %broadcast_in_dim3A_388 : i32 to vector<16xi32>
      %gather3A_390 = tpu.vector_load_idx %arg10[%add3A_104, %broadcast_in_dim3A_389] : memref<128x128xf32, #tpu.memory_space<vmem>>[vector<16xi32>, vector<16xi32>], vector<16xf32>,
      %mul3A_391 = arith.mulf %gather3A_390, %gather3A_114 : vector<16xf32>
      %add3A_392 = arith.addf %mul3A_382, %mul3A_391 : vector<16xf32>
      %broadcast_in_dim3A_393 = arith.constant 4 : i32
      %broadcast_in_dim3A_394 = vector.broadcast %broadcast_in_dim3A_393 : i32 to vector<16xi32>
      %gather3A_395 = tpu.vector_load_idx %arg10[%add3A_104, %broadcast_in_dim3A_394] : memref<128x128xf32, #tpu.memory_space<vmem>>[vector<16xi32>, vector<16xi32>], vector<16xf32>,
      %mul3A_396 = arith.mulf %gather3A_395, %gather3A_117 : vector<16xf32>
      %add3A_397 = arith.addf %add3A_387, %mul3A_396 : vector<16xf32>
      %broadcast_in_dim3A_398 = arith.constant 5 : i32
      %broadcast_in_dim3A_399 = vector.broadcast %broadcast_in_dim3A_398 : i32 to vector<16xi32>
      %gather3A_400 = tpu.vector_load_idx %arg10[%add3A_104, %broadcast_in_dim3A_399] : memref<128x128xf32, #tpu.memory_space<vmem>>[vector<16xi32>, vector<16xi32>], vector<16xf32>,
      %mul3A_401 = arith.mulf %gather3A_400, %gather3A_120 : vector<16xf32>
      %add3A_402 = arith.addf %add3A_392, %mul3A_401 : vector<16xf32>
      %broadcast_in_dim3A_403 = arith.constant 6 : i32
      %broadcast_in_dim3A_404 = vector.broadcast %broadcast_in_dim3A_403 : i32 to vector<16xi32>
      %gather3A_405 = tpu.vector_load_idx %arg10[%add3A_104, %broadcast_in_dim3A_404] : memref<128x128xf32, #tpu.memory_space<vmem>>[vector<16xi32>, vector<16xi32>], vector<16xf32>,
      %mul3A_406 = arith.mulf %gather3A_405, %gather3A_123 : vector<16xf32>
      %add3A_407 = arith.addf %add3A_397, %mul3A_406 : vector<16xf32>
      %broadcast_in_dim3A_408 = arith.constant 7 : i32
      %broadcast_in_dim3A_409 = vector.broadcast %broadcast_in_dim3A_408 : i32 to vector<16xi32>
      %gather3A_410 = tpu.vector_load_idx %arg10[%add3A_104, %broadcast_in_dim3A_409] : memref<128x128xf32, #tpu.memory_space<vmem>>[vector<16xi32>, vector<16xi32>], vector<16xf32>,
      %mul3A_411 = arith.mulf %gather3A_410, %gather3A_126 : vector<16xf32>
      %add3A_412 = arith.addf %add3A_402, %mul3A_411 : vector<16xf32>
      %broadcast_in_dim3A_413 = arith.constant 8 : i32
      %broadcast_in_dim3A_414 = vector.broadcast %broadcast_in_dim3A_413 : i32 to vector<16xi32>
      %gather3A_415 = tpu.vector_load_idx %arg10[%add3A_104, %broadcast_in_dim3A_414] : memref<128x128xf32, #tpu.memory_space<vmem>>[vector<16xi32>, vector<16xi32>], vector<16xf32>,
      %mul3A_416 = arith.mulf %gather3A_415, %gather3A_129 : vector<16xf32>
      %add3A_417 = arith.addf %add3A_407, %mul3A_416 : vector<16xf32>
      %add3A_418 = arith.addf %add3A_417, %add3A_412 : vector<16xf32>
      %broadcast_in_dim3A_419 = arith.constant 8 : i32
      %broadcast_in_dim3A_420 = vector.broadcast %broadcast_in_dim3A_419 : i32 to vector<16xi32>
      tpu.vector_store_idx %arg13[%add3A_104, %broadcast_in_dim3A_420], %add3A_418 : memref<128x16xf32, #tpu.memory_space<vmem>>[vector<16xi32>, vector<16xi32>], vector<16xf32>,
      %broadcast_in_dim3A_421 = arith.constant 9 : i32
      %broadcast_in_dim3A_422 = vector.broadcast %broadcast_in_dim3A_421 : i32 to vector<16xi32>
      %gather3A_423 = tpu.vector_load_idx %arg11[%add3A_104, %broadcast_in_dim3A_422] : memref<128x16xf32, #tpu.memory_space<vmem>>[vector<16xi32>, vector<16xi32>], vector<16xf32>,
      %broadcast_in_dim3A_424 = arith.constant 16 : i32
      %broadcast_in_dim3A_425 = vector.broadcast %broadcast_in_dim3A_424 : i32 to vector<16xi32>
      %gather3A_426 = tpu.vector_load_idx %arg10[%add3A_104, %broadcast_in_dim3A_425] : memref<128x128xf32, #tpu.memory_space<vmem>>[vector<16xi32>, vector<16xi32>], vector<16xf32>,
      %mul3A_427 = arith.mulf %gather3A_426, %gather3A : vector<16xf32>
      %add3A_428 = arith.addf %gather3A_423, %mul3A_427 : vector<16xf32>
      %broadcast_in_dim3A_429 = arith.constant 17 : i32
      %broadcast_in_dim3A_430 = vector.broadcast %broadcast_in_dim3A_429 : i32 to vector<16xi32>
      %gather3A_431 = tpu.vector_load_idx %arg10[%add3A_104, %broadcast_in_dim3A_430] : memref<128x128xf32, #tpu.memory_space<vmem>>[vector<16xi32>, vector<16xi32>], vector<16xf32>,
      %mul3A_432 = arith.mulf %gather3A_431, %gather3A_108 : vector<16xf32>
      %broadcast_in_dim3A_433 = arith.constant 18 : i32
      %broadcast_in_dim3A_434 = vector.broadcast %broadcast_in_dim3A_433 : i32 to vector<16xi32>
      %gather3A_435 = tpu.vector_load_idx %arg10[%add3A_104, %broadcast_in_dim3A_434] : memref<128x128xf32, #tpu.memory_space<vmem>>[vector<16xi32>, vector<16xi32>], vector<16xf32>,
      %mul3A_436 = arith.mulf %gather3A_435, %gather3A_111 : vector<16xf32>
      %add3A_437 = arith.addf %add3A_428, %mul3A_436 : vector<16xf32>
      %broadcast_in_dim3A_438 = arith.constant 19 : i32
      %broadcast_in_dim3A_439 = vector.broadcast %broadcast_in_dim3A_438 : i32 to vector<16xi32>
      %gather3A_440 = tpu.vector_load_idx %arg10[%add3A_104, %broadcast_in_dim3A_439] : memref<128x128xf32, #tpu.memory_space<vmem>>[vector<16xi32>, vector<16xi32>], vector<16xf32>,
      %mul3A_441 = arith.mulf %gather3A_440, %gather3A_114 : vector<16xf32>
      %add3A_442 = arith.addf %mul3A_432, %mul3A_441 : vector<16xf32>
      %broadcast_in_dim3A_443 = arith.constant 20 : i32
      %broadcast_in_dim3A_444 = vector.broadcast %broadcast_in_dim3A_443 : i32 to vector<16xi32>
      %gather3A_445 = tpu.vector_load_idx %arg10[%add3A_104, %broadcast_in_dim3A_444] : memref<128x128xf32, #tpu.memory_space<vmem>>[vector<16xi32>, vector<16xi32>], vector<16xf32>,
      %mul3A_446 = arith.mulf %gather3A_445, %gather3A_117 : vector<16xf32>
      %add3A_447 = arith.addf %add3A_437, %mul3A_446 : vector<16xf32>
      %broadcast_in_dim3A_448 = arith.constant 21 : i32
      %broadcast_in_dim3A_449 = vector.broadcast %broadcast_in_dim3A_448 : i32 to vector<16xi32>
      %gather3A_450 = tpu.vector_load_idx %arg10[%add3A_104, %broadcast_in_dim3A_449] : memref<128x128xf32, #tpu.memory_space<vmem>>[vector<16xi32>, vector<16xi32>], vector<16xf32>,
      %mul3A_451 = arith.mulf %gather3A_450, %gather3A_120 : vector<16xf32>
      %add3A_452 = arith.addf %add3A_442, %mul3A_451 : vector<16xf32>
      %broadcast_in_dim3A_453 = arith.constant 22 : i32
      %broadcast_in_dim3A_454 = vector.broadcast %broadcast_in_dim3A_453 : i32 to vector<16xi32>
      %gather3A_455 = tpu.vector_load_idx %arg10[%add3A_104, %broadcast_in_dim3A_454] : memref<128x128xf32, #tpu.memory_space<vmem>>[vector<16xi32>, vector<16xi32>], vector<16xf32>,
      %mul3A_456 = arith.mulf %gather3A_455, %gather3A_123 : vector<16xf32>
      %add3A_457 = arith.addf %add3A_447, %mul3A_456 : vector<16xf32>
      %broadcast_in_dim3A_458 = arith.constant 23 : i32
      %broadcast_in_dim3A_459 = vector.broadcast %broadcast_in_dim3A_458 : i32 to vector<16xi32>
      %gather3A_460 = tpu.vector_load_idx %arg10[%add3A_104, %broadcast_in_dim3A_459] : memref<128x128xf32, #tpu.memory_space<vmem>>[vector<16xi32>, vector<16xi32>], vector<16xf32>,
      %mul3A_461 = arith.mulf %gather3A_460, %gather3A_126 : vector<16xf32>
      %add3A_462 = arith.addf %add3A_452, %mul3A_461 : vector<16xf32>
      %broadcast_in_dim3A_463 = arith.constant 24 : i32
      %broadcast_in_dim3A_464 = vector.broadcast %broadcast_in_dim3A_463 : i32 to vector<16xi32>
      %gather3A_465 = tpu.vector_load_idx %arg10[%add3A_104, %broadcast_in_dim3A_464] : memref<128x128xf32, #tpu.memory_space<vmem>>[vector<16xi32>, vector<16xi32>], vector<16xf32>,
      %mul3A_466 = arith.mulf %gather3A_465, %gather3A_129 : vector<16xf32>
      %add3A_467 = arith.addf %add3A_457, %mul3A_466 : vector<16xf32>
      %broadcast_in_dim3A_468 = arith.constant 25 : i32
      %broadcast_in_dim3A_469 = vector.broadcast %broadcast_in_dim3A_468 : i32 to vector<16xi32>
      %gather3A_470 = tpu.vector_load_idx %arg10[%add3A_104, %broadcast_in_dim3A_469] : memref<128x128xf32, #tpu.memory_space<vmem>>[vector<16xi32>, vector<16xi32>], vector<16xf32>,
      %mul3A_471 = arith.mulf %gather3A_470, %gather3A_132 : vector<16xf32>
      %add3A_472 = arith.addf %add3A_462, %mul3A_471 : vector<16xf32>
      %add3A_473 = arith.addf %add3A_467, %add3A_472 : vector<16xf32>
      %broadcast_in_dim3A_474 = arith.constant 9 : i32
      %broadcast_in_dim3A_475 = vector.broadcast %broadcast_in_dim3A_474 : i32 to vector<16xi32>
      tpu.vector_store_idx %arg13[%add3A_104, %broadcast_in_dim3A_475], %add3A_473 : memref<128x16xf32, #tpu.memory_space<vmem>>[vector<16xi32>, vector<16xi32>], vector<16xf32>,
      %broadcast_in_dim3A_476 = arith.constant 10 : i32
      %broadcast_in_dim3A_477 = vector.broadcast %broadcast_in_dim3A_476 : i32 to vector<16xi32>
      %gather3A_478 = tpu.vector_load_idx %arg11[%add3A_104, %broadcast_in_dim3A_477] : memref<128x16xf32, #tpu.memory_space<vmem>>[vector<16xi32>, vector<16xi32>], vector<16xf32>,
      %broadcast_in_dim3A_479 = arith.constant 32 : i32
      %broadcast_in_dim3A_480 = vector.broadcast %broadcast_in_dim3A_479 : i32 to vector<16xi32>
      %gather3A_481 = tpu.vector_load_idx %arg10[%add3A_104, %broadcast_in_dim3A_480] : memref<128x128xf32, #tpu.memory_space<vmem>>[vector<16xi32>, vector<16xi32>], vector<16xf32>,
      %mul3A_482 = arith.mulf %gather3A_481, %gather3A : vector<16xf32>
      %add3A_483 = arith.addf %gather3A_478, %mul3A_482 : vector<16xf32>
      %broadcast_in_dim3A_484 = arith.constant 33 : i32
      %broadcast_in_dim3A_485 = vector.broadcast %broadcast_in_dim3A_484 : i32 to vector<16xi32>
      %gather3A_486 = tpu.vector_load_idx %arg10[%add3A_104, %broadcast_in_dim3A_485] : memref<128x128xf32, #tpu.memory_space<vmem>>[vector<16xi32>, vector<16xi32>], vector<16xf32>,
      %mul3A_487 = arith.mulf %gather3A_486, %gather3A_108 : vector<16xf32>
      %broadcast_in_dim3A_488 = arith.constant 34 : i32
      %broadcast_in_dim3A_489 = vector.broadcast %broadcast_in_dim3A_488 : i32 to vector<16xi32>
      %gather3A_490 = tpu.vector_load_idx %arg10[%add3A_104, %broadcast_in_dim3A_489] : memref<128x128xf32, #tpu.memory_space<vmem>>[vector<16xi32>, vector<16xi32>], vector<16xf32>,
      %mul3A_491 = arith.mulf %gather3A_490, %gather3A_111 : vector<16xf32>
      %add3A_492 = arith.addf %add3A_483, %mul3A_491 : vector<16xf32>
      %broadcast_in_dim3A_493 = arith.constant 35 : i32
      %broadcast_in_dim3A_494 = vector.broadcast %broadcast_in_dim3A_493 : i32 to vector<16xi32>
      %gather3A_495 = tpu.vector_load_idx %arg10[%add3A_104, %broadcast_in_dim3A_494] : memref<128x128xf32, #tpu.memory_space<vmem>>[vector<16xi32>, vector<16xi32>], vector<16xf32>,
      %mul3A_496 = arith.mulf %gather3A_495, %gather3A_114 : vector<16xf32>
      %add3A_497 = arith.addf %mul3A_487, %mul3A_496 : vector<16xf32>
      %broadcast_in_dim3A_498 = arith.constant 36 : i32
      %broadcast_in_dim3A_499 = vector.broadcast %broadcast_in_dim3A_498 : i32 to vector<16xi32>
      %gather3A_500 = tpu.vector_load_idx %arg10[%add3A_104, %broadcast_in_dim3A_499] : memref<128x128xf32, #tpu.memory_space<vmem>>[vector<16xi32>, vector<16xi32>], vector<16xf32>,
      %mul3A_501 = arith.mulf %gather3A_500, %gather3A_117 : vector<16xf32>
      %add3A_502 = arith.addf %add3A_492, %mul3A_501 : vector<16xf32>
      %broadcast_in_dim3A_503 = arith.constant 37 : i32
      %broadcast_in_dim3A_504 = vector.broadcast %broadcast_in_dim3A_503 : i32 to vector<16xi32>
      %gather3A_505 = tpu.vector_load_idx %arg10[%add3A_104, %broadcast_in_dim3A_504] : memref<128x128xf32, #tpu.memory_space<vmem>>[vector<16xi32>, vector<16xi32>], vector<16xf32>,
      %mul3A_506 = arith.mulf %gather3A_505, %gather3A_120 : vector<16xf32>
      %add3A_507 = arith.addf %add3A_497, %mul3A_506 : vector<16xf32>
      %broadcast_in_dim3A_508 = arith.constant 38 : i32
      %broadcast_in_dim3A_509 = vector.broadcast %broadcast_in_dim3A_508 : i32 to vector<16xi32>
      %gather3A_510 = tpu.vector_load_idx %arg10[%add3A_104, %broadcast_in_dim3A_509] : memref<128x128xf32, #tpu.memory_space<vmem>>[vector<16xi32>, vector<16xi32>], vector<16xf32>,
      %mul3A_511 = arith.mulf %gather3A_510, %gather3A_123 : vector<16xf32>
      %add3A_512 = arith.addf %add3A_502, %mul3A_511 : vector<16xf32>
      %broadcast_in_dim3A_513 = arith.constant 39 : i32
      %broadcast_in_dim3A_514 = vector.broadcast %broadcast_in_dim3A_513 : i32 to vector<16xi32>
      %gather3A_515 = tpu.vector_load_idx %arg10[%add3A_104, %broadcast_in_dim3A_514] : memref<128x128xf32, #tpu.memory_space<vmem>>[vector<16xi32>, vector<16xi32>], vector<16xf32>,
      %mul3A_516 = arith.mulf %gather3A_515, %gather3A_126 : vector<16xf32>
      %add3A_517 = arith.addf %add3A_507, %mul3A_516 : vector<16xf32>
      %broadcast_in_dim3A_518 = arith.constant 40 : i32
      %broadcast_in_dim3A_519 = vector.broadcast %broadcast_in_dim3A_518 : i32 to vector<16xi32>
      %gather3A_520 = tpu.vector_load_idx %arg10[%add3A_104, %broadcast_in_dim3A_519] : memref<128x128xf32, #tpu.memory_space<vmem>>[vector<16xi32>, vector<16xi32>], vector<16xf32>,
      %mul3A_521 = arith.mulf %gather3A_520, %gather3A_129 : vector<16xf32>
      %add3A_522 = arith.addf %add3A_512, %mul3A_521 : vector<16xf32>
      %broadcast_in_dim3A_523 = arith.constant 41 : i32
      %broadcast_in_dim3A_524 = vector.broadcast %broadcast_in_dim3A_523 : i32 to vector<16xi32>
      %gather3A_525 = tpu.vector_load_idx %arg10[%add3A_104, %broadcast_in_dim3A_524] : memref<128x128xf32, #tpu.memory_space<vmem>>[vector<16xi32>, vector<16xi32>], vector<16xf32>,
      %mul3A_526 = arith.mulf %gather3A_525, %gather3A_132 : vector<16xf32>
      %add3A_527 = arith.addf %add3A_517, %mul3A_526 : vector<16xf32>
      %broadcast_in_dim3A_528 = arith.constant 42 : i32
      %broadcast_in_dim3A_529 = vector.broadcast %broadcast_in_dim3A_528 : i32 to vector<16xi32>
      %gather3A_530 = tpu.vector_load_idx %arg10[%add3A_104, %broadcast_in_dim3A_529] : memref<128x128xf32, #tpu.memory_space<vmem>>[vector<16xi32>, vector<16xi32>], vector<16xf32>,
      %mul3A_531 = arith.mulf %gather3A_530, %gather3A_135 : vector<16xf32>
      %add3A_532 = arith.addf %add3A_522, %mul3A_531 : vector<16xf32>
      %add3A_533 = arith.addf %add3A_532, %add3A_527 : vector<16xf32>
      %broadcast_in_dim3A_534 = arith.constant 10 : i32
      %broadcast_in_dim3A_535 = vector.broadcast %broadcast_in_dim3A_534 : i32 to vector<16xi32>
      tpu.vector_store_idx %arg13[%add3A_104, %broadcast_in_dim3A_535], %add3A_533 : memref<128x16xf32, #tpu.memory_space<vmem>>[vector<16xi32>, vector<16xi32>], vector<16xf32>,
      %broadcast_in_dim3A_536 = arith.constant 11 : i32
      %broadcast_in_dim3A_537 = vector.broadcast %broadcast_in_dim3A_536 : i32 to vector<16xi32>
      %gather3A_538 = tpu.vector_load_idx %arg11[%add3A_104, %broadcast_in_dim3A_537] : memref<128x16xf32, #tpu.memory_space<vmem>>[vector<16xi32>, vector<16xi32>], vector<16xf32>,
      %broadcast_in_dim3A_539 = arith.constant 48 : i32
      %broadcast_in_dim3A_540 = vector.broadcast %broadcast_in_dim3A_539 : i32 to vector<16xi32>
      %gather3A_541 = tpu.vector_load_idx %arg10[%add3A_104, %broadcast_in_dim3A_540] : memref<128x128xf32, #tpu.memory_space<vmem>>[vector<16xi32>, vector<16xi32>], vector<16xf32>,
      %mul3A_542 = arith.mulf %gather3A_541, %gather3A : vector<16xf32>
      %add3A_543 = arith.addf %gather3A_538, %mul3A_542 : vector<16xf32>
      %broadcast_in_dim3A_544 = arith.constant 49 : i32
      %broadcast_in_dim3A_545 = vector.broadcast %broadcast_in_dim3A_544 : i32 to vector<16xi32>
      %gather3A_546 = tpu.vector_load_idx %arg10[%add3A_104, %broadcast_in_dim3A_545] : memref<128x128xf32, #tpu.memory_space<vmem>>[vector<16xi32>, vector<16xi32>], vector<16xf32>,
      %mul3A_547 = arith.mulf %gather3A_546, %gather3A_108 : vector<16xf32>
      %broadcast_in_dim3A_548 = arith.constant 50 : i32
      %broadcast_in_dim3A_549 = vector.broadcast %broadcast_in_dim3A_548 : i32 to vector<16xi32>
      %gather3A_550 = tpu.vector_load_idx %arg10[%add3A_104, %broadcast_in_dim3A_549] : memref<128x128xf32, #tpu.memory_space<vmem>>[vector<16xi32>, vector<16xi32>], vector<16xf32>,
      %mul3A_551 = arith.mulf %gather3A_550, %gather3A_111 : vector<16xf32>
      %add3A_552 = arith.addf %add3A_543, %mul3A_551 : vector<16xf32>
      %broadcast_in_dim3A_553 = arith.constant 51 : i32
      %broadcast_in_dim3A_554 = vector.broadcast %broadcast_in_dim3A_553 : i32 to vector<16xi32>
      %gather3A_555 = tpu.vector_load_idx %arg10[%add3A_104, %broadcast_in_dim3A_554] : memref<128x128xf32, #tpu.memory_space<vmem>>[vector<16xi32>, vector<16xi32>], vector<16xf32>,
      %mul3A_556 = arith.mulf %gather3A_555, %gather3A_114 : vector<16xf32>
      %add3A_557 = arith.addf %mul3A_547, %mul3A_556 : vector<16xf32>
      %broadcast_in_dim3A_558 = arith.constant 52 : i32
      %broadcast_in_dim3A_559 = vector.broadcast %broadcast_in_dim3A_558 : i32 to vector<16xi32>
      %gather3A_560 = tpu.vector_load_idx %arg10[%add3A_104, %broadcast_in_dim3A_559] : memref<128x128xf32, #tpu.memory_space<vmem>>[vector<16xi32>, vector<16xi32>], vector<16xf32>,
      %mul3A_561 = arith.mulf %gather3A_560, %gather3A_117 : vector<16xf32>
      %add3A_562 = arith.addf %add3A_552, %mul3A_561 : vector<16xf32>
      %broadcast_in_dim3A_563 = arith.constant 53 : i32
      %broadcast_in_dim3A_564 = vector.broadcast %broadcast_in_dim3A_563 : i32 to vector<16xi32>
      %gather3A_565 = tpu.vector_load_idx %arg10[%add3A_104, %broadcast_in_dim3A_564] : memref<128x128xf32, #tpu.memory_space<vmem>>[vector<16xi32>, vector<16xi32>], vector<16xf32>,
      %mul3A_566 = arith.mulf %gather3A_565, %gather3A_120 : vector<16xf32>
      %add3A_567 = arith.addf %add3A_557, %mul3A_566 : vector<16xf32>
      %broadcast_in_dim3A_568 = arith.constant 54 : i32
      %broadcast_in_dim3A_569 = vector.broadcast %broadcast_in_dim3A_568 : i32 to vector<16xi32>
      %gather3A_570 = tpu.vector_load_idx %arg10[%add3A_104, %broadcast_in_dim3A_569] : memref<128x128xf32, #tpu.memory_space<vmem>>[vector<16xi32>, vector<16xi32>], vector<16xf32>,
      %mul3A_571 = arith.mulf %gather3A_570, %gather3A_123 : vector<16xf32>
      %add3A_572 = arith.addf %add3A_562, %mul3A_571 : vector<16xf32>
      %broadcast_in_dim3A_573 = arith.constant 55 : i32
      %broadcast_in_dim3A_574 = vector.broadcast %broadcast_in_dim3A_573 : i32 to vector<16xi32>
      %gather3A_575 = tpu.vector_load_idx %arg10[%add3A_104, %broadcast_in_dim3A_574] : memref<128x128xf32, #tpu.memory_space<vmem>>[vector<16xi32>, vector<16xi32>], vector<16xf32>,
      %mul3A_576 = arith.mulf %gather3A_575, %gather3A_126 : vector<16xf32>
      %add3A_577 = arith.addf %add3A_567, %mul3A_576 : vector<16xf32>
      %broadcast_in_dim3A_578 = arith.constant 56 : i32
      %broadcast_in_dim3A_579 = vector.broadcast %broadcast_in_dim3A_578 : i32 to vector<16xi32>
      %gather3A_580 = tpu.vector_load_idx %arg10[%add3A_104, %broadcast_in_dim3A_579] : memref<128x128xf32, #tpu.memory_space<vmem>>[vector<16xi32>, vector<16xi32>], vector<16xf32>,
      %mul3A_581 = arith.mulf %gather3A_580, %gather3A_129 : vector<16xf32>
      %add3A_582 = arith.addf %add3A_572, %mul3A_581 : vector<16xf32>
      %broadcast_in_dim3A_583 = arith.constant 57 : i32
      %broadcast_in_dim3A_584 = vector.broadcast %broadcast_in_dim3A_583 : i32 to vector<16xi32>
      %gather3A_585 = tpu.vector_load_idx %arg10[%add3A_104, %broadcast_in_dim3A_584] : memref<128x128xf32, #tpu.memory_space<vmem>>[vector<16xi32>, vector<16xi32>], vector<16xf32>,
      %mul3A_586 = arith.mulf %gather3A_585, %gather3A_132 : vector<16xf32>
      %add3A_587 = arith.addf %add3A_577, %mul3A_586 : vector<16xf32>
      %broadcast_in_dim3A_588 = arith.constant 58 : i32
      %broadcast_in_dim3A_589 = vector.broadcast %broadcast_in_dim3A_588 : i32 to vector<16xi32>
      %gather3A_590 = tpu.vector_load_idx %arg10[%add3A_104, %broadcast_in_dim3A_589] : memref<128x128xf32, #tpu.memory_space<vmem>>[vector<16xi32>, vector<16xi32>], vector<16xf32>,
      %mul3A_591 = arith.mulf %gather3A_590, %gather3A_135 : vector<16xf32>
      %add3A_592 = arith.addf %add3A_582, %mul3A_591 : vector<16xf32>
      %broadcast_in_dim3A_593 = arith.constant 59 : i32
      %broadcast_in_dim3A_594 = vector.broadcast %broadcast_in_dim3A_593 : i32 to vector<16xi32>
      %gather3A_595 = tpu.vector_load_idx %arg10[%add3A_104, %broadcast_in_dim3A_594] : memref<128x128xf32, #tpu.memory_space<vmem>>[vector<16xi32>, vector<16xi32>], vector<16xf32>,
      %mul3A_596 = arith.mulf %gather3A_595, %gather3A_138 : vector<16xf32>
      %add3A_597 = arith.addf %add3A_587, %mul3A_596 : vector<16xf32>
      %add3A_598 = arith.addf %add3A_592, %add3A_597 : vector<16xf32>
      %broadcast_in_dim3A_599 = arith.constant 11 : i32
      %broadcast_in_dim3A_600 = vector.broadcast %broadcast_in_dim3A_599 : i32 to vector<16xi32>
      tpu.vector_store_idx %arg13[%add3A_104, %broadcast_in_dim3A_600], %add3A_598 : memref<128x16xf32, #tpu.memory_space<vmem>>[vector<16xi32>, vector<16xi32>], vector<16xf32>,
      %broadcast_in_dim3A_601 = arith.constant 12 : i32
      %broadcast_in_dim3A_602 = vector.broadcast %broadcast_in_dim3A_601 : i32 to vector<16xi32>
      %gather3A_603 = tpu.vector_load_idx %arg11[%add3A_104, %broadcast_in_dim3A_602] : memref<128x16xf32, #tpu.memory_space<vmem>>[vector<16xi32>, vector<16xi32>], vector<16xf32>,
      %broadcast_in_dim3A_604 = arith.constant 64 : i32
      %broadcast_in_dim3A_605 = vector.broadcast %broadcast_in_dim3A_604 : i32 to vector<16xi32>
      %gather3A_606 = tpu.vector_load_idx %arg10[%add3A_104, %broadcast_in_dim3A_605] : memref<128x128xf32, #tpu.memory_space<vmem>>[vector<16xi32>, vector<16xi32>], vector<16xf32>,
      %mul3A_607 = arith.mulf %gather3A_606, %gather3A : vector<16xf32>
      %add3A_608 = arith.addf %gather3A_603, %mul3A_607 : vector<16xf32>
      %broadcast_in_dim3A_609 = arith.constant 65 : i32
      %broadcast_in_dim3A_610 = vector.broadcast %broadcast_in_dim3A_609 : i32 to vector<16xi32>
      %gather3A_611 = tpu.vector_load_idx %arg10[%add3A_104, %broadcast_in_dim3A_610] : memref<128x128xf32, #tpu.memory_space<vmem>>[vector<16xi32>, vector<16xi32>], vector<16xf32>,
      %mul3A_612 = arith.mulf %gather3A_611, %gather3A_108 : vector<16xf32>
      %broadcast_in_dim3A_613 = arith.constant 66 : i32
      %broadcast_in_dim3A_614 = vector.broadcast %broadcast_in_dim3A_613 : i32 to vector<16xi32>
      %gather3A_615 = tpu.vector_load_idx %arg10[%add3A_104, %broadcast_in_dim3A_614] : memref<128x128xf32, #tpu.memory_space<vmem>>[vector<16xi32>, vector<16xi32>], vector<16xf32>,
      %mul3A_616 = arith.mulf %gather3A_615, %gather3A_111 : vector<16xf32>
      %add3A_617 = arith.addf %add3A_608, %mul3A_616 : vector<16xf32>
      %broadcast_in_dim3A_618 = arith.constant 67 : i32
      %broadcast_in_dim3A_619 = vector.broadcast %broadcast_in_dim3A_618 : i32 to vector<16xi32>
      %gather3A_620 = tpu.vector_load_idx %arg10[%add3A_104, %broadcast_in_dim3A_619] : memref<128x128xf32, #tpu.memory_space<vmem>>[vector<16xi32>, vector<16xi32>], vector<16xf32>,
      %mul3A_621 = arith.mulf %gather3A_620, %gather3A_114 : vector<16xf32>
      %add3A_622 = arith.addf %mul3A_612, %mul3A_621 : vector<16xf32>
      %broadcast_in_dim3A_623 = arith.constant 68 : i32
      %broadcast_in_dim3A_624 = vector.broadcast %broadcast_in_dim3A_623 : i32 to vector<16xi32>
      %gather3A_625 = tpu.vector_load_idx %arg10[%add3A_104, %broadcast_in_dim3A_624] : memref<128x128xf32, #tpu.memory_space<vmem>>[vector<16xi32>, vector<16xi32>], vector<16xf32>,
      %mul3A_626 = arith.mulf %gather3A_625, %gather3A_117 : vector<16xf32>
      %add3A_627 = arith.addf %add3A_617, %mul3A_626 : vector<16xf32>
      %broadcast_in_dim3A_628 = arith.constant 69 : i32
      %broadcast_in_dim3A_629 = vector.broadcast %broadcast_in_dim3A_628 : i32 to vector<16xi32>
      %gather3A_630 = tpu.vector_load_idx %arg10[%add3A_104, %broadcast_in_dim3A_629] : memref<128x128xf32, #tpu.memory_space<vmem>>[vector<16xi32>, vector<16xi32>], vector<16xf32>,
      %mul3A_631 = arith.mulf %gather3A_630, %gather3A_120 : vector<16xf32>
      %add3A_632 = arith.addf %add3A_622, %mul3A_631 : vector<16xf32>
      %broadcast_in_dim3A_633 = arith.constant 70 : i32
      %broadcast_in_dim3A_634 = vector.broadcast %broadcast_in_dim3A_633 : i32 to vector<16xi32>
      %gather3A_635 = tpu.vector_load_idx %arg10[%add3A_104, %broadcast_in_dim3A_634] : memref<128x128xf32, #tpu.memory_space<vmem>>[vector<16xi32>, vector<16xi32>], vector<16xf32>,
      %mul3A_636 = arith.mulf %gather3A_635, %gather3A_123 : vector<16xf32>
      %add3A_637 = arith.addf %add3A_627, %mul3A_636 : vector<16xf32>
      %broadcast_in_dim3A_638 = arith.constant 71 : i32
      %broadcast_in_dim3A_639 = vector.broadcast %broadcast_in_dim3A_638 : i32 to vector<16xi32>
      %gather3A_640 = tpu.vector_load_idx %arg10[%add3A_104, %broadcast_in_dim3A_639] : memref<128x128xf32, #tpu.memory_space<vmem>>[vector<16xi32>, vector<16xi32>], vector<16xf32>,
      %mul3A_641 = arith.mulf %gather3A_640, %gather3A_126 : vector<16xf32>
      %add3A_642 = arith.addf %add3A_632, %mul3A_641 : vector<16xf32>
      %broadcast_in_dim3A_643 = arith.constant 72 : i32
      %broadcast_in_dim3A_644 = vector.broadcast %broadcast_in_dim3A_643 : i32 to vector<16xi32>
      %gather3A_645 = tpu.vector_load_idx %arg10[%add3A_104, %broadcast_in_dim3A_644] : memref<128x128xf32, #tpu.memory_space<vmem>>[vector<16xi32>, vector<16xi32>], vector<16xf32>,
      %mul3A_646 = arith.mulf %gather3A_645, %gather3A_129 : vector<16xf32>
      %add3A_647 = arith.addf %add3A_637, %mul3A_646 : vector<16xf32>
      %broadcast_in_dim3A_648 = arith.constant 73 : i32
      %broadcast_in_dim3A_649 = vector.broadcast %broadcast_in_dim3A_648 : i32 to vector<16xi32>
      %gather3A_650 = tpu.vector_load_idx %arg10[%add3A_104, %broadcast_in_dim3A_649] : memref<128x128xf32, #tpu.memory_space<vmem>>[vector<16xi32>, vector<16xi32>], vector<16xf32>,
      %mul3A_651 = arith.mulf %gather3A_650, %gather3A_132 : vector<16xf32>
      %add3A_652 = arith.addf %add3A_642, %mul3A_651 : vector<16xf32>
      %broadcast_in_dim3A_653 = arith.constant 74 : i32
      %broadcast_in_dim3A_654 = vector.broadcast %broadcast_in_dim3A_653 : i32 to vector<16xi32>
      %gather3A_655 = tpu.vector_load_idx %arg10[%add3A_104, %broadcast_in_dim3A_654] : memref<128x128xf32, #tpu.memory_space<vmem>>[vector<16xi32>, vector<16xi32>], vector<16xf32>,
      %mul3A_656 = arith.mulf %gather3A_655, %gather3A_135 : vector<16xf32>
      %add3A_657 = arith.addf %add3A_647, %mul3A_656 : vector<16xf32>
      %broadcast_in_dim3A_658 = arith.constant 75 : i32
      %broadcast_in_dim3A_659 = vector.broadcast %broadcast_in_dim3A_658 : i32 to vector<16xi32>
      %gather3A_660 = tpu.vector_load_idx %arg10[%add3A_104, %broadcast_in_dim3A_659] : memref<128x128xf32, #tpu.memory_space<vmem>>[vector<16xi32>, vector<16xi32>], vector<16xf32>,
      %mul3A_661 = arith.mulf %gather3A_660, %gather3A_138 : vector<16xf32>
      %add3A_662 = arith.addf %add3A_652, %mul3A_661 : vector<16xf32>
      %broadcast_in_dim3A_663 = arith.constant 76 : i32
      %broadcast_in_dim3A_664 = vector.broadcast %broadcast_in_dim3A_663 : i32 to vector<16xi32>
      %gather3A_665 = tpu.vector_load_idx %arg10[%add3A_104, %broadcast_in_dim3A_664] : memref<128x128xf32, #tpu.memory_space<vmem>>[vector<16xi32>, vector<16xi32>], vector<16xf32>,
      %mul3A_666 = arith.mulf %gather3A_665, %gather3A_141 : vector<16xf32>
      %add3A_667 = arith.addf %add3A_657, %mul3A_666 : vector<16xf32>
      %add3A_668 = arith.addf %add3A_667, %add3A_662 : vector<16xf32>
      %broadcast_in_dim3A_669 = arith.constant 12 : i32
      %broadcast_in_dim3A_670 = vector.broadcast %broadcast_in_dim3A_669 : i32 to vector<16xi32>
      tpu.vector_store_idx %arg13[%add3A_104, %broadcast_in_dim3A_670], %add3A_668 : memref<128x16xf32, #tpu.memory_space<vmem>>[vector<16xi32>, vector<16xi32>], vector<16xf32>,
      %broadcast_in_dim3A_671 = arith.constant 13 : i32
      %broadcast_in_dim3A_672 = vector.broadcast %broadcast_in_dim3A_671 : i32 to vector<16xi32>
      %gather3A_673 = tpu.vector_load_idx %arg11[%add3A_104, %broadcast_in_dim3A_672] : memref<128x16xf32, #tpu.memory_space<vmem>>[vector<16xi32>, vector<16xi32>], vector<16xf32>,
      %broadcast_in_dim3A_674 = arith.constant 80 : i32
      %broadcast_in_dim3A_675 = vector.broadcast %broadcast_in_dim3A_674 : i32 to vector<16xi32>
      %gather3A_676 = tpu.vector_load_idx %arg10[%add3A_104, %broadcast_in_dim3A_675] : memref<128x128xf32, #tpu.memory_space<vmem>>[vector<16xi32>, vector<16xi32>], vector<16xf32>,
      %mul3A_677 = arith.mulf %gather3A_676, %gather3A : vector<16xf32>
      %add3A_678 = arith.addf %gather3A_673, %mul3A_677 : vector<16xf32>
      %broadcast_in_dim3A_679 = arith.constant 81 : i32
      %broadcast_in_dim3A_680 = vector.broadcast %broadcast_in_dim3A_679 : i32 to vector<16xi32>
      %gather3A_681 = tpu.vector_load_idx %arg10[%add3A_104, %broadcast_in_dim3A_680] : memref<128x128xf32, #tpu.memory_space<vmem>>[vector<16xi32>, vector<16xi32>], vector<16xf32>,
      %mul3A_682 = arith.mulf %gather3A_681, %gather3A_108 : vector<16xf32>
      %broadcast_in_dim3A_683 = arith.constant 82 : i32
      %broadcast_in_dim3A_684 = vector.broadcast %broadcast_in_dim3A_683 : i32 to vector<16xi32>
      %gather3A_685 = tpu.vector_load_idx %arg10[%add3A_104, %broadcast_in_dim3A_684] : memref<128x128xf32, #tpu.memory_space<vmem>>[vector<16xi32>, vector<16xi32>], vector<16xf32>,
      %mul3A_686 = arith.mulf %gather3A_685, %gather3A_111 : vector<16xf32>
      %add3A_687 = arith.addf %add3A_678, %mul3A_686 : vector<16xf32>
      %broadcast_in_dim3A_688 = arith.constant 83 : i32
      %broadcast_in_dim3A_689 = vector.broadcast %broadcast_in_dim3A_688 : i32 to vector<16xi32>
      %gather3A_690 = tpu.vector_load_idx %arg10[%add3A_104, %broadcast_in_dim3A_689] : memref<128x128xf32, #tpu.memory_space<vmem>>[vector<16xi32>, vector<16xi32>], vector<16xf32>,
      %mul3A_691 = arith.mulf %gather3A_690, %gather3A_114 : vector<16xf32>
      %add3A_692 = arith.addf %mul3A_682, %mul3A_691 : vector<16xf32>
      %broadcast_in_dim3A_693 = arith.constant 84 : i32
      %broadcast_in_dim3A_694 = vector.broadcast %broadcast_in_dim3A_693 : i32 to vector<16xi32>
      %gather3A_695 = tpu.vector_load_idx %arg10[%add3A_104, %broadcast_in_dim3A_694] : memref<128x128xf32, #tpu.memory_space<vmem>>[vector<16xi32>, vector<16xi32>], vector<16xf32>,
      %mul3A_696 = arith.mulf %gather3A_695, %gather3A_117 : vector<16xf32>
      %add3A_697 = arith.addf %add3A_687, %mul3A_696 : vector<16xf32>
      %broadcast_in_dim3A_698 = arith.constant 85 : i32
      %broadcast_in_dim3A_699 = vector.broadcast %broadcast_in_dim3A_698 : i32 to vector<16xi32>
      %gather3A_700 = tpu.vector_load_idx %arg10[%add3A_104, %broadcast_in_dim3A_699] : memref<128x128xf32, #tpu.memory_space<vmem>>[vector<16xi32>, vector<16xi32>], vector<16xf32>,
      %mul3A_701 = arith.mulf %gather3A_700, %gather3A_120 : vector<16xf32>
      %add3A_702 = arith.addf %add3A_692, %mul3A_701 : vector<16xf32>
      %broadcast_in_dim3A_703 = arith.constant 86 : i32
      %broadcast_in_dim3A_704 = vector.broadcast %broadcast_in_dim3A_703 : i32 to vector<16xi32>
      %gather3A_705 = tpu.vector_load_idx %arg10[%add3A_104, %broadcast_in_dim3A_704] : memref<128x128xf32, #tpu.memory_space<vmem>>[vector<16xi32>, vector<16xi32>], vector<16xf32>,
      %mul3A_706 = arith.mulf %gather3A_705, %gather3A_123 : vector<16xf32>
      %add3A_707 = arith.addf %add3A_697, %mul3A_706 : vector<16xf32>
      %broadcast_in_dim3A_708 = arith.constant 87 : i32
      %broadcast_in_dim3A_709 = vector.broadcast %broadcast_in_dim3A_708 : i32 to vector<16xi32>
      %gather3A_710 = tpu.vector_load_idx %arg10[%add3A_104, %broadcast_in_dim3A_709] : memref<128x128xf32, #tpu.memory_space<vmem>>[vector<16xi32>, vector<16xi32>], vector<16xf32>,
      %mul3A_711 = arith.mulf %gather3A_710, %gather3A_126 : vector<16xf32>
      %add3A_712 = arith.addf %add3A_702, %mul3A_711 : vector<16xf32>
      %broadcast_in_dim3A_713 = arith.constant 88 : i32
      %broadcast_in_dim3A_714 = vector.broadcast %broadcast_in_dim3A_713 : i32 to vector<16xi32>
      %gather3A_715 = tpu.vector_load_idx %arg10[%add3A_104, %broadcast_in_dim3A_714] : memref<128x128xf32, #tpu.memory_space<vmem>>[vector<16xi32>, vector<16xi32>], vector<16xf32>,
      %mul3A_716 = arith.mulf %gather3A_715, %gather3A_129 : vector<16xf32>
      %add3A_717 = arith.addf %add3A_707, %mul3A_716 : vector<16xf32>
      %broadcast_in_dim3A_718 = arith.constant 89 : i32
      %broadcast_in_dim3A_719 = vector.broadcast %broadcast_in_dim3A_718 : i32 to vector<16xi32>
      %gather3A_720 = tpu.vector_load_idx %arg10[%add3A_104, %broadcast_in_dim3A_719] : memref<128x128xf32, #tpu.memory_space<vmem>>[vector<16xi32>, vector<16xi32>], vector<16xf32>,
      %mul3A_721 = arith.mulf %gather3A_720, %gather3A_132 : vector<16xf32>
      %add3A_722 = arith.addf %add3A_712, %mul3A_721 : vector<16xf32>
      %broadcast_in_dim3A_723 = arith.constant 90 : i32
      %broadcast_in_dim3A_724 = vector.broadcast %broadcast_in_dim3A_723 : i32 to vector<16xi32>
      %gather3A_725 = tpu.vector_load_idx %arg10[%add3A_104, %broadcast_in_dim3A_724] : memref<128x128xf32, #tpu.memory_space<vmem>>[vector<16xi32>, vector<16xi32>], vector<16xf32>,
      %mul3A_726 = arith.mulf %gather3A_725, %gather3A_135 : vector<16xf32>
      %add3A_727 = arith.addf %add3A_717, %mul3A_726 : vector<16xf32>
      %broadcast_in_dim3A_728 = arith.constant 91 : i32
      %broadcast_in_dim3A_729 = vector.broadcast %broadcast_in_dim3A_728 : i32 to vector<16xi32>
      %gather3A_730 = tpu.vector_load_idx %arg10[%add3A_104, %broadcast_in_dim3A_729] : memref<128x128xf32, #tpu.memory_space<vmem>>[vector<16xi32>, vector<16xi32>], vector<16xf32>,
      %mul3A_731 = arith.mulf %gather3A_730, %gather3A_138 : vector<16xf32>
      %add3A_732 = arith.addf %add3A_722, %mul3A_731 : vector<16xf32>
      %broadcast_in_dim3A_733 = arith.constant 92 : i32
      %broadcast_in_dim3A_734 = vector.broadcast %broadcast_in_dim3A_733 : i32 to vector<16xi32>
      %gather3A_735 = tpu.vector_load_idx %arg10[%add3A_104, %broadcast_in_dim3A_734] : memref<128x128xf32, #tpu.memory_space<vmem>>[vector<16xi32>, vector<16xi32>], vector<16xf32>,
      %mul3A_736 = arith.mulf %gather3A_735, %gather3A_141 : vector<16xf32>
      %add3A_737 = arith.addf %add3A_727, %mul3A_736 : vector<16xf32>
      %broadcast_in_dim3A_738 = arith.constant 93 : i32
      %broadcast_in_dim3A_739 = vector.broadcast %broadcast_in_dim3A_738 : i32 to vector<16xi32>
      %gather3A_740 = tpu.vector_load_idx %arg10[%add3A_104, %broadcast_in_dim3A_739] : memref<128x128xf32, #tpu.memory_space<vmem>>[vector<16xi32>, vector<16xi32>], vector<16xf32>,
      %mul3A_741 = arith.mulf %gather3A_740, %gather3A_144 : vector<16xf32>
      %add3A_742 = arith.addf %add3A_732, %mul3A_741 : vector<16xf32>
      %add3A_743 = arith.addf %add3A_737, %add3A_742 : vector<16xf32>
      %broadcast_in_dim3A_744 = arith.constant 13 : i32
      %broadcast_in_dim3A_745 = vector.broadcast %broadcast_in_dim3A_744 : i32 to vector<16xi32>
      tpu.vector_store_idx %arg13[%add3A_104, %broadcast_in_dim3A_745], %add3A_743 : memref<128x16xf32, #tpu.memory_space<vmem>>[vector<16xi32>, vector<16xi32>], vector<16xf32>,
      %broadcast_in_dim3A_746 = arith.constant 14 : i32
      %broadcast_in_dim3A_747 = vector.broadcast %broadcast_in_dim3A_746 : i32 to vector<16xi32>
      %gather3A_748 = tpu.vector_load_idx %arg11[%add3A_104, %broadcast_in_dim3A_747] : memref<128x16xf32, #tpu.memory_space<vmem>>[vector<16xi32>, vector<16xi32>], vector<16xf32>,
      %broadcast_in_dim3A_749 = arith.constant 96 : i32
      %broadcast_in_dim3A_750 = vector.broadcast %broadcast_in_dim3A_749 : i32 to vector<16xi32>
      %gather3A_751 = tpu.vector_load_idx %arg10[%add3A_104, %broadcast_in_dim3A_750] : memref<128x128xf32, #tpu.memory_space<vmem>>[vector<16xi32>, vector<16xi32>], vector<16xf32>,
      %mul3A_752 = arith.mulf %gather3A_751, %gather3A : vector<16xf32>
      %add3A_753 = arith.addf %gather3A_748, %mul3A_752 : vector<16xf32>
      %broadcast_in_dim3A_754 = arith.constant 97 : i32
      %broadcast_in_dim3A_755 = vector.broadcast %broadcast_in_dim3A_754 : i32 to vector<16xi32>
      %gather3A_756 = tpu.vector_load_idx %arg10[%add3A_104, %broadcast_in_dim3A_755] : memref<128x128xf32, #tpu.memory_space<vmem>>[vector<16xi32>, vector<16xi32>], vector<16xf32>,
      %mul3A_757 = arith.mulf %gather3A_756, %gather3A_108 : vector<16xf32>
      %broadcast_in_dim3A_758 = arith.constant 98 : i32
      %broadcast_in_dim3A_759 = vector.broadcast %broadcast_in_dim3A_758 : i32 to vector<16xi32>
      %gather3A_760 = tpu.vector_load_idx %arg10[%add3A_104, %broadcast_in_dim3A_759] : memref<128x128xf32, #tpu.memory_space<vmem>>[vector<16xi32>, vector<16xi32>], vector<16xf32>,
      %mul3A_761 = arith.mulf %gather3A_760, %gather3A_111 : vector<16xf32>
      %add3A_762 = arith.addf %add3A_753, %mul3A_761 : vector<16xf32>
      %broadcast_in_dim3A_763 = arith.constant 99 : i32
      %broadcast_in_dim3A_764 = vector.broadcast %broadcast_in_dim3A_763 : i32 to vector<16xi32>
      %gather3A_765 = tpu.vector_load_idx %arg10[%add3A_104, %broadcast_in_dim3A_764] : memref<128x128xf32, #tpu.memory_space<vmem>>[vector<16xi32>, vector<16xi32>], vector<16xf32>,
      %mul3A_766 = arith.mulf %gather3A_765, %gather3A_114 : vector<16xf32>
      %add3A_767 = arith.addf %mul3A_757, %mul3A_766 : vector<16xf32>
      %broadcast_in_dim3A_768 = arith.constant 100 : i32
      %broadcast_in_dim3A_769 = vector.broadcast %broadcast_in_dim3A_768 : i32 to vector<16xi32>
      %gather3A_770 = tpu.vector_load_idx %arg10[%add3A_104, %broadcast_in_dim3A_769] : memref<128x128xf32, #tpu.memory_space<vmem>>[vector<16xi32>, vector<16xi32>], vector<16xf32>,
      %mul3A_771 = arith.mulf %gather3A_770, %gather3A_117 : vector<16xf32>
      %add3A_772 = arith.addf %add3A_762, %mul3A_771 : vector<16xf32>
      %broadcast_in_dim3A_773 = arith.constant 101 : i32
      %broadcast_in_dim3A_774 = vector.broadcast %broadcast_in_dim3A_773 : i32 to vector<16xi32>
      %gather3A_775 = tpu.vector_load_idx %arg10[%add3A_104, %broadcast_in_dim3A_774] : memref<128x128xf32, #tpu.memory_space<vmem>>[vector<16xi32>, vector<16xi32>], vector<16xf32>,
      %mul3A_776 = arith.mulf %gather3A_775, %gather3A_120 : vector<16xf32>
      %add3A_777 = arith.addf %add3A_767, %mul3A_776 : vector<16xf32>
      %broadcast_in_dim3A_778 = arith.constant 102 : i32
      %broadcast_in_dim3A_779 = vector.broadcast %broadcast_in_dim3A_778 : i32 to vector<16xi32>
      %gather3A_780 = tpu.vector_load_idx %arg10[%add3A_104, %broadcast_in_dim3A_779] : memref<128x128xf32, #tpu.memory_space<vmem>>[vector<16xi32>, vector<16xi32>], vector<16xf32>,
      %mul3A_781 = arith.mulf %gather3A_780, %gather3A_123 : vector<16xf32>
      %add3A_782 = arith.addf %add3A_772, %mul3A_781 : vector<16xf32>
      %broadcast_in_dim3A_783 = arith.constant 103 : i32
      %broadcast_in_dim3A_784 = vector.broadcast %broadcast_in_dim3A_783 : i32 to vector<16xi32>
      %gather3A_785 = tpu.vector_load_idx %arg10[%add3A_104, %broadcast_in_dim3A_784] : memref<128x128xf32, #tpu.memory_space<vmem>>[vector<16xi32>, vector<16xi32>], vector<16xf32>,
      %mul3A_786 = arith.mulf %gather3A_785, %gather3A_126 : vector<16xf32>
      %add3A_787 = arith.addf %add3A_777, %mul3A_786 : vector<16xf32>
      %broadcast_in_dim3A_788 = arith.constant 104 : i32
      %broadcast_in_dim3A_789 = vector.broadcast %broadcast_in_dim3A_788 : i32 to vector<16xi32>
      %gather3A_790 = tpu.vector_load_idx %arg10[%add3A_104, %broadcast_in_dim3A_789] : memref<128x128xf32, #tpu.memory_space<vmem>>[vector<16xi32>, vector<16xi32>], vector<16xf32>,
      %mul3A_791 = arith.mulf %gather3A_790, %gather3A_129 : vector<16xf32>
      %add3A_792 = arith.addf %add3A_782, %mul3A_791 : vector<16xf32>
      %broadcast_in_dim3A_793 = arith.constant 105 : i32
      %broadcast_in_dim3A_794 = vector.broadcast %broadcast_in_dim3A_793 : i32 to vector<16xi32>
      %gather3A_795 = tpu.vector_load_idx %arg10[%add3A_104, %broadcast_in_dim3A_794] : memref<128x128xf32, #tpu.memory_space<vmem>>[vector<16xi32>, vector<16xi32>], vector<16xf32>,
      %mul3A_796 = arith.mulf %gather3A_795, %gather3A_132 : vector<16xf32>
      %add3A_797 = arith.addf %add3A_787, %mul3A_796 : vector<16xf32>
      %broadcast_in_dim3A_798 = arith.constant 106 : i32
      %broadcast_in_dim3A_799 = vector.broadcast %broadcast_in_dim3A_798 : i32 to vector<16xi32>
      %gather3A_800 = tpu.vector_load_idx %arg10[%add3A_104, %broadcast_in_dim3A_799] : memref<128x128xf32, #tpu.memory_space<vmem>>[vector<16xi32>, vector<16xi32>], vector<16xf32>,
      %mul3A_801 = arith.mulf %gather3A_800, %gather3A_135 : vector<16xf32>
      %add3A_802 = arith.addf %add3A_792, %mul3A_801 : vector<16xf32>
      %broadcast_in_dim3A_803 = arith.constant 107 : i32
      %broadcast_in_dim3A_804 = vector.broadcast %broadcast_in_dim3A_803 : i32 to vector<16xi32>
      %gather3A_805 = tpu.vector_load_idx %arg10[%add3A_104, %broadcast_in_dim3A_804] : memref<128x128xf32, #tpu.memory_space<vmem>>[vector<16xi32>, vector<16xi32>], vector<16xf32>,
      %mul3A_806 = arith.mulf %gather3A_805, %gather3A_138 : vector<16xf32>
      %add3A_807 = arith.addf %add3A_797, %mul3A_806 : vector<16xf32>
      %broadcast_in_dim3A_808 = arith.constant 108 : i32
      %broadcast_in_dim3A_809 = vector.broadcast %broadcast_in_dim3A_808 : i32 to vector<16xi32>
      %gather3A_810 = tpu.vector_load_idx %arg10[%add3A_104, %broadcast_in_dim3A_809] : memref<128x128xf32, #tpu.memory_space<vmem>>[vector<16xi32>, vector<16xi32>], vector<16xf32>,
      %mul3A_811 = arith.mulf %gather3A_810, %gather3A_141 : vector<16xf32>
      %add3A_812 = arith.addf %add3A_802, %mul3A_811 : vector<16xf32>
      %broadcast_in_dim3A_813 = arith.constant 109 : i32
      %broadcast_in_dim3A_814 = vector.broadcast %broadcast_in_dim3A_813 : i32 to vector<16xi32>
      %gather3A_815 = tpu.vector_load_idx %arg10[%add3A_104, %broadcast_in_dim3A_814] : memref<128x128xf32, #tpu.memory_space<vmem>>[vector<16xi32>, vector<16xi32>], vector<16xf32>,
      %mul3A_816 = arith.mulf %gather3A_815, %gather3A_144 : vector<16xf32>
      %add3A_817 = arith.addf %add3A_807, %mul3A_816 : vector<16xf32>
      %broadcast_in_dim3A_818 = arith.constant 110 : i32
      %broadcast_in_dim3A_819 = vector.broadcast %broadcast_in_dim3A_818 : i32 to vector<16xi32>
      %gather3A_820 = tpu.vector_load_idx %arg10[%add3A_104, %broadcast_in_dim3A_819] : memref<128x128xf32, #tpu.memory_space<vmem>>[vector<16xi32>, vector<16xi32>], vector<16xf32>,
      %mul3A_821 = arith.mulf %gather3A_820, %gather3A_147 : vector<16xf32>
      %add3A_822 = arith.addf %add3A_812, %mul3A_821 : vector<16xf32>
      %add3A_823 = arith.addf %add3A_822, %add3A_817 : vector<16xf32>
      %broadcast_in_dim3A_824 = arith.constant 14 : i32
      %broadcast_in_dim3A_825 = vector.broadcast %broadcast_in_dim3A_824 : i32 to vector<16xi32>
      tpu.vector_store_idx %arg13[%add3A_104, %broadcast_in_dim3A_825], %add3A_823 : memref<128x16xf32, #tpu.memory_space<vmem>>[vector<16xi32>, vector<16xi32>], vector<16xf32>,
      %broadcast_in_dim3A_826 = arith.constant 15 : i32
      %broadcast_in_dim3A_827 = vector.broadcast %broadcast_in_dim3A_826 : i32 to vector<16xi32>
      %gather3A_828 = tpu.vector_load_idx %arg11[%add3A_104, %broadcast_in_dim3A_827] : memref<128x16xf32, #tpu.memory_space<vmem>>[vector<16xi32>, vector<16xi32>], vector<16xf32>,
      %broadcast_in_dim3A_829 = arith.constant 112 : i32
      %broadcast_in_dim3A_830 = vector.broadcast %broadcast_in_dim3A_829 : i32 to vector<16xi32>
      %gather3A_831 = tpu.vector_load_idx %arg10[%add3A_104, %broadcast_in_dim3A_830] : memref<128x128xf32, #tpu.memory_space<vmem>>[vector<16xi32>, vector<16xi32>], vector<16xf32>,
      %mul3A_832 = arith.mulf %gather3A_831, %gather3A : vector<16xf32>
      %add3A_833 = arith.addf %gather3A_828, %mul3A_832 : vector<16xf32>
      %broadcast_in_dim3A_834 = arith.constant 113 : i32
      %broadcast_in_dim3A_835 = vector.broadcast %broadcast_in_dim3A_834 : i32 to vector<16xi32>
      %gather3A_836 = tpu.vector_load_idx %arg10[%add3A_104, %broadcast_in_dim3A_835] : memref<128x128xf32, #tpu.memory_space<vmem>>[vector<16xi32>, vector<16xi32>], vector<16xf32>,
      %mul3A_837 = arith.mulf %gather3A_836, %gather3A_108 : vector<16xf32>
      %broadcast_in_dim3A_838 = arith.constant 114 : i32
      %broadcast_in_dim3A_839 = vector.broadcast %broadcast_in_dim3A_838 : i32 to vector<16xi32>
      %gather3A_840 = tpu.vector_load_idx %arg10[%add3A_104, %broadcast_in_dim3A_839] : memref<128x128xf32, #tpu.memory_space<vmem>>[vector<16xi32>, vector<16xi32>], vector<16xf32>,
      %mul3A_841 = arith.mulf %gather3A_840, %gather3A_111 : vector<16xf32>
      %add3A_842 = arith.addf %add3A_833, %mul3A_841 : vector<16xf32>
      %broadcast_in_dim3A_843 = arith.constant 115 : i32
      %broadcast_in_dim3A_844 = vector.broadcast %broadcast_in_dim3A_843 : i32 to vector<16xi32>
      %gather3A_845 = tpu.vector_load_idx %arg10[%add3A_104, %broadcast_in_dim3A_844] : memref<128x128xf32, #tpu.memory_space<vmem>>[vector<16xi32>, vector<16xi32>], vector<16xf32>,
      %mul3A_846 = arith.mulf %gather3A_845, %gather3A_114 : vector<16xf32>
      %add3A_847 = arith.addf %mul3A_837, %mul3A_846 : vector<16xf32>
      %broadcast_in_dim3A_848 = arith.constant 116 : i32
      %broadcast_in_dim3A_849 = vector.broadcast %broadcast_in_dim3A_848 : i32 to vector<16xi32>
      %gather3A_850 = tpu.vector_load_idx %arg10[%add3A_104, %broadcast_in_dim3A_849] : memref<128x128xf32, #tpu.memory_space<vmem>>[vector<16xi32>, vector<16xi32>], vector<16xf32>,
      %mul3A_851 = arith.mulf %gather3A_850, %gather3A_117 : vector<16xf32>
      %add3A_852 = arith.addf %add3A_842, %mul3A_851 : vector<16xf32>
      %broadcast_in_dim3A_853 = arith.constant 117 : i32
      %broadcast_in_dim3A_854 = vector.broadcast %broadcast_in_dim3A_853 : i32 to vector<16xi32>
      %gather3A_855 = tpu.vector_load_idx %arg10[%add3A_104, %broadcast_in_dim3A_854] : memref<128x128xf32, #tpu.memory_space<vmem>>[vector<16xi32>, vector<16xi32>], vector<16xf32>,
      %mul3A_856 = arith.mulf %gather3A_855, %gather3A_120 : vector<16xf32>
      %add3A_857 = arith.addf %add3A_847, %mul3A_856 : vector<16xf32>
      %broadcast_in_dim3A_858 = arith.constant 118 : i32
      %broadcast_in_dim3A_859 = vector.broadcast %broadcast_in_dim3A_858 : i32 to vector<16xi32>
      %gather3A_860 = tpu.vector_load_idx %arg10[%add3A_104, %broadcast_in_dim3A_859] : memref<128x128xf32, #tpu.memory_space<vmem>>[vector<16xi32>, vector<16xi32>], vector<16xf32>,
      %mul3A_861 = arith.mulf %gather3A_860, %gather3A_123 : vector<16xf32>
      %add3A_862 = arith.addf %add3A_852, %mul3A_861 : vector<16xf32>
      %broadcast_in_dim3A_863 = arith.constant 119 : i32
      %broadcast_in_dim3A_864 = vector.broadcast %broadcast_in_dim3A_863 : i32 to vector<16xi32>
      %gather3A_865 = tpu.vector_load_idx %arg10[%add3A_104, %broadcast_in_dim3A_864] : memref<128x128xf32, #tpu.memory_space<vmem>>[vector<16xi32>, vector<16xi32>], vector<16xf32>,
      %mul3A_866 = arith.mulf %gather3A_865, %gather3A_126 : vector<16xf32>
      %add3A_867 = arith.addf %add3A_857, %mul3A_866 : vector<16xf32>
      %broadcast_in_dim3A_868 = arith.constant 120 : i32
      %broadcast_in_dim3A_869 = vector.broadcast %broadcast_in_dim3A_868 : i32 to vector<16xi32>
      %gather3A_870 = tpu.vector_load_idx %arg10[%add3A_104, %broadcast_in_dim3A_869] : memref<128x128xf32, #tpu.memory_space<vmem>>[vector<16xi32>, vector<16xi32>], vector<16xf32>,
      %mul3A_871 = arith.mulf %gather3A_870, %gather3A_129 : vector<16xf32>
      %add3A_872 = arith.addf %add3A_862, %mul3A_871 : vector<16xf32>
      %broadcast_in_dim3A_873 = arith.constant 121 : i32
      %broadcast_in_dim3A_874 = vector.broadcast %broadcast_in_dim3A_873 : i32 to vector<16xi32>
      %gather3A_875 = tpu.vector_load_idx %arg10[%add3A_104, %broadcast_in_dim3A_874] : memref<128x128xf32, #tpu.memory_space<vmem>>[vector<16xi32>, vector<16xi32>], vector<16xf32>,
      %mul3A_876 = arith.mulf %gather3A_875, %gather3A_132 : vector<16xf32>
      %add3A_877 = arith.addf %add3A_867, %mul3A_876 : vector<16xf32>
      %broadcast_in_dim3A_878 = arith.constant 122 : i32
      %broadcast_in_dim3A_879 = vector.broadcast %broadcast_in_dim3A_878 : i32 to vector<16xi32>
      %gather3A_880 = tpu.vector_load_idx %arg10[%add3A_104, %broadcast_in_dim3A_879] : memref<128x128xf32, #tpu.memory_space<vmem>>[vector<16xi32>, vector<16xi32>], vector<16xf32>,
      %mul3A_881 = arith.mulf %gather3A_880, %gather3A_135 : vector<16xf32>
      %add3A_882 = arith.addf %add3A_872, %mul3A_881 : vector<16xf32>
      %broadcast_in_dim3A_883 = arith.constant 123 : i32
      %broadcast_in_dim3A_884 = vector.broadcast %broadcast_in_dim3A_883 : i32 to vector<16xi32>
      %gather3A_885 = tpu.vector_load_idx %arg10[%add3A_104, %broadcast_in_dim3A_884] : memref<128x128xf32, #tpu.memory_space<vmem>>[vector<16xi32>, vector<16xi32>], vector<16xf32>,
      %mul3A_886 = arith.mulf %gather3A_885, %gather3A_138 : vector<16xf32>
      %add3A_887 = arith.addf %add3A_877, %mul3A_886 : vector<16xf32>
      %broadcast_in_dim3A_888 = arith.constant 124 : i32
      %broadcast_in_dim3A_889 = vector.broadcast %broadcast_in_dim3A_888 : i32 to vector<16xi32>
      %gather3A_890 = tpu.vector_load_idx %arg10[%add3A_104, %broadcast_in_dim3A_889] : memref<128x128xf32, #tpu.memory_space<vmem>>[vector<16xi32>, vector<16xi32>], vector<16xf32>,
      %mul3A_891 = arith.mulf %gather3A_890, %gather3A_141 : vector<16xf32>
      %add3A_892 = arith.addf %add3A_882, %mul3A_891 : vector<16xf32>
      %broadcast_in_dim3A_893 = arith.constant 125 : i32
      %broadcast_in_dim3A_894 = vector.broadcast %broadcast_in_dim3A_893 : i32 to vector<16xi32>
      %gather3A_895 = tpu.vector_load_idx %arg10[%add3A_104, %broadcast_in_dim3A_894] : memref<128x128xf32, #tpu.memory_space<vmem>>[vector<16xi32>, vector<16xi32>], vector<16xf32>,
      %mul3A_896 = arith.mulf %gather3A_895, %gather3A_144 : vector<16xf32>
      %add3A_897 = arith.addf %add3A_887, %mul3A_896 : vector<16xf32>
      %broadcast_in_dim3A_898 = arith.constant 126 : i32
      %broadcast_in_dim3A_899 = vector.broadcast %broadcast_in_dim3A_898 : i32 to vector<16xi32>
      %gather3A_900 = tpu.vector_load_idx %arg10[%add3A_104, %broadcast_in_dim3A_899] : memref<128x128xf32, #tpu.memory_space<vmem>>[vector<16xi32>, vector<16xi32>], vector<16xf32>,
      %mul3A_901 = arith.mulf %gather3A_900, %gather3A_147 : vector<16xf32>
      %add3A_902 = arith.addf %add3A_892, %mul3A_901 : vector<16xf32>
      %broadcast_in_dim3A_903 = arith.constant 127 : i32
      %broadcast_in_dim3A_904 = vector.broadcast %broadcast_in_dim3A_903 : i32 to vector<16xi32>
      %gather3A_905 = tpu.vector_load_idx %arg10[%add3A_104, %broadcast_in_dim3A_904] : memref<128x128xf32, #tpu.memory_space<vmem>>[vector<16xi32>, vector<16xi32>], vector<16xf32>,
      %mul3A_906 = arith.mulf %gather3A_905, %gather3A_150 : vector<16xf32>
      %add3A_907 = arith.addf %add3A_897, %mul3A_906 : vector<16xf32>
      %add3A_908 = arith.addf %add3A_902, %add3A_907 : vector<16xf32>
      %broadcast_in_dim3A_909 = arith.constant 15 : i32
      %broadcast_in_dim3A_910 = vector.broadcast %broadcast_in_dim3A_909 : i32 to vector<16xi32>
      tpu.vector_store_idx %arg13[%add3A_104, %broadcast_in_dim3A_910], %add3A_908 : memref<128x16xf32, #tpu.memory_space<vmem>>[vector<16xi32>, vector<16xi32>], vector<16xf32>,
    }
    %scan3A_49 = arith.constant 8 : i32
    "tpu.region"() ({
      %run_scoped3A = tpu.sem_alloc : memref<!tpu.dma_semaphore, #tpu.memory_space<semaphore_mem>>
      %dma_start3A_100 = arith.constant 0 : i32
      %dma_start3A_101 = tpu.memref_slice %arg7[%add3A_26, %dma_start3A_100] : memref<16384x16xf32, #tpu.memory_space<hbm>> -> memref<128x16xf32, #tpu.memory_space<hbm>>
      %dma_start3A_102 = arith.constant 0 : i32
      %dma_start3A_103 = tpu.memref_slice %arg7[%add3A_26, %dma_start3A_102] : memref<16384x16xf32, #tpu.memory_space<hbm>> -> memref<128x16xf32, #tpu.memory_space<hbm>>
      tpu.enqueue_dma source(%arg13 : memref<128x16xf32, #tpu.memory_space<vmem>>) target(%dma_start3A_103 : memref<128x16xf32, #tpu.memory_space<hbm>>) target_semaphore(%run_scoped3A : memref<!tpu.dma_semaphore, #tpu.memory_space<semaphore_mem>>)
      %dma_wait3A_104 = arith.constant 0 : i32
      %dma_wait3A_105 = tpu.memref_slice %arg7[%add3A_26, %dma_wait3A_104] : memref<16384x16xf32, #tpu.memory_space<hbm>> -> memref<128x16xf32, #tpu.memory_space<hbm>>
      %dma_wait3A_106 = arith.constant 0 : i32
      %dma_wait3A_107 = tpu.memref_slice %arg7[%add3A_26, %dma_wait3A_106] : memref<16384x16xf32, #tpu.memory_space<hbm>> -> memref<128x16xf32, #tpu.memory_space<hbm>>
      tpu.wait_dma2 semaphore(%run_scoped3A : memref<!tpu.dma_semaphore, #tpu.memory_space<semaphore_mem>>) src(%arg13 : memref<128x16xf32, #tpu.memory_space<vmem>>) dst(%dma_wait3A_107 : memref<128x16xf32, #tpu.memory_space<hbm>>)
      tpu.yield
    }) : () -> ()
    %add3A_50 = arith.constant 256 : i32
    %add3A_51 = arith.addi %mul3A_2, %add3A_50 : i32
    "tpu.region"() ({
      %run_scoped3A = tpu.sem_alloc : memref<!tpu.dma_semaphore, #tpu.memory_space<semaphore_mem>>
      %dma_start3A_100 = tpu.memref_slice %arg2[%add3A_51] : memref<16384xi32, #tpu.memory_space<hbm>> -> memref<128xi32, #tpu.memory_space<hbm>>
      %dma_start3A_101 = tpu.memref_slice %arg2[%add3A_51] : memref<16384xi32, #tpu.memory_space<hbm>> -> memref<128xi32, #tpu.memory_space<hbm>>
      tpu.enqueue_dma source(%dma_start3A_101 : memref<128xi32, #tpu.memory_space<hbm>>) target(%arg8 : memref<128xi32, #tpu.memory_space<vmem>>) target_semaphore(%run_scoped3A : memref<!tpu.dma_semaphore, #tpu.memory_space<semaphore_mem>>)
      %dma_wait3A_102 = tpu.memref_slice %arg2[%add3A_51] : memref<16384xi32, #tpu.memory_space<hbm>> -> memref<128xi32, #tpu.memory_space<hbm>>
      %dma_wait3A_103 = tpu.memref_slice %arg2[%add3A_51] : memref<16384xi32, #tpu.memory_space<hbm>> -> memref<128xi32, #tpu.memory_space<hbm>>
      tpu.wait_dma2 semaphore(%run_scoped3A : memref<!tpu.dma_semaphore, #tpu.memory_space<semaphore_mem>>) src(%dma_wait3A_103 : memref<128xi32, #tpu.memory_space<hbm>>) dst(%arg8 : memref<128xi32, #tpu.memory_space<vmem>>)
      tpu.yield
    }) : () -> ()
    %dma_start3A_52 = arith.constant 0 : i32
    %dma_start3A_53 = arith.constant 0 : i32
    %dma_start3A_54 = tpu.memref_slice %arg4[%dma_start3A_52, %dma_start3A_53] : memref<100000x128xf32, #tpu.memory_space<hbm>> -> memref<100000x128xf32, #tpu.memory_space<hbm>>
    tpu.enqueue_indirect_dma source(%dma_start3A_54 : memref<100000x128xf32, #tpu.memory_space<hbm>>) target(%arg9 : memref<128x128xf32, #tpu.memory_space<vmem>>) offsets(%arg8 : memref<128xi32, #tpu.memory_space<vmem>>) semaphore(%arg14 : memref<!tpu.dma_semaphore, #tpu.memory_space<semaphore_mem>>)
    %dma_start3A_55 = arith.constant 0 : i32
    %dma_start3A_56 = arith.constant 0 : i32
    %dma_start3A_57 = tpu.memref_slice %arg5[%dma_start3A_55, %dma_start3A_56] : memref<100000x128xf32, #tpu.memory_space<hbm>> -> memref<100000x128xf32, #tpu.memory_space<hbm>>
    tpu.enqueue_indirect_dma source(%dma_start3A_57 : memref<100000x128xf32, #tpu.memory_space<hbm>>) target(%arg10 : memref<128x128xf32, #tpu.memory_space<vmem>>) offsets(%arg8 : memref<128xi32, #tpu.memory_space<vmem>>) semaphore(%arg14 : memref<!tpu.dma_semaphore, #tpu.memory_space<semaphore_mem>>)
    %dma_start3A_58 = arith.constant 0 : i32
    %dma_start3A_59 = arith.constant 0 : i32
    %dma_start3A_60 = tpu.memref_slice %arg3[%dma_start3A_58, %dma_start3A_59] : memref<100000x16xf32, #tpu.memory_space<hbm>> -> memref<100000x16xf32, #tpu.memory_space<hbm>>
    tpu.enqueue_indirect_dma source(%dma_start3A_60 : memref<100000x16xf32, #tpu.memory_space<hbm>>) target(%arg11 : memref<128x16xf32, #tpu.memory_space<vmem>>) offsets(%arg8 : memref<128xi32, #tpu.memory_space<vmem>>) semaphore(%arg14 : memref<!tpu.dma_semaphore, #tpu.memory_space<semaphore_mem>>)
    "tpu.region"() ({
      %run_scoped3A = tpu.sem_alloc : memref<!tpu.dma_semaphore, #tpu.memory_space<semaphore_mem>>
      %dma_start3A_100 = arith.constant 0 : i32
      %dma_start3A_101 = tpu.memref_slice %arg6[%add3A_51, %dma_start3A_100] : memref<16384x16xf32, #tpu.memory_space<hbm>> -> memref<128x16xf32, #tpu.memory_space<hbm>>
      %dma_start3A_102 = arith.constant 0 : i32
      %dma_start3A_103 = tpu.memref_slice %arg6[%add3A_51, %dma_start3A_102] : memref<16384x16xf32, #tpu.memory_space<hbm>> -> memref<128x16xf32, #tpu.memory_space<hbm>>
      tpu.enqueue_dma source(%dma_start3A_103 : memref<128x16xf32, #tpu.memory_space<hbm>>) target(%arg12 : memref<128x16xf32, #tpu.memory_space<vmem>>) target_semaphore(%run_scoped3A : memref<!tpu.dma_semaphore, #tpu.memory_space<semaphore_mem>>)
      %dma_wait3A_104 = arith.constant 0 : i32
      %dma_wait3A_105 = tpu.memref_slice %arg6[%add3A_51, %dma_wait3A_104] : memref<16384x16xf32, #tpu.memory_space<hbm>> -> memref<128x16xf32, #tpu.memory_space<hbm>>
      %dma_wait3A_106 = arith.constant 0 : i32
      %dma_wait3A_107 = tpu.memref_slice %arg6[%add3A_51, %dma_wait3A_106] : memref<16384x16xf32, #tpu.memory_space<hbm>> -> memref<128x16xf32, #tpu.memory_space<hbm>>
      tpu.wait_dma2 semaphore(%run_scoped3A : memref<!tpu.dma_semaphore, #tpu.memory_space<semaphore_mem>>) src(%dma_wait3A_107 : memref<128x16xf32, #tpu.memory_space<hbm>>) dst(%arg12 : memref<128x16xf32, #tpu.memory_space<vmem>>)
      tpu.yield
    }) : () -> ()
    %dma_wait3A_61 = arith.constant 0 : i32
    %dma_wait3A_62 = arith.constant 0 : i32
    %dma_wait3A_63 = tpu.memref_slice %arg4[%dma_wait3A_61, %dma_wait3A_62] : memref<100000x128xf32, #tpu.memory_space<hbm>> -> memref<100000x128xf32, #tpu.memory_space<hbm>>
    tpu.wait_indirect_dma semaphore(%arg14 : memref<!tpu.dma_semaphore, #tpu.memory_space<semaphore_mem>>) src(%dma_wait3A_63 : memref<100000x128xf32, #tpu.memory_space<hbm>>) dst(%arg9 : memref<128x128xf32, #tpu.memory_space<vmem>>)
    %dma_wait3A_64 = arith.constant 0 : i32
    %dma_wait3A_65 = arith.constant 0 : i32
    %dma_wait3A_66 = tpu.memref_slice %arg5[%dma_wait3A_64, %dma_wait3A_65] : memref<100000x128xf32, #tpu.memory_space<hbm>> -> memref<100000x128xf32, #tpu.memory_space<hbm>>
    tpu.wait_indirect_dma semaphore(%arg14 : memref<!tpu.dma_semaphore, #tpu.memory_space<semaphore_mem>>) src(%dma_wait3A_66 : memref<100000x128xf32, #tpu.memory_space<hbm>>) dst(%arg10 : memref<128x128xf32, #tpu.memory_space<vmem>>)
    %dma_wait3A_67 = arith.constant 0 : i32
    %dma_wait3A_68 = arith.constant 0 : i32
    %dma_wait3A_69 = tpu.memref_slice %arg3[%dma_wait3A_67, %dma_wait3A_68] : memref<100000x16xf32, #tpu.memory_space<hbm>> -> memref<100000x16xf32, #tpu.memory_space<hbm>>
    tpu.wait_indirect_dma semaphore(%arg14 : memref<!tpu.dma_semaphore, #tpu.memory_space<semaphore_mem>>) src(%dma_wait3A_69 : memref<100000x16xf32, #tpu.memory_space<hbm>>) dst(%arg11 : memref<128x16xf32, #tpu.memory_space<vmem>>)
    %scan3A_70 = arith.constant 0 : i32
    %scan3A_71 = arith.constant 8 : i32
    %scan3A_72 = arith.addi %scan3A_70, %scan3A_71 : i32
    %scan3A_73 = arith.constant 1 : i32
    scf.for %scan3A_100 = %scan3A_70 to %scan3A_72 step %scan3A_73  : i32 {
      %mul3A_101 = arith.constant 16 : i32
      %mul3A_102 = arith.muli %scan3A_100, %mul3A_101 : i32
      %add3A_103 = vector.broadcast %mul3A_102 : i32 to vector<16xi32>
      %add3A_104 = arith.addi %add3A_103, %iota3A : vector<16xi32>
      %broadcast_in_dim3A = arith.constant 0 : i32
      %broadcast_in_dim3A_105 = vector.broadcast %broadcast_in_dim3A : i32 to vector<16xi32>
      %gather3A = tpu.vector_load_idx %arg12[%add3A_104, %broadcast_in_dim3A_105] : memref<128x16xf32, #tpu.memory_space<vmem>>[vector<16xi32>, vector<16xi32>], vector<16xf32>,
      %broadcast_in_dim3A_106 = arith.constant 1 : i32
      %broadcast_in_dim3A_107 = vector.broadcast %broadcast_in_dim3A_106 : i32 to vector<16xi32>
      %gather3A_108 = tpu.vector_load_idx %arg12[%add3A_104, %broadcast_in_dim3A_107] : memref<128x16xf32, #tpu.memory_space<vmem>>[vector<16xi32>, vector<16xi32>], vector<16xf32>,
      %broadcast_in_dim3A_109 = arith.constant 2 : i32
      %broadcast_in_dim3A_110 = vector.broadcast %broadcast_in_dim3A_109 : i32 to vector<16xi32>
      %gather3A_111 = tpu.vector_load_idx %arg12[%add3A_104, %broadcast_in_dim3A_110] : memref<128x16xf32, #tpu.memory_space<vmem>>[vector<16xi32>, vector<16xi32>], vector<16xf32>,
      %broadcast_in_dim3A_112 = arith.constant 3 : i32
      %broadcast_in_dim3A_113 = vector.broadcast %broadcast_in_dim3A_112 : i32 to vector<16xi32>
      %gather3A_114 = tpu.vector_load_idx %arg12[%add3A_104, %broadcast_in_dim3A_113] : memref<128x16xf32, #tpu.memory_space<vmem>>[vector<16xi32>, vector<16xi32>], vector<16xf32>,
      %broadcast_in_dim3A_115 = arith.constant 4 : i32
      %broadcast_in_dim3A_116 = vector.broadcast %broadcast_in_dim3A_115 : i32 to vector<16xi32>
      %gather3A_117 = tpu.vector_load_idx %arg12[%add3A_104, %broadcast_in_dim3A_116] : memref<128x16xf32, #tpu.memory_space<vmem>>[vector<16xi32>, vector<16xi32>], vector<16xf32>,
      %broadcast_in_dim3A_118 = arith.constant 5 : i32
      %broadcast_in_dim3A_119 = vector.broadcast %broadcast_in_dim3A_118 : i32 to vector<16xi32>
      %gather3A_120 = tpu.vector_load_idx %arg12[%add3A_104, %broadcast_in_dim3A_119] : memref<128x16xf32, #tpu.memory_space<vmem>>[vector<16xi32>, vector<16xi32>], vector<16xf32>,
      %broadcast_in_dim3A_121 = arith.constant 6 : i32
      %broadcast_in_dim3A_122 = vector.broadcast %broadcast_in_dim3A_121 : i32 to vector<16xi32>
      %gather3A_123 = tpu.vector_load_idx %arg12[%add3A_104, %broadcast_in_dim3A_122] : memref<128x16xf32, #tpu.memory_space<vmem>>[vector<16xi32>, vector<16xi32>], vector<16xf32>,
      %broadcast_in_dim3A_124 = arith.constant 7 : i32
      %broadcast_in_dim3A_125 = vector.broadcast %broadcast_in_dim3A_124 : i32 to vector<16xi32>
      %gather3A_126 = tpu.vector_load_idx %arg12[%add3A_104, %broadcast_in_dim3A_125] : memref<128x16xf32, #tpu.memory_space<vmem>>[vector<16xi32>, vector<16xi32>], vector<16xf32>,
      %broadcast_in_dim3A_127 = arith.constant 8 : i32
      %broadcast_in_dim3A_128 = vector.broadcast %broadcast_in_dim3A_127 : i32 to vector<16xi32>
      %gather3A_129 = tpu.vector_load_idx %arg12[%add3A_104, %broadcast_in_dim3A_128] : memref<128x16xf32, #tpu.memory_space<vmem>>[vector<16xi32>, vector<16xi32>], vector<16xf32>,
      %broadcast_in_dim3A_130 = arith.constant 9 : i32
      %broadcast_in_dim3A_131 = vector.broadcast %broadcast_in_dim3A_130 : i32 to vector<16xi32>
      %gather3A_132 = tpu.vector_load_idx %arg12[%add3A_104, %broadcast_in_dim3A_131] : memref<128x16xf32, #tpu.memory_space<vmem>>[vector<16xi32>, vector<16xi32>], vector<16xf32>,
      %broadcast_in_dim3A_133 = arith.constant 10 : i32
      %broadcast_in_dim3A_134 = vector.broadcast %broadcast_in_dim3A_133 : i32 to vector<16xi32>
      %gather3A_135 = tpu.vector_load_idx %arg12[%add3A_104, %broadcast_in_dim3A_134] : memref<128x16xf32, #tpu.memory_space<vmem>>[vector<16xi32>, vector<16xi32>], vector<16xf32>,
      %broadcast_in_dim3A_136 = arith.constant 11 : i32
      %broadcast_in_dim3A_137 = vector.broadcast %broadcast_in_dim3A_136 : i32 to vector<16xi32>
      %gather3A_138 = tpu.vector_load_idx %arg12[%add3A_104, %broadcast_in_dim3A_137] : memref<128x16xf32, #tpu.memory_space<vmem>>[vector<16xi32>, vector<16xi32>], vector<16xf32>,
      %broadcast_in_dim3A_139 = arith.constant 12 : i32
      %broadcast_in_dim3A_140 = vector.broadcast %broadcast_in_dim3A_139 : i32 to vector<16xi32>
      %gather3A_141 = tpu.vector_load_idx %arg12[%add3A_104, %broadcast_in_dim3A_140] : memref<128x16xf32, #tpu.memory_space<vmem>>[vector<16xi32>, vector<16xi32>], vector<16xf32>,
      %broadcast_in_dim3A_142 = arith.constant 13 : i32
      %broadcast_in_dim3A_143 = vector.broadcast %broadcast_in_dim3A_142 : i32 to vector<16xi32>
      %gather3A_144 = tpu.vector_load_idx %arg12[%add3A_104, %broadcast_in_dim3A_143] : memref<128x16xf32, #tpu.memory_space<vmem>>[vector<16xi32>, vector<16xi32>], vector<16xf32>,
      %broadcast_in_dim3A_145 = arith.constant 14 : i32
      %broadcast_in_dim3A_146 = vector.broadcast %broadcast_in_dim3A_145 : i32 to vector<16xi32>
      %gather3A_147 = tpu.vector_load_idx %arg12[%add3A_104, %broadcast_in_dim3A_146] : memref<128x16xf32, #tpu.memory_space<vmem>>[vector<16xi32>, vector<16xi32>], vector<16xf32>,
      %broadcast_in_dim3A_148 = arith.constant 15 : i32
      %broadcast_in_dim3A_149 = vector.broadcast %broadcast_in_dim3A_148 : i32 to vector<16xi32>
      %gather3A_150 = tpu.vector_load_idx %arg12[%add3A_104, %broadcast_in_dim3A_149] : memref<128x16xf32, #tpu.memory_space<vmem>>[vector<16xi32>, vector<16xi32>], vector<16xf32>,
      %broadcast_in_dim3A_151 = arith.constant 0 : i32
      %broadcast_in_dim3A_152 = vector.broadcast %broadcast_in_dim3A_151 : i32 to vector<16xi32>
      %gather3A_153 = tpu.vector_load_idx %arg11[%add3A_104, %broadcast_in_dim3A_152] : memref<128x16xf32, #tpu.memory_space<vmem>>[vector<16xi32>, vector<16xi32>], vector<16xf32>,
      %broadcast_in_dim3A_154 = arith.constant 0 : i32
      %broadcast_in_dim3A_155 = vector.broadcast %broadcast_in_dim3A_154 : i32 to vector<16xi32>
      %gather3A_156 = tpu.vector_load_idx %arg9[%add3A_104, %broadcast_in_dim3A_155] : memref<128x128xf32, #tpu.memory_space<vmem>>[vector<16xi32>, vector<16xi32>], vector<16xf32>,
      %mul3A_157 = arith.mulf %gather3A_156, %gather3A : vector<16xf32>
      %add3A_158 = arith.addf %gather3A_153, %mul3A_157 : vector<16xf32>
      %broadcast_in_dim3A_159 = arith.constant 0 : i32
      %broadcast_in_dim3A_160 = vector.broadcast %broadcast_in_dim3A_159 : i32 to vector<16xi32>
      tpu.vector_store_idx %arg13[%add3A_104, %broadcast_in_dim3A_160], %add3A_158 : memref<128x16xf32, #tpu.memory_space<vmem>>[vector<16xi32>, vector<16xi32>], vector<16xf32>,
      %broadcast_in_dim3A_161 = arith.constant 1 : i32
      %broadcast_in_dim3A_162 = vector.broadcast %broadcast_in_dim3A_161 : i32 to vector<16xi32>
      %gather3A_163 = tpu.vector_load_idx %arg11[%add3A_104, %broadcast_in_dim3A_162] : memref<128x16xf32, #tpu.memory_space<vmem>>[vector<16xi32>, vector<16xi32>], vector<16xf32>,
      %broadcast_in_dim3A_164 = arith.constant 16 : i32
      %broadcast_in_dim3A_165 = vector.broadcast %broadcast_in_dim3A_164 : i32 to vector<16xi32>
      %gather3A_166 = tpu.vector_load_idx %arg9[%add3A_104, %broadcast_in_dim3A_165] : memref<128x128xf32, #tpu.memory_space<vmem>>[vector<16xi32>, vector<16xi32>], vector<16xf32>,
      %mul3A_167 = arith.mulf %gather3A_166, %gather3A : vector<16xf32>
      %add3A_168 = arith.addf %gather3A_163, %mul3A_167 : vector<16xf32>
      %broadcast_in_dim3A_169 = arith.constant 17 : i32
      %broadcast_in_dim3A_170 = vector.broadcast %broadcast_in_dim3A_169 : i32 to vector<16xi32>
      %gather3A_171 = tpu.vector_load_idx %arg9[%add3A_104, %broadcast_in_dim3A_170] : memref<128x128xf32, #tpu.memory_space<vmem>>[vector<16xi32>, vector<16xi32>], vector<16xf32>,
      %mul3A_172 = arith.mulf %gather3A_171, %gather3A_108 : vector<16xf32>
      %add3A_173 = arith.addf %add3A_168, %mul3A_172 : vector<16xf32>
      %broadcast_in_dim3A_174 = arith.constant 1 : i32
      %broadcast_in_dim3A_175 = vector.broadcast %broadcast_in_dim3A_174 : i32 to vector<16xi32>
      tpu.vector_store_idx %arg13[%add3A_104, %broadcast_in_dim3A_175], %add3A_173 : memref<128x16xf32, #tpu.memory_space<vmem>>[vector<16xi32>, vector<16xi32>], vector<16xf32>,
      %broadcast_in_dim3A_176 = arith.constant 2 : i32
      %broadcast_in_dim3A_177 = vector.broadcast %broadcast_in_dim3A_176 : i32 to vector<16xi32>
      %gather3A_178 = tpu.vector_load_idx %arg11[%add3A_104, %broadcast_in_dim3A_177] : memref<128x16xf32, #tpu.memory_space<vmem>>[vector<16xi32>, vector<16xi32>], vector<16xf32>,
      %broadcast_in_dim3A_179 = arith.constant 32 : i32
      %broadcast_in_dim3A_180 = vector.broadcast %broadcast_in_dim3A_179 : i32 to vector<16xi32>
      %gather3A_181 = tpu.vector_load_idx %arg9[%add3A_104, %broadcast_in_dim3A_180] : memref<128x128xf32, #tpu.memory_space<vmem>>[vector<16xi32>, vector<16xi32>], vector<16xf32>,
      %mul3A_182 = arith.mulf %gather3A_181, %gather3A : vector<16xf32>
      %add3A_183 = arith.addf %gather3A_178, %mul3A_182 : vector<16xf32>
      %broadcast_in_dim3A_184 = arith.constant 33 : i32
      %broadcast_in_dim3A_185 = vector.broadcast %broadcast_in_dim3A_184 : i32 to vector<16xi32>
      %gather3A_186 = tpu.vector_load_idx %arg9[%add3A_104, %broadcast_in_dim3A_185] : memref<128x128xf32, #tpu.memory_space<vmem>>[vector<16xi32>, vector<16xi32>], vector<16xf32>,
      %mul3A_187 = arith.mulf %gather3A_186, %gather3A_108 : vector<16xf32>
      %broadcast_in_dim3A_188 = arith.constant 34 : i32
      %broadcast_in_dim3A_189 = vector.broadcast %broadcast_in_dim3A_188 : i32 to vector<16xi32>
      %gather3A_190 = tpu.vector_load_idx %arg9[%add3A_104, %broadcast_in_dim3A_189] : memref<128x128xf32, #tpu.memory_space<vmem>>[vector<16xi32>, vector<16xi32>], vector<16xf32>,
      %mul3A_191 = arith.mulf %gather3A_190, %gather3A_111 : vector<16xf32>
      %add3A_192 = arith.addf %add3A_183, %mul3A_191 : vector<16xf32>
      %add3A_193 = arith.addf %add3A_192, %mul3A_187 : vector<16xf32>
      %broadcast_in_dim3A_194 = arith.constant 2 : i32
      %broadcast_in_dim3A_195 = vector.broadcast %broadcast_in_dim3A_194 : i32 to vector<16xi32>
      tpu.vector_store_idx %arg13[%add3A_104, %broadcast_in_dim3A_195], %add3A_193 : memref<128x16xf32, #tpu.memory_space<vmem>>[vector<16xi32>, vector<16xi32>], vector<16xf32>,
      %broadcast_in_dim3A_196 = arith.constant 3 : i32
      %broadcast_in_dim3A_197 = vector.broadcast %broadcast_in_dim3A_196 : i32 to vector<16xi32>
      %gather3A_198 = tpu.vector_load_idx %arg11[%add3A_104, %broadcast_in_dim3A_197] : memref<128x16xf32, #tpu.memory_space<vmem>>[vector<16xi32>, vector<16xi32>], vector<16xf32>,
      %broadcast_in_dim3A_199 = arith.constant 48 : i32
      %broadcast_in_dim3A_200 = vector.broadcast %broadcast_in_dim3A_199 : i32 to vector<16xi32>
      %gather3A_201 = tpu.vector_load_idx %arg9[%add3A_104, %broadcast_in_dim3A_200] : memref<128x128xf32, #tpu.memory_space<vmem>>[vector<16xi32>, vector<16xi32>], vector<16xf32>,
      %mul3A_202 = arith.mulf %gather3A_201, %gather3A : vector<16xf32>
      %add3A_203 = arith.addf %gather3A_198, %mul3A_202 : vector<16xf32>
      %broadcast_in_dim3A_204 = arith.constant 49 : i32
      %broadcast_in_dim3A_205 = vector.broadcast %broadcast_in_dim3A_204 : i32 to vector<16xi32>
      %gather3A_206 = tpu.vector_load_idx %arg9[%add3A_104, %broadcast_in_dim3A_205] : memref<128x128xf32, #tpu.memory_space<vmem>>[vector<16xi32>, vector<16xi32>], vector<16xf32>,
      %mul3A_207 = arith.mulf %gather3A_206, %gather3A_108 : vector<16xf32>
      %broadcast_in_dim3A_208 = arith.constant 50 : i32
      %broadcast_in_dim3A_209 = vector.broadcast %broadcast_in_dim3A_208 : i32 to vector<16xi32>
      %gather3A_210 = tpu.vector_load_idx %arg9[%add3A_104, %broadcast_in_dim3A_209] : memref<128x128xf32, #tpu.memory_space<vmem>>[vector<16xi32>, vector<16xi32>], vector<16xf32>,
      %mul3A_211 = arith.mulf %gather3A_210, %gather3A_111 : vector<16xf32>
      %add3A_212 = arith.addf %add3A_203, %mul3A_211 : vector<16xf32>
      %broadcast_in_dim3A_213 = arith.constant 51 : i32
      %broadcast_in_dim3A_214 = vector.broadcast %broadcast_in_dim3A_213 : i32 to vector<16xi32>
      %gather3A_215 = tpu.vector_load_idx %arg9[%add3A_104, %broadcast_in_dim3A_214] : memref<128x128xf32, #tpu.memory_space<vmem>>[vector<16xi32>, vector<16xi32>], vector<16xf32>,
      %mul3A_216 = arith.mulf %gather3A_215, %gather3A_114 : vector<16xf32>
      %add3A_217 = arith.addf %mul3A_207, %mul3A_216 : vector<16xf32>
      %add3A_218 = arith.addf %add3A_212, %add3A_217 : vector<16xf32>
      %broadcast_in_dim3A_219 = arith.constant 3 : i32
      %broadcast_in_dim3A_220 = vector.broadcast %broadcast_in_dim3A_219 : i32 to vector<16xi32>
      tpu.vector_store_idx %arg13[%add3A_104, %broadcast_in_dim3A_220], %add3A_218 : memref<128x16xf32, #tpu.memory_space<vmem>>[vector<16xi32>, vector<16xi32>], vector<16xf32>,
      %broadcast_in_dim3A_221 = arith.constant 4 : i32
      %broadcast_in_dim3A_222 = vector.broadcast %broadcast_in_dim3A_221 : i32 to vector<16xi32>
      %gather3A_223 = tpu.vector_load_idx %arg11[%add3A_104, %broadcast_in_dim3A_222] : memref<128x16xf32, #tpu.memory_space<vmem>>[vector<16xi32>, vector<16xi32>], vector<16xf32>,
      %broadcast_in_dim3A_224 = arith.constant 64 : i32
      %broadcast_in_dim3A_225 = vector.broadcast %broadcast_in_dim3A_224 : i32 to vector<16xi32>
      %gather3A_226 = tpu.vector_load_idx %arg9[%add3A_104, %broadcast_in_dim3A_225] : memref<128x128xf32, #tpu.memory_space<vmem>>[vector<16xi32>, vector<16xi32>], vector<16xf32>,
      %mul3A_227 = arith.mulf %gather3A_226, %gather3A : vector<16xf32>
      %add3A_228 = arith.addf %gather3A_223, %mul3A_227 : vector<16xf32>
      %broadcast_in_dim3A_229 = arith.constant 65 : i32
      %broadcast_in_dim3A_230 = vector.broadcast %broadcast_in_dim3A_229 : i32 to vector<16xi32>
      %gather3A_231 = tpu.vector_load_idx %arg9[%add3A_104, %broadcast_in_dim3A_230] : memref<128x128xf32, #tpu.memory_space<vmem>>[vector<16xi32>, vector<16xi32>], vector<16xf32>,
      %mul3A_232 = arith.mulf %gather3A_231, %gather3A_108 : vector<16xf32>
      %broadcast_in_dim3A_233 = arith.constant 66 : i32
      %broadcast_in_dim3A_234 = vector.broadcast %broadcast_in_dim3A_233 : i32 to vector<16xi32>
      %gather3A_235 = tpu.vector_load_idx %arg9[%add3A_104, %broadcast_in_dim3A_234] : memref<128x128xf32, #tpu.memory_space<vmem>>[vector<16xi32>, vector<16xi32>], vector<16xf32>,
      %mul3A_236 = arith.mulf %gather3A_235, %gather3A_111 : vector<16xf32>
      %add3A_237 = arith.addf %add3A_228, %mul3A_236 : vector<16xf32>
      %broadcast_in_dim3A_238 = arith.constant 67 : i32
      %broadcast_in_dim3A_239 = vector.broadcast %broadcast_in_dim3A_238 : i32 to vector<16xi32>
      %gather3A_240 = tpu.vector_load_idx %arg9[%add3A_104, %broadcast_in_dim3A_239] : memref<128x128xf32, #tpu.memory_space<vmem>>[vector<16xi32>, vector<16xi32>], vector<16xf32>,
      %mul3A_241 = arith.mulf %gather3A_240, %gather3A_114 : vector<16xf32>
      %add3A_242 = arith.addf %mul3A_232, %mul3A_241 : vector<16xf32>
      %broadcast_in_dim3A_243 = arith.constant 68 : i32
      %broadcast_in_dim3A_244 = vector.broadcast %broadcast_in_dim3A_243 : i32 to vector<16xi32>
      %gather3A_245 = tpu.vector_load_idx %arg9[%add3A_104, %broadcast_in_dim3A_244] : memref<128x128xf32, #tpu.memory_space<vmem>>[vector<16xi32>, vector<16xi32>], vector<16xf32>,
      %mul3A_246 = arith.mulf %gather3A_245, %gather3A_117 : vector<16xf32>
      %add3A_247 = arith.addf %add3A_237, %mul3A_246 : vector<16xf32>
      %add3A_248 = arith.addf %add3A_247, %add3A_242 : vector<16xf32>
      %broadcast_in_dim3A_249 = arith.constant 4 : i32
      %broadcast_in_dim3A_250 = vector.broadcast %broadcast_in_dim3A_249 : i32 to vector<16xi32>
      tpu.vector_store_idx %arg13[%add3A_104, %broadcast_in_dim3A_250], %add3A_248 : memref<128x16xf32, #tpu.memory_space<vmem>>[vector<16xi32>, vector<16xi32>], vector<16xf32>,
      %broadcast_in_dim3A_251 = arith.constant 5 : i32
      %broadcast_in_dim3A_252 = vector.broadcast %broadcast_in_dim3A_251 : i32 to vector<16xi32>
      %gather3A_253 = tpu.vector_load_idx %arg11[%add3A_104, %broadcast_in_dim3A_252] : memref<128x16xf32, #tpu.memory_space<vmem>>[vector<16xi32>, vector<16xi32>], vector<16xf32>,
      %broadcast_in_dim3A_254 = arith.constant 80 : i32
      %broadcast_in_dim3A_255 = vector.broadcast %broadcast_in_dim3A_254 : i32 to vector<16xi32>
      %gather3A_256 = tpu.vector_load_idx %arg9[%add3A_104, %broadcast_in_dim3A_255] : memref<128x128xf32, #tpu.memory_space<vmem>>[vector<16xi32>, vector<16xi32>], vector<16xf32>,
      %mul3A_257 = arith.mulf %gather3A_256, %gather3A : vector<16xf32>
      %add3A_258 = arith.addf %gather3A_253, %mul3A_257 : vector<16xf32>
      %broadcast_in_dim3A_259 = arith.constant 81 : i32
      %broadcast_in_dim3A_260 = vector.broadcast %broadcast_in_dim3A_259 : i32 to vector<16xi32>
      %gather3A_261 = tpu.vector_load_idx %arg9[%add3A_104, %broadcast_in_dim3A_260] : memref<128x128xf32, #tpu.memory_space<vmem>>[vector<16xi32>, vector<16xi32>], vector<16xf32>,
      %mul3A_262 = arith.mulf %gather3A_261, %gather3A_108 : vector<16xf32>
      %broadcast_in_dim3A_263 = arith.constant 82 : i32
      %broadcast_in_dim3A_264 = vector.broadcast %broadcast_in_dim3A_263 : i32 to vector<16xi32>
      %gather3A_265 = tpu.vector_load_idx %arg9[%add3A_104, %broadcast_in_dim3A_264] : memref<128x128xf32, #tpu.memory_space<vmem>>[vector<16xi32>, vector<16xi32>], vector<16xf32>,
      %mul3A_266 = arith.mulf %gather3A_265, %gather3A_111 : vector<16xf32>
      %add3A_267 = arith.addf %add3A_258, %mul3A_266 : vector<16xf32>
      %broadcast_in_dim3A_268 = arith.constant 83 : i32
      %broadcast_in_dim3A_269 = vector.broadcast %broadcast_in_dim3A_268 : i32 to vector<16xi32>
      %gather3A_270 = tpu.vector_load_idx %arg9[%add3A_104, %broadcast_in_dim3A_269] : memref<128x128xf32, #tpu.memory_space<vmem>>[vector<16xi32>, vector<16xi32>], vector<16xf32>,
      %mul3A_271 = arith.mulf %gather3A_270, %gather3A_114 : vector<16xf32>
      %add3A_272 = arith.addf %mul3A_262, %mul3A_271 : vector<16xf32>
      %broadcast_in_dim3A_273 = arith.constant 84 : i32
      %broadcast_in_dim3A_274 = vector.broadcast %broadcast_in_dim3A_273 : i32 to vector<16xi32>
      %gather3A_275 = tpu.vector_load_idx %arg9[%add3A_104, %broadcast_in_dim3A_274] : memref<128x128xf32, #tpu.memory_space<vmem>>[vector<16xi32>, vector<16xi32>], vector<16xf32>,
      %mul3A_276 = arith.mulf %gather3A_275, %gather3A_117 : vector<16xf32>
      %add3A_277 = arith.addf %add3A_267, %mul3A_276 : vector<16xf32>
      %broadcast_in_dim3A_278 = arith.constant 85 : i32
      %broadcast_in_dim3A_279 = vector.broadcast %broadcast_in_dim3A_278 : i32 to vector<16xi32>
      %gather3A_280 = tpu.vector_load_idx %arg9[%add3A_104, %broadcast_in_dim3A_279] : memref<128x128xf32, #tpu.memory_space<vmem>>[vector<16xi32>, vector<16xi32>], vector<16xf32>,
      %mul3A_281 = arith.mulf %gather3A_280, %gather3A_120 : vector<16xf32>
      %add3A_282 = arith.addf %add3A_272, %mul3A_281 : vector<16xf32>
      %add3A_283 = arith.addf %add3A_277, %add3A_282 : vector<16xf32>
      %broadcast_in_dim3A_284 = arith.constant 5 : i32
      %broadcast_in_dim3A_285 = vector.broadcast %broadcast_in_dim3A_284 : i32 to vector<16xi32>
      tpu.vector_store_idx %arg13[%add3A_104, %broadcast_in_dim3A_285], %add3A_283 : memref<128x16xf32, #tpu.memory_space<vmem>>[vector<16xi32>, vector<16xi32>], vector<16xf32>,
      %broadcast_in_dim3A_286 = arith.constant 6 : i32
      %broadcast_in_dim3A_287 = vector.broadcast %broadcast_in_dim3A_286 : i32 to vector<16xi32>
      %gather3A_288 = tpu.vector_load_idx %arg11[%add3A_104, %broadcast_in_dim3A_287] : memref<128x16xf32, #tpu.memory_space<vmem>>[vector<16xi32>, vector<16xi32>], vector<16xf32>,
      %broadcast_in_dim3A_289 = arith.constant 96 : i32
      %broadcast_in_dim3A_290 = vector.broadcast %broadcast_in_dim3A_289 : i32 to vector<16xi32>
      %gather3A_291 = tpu.vector_load_idx %arg9[%add3A_104, %broadcast_in_dim3A_290] : memref<128x128xf32, #tpu.memory_space<vmem>>[vector<16xi32>, vector<16xi32>], vector<16xf32>,
      %mul3A_292 = arith.mulf %gather3A_291, %gather3A : vector<16xf32>
      %add3A_293 = arith.addf %gather3A_288, %mul3A_292 : vector<16xf32>
      %broadcast_in_dim3A_294 = arith.constant 97 : i32
      %broadcast_in_dim3A_295 = vector.broadcast %broadcast_in_dim3A_294 : i32 to vector<16xi32>
      %gather3A_296 = tpu.vector_load_idx %arg9[%add3A_104, %broadcast_in_dim3A_295] : memref<128x128xf32, #tpu.memory_space<vmem>>[vector<16xi32>, vector<16xi32>], vector<16xf32>,
      %mul3A_297 = arith.mulf %gather3A_296, %gather3A_108 : vector<16xf32>
      %broadcast_in_dim3A_298 = arith.constant 98 : i32
      %broadcast_in_dim3A_299 = vector.broadcast %broadcast_in_dim3A_298 : i32 to vector<16xi32>
      %gather3A_300 = tpu.vector_load_idx %arg9[%add3A_104, %broadcast_in_dim3A_299] : memref<128x128xf32, #tpu.memory_space<vmem>>[vector<16xi32>, vector<16xi32>], vector<16xf32>,
      %mul3A_301 = arith.mulf %gather3A_300, %gather3A_111 : vector<16xf32>
      %add3A_302 = arith.addf %add3A_293, %mul3A_301 : vector<16xf32>
      %broadcast_in_dim3A_303 = arith.constant 99 : i32
      %broadcast_in_dim3A_304 = vector.broadcast %broadcast_in_dim3A_303 : i32 to vector<16xi32>
      %gather3A_305 = tpu.vector_load_idx %arg9[%add3A_104, %broadcast_in_dim3A_304] : memref<128x128xf32, #tpu.memory_space<vmem>>[vector<16xi32>, vector<16xi32>], vector<16xf32>,
      %mul3A_306 = arith.mulf %gather3A_305, %gather3A_114 : vector<16xf32>
      %add3A_307 = arith.addf %mul3A_297, %mul3A_306 : vector<16xf32>
      %broadcast_in_dim3A_308 = arith.constant 100 : i32
      %broadcast_in_dim3A_309 = vector.broadcast %broadcast_in_dim3A_308 : i32 to vector<16xi32>
      %gather3A_310 = tpu.vector_load_idx %arg9[%add3A_104, %broadcast_in_dim3A_309] : memref<128x128xf32, #tpu.memory_space<vmem>>[vector<16xi32>, vector<16xi32>], vector<16xf32>,
      %mul3A_311 = arith.mulf %gather3A_310, %gather3A_117 : vector<16xf32>
      %add3A_312 = arith.addf %add3A_302, %mul3A_311 : vector<16xf32>
      %broadcast_in_dim3A_313 = arith.constant 101 : i32
      %broadcast_in_dim3A_314 = vector.broadcast %broadcast_in_dim3A_313 : i32 to vector<16xi32>
      %gather3A_315 = tpu.vector_load_idx %arg9[%add3A_104, %broadcast_in_dim3A_314] : memref<128x128xf32, #tpu.memory_space<vmem>>[vector<16xi32>, vector<16xi32>], vector<16xf32>,
      %mul3A_316 = arith.mulf %gather3A_315, %gather3A_120 : vector<16xf32>
      %add3A_317 = arith.addf %add3A_307, %mul3A_316 : vector<16xf32>
      %broadcast_in_dim3A_318 = arith.constant 102 : i32
      %broadcast_in_dim3A_319 = vector.broadcast %broadcast_in_dim3A_318 : i32 to vector<16xi32>
      %gather3A_320 = tpu.vector_load_idx %arg9[%add3A_104, %broadcast_in_dim3A_319] : memref<128x128xf32, #tpu.memory_space<vmem>>[vector<16xi32>, vector<16xi32>], vector<16xf32>,
      %mul3A_321 = arith.mulf %gather3A_320, %gather3A_123 : vector<16xf32>
      %add3A_322 = arith.addf %add3A_312, %mul3A_321 : vector<16xf32>
      %add3A_323 = arith.addf %add3A_322, %add3A_317 : vector<16xf32>
      %broadcast_in_dim3A_324 = arith.constant 6 : i32
      %broadcast_in_dim3A_325 = vector.broadcast %broadcast_in_dim3A_324 : i32 to vector<16xi32>
      tpu.vector_store_idx %arg13[%add3A_104, %broadcast_in_dim3A_325], %add3A_323 : memref<128x16xf32, #tpu.memory_space<vmem>>[vector<16xi32>, vector<16xi32>], vector<16xf32>,
      %broadcast_in_dim3A_326 = arith.constant 7 : i32
      %broadcast_in_dim3A_327 = vector.broadcast %broadcast_in_dim3A_326 : i32 to vector<16xi32>
      %gather3A_328 = tpu.vector_load_idx %arg11[%add3A_104, %broadcast_in_dim3A_327] : memref<128x16xf32, #tpu.memory_space<vmem>>[vector<16xi32>, vector<16xi32>], vector<16xf32>,
      %broadcast_in_dim3A_329 = arith.constant 112 : i32
      %broadcast_in_dim3A_330 = vector.broadcast %broadcast_in_dim3A_329 : i32 to vector<16xi32>
      %gather3A_331 = tpu.vector_load_idx %arg9[%add3A_104, %broadcast_in_dim3A_330] : memref<128x128xf32, #tpu.memory_space<vmem>>[vector<16xi32>, vector<16xi32>], vector<16xf32>,
      %mul3A_332 = arith.mulf %gather3A_331, %gather3A : vector<16xf32>
      %add3A_333 = arith.addf %gather3A_328, %mul3A_332 : vector<16xf32>
      %broadcast_in_dim3A_334 = arith.constant 113 : i32
      %broadcast_in_dim3A_335 = vector.broadcast %broadcast_in_dim3A_334 : i32 to vector<16xi32>
      %gather3A_336 = tpu.vector_load_idx %arg9[%add3A_104, %broadcast_in_dim3A_335] : memref<128x128xf32, #tpu.memory_space<vmem>>[vector<16xi32>, vector<16xi32>], vector<16xf32>,
      %mul3A_337 = arith.mulf %gather3A_336, %gather3A_108 : vector<16xf32>
      %broadcast_in_dim3A_338 = arith.constant 114 : i32
      %broadcast_in_dim3A_339 = vector.broadcast %broadcast_in_dim3A_338 : i32 to vector<16xi32>
      %gather3A_340 = tpu.vector_load_idx %arg9[%add3A_104, %broadcast_in_dim3A_339] : memref<128x128xf32, #tpu.memory_space<vmem>>[vector<16xi32>, vector<16xi32>], vector<16xf32>,
      %mul3A_341 = arith.mulf %gather3A_340, %gather3A_111 : vector<16xf32>
      %add3A_342 = arith.addf %add3A_333, %mul3A_341 : vector<16xf32>
      %broadcast_in_dim3A_343 = arith.constant 115 : i32
      %broadcast_in_dim3A_344 = vector.broadcast %broadcast_in_dim3A_343 : i32 to vector<16xi32>
      %gather3A_345 = tpu.vector_load_idx %arg9[%add3A_104, %broadcast_in_dim3A_344] : memref<128x128xf32, #tpu.memory_space<vmem>>[vector<16xi32>, vector<16xi32>], vector<16xf32>,
      %mul3A_346 = arith.mulf %gather3A_345, %gather3A_114 : vector<16xf32>
      %add3A_347 = arith.addf %mul3A_337, %mul3A_346 : vector<16xf32>
      %broadcast_in_dim3A_348 = arith.constant 116 : i32
      %broadcast_in_dim3A_349 = vector.broadcast %broadcast_in_dim3A_348 : i32 to vector<16xi32>
      %gather3A_350 = tpu.vector_load_idx %arg9[%add3A_104, %broadcast_in_dim3A_349] : memref<128x128xf32, #tpu.memory_space<vmem>>[vector<16xi32>, vector<16xi32>], vector<16xf32>,
      %mul3A_351 = arith.mulf %gather3A_350, %gather3A_117 : vector<16xf32>
      %add3A_352 = arith.addf %add3A_342, %mul3A_351 : vector<16xf32>
      %broadcast_in_dim3A_353 = arith.constant 117 : i32
      %broadcast_in_dim3A_354 = vector.broadcast %broadcast_in_dim3A_353 : i32 to vector<16xi32>
      %gather3A_355 = tpu.vector_load_idx %arg9[%add3A_104, %broadcast_in_dim3A_354] : memref<128x128xf32, #tpu.memory_space<vmem>>[vector<16xi32>, vector<16xi32>], vector<16xf32>,
      %mul3A_356 = arith.mulf %gather3A_355, %gather3A_120 : vector<16xf32>
      %add3A_357 = arith.addf %add3A_347, %mul3A_356 : vector<16xf32>
      %broadcast_in_dim3A_358 = arith.constant 118 : i32
      %broadcast_in_dim3A_359 = vector.broadcast %broadcast_in_dim3A_358 : i32 to vector<16xi32>
      %gather3A_360 = tpu.vector_load_idx %arg9[%add3A_104, %broadcast_in_dim3A_359] : memref<128x128xf32, #tpu.memory_space<vmem>>[vector<16xi32>, vector<16xi32>], vector<16xf32>,
      %mul3A_361 = arith.mulf %gather3A_360, %gather3A_123 : vector<16xf32>
      %add3A_362 = arith.addf %add3A_352, %mul3A_361 : vector<16xf32>
      %broadcast_in_dim3A_363 = arith.constant 119 : i32
      %broadcast_in_dim3A_364 = vector.broadcast %broadcast_in_dim3A_363 : i32 to vector<16xi32>
      %gather3A_365 = tpu.vector_load_idx %arg9[%add3A_104, %broadcast_in_dim3A_364] : memref<128x128xf32, #tpu.memory_space<vmem>>[vector<16xi32>, vector<16xi32>], vector<16xf32>,
      %mul3A_366 = arith.mulf %gather3A_365, %gather3A_126 : vector<16xf32>
      %add3A_367 = arith.addf %add3A_357, %mul3A_366 : vector<16xf32>
      %add3A_368 = arith.addf %add3A_362, %add3A_367 : vector<16xf32>
      %broadcast_in_dim3A_369 = arith.constant 7 : i32
      %broadcast_in_dim3A_370 = vector.broadcast %broadcast_in_dim3A_369 : i32 to vector<16xi32>
      tpu.vector_store_idx %arg13[%add3A_104, %broadcast_in_dim3A_370], %add3A_368 : memref<128x16xf32, #tpu.memory_space<vmem>>[vector<16xi32>, vector<16xi32>], vector<16xf32>,
      %broadcast_in_dim3A_371 = arith.constant 8 : i32
      %broadcast_in_dim3A_372 = vector.broadcast %broadcast_in_dim3A_371 : i32 to vector<16xi32>
      %gather3A_373 = tpu.vector_load_idx %arg11[%add3A_104, %broadcast_in_dim3A_372] : memref<128x16xf32, #tpu.memory_space<vmem>>[vector<16xi32>, vector<16xi32>], vector<16xf32>,
      %broadcast_in_dim3A_374 = arith.constant 0 : i32
      %broadcast_in_dim3A_375 = vector.broadcast %broadcast_in_dim3A_374 : i32 to vector<16xi32>
      %gather3A_376 = tpu.vector_load_idx %arg10[%add3A_104, %broadcast_in_dim3A_375] : memref<128x128xf32, #tpu.memory_space<vmem>>[vector<16xi32>, vector<16xi32>], vector<16xf32>,
      %mul3A_377 = arith.mulf %gather3A_376, %gather3A : vector<16xf32>
      %add3A_378 = arith.addf %gather3A_373, %mul3A_377 : vector<16xf32>
      %broadcast_in_dim3A_379 = arith.constant 1 : i32
      %broadcast_in_dim3A_380 = vector.broadcast %broadcast_in_dim3A_379 : i32 to vector<16xi32>
      %gather3A_381 = tpu.vector_load_idx %arg10[%add3A_104, %broadcast_in_dim3A_380] : memref<128x128xf32, #tpu.memory_space<vmem>>[vector<16xi32>, vector<16xi32>], vector<16xf32>,
      %mul3A_382 = arith.mulf %gather3A_381, %gather3A_108 : vector<16xf32>
      %broadcast_in_dim3A_383 = arith.constant 2 : i32
      %broadcast_in_dim3A_384 = vector.broadcast %broadcast_in_dim3A_383 : i32 to vector<16xi32>
      %gather3A_385 = tpu.vector_load_idx %arg10[%add3A_104, %broadcast_in_dim3A_384] : memref<128x128xf32, #tpu.memory_space<vmem>>[vector<16xi32>, vector<16xi32>], vector<16xf32>,
      %mul3A_386 = arith.mulf %gather3A_385, %gather3A_111 : vector<16xf32>
      %add3A_387 = arith.addf %add3A_378, %mul3A_386 : vector<16xf32>
      %broadcast_in_dim3A_388 = arith.constant 3 : i32
      %broadcast_in_dim3A_389 = vector.broadcast %broadcast_in_dim3A_388 : i32 to vector<16xi32>
      %gather3A_390 = tpu.vector_load_idx %arg10[%add3A_104, %broadcast_in_dim3A_389] : memref<128x128xf32, #tpu.memory_space<vmem>>[vector<16xi32>, vector<16xi32>], vector<16xf32>,
      %mul3A_391 = arith.mulf %gather3A_390, %gather3A_114 : vector<16xf32>
      %add3A_392 = arith.addf %mul3A_382, %mul3A_391 : vector<16xf32>
      %broadcast_in_dim3A_393 = arith.constant 4 : i32
      %broadcast_in_dim3A_394 = vector.broadcast %broadcast_in_dim3A_393 : i32 to vector<16xi32>
      %gather3A_395 = tpu.vector_load_idx %arg10[%add3A_104, %broadcast_in_dim3A_394] : memref<128x128xf32, #tpu.memory_space<vmem>>[vector<16xi32>, vector<16xi32>], vector<16xf32>,
      %mul3A_396 = arith.mulf %gather3A_395, %gather3A_117 : vector<16xf32>
      %add3A_397 = arith.addf %add3A_387, %mul3A_396 : vector<16xf32>
      %broadcast_in_dim3A_398 = arith.constant 5 : i32
      %broadcast_in_dim3A_399 = vector.broadcast %broadcast_in_dim3A_398 : i32 to vector<16xi32>
      %gather3A_400 = tpu.vector_load_idx %arg10[%add3A_104, %broadcast_in_dim3A_399] : memref<128x128xf32, #tpu.memory_space<vmem>>[vector<16xi32>, vector<16xi32>], vector<16xf32>,
      %mul3A_401 = arith.mulf %gather3A_400, %gather3A_120 : vector<16xf32>
      %add3A_402 = arith.addf %add3A_392, %mul3A_401 : vector<16xf32>
      %broadcast_in_dim3A_403 = arith.constant 6 : i32
      %broadcast_in_dim3A_404 = vector.broadcast %broadcast_in_dim3A_403 : i32 to vector<16xi32>
      %gather3A_405 = tpu.vector_load_idx %arg10[%add3A_104, %broadcast_in_dim3A_404] : memref<128x128xf32, #tpu.memory_space<vmem>>[vector<16xi32>, vector<16xi32>], vector<16xf32>,
      %mul3A_406 = arith.mulf %gather3A_405, %gather3A_123 : vector<16xf32>
      %add3A_407 = arith.addf %add3A_397, %mul3A_406 : vector<16xf32>
      %broadcast_in_dim3A_408 = arith.constant 7 : i32
      %broadcast_in_dim3A_409 = vector.broadcast %broadcast_in_dim3A_408 : i32 to vector<16xi32>
      %gather3A_410 = tpu.vector_load_idx %arg10[%add3A_104, %broadcast_in_dim3A_409] : memref<128x128xf32, #tpu.memory_space<vmem>>[vector<16xi32>, vector<16xi32>], vector<16xf32>,
      %mul3A_411 = arith.mulf %gather3A_410, %gather3A_126 : vector<16xf32>
      %add3A_412 = arith.addf %add3A_402, %mul3A_411 : vector<16xf32>
      %broadcast_in_dim3A_413 = arith.constant 8 : i32
      %broadcast_in_dim3A_414 = vector.broadcast %broadcast_in_dim3A_413 : i32 to vector<16xi32>
      %gather3A_415 = tpu.vector_load_idx %arg10[%add3A_104, %broadcast_in_dim3A_414] : memref<128x128xf32, #tpu.memory_space<vmem>>[vector<16xi32>, vector<16xi32>], vector<16xf32>,
      %mul3A_416 = arith.mulf %gather3A_415, %gather3A_129 : vector<16xf32>
      %add3A_417 = arith.addf %add3A_407, %mul3A_416 : vector<16xf32>
      %add3A_418 = arith.addf %add3A_417, %add3A_412 : vector<16xf32>
      %broadcast_in_dim3A_419 = arith.constant 8 : i32
      %broadcast_in_dim3A_420 = vector.broadcast %broadcast_in_dim3A_419 : i32 to vector<16xi32>
      tpu.vector_store_idx %arg13[%add3A_104, %broadcast_in_dim3A_420], %add3A_418 : memref<128x16xf32, #tpu.memory_space<vmem>>[vector<16xi32>, vector<16xi32>], vector<16xf32>,
      %broadcast_in_dim3A_421 = arith.constant 9 : i32
      %broadcast_in_dim3A_422 = vector.broadcast %broadcast_in_dim3A_421 : i32 to vector<16xi32>
      %gather3A_423 = tpu.vector_load_idx %arg11[%add3A_104, %broadcast_in_dim3A_422] : memref<128x16xf32, #tpu.memory_space<vmem>>[vector<16xi32>, vector<16xi32>], vector<16xf32>,
      %broadcast_in_dim3A_424 = arith.constant 16 : i32
      %broadcast_in_dim3A_425 = vector.broadcast %broadcast_in_dim3A_424 : i32 to vector<16xi32>
      %gather3A_426 = tpu.vector_load_idx %arg10[%add3A_104, %broadcast_in_dim3A_425] : memref<128x128xf32, #tpu.memory_space<vmem>>[vector<16xi32>, vector<16xi32>], vector<16xf32>,
      %mul3A_427 = arith.mulf %gather3A_426, %gather3A : vector<16xf32>
      %add3A_428 = arith.addf %gather3A_423, %mul3A_427 : vector<16xf32>
      %broadcast_in_dim3A_429 = arith.constant 17 : i32
      %broadcast_in_dim3A_430 = vector.broadcast %broadcast_in_dim3A_429 : i32 to vector<16xi32>
      %gather3A_431 = tpu.vector_load_idx %arg10[%add3A_104, %broadcast_in_dim3A_430] : memref<128x128xf32, #tpu.memory_space<vmem>>[vector<16xi32>, vector<16xi32>], vector<16xf32>,
      %mul3A_432 = arith.mulf %gather3A_431, %gather3A_108 : vector<16xf32>
      %broadcast_in_dim3A_433 = arith.constant 18 : i32
      %broadcast_in_dim3A_434 = vector.broadcast %broadcast_in_dim3A_433 : i32 to vector<16xi32>
      %gather3A_435 = tpu.vector_load_idx %arg10[%add3A_104, %broadcast_in_dim3A_434] : memref<128x128xf32, #tpu.memory_space<vmem>>[vector<16xi32>, vector<16xi32>], vector<16xf32>,
      %mul3A_436 = arith.mulf %gather3A_435, %gather3A_111 : vector<16xf32>
      %add3A_437 = arith.addf %add3A_428, %mul3A_436 : vector<16xf32>
      %broadcast_in_dim3A_438 = arith.constant 19 : i32
      %broadcast_in_dim3A_439 = vector.broadcast %broadcast_in_dim3A_438 : i32 to vector<16xi32>
      %gather3A_440 = tpu.vector_load_idx %arg10[%add3A_104, %broadcast_in_dim3A_439] : memref<128x128xf32, #tpu.memory_space<vmem>>[vector<16xi32>, vector<16xi32>], vector<16xf32>,
      %mul3A_441 = arith.mulf %gather3A_440, %gather3A_114 : vector<16xf32>
      %add3A_442 = arith.addf %mul3A_432, %mul3A_441 : vector<16xf32>
      %broadcast_in_dim3A_443 = arith.constant 20 : i32
      %broadcast_in_dim3A_444 = vector.broadcast %broadcast_in_dim3A_443 : i32 to vector<16xi32>
      %gather3A_445 = tpu.vector_load_idx %arg10[%add3A_104, %broadcast_in_dim3A_444] : memref<128x128xf32, #tpu.memory_space<vmem>>[vector<16xi32>, vector<16xi32>], vector<16xf32>,
      %mul3A_446 = arith.mulf %gather3A_445, %gather3A_117 : vector<16xf32>
      %add3A_447 = arith.addf %add3A_437, %mul3A_446 : vector<16xf32>
      %broadcast_in_dim3A_448 = arith.constant 21 : i32
      %broadcast_in_dim3A_449 = vector.broadcast %broadcast_in_dim3A_448 : i32 to vector<16xi32>
      %gather3A_450 = tpu.vector_load_idx %arg10[%add3A_104, %broadcast_in_dim3A_449] : memref<128x128xf32, #tpu.memory_space<vmem>>[vector<16xi32>, vector<16xi32>], vector<16xf32>,
      %mul3A_451 = arith.mulf %gather3A_450, %gather3A_120 : vector<16xf32>
      %add3A_452 = arith.addf %add3A_442, %mul3A_451 : vector<16xf32>
      %broadcast_in_dim3A_453 = arith.constant 22 : i32
      %broadcast_in_dim3A_454 = vector.broadcast %broadcast_in_dim3A_453 : i32 to vector<16xi32>
      %gather3A_455 = tpu.vector_load_idx %arg10[%add3A_104, %broadcast_in_dim3A_454] : memref<128x128xf32, #tpu.memory_space<vmem>>[vector<16xi32>, vector<16xi32>], vector<16xf32>,
      %mul3A_456 = arith.mulf %gather3A_455, %gather3A_123 : vector<16xf32>
      %add3A_457 = arith.addf %add3A_447, %mul3A_456 : vector<16xf32>
      %broadcast_in_dim3A_458 = arith.constant 23 : i32
      %broadcast_in_dim3A_459 = vector.broadcast %broadcast_in_dim3A_458 : i32 to vector<16xi32>
      %gather3A_460 = tpu.vector_load_idx %arg10[%add3A_104, %broadcast_in_dim3A_459] : memref<128x128xf32, #tpu.memory_space<vmem>>[vector<16xi32>, vector<16xi32>], vector<16xf32>,
      %mul3A_461 = arith.mulf %gather3A_460, %gather3A_126 : vector<16xf32>
      %add3A_462 = arith.addf %add3A_452, %mul3A_461 : vector<16xf32>
      %broadcast_in_dim3A_463 = arith.constant 24 : i32
      %broadcast_in_dim3A_464 = vector.broadcast %broadcast_in_dim3A_463 : i32 to vector<16xi32>
      %gather3A_465 = tpu.vector_load_idx %arg10[%add3A_104, %broadcast_in_dim3A_464] : memref<128x128xf32, #tpu.memory_space<vmem>>[vector<16xi32>, vector<16xi32>], vector<16xf32>,
      %mul3A_466 = arith.mulf %gather3A_465, %gather3A_129 : vector<16xf32>
      %add3A_467 = arith.addf %add3A_457, %mul3A_466 : vector<16xf32>
      %broadcast_in_dim3A_468 = arith.constant 25 : i32
      %broadcast_in_dim3A_469 = vector.broadcast %broadcast_in_dim3A_468 : i32 to vector<16xi32>
      %gather3A_470 = tpu.vector_load_idx %arg10[%add3A_104, %broadcast_in_dim3A_469] : memref<128x128xf32, #tpu.memory_space<vmem>>[vector<16xi32>, vector<16xi32>], vector<16xf32>,
      %mul3A_471 = arith.mulf %gather3A_470, %gather3A_132 : vector<16xf32>
      %add3A_472 = arith.addf %add3A_462, %mul3A_471 : vector<16xf32>
      %add3A_473 = arith.addf %add3A_467, %add3A_472 : vector<16xf32>
      %broadcast_in_dim3A_474 = arith.constant 9 : i32
      %broadcast_in_dim3A_475 = vector.broadcast %broadcast_in_dim3A_474 : i32 to vector<16xi32>
      tpu.vector_store_idx %arg13[%add3A_104, %broadcast_in_dim3A_475], %add3A_473 : memref<128x16xf32, #tpu.memory_space<vmem>>[vector<16xi32>, vector<16xi32>], vector<16xf32>,
      %broadcast_in_dim3A_476 = arith.constant 10 : i32
      %broadcast_in_dim3A_477 = vector.broadcast %broadcast_in_dim3A_476 : i32 to vector<16xi32>
      %gather3A_478 = tpu.vector_load_idx %arg11[%add3A_104, %broadcast_in_dim3A_477] : memref<128x16xf32, #tpu.memory_space<vmem>>[vector<16xi32>, vector<16xi32>], vector<16xf32>,
      %broadcast_in_dim3A_479 = arith.constant 32 : i32
      %broadcast_in_dim3A_480 = vector.broadcast %broadcast_in_dim3A_479 : i32 to vector<16xi32>
      %gather3A_481 = tpu.vector_load_idx %arg10[%add3A_104, %broadcast_in_dim3A_480] : memref<128x128xf32, #tpu.memory_space<vmem>>[vector<16xi32>, vector<16xi32>], vector<16xf32>,
      %mul3A_482 = arith.mulf %gather3A_481, %gather3A : vector<16xf32>
      %add3A_483 = arith.addf %gather3A_478, %mul3A_482 : vector<16xf32>
      %broadcast_in_dim3A_484 = arith.constant 33 : i32
      %broadcast_in_dim3A_485 = vector.broadcast %broadcast_in_dim3A_484 : i32 to vector<16xi32>
      %gather3A_486 = tpu.vector_load_idx %arg10[%add3A_104, %broadcast_in_dim3A_485] : memref<128x128xf32, #tpu.memory_space<vmem>>[vector<16xi32>, vector<16xi32>], vector<16xf32>,
      %mul3A_487 = arith.mulf %gather3A_486, %gather3A_108 : vector<16xf32>
      %broadcast_in_dim3A_488 = arith.constant 34 : i32
      %broadcast_in_dim3A_489 = vector.broadcast %broadcast_in_dim3A_488 : i32 to vector<16xi32>
      %gather3A_490 = tpu.vector_load_idx %arg10[%add3A_104, %broadcast_in_dim3A_489] : memref<128x128xf32, #tpu.memory_space<vmem>>[vector<16xi32>, vector<16xi32>], vector<16xf32>,
      %mul3A_491 = arith.mulf %gather3A_490, %gather3A_111 : vector<16xf32>
      %add3A_492 = arith.addf %add3A_483, %mul3A_491 : vector<16xf32>
      %broadcast_in_dim3A_493 = arith.constant 35 : i32
      %broadcast_in_dim3A_494 = vector.broadcast %broadcast_in_dim3A_493 : i32 to vector<16xi32>
      %gather3A_495 = tpu.vector_load_idx %arg10[%add3A_104, %broadcast_in_dim3A_494] : memref<128x128xf32, #tpu.memory_space<vmem>>[vector<16xi32>, vector<16xi32>], vector<16xf32>,
      %mul3A_496 = arith.mulf %gather3A_495, %gather3A_114 : vector<16xf32>
      %add3A_497 = arith.addf %mul3A_487, %mul3A_496 : vector<16xf32>
      %broadcast_in_dim3A_498 = arith.constant 36 : i32
      %broadcast_in_dim3A_499 = vector.broadcast %broadcast_in_dim3A_498 : i32 to vector<16xi32>
      %gather3A_500 = tpu.vector_load_idx %arg10[%add3A_104, %broadcast_in_dim3A_499] : memref<128x128xf32, #tpu.memory_space<vmem>>[vector<16xi32>, vector<16xi32>], vector<16xf32>,
      %mul3A_501 = arith.mulf %gather3A_500, %gather3A_117 : vector<16xf32>
      %add3A_502 = arith.addf %add3A_492, %mul3A_501 : vector<16xf32>
      %broadcast_in_dim3A_503 = arith.constant 37 : i32
      %broadcast_in_dim3A_504 = vector.broadcast %broadcast_in_dim3A_503 : i32 to vector<16xi32>
      %gather3A_505 = tpu.vector_load_idx %arg10[%add3A_104, %broadcast_in_dim3A_504] : memref<128x128xf32, #tpu.memory_space<vmem>>[vector<16xi32>, vector<16xi32>], vector<16xf32>,
      %mul3A_506 = arith.mulf %gather3A_505, %gather3A_120 : vector<16xf32>
      %add3A_507 = arith.addf %add3A_497, %mul3A_506 : vector<16xf32>
      %broadcast_in_dim3A_508 = arith.constant 38 : i32
      %broadcast_in_dim3A_509 = vector.broadcast %broadcast_in_dim3A_508 : i32 to vector<16xi32>
      %gather3A_510 = tpu.vector_load_idx %arg10[%add3A_104, %broadcast_in_dim3A_509] : memref<128x128xf32, #tpu.memory_space<vmem>>[vector<16xi32>, vector<16xi32>], vector<16xf32>,
      %mul3A_511 = arith.mulf %gather3A_510, %gather3A_123 : vector<16xf32>
      %add3A_512 = arith.addf %add3A_502, %mul3A_511 : vector<16xf32>
      %broadcast_in_dim3A_513 = arith.constant 39 : i32
      %broadcast_in_dim3A_514 = vector.broadcast %broadcast_in_dim3A_513 : i32 to vector<16xi32>
      %gather3A_515 = tpu.vector_load_idx %arg10[%add3A_104, %broadcast_in_dim3A_514] : memref<128x128xf32, #tpu.memory_space<vmem>>[vector<16xi32>, vector<16xi32>], vector<16xf32>,
      %mul3A_516 = arith.mulf %gather3A_515, %gather3A_126 : vector<16xf32>
      %add3A_517 = arith.addf %add3A_507, %mul3A_516 : vector<16xf32>
      %broadcast_in_dim3A_518 = arith.constant 40 : i32
      %broadcast_in_dim3A_519 = vector.broadcast %broadcast_in_dim3A_518 : i32 to vector<16xi32>
      %gather3A_520 = tpu.vector_load_idx %arg10[%add3A_104, %broadcast_in_dim3A_519] : memref<128x128xf32, #tpu.memory_space<vmem>>[vector<16xi32>, vector<16xi32>], vector<16xf32>,
      %mul3A_521 = arith.mulf %gather3A_520, %gather3A_129 : vector<16xf32>
      %add3A_522 = arith.addf %add3A_512, %mul3A_521 : vector<16xf32>
      %broadcast_in_dim3A_523 = arith.constant 41 : i32
      %broadcast_in_dim3A_524 = vector.broadcast %broadcast_in_dim3A_523 : i32 to vector<16xi32>
      %gather3A_525 = tpu.vector_load_idx %arg10[%add3A_104, %broadcast_in_dim3A_524] : memref<128x128xf32, #tpu.memory_space<vmem>>[vector<16xi32>, vector<16xi32>], vector<16xf32>,
      %mul3A_526 = arith.mulf %gather3A_525, %gather3A_132 : vector<16xf32>
      %add3A_527 = arith.addf %add3A_517, %mul3A_526 : vector<16xf32>
      %broadcast_in_dim3A_528 = arith.constant 42 : i32
      %broadcast_in_dim3A_529 = vector.broadcast %broadcast_in_dim3A_528 : i32 to vector<16xi32>
      %gather3A_530 = tpu.vector_load_idx %arg10[%add3A_104, %broadcast_in_dim3A_529] : memref<128x128xf32, #tpu.memory_space<vmem>>[vector<16xi32>, vector<16xi32>], vector<16xf32>,
      %mul3A_531 = arith.mulf %gather3A_530, %gather3A_135 : vector<16xf32>
      %add3A_532 = arith.addf %add3A_522, %mul3A_531 : vector<16xf32>
      %add3A_533 = arith.addf %add3A_532, %add3A_527 : vector<16xf32>
      %broadcast_in_dim3A_534 = arith.constant 10 : i32
      %broadcast_in_dim3A_535 = vector.broadcast %broadcast_in_dim3A_534 : i32 to vector<16xi32>
      tpu.vector_store_idx %arg13[%add3A_104, %broadcast_in_dim3A_535], %add3A_533 : memref<128x16xf32, #tpu.memory_space<vmem>>[vector<16xi32>, vector<16xi32>], vector<16xf32>,
      %broadcast_in_dim3A_536 = arith.constant 11 : i32
      %broadcast_in_dim3A_537 = vector.broadcast %broadcast_in_dim3A_536 : i32 to vector<16xi32>
      %gather3A_538 = tpu.vector_load_idx %arg11[%add3A_104, %broadcast_in_dim3A_537] : memref<128x16xf32, #tpu.memory_space<vmem>>[vector<16xi32>, vector<16xi32>], vector<16xf32>,
      %broadcast_in_dim3A_539 = arith.constant 48 : i32
      %broadcast_in_dim3A_540 = vector.broadcast %broadcast_in_dim3A_539 : i32 to vector<16xi32>
      %gather3A_541 = tpu.vector_load_idx %arg10[%add3A_104, %broadcast_in_dim3A_540] : memref<128x128xf32, #tpu.memory_space<vmem>>[vector<16xi32>, vector<16xi32>], vector<16xf32>,
      %mul3A_542 = arith.mulf %gather3A_541, %gather3A : vector<16xf32>
      %add3A_543 = arith.addf %gather3A_538, %mul3A_542 : vector<16xf32>
      %broadcast_in_dim3A_544 = arith.constant 49 : i32
      %broadcast_in_dim3A_545 = vector.broadcast %broadcast_in_dim3A_544 : i32 to vector<16xi32>
      %gather3A_546 = tpu.vector_load_idx %arg10[%add3A_104, %broadcast_in_dim3A_545] : memref<128x128xf32, #tpu.memory_space<vmem>>[vector<16xi32>, vector<16xi32>], vector<16xf32>,
      %mul3A_547 = arith.mulf %gather3A_546, %gather3A_108 : vector<16xf32>
      %broadcast_in_dim3A_548 = arith.constant 50 : i32
      %broadcast_in_dim3A_549 = vector.broadcast %broadcast_in_dim3A_548 : i32 to vector<16xi32>
      %gather3A_550 = tpu.vector_load_idx %arg10[%add3A_104, %broadcast_in_dim3A_549] : memref<128x128xf32, #tpu.memory_space<vmem>>[vector<16xi32>, vector<16xi32>], vector<16xf32>,
      %mul3A_551 = arith.mulf %gather3A_550, %gather3A_111 : vector<16xf32>
      %add3A_552 = arith.addf %add3A_543, %mul3A_551 : vector<16xf32>
      %broadcast_in_dim3A_553 = arith.constant 51 : i32
      %broadcast_in_dim3A_554 = vector.broadcast %broadcast_in_dim3A_553 : i32 to vector<16xi32>
      %gather3A_555 = tpu.vector_load_idx %arg10[%add3A_104, %broadcast_in_dim3A_554] : memref<128x128xf32, #tpu.memory_space<vmem>>[vector<16xi32>, vector<16xi32>], vector<16xf32>,
      %mul3A_556 = arith.mulf %gather3A_555, %gather3A_114 : vector<16xf32>
      %add3A_557 = arith.addf %mul3A_547, %mul3A_556 : vector<16xf32>
      %broadcast_in_dim3A_558 = arith.constant 52 : i32
      %broadcast_in_dim3A_559 = vector.broadcast %broadcast_in_dim3A_558 : i32 to vector<16xi32>
      %gather3A_560 = tpu.vector_load_idx %arg10[%add3A_104, %broadcast_in_dim3A_559] : memref<128x128xf32, #tpu.memory_space<vmem>>[vector<16xi32>, vector<16xi32>], vector<16xf32>,
      %mul3A_561 = arith.mulf %gather3A_560, %gather3A_117 : vector<16xf32>
      %add3A_562 = arith.addf %add3A_552, %mul3A_561 : vector<16xf32>
      %broadcast_in_dim3A_563 = arith.constant 53 : i32
      %broadcast_in_dim3A_564 = vector.broadcast %broadcast_in_dim3A_563 : i32 to vector<16xi32>
      %gather3A_565 = tpu.vector_load_idx %arg10[%add3A_104, %broadcast_in_dim3A_564] : memref<128x128xf32, #tpu.memory_space<vmem>>[vector<16xi32>, vector<16xi32>], vector<16xf32>,
      %mul3A_566 = arith.mulf %gather3A_565, %gather3A_120 : vector<16xf32>
      %add3A_567 = arith.addf %add3A_557, %mul3A_566 : vector<16xf32>
      %broadcast_in_dim3A_568 = arith.constant 54 : i32
      %broadcast_in_dim3A_569 = vector.broadcast %broadcast_in_dim3A_568 : i32 to vector<16xi32>
      %gather3A_570 = tpu.vector_load_idx %arg10[%add3A_104, %broadcast_in_dim3A_569] : memref<128x128xf32, #tpu.memory_space<vmem>>[vector<16xi32>, vector<16xi32>], vector<16xf32>,
      %mul3A_571 = arith.mulf %gather3A_570, %gather3A_123 : vector<16xf32>
      %add3A_572 = arith.addf %add3A_562, %mul3A_571 : vector<16xf32>
      %broadcast_in_dim3A_573 = arith.constant 55 : i32
      %broadcast_in_dim3A_574 = vector.broadcast %broadcast_in_dim3A_573 : i32 to vector<16xi32>
      %gather3A_575 = tpu.vector_load_idx %arg10[%add3A_104, %broadcast_in_dim3A_574] : memref<128x128xf32, #tpu.memory_space<vmem>>[vector<16xi32>, vector<16xi32>], vector<16xf32>,
      %mul3A_576 = arith.mulf %gather3A_575, %gather3A_126 : vector<16xf32>
      %add3A_577 = arith.addf %add3A_567, %mul3A_576 : vector<16xf32>
      %broadcast_in_dim3A_578 = arith.constant 56 : i32
      %broadcast_in_dim3A_579 = vector.broadcast %broadcast_in_dim3A_578 : i32 to vector<16xi32>
      %gather3A_580 = tpu.vector_load_idx %arg10[%add3A_104, %broadcast_in_dim3A_579] : memref<128x128xf32, #tpu.memory_space<vmem>>[vector<16xi32>, vector<16xi32>], vector<16xf32>,
      %mul3A_581 = arith.mulf %gather3A_580, %gather3A_129 : vector<16xf32>
      %add3A_582 = arith.addf %add3A_572, %mul3A_581 : vector<16xf32>
      %broadcast_in_dim3A_583 = arith.constant 57 : i32
      %broadcast_in_dim3A_584 = vector.broadcast %broadcast_in_dim3A_583 : i32 to vector<16xi32>
      %gather3A_585 = tpu.vector_load_idx %arg10[%add3A_104, %broadcast_in_dim3A_584] : memref<128x128xf32, #tpu.memory_space<vmem>>[vector<16xi32>, vector<16xi32>], vector<16xf32>,
      %mul3A_586 = arith.mulf %gather3A_585, %gather3A_132 : vector<16xf32>
      %add3A_587 = arith.addf %add3A_577, %mul3A_586 : vector<16xf32>
      %broadcast_in_dim3A_588 = arith.constant 58 : i32
      %broadcast_in_dim3A_589 = vector.broadcast %broadcast_in_dim3A_588 : i32 to vector<16xi32>
      %gather3A_590 = tpu.vector_load_idx %arg10[%add3A_104, %broadcast_in_dim3A_589] : memref<128x128xf32, #tpu.memory_space<vmem>>[vector<16xi32>, vector<16xi32>], vector<16xf32>,
      %mul3A_591 = arith.mulf %gather3A_590, %gather3A_135 : vector<16xf32>
      %add3A_592 = arith.addf %add3A_582, %mul3A_591 : vector<16xf32>
      %broadcast_in_dim3A_593 = arith.constant 59 : i32
      %broadcast_in_dim3A_594 = vector.broadcast %broadcast_in_dim3A_593 : i32 to vector<16xi32>
      %gather3A_595 = tpu.vector_load_idx %arg10[%add3A_104, %broadcast_in_dim3A_594] : memref<128x128xf32, #tpu.memory_space<vmem>>[vector<16xi32>, vector<16xi32>], vector<16xf32>,
      %mul3A_596 = arith.mulf %gather3A_595, %gather3A_138 : vector<16xf32>
      %add3A_597 = arith.addf %add3A_587, %mul3A_596 : vector<16xf32>
      %add3A_598 = arith.addf %add3A_592, %add3A_597 : vector<16xf32>
      %broadcast_in_dim3A_599 = arith.constant 11 : i32
      %broadcast_in_dim3A_600 = vector.broadcast %broadcast_in_dim3A_599 : i32 to vector<16xi32>
      tpu.vector_store_idx %arg13[%add3A_104, %broadcast_in_dim3A_600], %add3A_598 : memref<128x16xf32, #tpu.memory_space<vmem>>[vector<16xi32>, vector<16xi32>], vector<16xf32>,
      %broadcast_in_dim3A_601 = arith.constant 12 : i32
      %broadcast_in_dim3A_602 = vector.broadcast %broadcast_in_dim3A_601 : i32 to vector<16xi32>
      %gather3A_603 = tpu.vector_load_idx %arg11[%add3A_104, %broadcast_in_dim3A_602] : memref<128x16xf32, #tpu.memory_space<vmem>>[vector<16xi32>, vector<16xi32>], vector<16xf32>,
      %broadcast_in_dim3A_604 = arith.constant 64 : i32
      %broadcast_in_dim3A_605 = vector.broadcast %broadcast_in_dim3A_604 : i32 to vector<16xi32>
      %gather3A_606 = tpu.vector_load_idx %arg10[%add3A_104, %broadcast_in_dim3A_605] : memref<128x128xf32, #tpu.memory_space<vmem>>[vector<16xi32>, vector<16xi32>], vector<16xf32>,
      %mul3A_607 = arith.mulf %gather3A_606, %gather3A : vector<16xf32>
      %add3A_608 = arith.addf %gather3A_603, %mul3A_607 : vector<16xf32>
      %broadcast_in_dim3A_609 = arith.constant 65 : i32
      %broadcast_in_dim3A_610 = vector.broadcast %broadcast_in_dim3A_609 : i32 to vector<16xi32>
      %gather3A_611 = tpu.vector_load_idx %arg10[%add3A_104, %broadcast_in_dim3A_610] : memref<128x128xf32, #tpu.memory_space<vmem>>[vector<16xi32>, vector<16xi32>], vector<16xf32>,
      %mul3A_612 = arith.mulf %gather3A_611, %gather3A_108 : vector<16xf32>
      %broadcast_in_dim3A_613 = arith.constant 66 : i32
      %broadcast_in_dim3A_614 = vector.broadcast %broadcast_in_dim3A_613 : i32 to vector<16xi32>
      %gather3A_615 = tpu.vector_load_idx %arg10[%add3A_104, %broadcast_in_dim3A_614] : memref<128x128xf32, #tpu.memory_space<vmem>>[vector<16xi32>, vector<16xi32>], vector<16xf32>,
      %mul3A_616 = arith.mulf %gather3A_615, %gather3A_111 : vector<16xf32>
      %add3A_617 = arith.addf %add3A_608, %mul3A_616 : vector<16xf32>
      %broadcast_in_dim3A_618 = arith.constant 67 : i32
      %broadcast_in_dim3A_619 = vector.broadcast %broadcast_in_dim3A_618 : i32 to vector<16xi32>
      %gather3A_620 = tpu.vector_load_idx %arg10[%add3A_104, %broadcast_in_dim3A_619] : memref<128x128xf32, #tpu.memory_space<vmem>>[vector<16xi32>, vector<16xi32>], vector<16xf32>,
      %mul3A_621 = arith.mulf %gather3A_620, %gather3A_114 : vector<16xf32>
      %add3A_622 = arith.addf %mul3A_612, %mul3A_621 : vector<16xf32>
      %broadcast_in_dim3A_623 = arith.constant 68 : i32
      %broadcast_in_dim3A_624 = vector.broadcast %broadcast_in_dim3A_623 : i32 to vector<16xi32>
      %gather3A_625 = tpu.vector_load_idx %arg10[%add3A_104, %broadcast_in_dim3A_624] : memref<128x128xf32, #tpu.memory_space<vmem>>[vector<16xi32>, vector<16xi32>], vector<16xf32>,
      %mul3A_626 = arith.mulf %gather3A_625, %gather3A_117 : vector<16xf32>
      %add3A_627 = arith.addf %add3A_617, %mul3A_626 : vector<16xf32>
      %broadcast_in_dim3A_628 = arith.constant 69 : i32
      %broadcast_in_dim3A_629 = vector.broadcast %broadcast_in_dim3A_628 : i32 to vector<16xi32>
      %gather3A_630 = tpu.vector_load_idx %arg10[%add3A_104, %broadcast_in_dim3A_629] : memref<128x128xf32, #tpu.memory_space<vmem>>[vector<16xi32>, vector<16xi32>], vector<16xf32>,
      %mul3A_631 = arith.mulf %gather3A_630, %gather3A_120 : vector<16xf32>
      %add3A_632 = arith.addf %add3A_622, %mul3A_631 : vector<16xf32>
      %broadcast_in_dim3A_633 = arith.constant 70 : i32
      %broadcast_in_dim3A_634 = vector.broadcast %broadcast_in_dim3A_633 : i32 to vector<16xi32>
      %gather3A_635 = tpu.vector_load_idx %arg10[%add3A_104, %broadcast_in_dim3A_634] : memref<128x128xf32, #tpu.memory_space<vmem>>[vector<16xi32>, vector<16xi32>], vector<16xf32>,
      %mul3A_636 = arith.mulf %gather3A_635, %gather3A_123 : vector<16xf32>
      %add3A_637 = arith.addf %add3A_627, %mul3A_636 : vector<16xf32>
      %broadcast_in_dim3A_638 = arith.constant 71 : i32
      %broadcast_in_dim3A_639 = vector.broadcast %broadcast_in_dim3A_638 : i32 to vector<16xi32>
      %gather3A_640 = tpu.vector_load_idx %arg10[%add3A_104, %broadcast_in_dim3A_639] : memref<128x128xf32, #tpu.memory_space<vmem>>[vector<16xi32>, vector<16xi32>], vector<16xf32>,
      %mul3A_641 = arith.mulf %gather3A_640, %gather3A_126 : vector<16xf32>
      %add3A_642 = arith.addf %add3A_632, %mul3A_641 : vector<16xf32>
      %broadcast_in_dim3A_643 = arith.constant 72 : i32
      %broadcast_in_dim3A_644 = vector.broadcast %broadcast_in_dim3A_643 : i32 to vector<16xi32>
      %gather3A_645 = tpu.vector_load_idx %arg10[%add3A_104, %broadcast_in_dim3A_644] : memref<128x128xf32, #tpu.memory_space<vmem>>[vector<16xi32>, vector<16xi32>], vector<16xf32>,
      %mul3A_646 = arith.mulf %gather3A_645, %gather3A_129 : vector<16xf32>
      %add3A_647 = arith.addf %add3A_637, %mul3A_646 : vector<16xf32>
      %broadcast_in_dim3A_648 = arith.constant 73 : i32
      %broadcast_in_dim3A_649 = vector.broadcast %broadcast_in_dim3A_648 : i32 to vector<16xi32>
      %gather3A_650 = tpu.vector_load_idx %arg10[%add3A_104, %broadcast_in_dim3A_649] : memref<128x128xf32, #tpu.memory_space<vmem>>[vector<16xi32>, vector<16xi32>], vector<16xf32>,
      %mul3A_651 = arith.mulf %gather3A_650, %gather3A_132 : vector<16xf32>
      %add3A_652 = arith.addf %add3A_642, %mul3A_651 : vector<16xf32>
      %broadcast_in_dim3A_653 = arith.constant 74 : i32
      %broadcast_in_dim3A_654 = vector.broadcast %broadcast_in_dim3A_653 : i32 to vector<16xi32>
      %gather3A_655 = tpu.vector_load_idx %arg10[%add3A_104, %broadcast_in_dim3A_654] : memref<128x128xf32, #tpu.memory_space<vmem>>[vector<16xi32>, vector<16xi32>], vector<16xf32>,
      %mul3A_656 = arith.mulf %gather3A_655, %gather3A_135 : vector<16xf32>
      %add3A_657 = arith.addf %add3A_647, %mul3A_656 : vector<16xf32>
      %broadcast_in_dim3A_658 = arith.constant 75 : i32
      %broadcast_in_dim3A_659 = vector.broadcast %broadcast_in_dim3A_658 : i32 to vector<16xi32>
      %gather3A_660 = tpu.vector_load_idx %arg10[%add3A_104, %broadcast_in_dim3A_659] : memref<128x128xf32, #tpu.memory_space<vmem>>[vector<16xi32>, vector<16xi32>], vector<16xf32>,
      %mul3A_661 = arith.mulf %gather3A_660, %gather3A_138 : vector<16xf32>
      %add3A_662 = arith.addf %add3A_652, %mul3A_661 : vector<16xf32>
      %broadcast_in_dim3A_663 = arith.constant 76 : i32
      %broadcast_in_dim3A_664 = vector.broadcast %broadcast_in_dim3A_663 : i32 to vector<16xi32>
      %gather3A_665 = tpu.vector_load_idx %arg10[%add3A_104, %broadcast_in_dim3A_664] : memref<128x128xf32, #tpu.memory_space<vmem>>[vector<16xi32>, vector<16xi32>], vector<16xf32>,
      %mul3A_666 = arith.mulf %gather3A_665, %gather3A_141 : vector<16xf32>
      %add3A_667 = arith.addf %add3A_657, %mul3A_666 : vector<16xf32>
      %add3A_668 = arith.addf %add3A_667, %add3A_662 : vector<16xf32>
      %broadcast_in_dim3A_669 = arith.constant 12 : i32
      %broadcast_in_dim3A_670 = vector.broadcast %broadcast_in_dim3A_669 : i32 to vector<16xi32>
      tpu.vector_store_idx %arg13[%add3A_104, %broadcast_in_dim3A_670], %add3A_668 : memref<128x16xf32, #tpu.memory_space<vmem>>[vector<16xi32>, vector<16xi32>], vector<16xf32>,
      %broadcast_in_dim3A_671 = arith.constant 13 : i32
      %broadcast_in_dim3A_672 = vector.broadcast %broadcast_in_dim3A_671 : i32 to vector<16xi32>
      %gather3A_673 = tpu.vector_load_idx %arg11[%add3A_104, %broadcast_in_dim3A_672] : memref<128x16xf32, #tpu.memory_space<vmem>>[vector<16xi32>, vector<16xi32>], vector<16xf32>,
      %broadcast_in_dim3A_674 = arith.constant 80 : i32
      %broadcast_in_dim3A_675 = vector.broadcast %broadcast_in_dim3A_674 : i32 to vector<16xi32>
      %gather3A_676 = tpu.vector_load_idx %arg10[%add3A_104, %broadcast_in_dim3A_675] : memref<128x128xf32, #tpu.memory_space<vmem>>[vector<16xi32>, vector<16xi32>], vector<16xf32>,
      %mul3A_677 = arith.mulf %gather3A_676, %gather3A : vector<16xf32>
      %add3A_678 = arith.addf %gather3A_673, %mul3A_677 : vector<16xf32>
      %broadcast_in_dim3A_679 = arith.constant 81 : i32
      %broadcast_in_dim3A_680 = vector.broadcast %broadcast_in_dim3A_679 : i32 to vector<16xi32>
      %gather3A_681 = tpu.vector_load_idx %arg10[%add3A_104, %broadcast_in_dim3A_680] : memref<128x128xf32, #tpu.memory_space<vmem>>[vector<16xi32>, vector<16xi32>], vector<16xf32>,
      %mul3A_682 = arith.mulf %gather3A_681, %gather3A_108 : vector<16xf32>
      %broadcast_in_dim3A_683 = arith.constant 82 : i32
      %broadcast_in_dim3A_684 = vector.broadcast %broadcast_in_dim3A_683 : i32 to vector<16xi32>
      %gather3A_685 = tpu.vector_load_idx %arg10[%add3A_104, %broadcast_in_dim3A_684] : memref<128x128xf32, #tpu.memory_space<vmem>>[vector<16xi32>, vector<16xi32>], vector<16xf32>,
      %mul3A_686 = arith.mulf %gather3A_685, %gather3A_111 : vector<16xf32>
      %add3A_687 = arith.addf %add3A_678, %mul3A_686 : vector<16xf32>
      %broadcast_in_dim3A_688 = arith.constant 83 : i32
      %broadcast_in_dim3A_689 = vector.broadcast %broadcast_in_dim3A_688 : i32 to vector<16xi32>
      %gather3A_690 = tpu.vector_load_idx %arg10[%add3A_104, %broadcast_in_dim3A_689] : memref<128x128xf32, #tpu.memory_space<vmem>>[vector<16xi32>, vector<16xi32>], vector<16xf32>,
      %mul3A_691 = arith.mulf %gather3A_690, %gather3A_114 : vector<16xf32>
      %add3A_692 = arith.addf %mul3A_682, %mul3A_691 : vector<16xf32>
      %broadcast_in_dim3A_693 = arith.constant 84 : i32
      %broadcast_in_dim3A_694 = vector.broadcast %broadcast_in_dim3A_693 : i32 to vector<16xi32>
      %gather3A_695 = tpu.vector_load_idx %arg10[%add3A_104, %broadcast_in_dim3A_694] : memref<128x128xf32, #tpu.memory_space<vmem>>[vector<16xi32>, vector<16xi32>], vector<16xf32>,
      %mul3A_696 = arith.mulf %gather3A_695, %gather3A_117 : vector<16xf32>
      %add3A_697 = arith.addf %add3A_687, %mul3A_696 : vector<16xf32>
      %broadcast_in_dim3A_698 = arith.constant 85 : i32
      %broadcast_in_dim3A_699 = vector.broadcast %broadcast_in_dim3A_698 : i32 to vector<16xi32>
      %gather3A_700 = tpu.vector_load_idx %arg10[%add3A_104, %broadcast_in_dim3A_699] : memref<128x128xf32, #tpu.memory_space<vmem>>[vector<16xi32>, vector<16xi32>], vector<16xf32>,
      %mul3A_701 = arith.mulf %gather3A_700, %gather3A_120 : vector<16xf32>
      %add3A_702 = arith.addf %add3A_692, %mul3A_701 : vector<16xf32>
      %broadcast_in_dim3A_703 = arith.constant 86 : i32
      %broadcast_in_dim3A_704 = vector.broadcast %broadcast_in_dim3A_703 : i32 to vector<16xi32>
      %gather3A_705 = tpu.vector_load_idx %arg10[%add3A_104, %broadcast_in_dim3A_704] : memref<128x128xf32, #tpu.memory_space<vmem>>[vector<16xi32>, vector<16xi32>], vector<16xf32>,
      %mul3A_706 = arith.mulf %gather3A_705, %gather3A_123 : vector<16xf32>
      %add3A_707 = arith.addf %add3A_697, %mul3A_706 : vector<16xf32>
      %broadcast_in_dim3A_708 = arith.constant 87 : i32
      %broadcast_in_dim3A_709 = vector.broadcast %broadcast_in_dim3A_708 : i32 to vector<16xi32>
      %gather3A_710 = tpu.vector_load_idx %arg10[%add3A_104, %broadcast_in_dim3A_709] : memref<128x128xf32, #tpu.memory_space<vmem>>[vector<16xi32>, vector<16xi32>], vector<16xf32>,
      %mul3A_711 = arith.mulf %gather3A_710, %gather3A_126 : vector<16xf32>
      %add3A_712 = arith.addf %add3A_702, %mul3A_711 : vector<16xf32>
      %broadcast_in_dim3A_713 = arith.constant 88 : i32
      %broadcast_in_dim3A_714 = vector.broadcast %broadcast_in_dim3A_713 : i32 to vector<16xi32>
      %gather3A_715 = tpu.vector_load_idx %arg10[%add3A_104, %broadcast_in_dim3A_714] : memref<128x128xf32, #tpu.memory_space<vmem>>[vector<16xi32>, vector<16xi32>], vector<16xf32>,
      %mul3A_716 = arith.mulf %gather3A_715, %gather3A_129 : vector<16xf32>
      %add3A_717 = arith.addf %add3A_707, %mul3A_716 : vector<16xf32>
      %broadcast_in_dim3A_718 = arith.constant 89 : i32
      %broadcast_in_dim3A_719 = vector.broadcast %broadcast_in_dim3A_718 : i32 to vector<16xi32>
      %gather3A_720 = tpu.vector_load_idx %arg10[%add3A_104, %broadcast_in_dim3A_719] : memref<128x128xf32, #tpu.memory_space<vmem>>[vector<16xi32>, vector<16xi32>], vector<16xf32>,
      %mul3A_721 = arith.mulf %gather3A_720, %gather3A_132 : vector<16xf32>
      %add3A_722 = arith.addf %add3A_712, %mul3A_721 : vector<16xf32>
      %broadcast_in_dim3A_723 = arith.constant 90 : i32
      %broadcast_in_dim3A_724 = vector.broadcast %broadcast_in_dim3A_723 : i32 to vector<16xi32>
      %gather3A_725 = tpu.vector_load_idx %arg10[%add3A_104, %broadcast_in_dim3A_724] : memref<128x128xf32, #tpu.memory_space<vmem>>[vector<16xi32>, vector<16xi32>], vector<16xf32>,
      %mul3A_726 = arith.mulf %gather3A_725, %gather3A_135 : vector<16xf32>
      %add3A_727 = arith.addf %add3A_717, %mul3A_726 : vector<16xf32>
      %broadcast_in_dim3A_728 = arith.constant 91 : i32
      %broadcast_in_dim3A_729 = vector.broadcast %broadcast_in_dim3A_728 : i32 to vector<16xi32>
      %gather3A_730 = tpu.vector_load_idx %arg10[%add3A_104, %broadcast_in_dim3A_729] : memref<128x128xf32, #tpu.memory_space<vmem>>[vector<16xi32>, vector<16xi32>], vector<16xf32>,
      %mul3A_731 = arith.mulf %gather3A_730, %gather3A_138 : vector<16xf32>
      %add3A_732 = arith.addf %add3A_722, %mul3A_731 : vector<16xf32>
      %broadcast_in_dim3A_733 = arith.constant 92 : i32
      %broadcast_in_dim3A_734 = vector.broadcast %broadcast_in_dim3A_733 : i32 to vector<16xi32>
      %gather3A_735 = tpu.vector_load_idx %arg10[%add3A_104, %broadcast_in_dim3A_734] : memref<128x128xf32, #tpu.memory_space<vmem>>[vector<16xi32>, vector<16xi32>], vector<16xf32>,
      %mul3A_736 = arith.mulf %gather3A_735, %gather3A_141 : vector<16xf32>
      %add3A_737 = arith.addf %add3A_727, %mul3A_736 : vector<16xf32>
      %broadcast_in_dim3A_738 = arith.constant 93 : i32
      %broadcast_in_dim3A_739 = vector.broadcast %broadcast_in_dim3A_738 : i32 to vector<16xi32>
      %gather3A_740 = tpu.vector_load_idx %arg10[%add3A_104, %broadcast_in_dim3A_739] : memref<128x128xf32, #tpu.memory_space<vmem>>[vector<16xi32>, vector<16xi32>], vector<16xf32>,
      %mul3A_741 = arith.mulf %gather3A_740, %gather3A_144 : vector<16xf32>
      %add3A_742 = arith.addf %add3A_732, %mul3A_741 : vector<16xf32>
      %add3A_743 = arith.addf %add3A_737, %add3A_742 : vector<16xf32>
      %broadcast_in_dim3A_744 = arith.constant 13 : i32
      %broadcast_in_dim3A_745 = vector.broadcast %broadcast_in_dim3A_744 : i32 to vector<16xi32>
      tpu.vector_store_idx %arg13[%add3A_104, %broadcast_in_dim3A_745], %add3A_743 : memref<128x16xf32, #tpu.memory_space<vmem>>[vector<16xi32>, vector<16xi32>], vector<16xf32>,
      %broadcast_in_dim3A_746 = arith.constant 14 : i32
      %broadcast_in_dim3A_747 = vector.broadcast %broadcast_in_dim3A_746 : i32 to vector<16xi32>
      %gather3A_748 = tpu.vector_load_idx %arg11[%add3A_104, %broadcast_in_dim3A_747] : memref<128x16xf32, #tpu.memory_space<vmem>>[vector<16xi32>, vector<16xi32>], vector<16xf32>,
      %broadcast_in_dim3A_749 = arith.constant 96 : i32
      %broadcast_in_dim3A_750 = vector.broadcast %broadcast_in_dim3A_749 : i32 to vector<16xi32>
      %gather3A_751 = tpu.vector_load_idx %arg10[%add3A_104, %broadcast_in_dim3A_750] : memref<128x128xf32, #tpu.memory_space<vmem>>[vector<16xi32>, vector<16xi32>], vector<16xf32>,
      %mul3A_752 = arith.mulf %gather3A_751, %gather3A : vector<16xf32>
      %add3A_753 = arith.addf %gather3A_748, %mul3A_752 : vector<16xf32>
      %broadcast_in_dim3A_754 = arith.constant 97 : i32
      %broadcast_in_dim3A_755 = vector.broadcast %broadcast_in_dim3A_754 : i32 to vector<16xi32>
      %gather3A_756 = tpu.vector_load_idx %arg10[%add3A_104, %broadcast_in_dim3A_755] : memref<128x128xf32, #tpu.memory_space<vmem>>[vector<16xi32>, vector<16xi32>], vector<16xf32>,
      %mul3A_757 = arith.mulf %gather3A_756, %gather3A_108 : vector<16xf32>
      %broadcast_in_dim3A_758 = arith.constant 98 : i32
      %broadcast_in_dim3A_759 = vector.broadcast %broadcast_in_dim3A_758 : i32 to vector<16xi32>
      %gather3A_760 = tpu.vector_load_idx %arg10[%add3A_104, %broadcast_in_dim3A_759] : memref<128x128xf32, #tpu.memory_space<vmem>>[vector<16xi32>, vector<16xi32>], vector<16xf32>,
      %mul3A_761 = arith.mulf %gather3A_760, %gather3A_111 : vector<16xf32>
      %add3A_762 = arith.addf %add3A_753, %mul3A_761 : vector<16xf32>
      %broadcast_in_dim3A_763 = arith.constant 99 : i32
      %broadcast_in_dim3A_764 = vector.broadcast %broadcast_in_dim3A_763 : i32 to vector<16xi32>
      %gather3A_765 = tpu.vector_load_idx %arg10[%add3A_104, %broadcast_in_dim3A_764] : memref<128x128xf32, #tpu.memory_space<vmem>>[vector<16xi32>, vector<16xi32>], vector<16xf32>,
      %mul3A_766 = arith.mulf %gather3A_765, %gather3A_114 : vector<16xf32>
      %add3A_767 = arith.addf %mul3A_757, %mul3A_766 : vector<16xf32>
      %broadcast_in_dim3A_768 = arith.constant 100 : i32
      %broadcast_in_dim3A_769 = vector.broadcast %broadcast_in_dim3A_768 : i32 to vector<16xi32>
      %gather3A_770 = tpu.vector_load_idx %arg10[%add3A_104, %broadcast_in_dim3A_769] : memref<128x128xf32, #tpu.memory_space<vmem>>[vector<16xi32>, vector<16xi32>], vector<16xf32>,
      %mul3A_771 = arith.mulf %gather3A_770, %gather3A_117 : vector<16xf32>
      %add3A_772 = arith.addf %add3A_762, %mul3A_771 : vector<16xf32>
      %broadcast_in_dim3A_773 = arith.constant 101 : i32
      %broadcast_in_dim3A_774 = vector.broadcast %broadcast_in_dim3A_773 : i32 to vector<16xi32>
      %gather3A_775 = tpu.vector_load_idx %arg10[%add3A_104, %broadcast_in_dim3A_774] : memref<128x128xf32, #tpu.memory_space<vmem>>[vector<16xi32>, vector<16xi32>], vector<16xf32>,
      %mul3A_776 = arith.mulf %gather3A_775, %gather3A_120 : vector<16xf32>
      %add3A_777 = arith.addf %add3A_767, %mul3A_776 : vector<16xf32>
      %broadcast_in_dim3A_778 = arith.constant 102 : i32
      %broadcast_in_dim3A_779 = vector.broadcast %broadcast_in_dim3A_778 : i32 to vector<16xi32>
      %gather3A_780 = tpu.vector_load_idx %arg10[%add3A_104, %broadcast_in_dim3A_779] : memref<128x128xf32, #tpu.memory_space<vmem>>[vector<16xi32>, vector<16xi32>], vector<16xf32>,
      %mul3A_781 = arith.mulf %gather3A_780, %gather3A_123 : vector<16xf32>
      %add3A_782 = arith.addf %add3A_772, %mul3A_781 : vector<16xf32>
      %broadcast_in_dim3A_783 = arith.constant 103 : i32
      %broadcast_in_dim3A_784 = vector.broadcast %broadcast_in_dim3A_783 : i32 to vector<16xi32>
      %gather3A_785 = tpu.vector_load_idx %arg10[%add3A_104, %broadcast_in_dim3A_784] : memref<128x128xf32, #tpu.memory_space<vmem>>[vector<16xi32>, vector<16xi32>], vector<16xf32>,
      %mul3A_786 = arith.mulf %gather3A_785, %gather3A_126 : vector<16xf32>
      %add3A_787 = arith.addf %add3A_777, %mul3A_786 : vector<16xf32>
      %broadcast_in_dim3A_788 = arith.constant 104 : i32
      %broadcast_in_dim3A_789 = vector.broadcast %broadcast_in_dim3A_788 : i32 to vector<16xi32>
      %gather3A_790 = tpu.vector_load_idx %arg10[%add3A_104, %broadcast_in_dim3A_789] : memref<128x128xf32, #tpu.memory_space<vmem>>[vector<16xi32>, vector<16xi32>], vector<16xf32>,
      %mul3A_791 = arith.mulf %gather3A_790, %gather3A_129 : vector<16xf32>
      %add3A_792 = arith.addf %add3A_782, %mul3A_791 : vector<16xf32>
      %broadcast_in_dim3A_793 = arith.constant 105 : i32
      %broadcast_in_dim3A_794 = vector.broadcast %broadcast_in_dim3A_793 : i32 to vector<16xi32>
      %gather3A_795 = tpu.vector_load_idx %arg10[%add3A_104, %broadcast_in_dim3A_794] : memref<128x128xf32, #tpu.memory_space<vmem>>[vector<16xi32>, vector<16xi32>], vector<16xf32>,
      %mul3A_796 = arith.mulf %gather3A_795, %gather3A_132 : vector<16xf32>
      %add3A_797 = arith.addf %add3A_787, %mul3A_796 : vector<16xf32>
      %broadcast_in_dim3A_798 = arith.constant 106 : i32
      %broadcast_in_dim3A_799 = vector.broadcast %broadcast_in_dim3A_798 : i32 to vector<16xi32>
      %gather3A_800 = tpu.vector_load_idx %arg10[%add3A_104, %broadcast_in_dim3A_799] : memref<128x128xf32, #tpu.memory_space<vmem>>[vector<16xi32>, vector<16xi32>], vector<16xf32>,
      %mul3A_801 = arith.mulf %gather3A_800, %gather3A_135 : vector<16xf32>
      %add3A_802 = arith.addf %add3A_792, %mul3A_801 : vector<16xf32>
      %broadcast_in_dim3A_803 = arith.constant 107 : i32
      %broadcast_in_dim3A_804 = vector.broadcast %broadcast_in_dim3A_803 : i32 to vector<16xi32>
      %gather3A_805 = tpu.vector_load_idx %arg10[%add3A_104, %broadcast_in_dim3A_804] : memref<128x128xf32, #tpu.memory_space<vmem>>[vector<16xi32>, vector<16xi32>], vector<16xf32>,
      %mul3A_806 = arith.mulf %gather3A_805, %gather3A_138 : vector<16xf32>
      %add3A_807 = arith.addf %add3A_797, %mul3A_806 : vector<16xf32>
      %broadcast_in_dim3A_808 = arith.constant 108 : i32
      %broadcast_in_dim3A_809 = vector.broadcast %broadcast_in_dim3A_808 : i32 to vector<16xi32>
      %gather3A_810 = tpu.vector_load_idx %arg10[%add3A_104, %broadcast_in_dim3A_809] : memref<128x128xf32, #tpu.memory_space<vmem>>[vector<16xi32>, vector<16xi32>], vector<16xf32>,
      %mul3A_811 = arith.mulf %gather3A_810, %gather3A_141 : vector<16xf32>
      %add3A_812 = arith.addf %add3A_802, %mul3A_811 : vector<16xf32>
      %broadcast_in_dim3A_813 = arith.constant 109 : i32
      %broadcast_in_dim3A_814 = vector.broadcast %broadcast_in_dim3A_813 : i32 to vector<16xi32>
      %gather3A_815 = tpu.vector_load_idx %arg10[%add3A_104, %broadcast_in_dim3A_814] : memref<128x128xf32, #tpu.memory_space<vmem>>[vector<16xi32>, vector<16xi32>], vector<16xf32>,
      %mul3A_816 = arith.mulf %gather3A_815, %gather3A_144 : vector<16xf32>
      %add3A_817 = arith.addf %add3A_807, %mul3A_816 : vector<16xf32>
      %broadcast_in_dim3A_818 = arith.constant 110 : i32
      %broadcast_in_dim3A_819 = vector.broadcast %broadcast_in_dim3A_818 : i32 to vector<16xi32>
      %gather3A_820 = tpu.vector_load_idx %arg10[%add3A_104, %broadcast_in_dim3A_819] : memref<128x128xf32, #tpu.memory_space<vmem>>[vector<16xi32>, vector<16xi32>], vector<16xf32>,
      %mul3A_821 = arith.mulf %gather3A_820, %gather3A_147 : vector<16xf32>
      %add3A_822 = arith.addf %add3A_812, %mul3A_821 : vector<16xf32>
      %add3A_823 = arith.addf %add3A_822, %add3A_817 : vector<16xf32>
      %broadcast_in_dim3A_824 = arith.constant 14 : i32
      %broadcast_in_dim3A_825 = vector.broadcast %broadcast_in_dim3A_824 : i32 to vector<16xi32>
      tpu.vector_store_idx %arg13[%add3A_104, %broadcast_in_dim3A_825], %add3A_823 : memref<128x16xf32, #tpu.memory_space<vmem>>[vector<16xi32>, vector<16xi32>], vector<16xf32>,
      %broadcast_in_dim3A_826 = arith.constant 15 : i32
      %broadcast_in_dim3A_827 = vector.broadcast %broadcast_in_dim3A_826 : i32 to vector<16xi32>
      %gather3A_828 = tpu.vector_load_idx %arg11[%add3A_104, %broadcast_in_dim3A_827] : memref<128x16xf32, #tpu.memory_space<vmem>>[vector<16xi32>, vector<16xi32>], vector<16xf32>,
      %broadcast_in_dim3A_829 = arith.constant 112 : i32
      %broadcast_in_dim3A_830 = vector.broadcast %broadcast_in_dim3A_829 : i32 to vector<16xi32>
      %gather3A_831 = tpu.vector_load_idx %arg10[%add3A_104, %broadcast_in_dim3A_830] : memref<128x128xf32, #tpu.memory_space<vmem>>[vector<16xi32>, vector<16xi32>], vector<16xf32>,
      %mul3A_832 = arith.mulf %gather3A_831, %gather3A : vector<16xf32>
      %add3A_833 = arith.addf %gather3A_828, %mul3A_832 : vector<16xf32>
      %broadcast_in_dim3A_834 = arith.constant 113 : i32
      %broadcast_in_dim3A_835 = vector.broadcast %broadcast_in_dim3A_834 : i32 to vector<16xi32>
      %gather3A_836 = tpu.vector_load_idx %arg10[%add3A_104, %broadcast_in_dim3A_835] : memref<128x128xf32, #tpu.memory_space<vmem>>[vector<16xi32>, vector<16xi32>], vector<16xf32>,
      %mul3A_837 = arith.mulf %gather3A_836, %gather3A_108 : vector<16xf32>
      %broadcast_in_dim3A_838 = arith.constant 114 : i32
      %broadcast_in_dim3A_839 = vector.broadcast %broadcast_in_dim3A_838 : i32 to vector<16xi32>
      %gather3A_840 = tpu.vector_load_idx %arg10[%add3A_104, %broadcast_in_dim3A_839] : memref<128x128xf32, #tpu.memory_space<vmem>>[vector<16xi32>, vector<16xi32>], vector<16xf32>,
      %mul3A_841 = arith.mulf %gather3A_840, %gather3A_111 : vector<16xf32>
      %add3A_842 = arith.addf %add3A_833, %mul3A_841 : vector<16xf32>
      %broadcast_in_dim3A_843 = arith.constant 115 : i32
      %broadcast_in_dim3A_844 = vector.broadcast %broadcast_in_dim3A_843 : i32 to vector<16xi32>
      %gather3A_845 = tpu.vector_load_idx %arg10[%add3A_104, %broadcast_in_dim3A_844] : memref<128x128xf32, #tpu.memory_space<vmem>>[vector<16xi32>, vector<16xi32>], vector<16xf32>,
      %mul3A_846 = arith.mulf %gather3A_845, %gather3A_114 : vector<16xf32>
      %add3A_847 = arith.addf %mul3A_837, %mul3A_846 : vector<16xf32>
      %broadcast_in_dim3A_848 = arith.constant 116 : i32
      %broadcast_in_dim3A_849 = vector.broadcast %broadcast_in_dim3A_848 : i32 to vector<16xi32>
      %gather3A_850 = tpu.vector_load_idx %arg10[%add3A_104, %broadcast_in_dim3A_849] : memref<128x128xf32, #tpu.memory_space<vmem>>[vector<16xi32>, vector<16xi32>], vector<16xf32>,
      %mul3A_851 = arith.mulf %gather3A_850, %gather3A_117 : vector<16xf32>
      %add3A_852 = arith.addf %add3A_842, %mul3A_851 : vector<16xf32>
      %broadcast_in_dim3A_853 = arith.constant 117 : i32
      %broadcast_in_dim3A_854 = vector.broadcast %broadcast_in_dim3A_853 : i32 to vector<16xi32>
      %gather3A_855 = tpu.vector_load_idx %arg10[%add3A_104, %broadcast_in_dim3A_854] : memref<128x128xf32, #tpu.memory_space<vmem>>[vector<16xi32>, vector<16xi32>], vector<16xf32>,
      %mul3A_856 = arith.mulf %gather3A_855, %gather3A_120 : vector<16xf32>
      %add3A_857 = arith.addf %add3A_847, %mul3A_856 : vector<16xf32>
      %broadcast_in_dim3A_858 = arith.constant 118 : i32
      %broadcast_in_dim3A_859 = vector.broadcast %broadcast_in_dim3A_858 : i32 to vector<16xi32>
      %gather3A_860 = tpu.vector_load_idx %arg10[%add3A_104, %broadcast_in_dim3A_859] : memref<128x128xf32, #tpu.memory_space<vmem>>[vector<16xi32>, vector<16xi32>], vector<16xf32>,
      %mul3A_861 = arith.mulf %gather3A_860, %gather3A_123 : vector<16xf32>
      %add3A_862 = arith.addf %add3A_852, %mul3A_861 : vector<16xf32>
      %broadcast_in_dim3A_863 = arith.constant 119 : i32
      %broadcast_in_dim3A_864 = vector.broadcast %broadcast_in_dim3A_863 : i32 to vector<16xi32>
      %gather3A_865 = tpu.vector_load_idx %arg10[%add3A_104, %broadcast_in_dim3A_864] : memref<128x128xf32, #tpu.memory_space<vmem>>[vector<16xi32>, vector<16xi32>], vector<16xf32>,
      %mul3A_866 = arith.mulf %gather3A_865, %gather3A_126 : vector<16xf32>
      %add3A_867 = arith.addf %add3A_857, %mul3A_866 : vector<16xf32>
      %broadcast_in_dim3A_868 = arith.constant 120 : i32
      %broadcast_in_dim3A_869 = vector.broadcast %broadcast_in_dim3A_868 : i32 to vector<16xi32>
      %gather3A_870 = tpu.vector_load_idx %arg10[%add3A_104, %broadcast_in_dim3A_869] : memref<128x128xf32, #tpu.memory_space<vmem>>[vector<16xi32>, vector<16xi32>], vector<16xf32>,
      %mul3A_871 = arith.mulf %gather3A_870, %gather3A_129 : vector<16xf32>
      %add3A_872 = arith.addf %add3A_862, %mul3A_871 : vector<16xf32>
      %broadcast_in_dim3A_873 = arith.constant 121 : i32
      %broadcast_in_dim3A_874 = vector.broadcast %broadcast_in_dim3A_873 : i32 to vector<16xi32>
      %gather3A_875 = tpu.vector_load_idx %arg10[%add3A_104, %broadcast_in_dim3A_874] : memref<128x128xf32, #tpu.memory_space<vmem>>[vector<16xi32>, vector<16xi32>], vector<16xf32>,
      %mul3A_876 = arith.mulf %gather3A_875, %gather3A_132 : vector<16xf32>
      %add3A_877 = arith.addf %add3A_867, %mul3A_876 : vector<16xf32>
      %broadcast_in_dim3A_878 = arith.constant 122 : i32
      %broadcast_in_dim3A_879 = vector.broadcast %broadcast_in_dim3A_878 : i32 to vector<16xi32>
      %gather3A_880 = tpu.vector_load_idx %arg10[%add3A_104, %broadcast_in_dim3A_879] : memref<128x128xf32, #tpu.memory_space<vmem>>[vector<16xi32>, vector<16xi32>], vector<16xf32>,
      %mul3A_881 = arith.mulf %gather3A_880, %gather3A_135 : vector<16xf32>
      %add3A_882 = arith.addf %add3A_872, %mul3A_881 : vector<16xf32>
      %broadcast_in_dim3A_883 = arith.constant 123 : i32
      %broadcast_in_dim3A_884 = vector.broadcast %broadcast_in_dim3A_883 : i32 to vector<16xi32>
      %gather3A_885 = tpu.vector_load_idx %arg10[%add3A_104, %broadcast_in_dim3A_884] : memref<128x128xf32, #tpu.memory_space<vmem>>[vector<16xi32>, vector<16xi32>], vector<16xf32>,
      %mul3A_886 = arith.mulf %gather3A_885, %gather3A_138 : vector<16xf32>
      %add3A_887 = arith.addf %add3A_877, %mul3A_886 : vector<16xf32>
      %broadcast_in_dim3A_888 = arith.constant 124 : i32
      %broadcast_in_dim3A_889 = vector.broadcast %broadcast_in_dim3A_888 : i32 to vector<16xi32>
      %gather3A_890 = tpu.vector_load_idx %arg10[%add3A_104, %broadcast_in_dim3A_889] : memref<128x128xf32, #tpu.memory_space<vmem>>[vector<16xi32>, vector<16xi32>], vector<16xf32>,
      %mul3A_891 = arith.mulf %gather3A_890, %gather3A_141 : vector<16xf32>
      %add3A_892 = arith.addf %add3A_882, %mul3A_891 : vector<16xf32>
      %broadcast_in_dim3A_893 = arith.constant 125 : i32
      %broadcast_in_dim3A_894 = vector.broadcast %broadcast_in_dim3A_893 : i32 to vector<16xi32>
      %gather3A_895 = tpu.vector_load_idx %arg10[%add3A_104, %broadcast_in_dim3A_894] : memref<128x128xf32, #tpu.memory_space<vmem>>[vector<16xi32>, vector<16xi32>], vector<16xf32>,
      %mul3A_896 = arith.mulf %gather3A_895, %gather3A_144 : vector<16xf32>
      %add3A_897 = arith.addf %add3A_887, %mul3A_896 : vector<16xf32>
      %broadcast_in_dim3A_898 = arith.constant 126 : i32
      %broadcast_in_dim3A_899 = vector.broadcast %broadcast_in_dim3A_898 : i32 to vector<16xi32>
      %gather3A_900 = tpu.vector_load_idx %arg10[%add3A_104, %broadcast_in_dim3A_899] : memref<128x128xf32, #tpu.memory_space<vmem>>[vector<16xi32>, vector<16xi32>], vector<16xf32>,
      %mul3A_901 = arith.mulf %gather3A_900, %gather3A_147 : vector<16xf32>
      %add3A_902 = arith.addf %add3A_892, %mul3A_901 : vector<16xf32>
      %broadcast_in_dim3A_903 = arith.constant 127 : i32
      %broadcast_in_dim3A_904 = vector.broadcast %broadcast_in_dim3A_903 : i32 to vector<16xi32>
      %gather3A_905 = tpu.vector_load_idx %arg10[%add3A_104, %broadcast_in_dim3A_904] : memref<128x128xf32, #tpu.memory_space<vmem>>[vector<16xi32>, vector<16xi32>], vector<16xf32>,
      %mul3A_906 = arith.mulf %gather3A_905, %gather3A_150 : vector<16xf32>
      %add3A_907 = arith.addf %add3A_897, %mul3A_906 : vector<16xf32>
      %add3A_908 = arith.addf %add3A_902, %add3A_907 : vector<16xf32>
      %broadcast_in_dim3A_909 = arith.constant 15 : i32
      %broadcast_in_dim3A_910 = vector.broadcast %broadcast_in_dim3A_909 : i32 to vector<16xi32>
      tpu.vector_store_idx %arg13[%add3A_104, %broadcast_in_dim3A_910], %add3A_908 : memref<128x16xf32, #tpu.memory_space<vmem>>[vector<16xi32>, vector<16xi32>], vector<16xf32>,
    }
    %scan3A_74 = arith.constant 8 : i32
    "tpu.region"() ({
      %run_scoped3A = tpu.sem_alloc : memref<!tpu.dma_semaphore, #tpu.memory_space<semaphore_mem>>
      %dma_start3A_100 = arith.constant 0 : i32
      %dma_start3A_101 = tpu.memref_slice %arg7[%add3A_51, %dma_start3A_100] : memref<16384x16xf32, #tpu.memory_space<hbm>> -> memref<128x16xf32, #tpu.memory_space<hbm>>
      %dma_start3A_102 = arith.constant 0 : i32
      %dma_start3A_103 = tpu.memref_slice %arg7[%add3A_51, %dma_start3A_102] : memref<16384x16xf32, #tpu.memory_space<hbm>> -> memref<128x16xf32, #tpu.memory_space<hbm>>
      tpu.enqueue_dma source(%arg13 : memref<128x16xf32, #tpu.memory_space<vmem>>) target(%dma_start3A_103 : memref<128x16xf32, #tpu.memory_space<hbm>>) target_semaphore(%run_scoped3A : memref<!tpu.dma_semaphore, #tpu.memory_space<semaphore_mem>>)
      %dma_wait3A_104 = arith.constant 0 : i32
      %dma_wait3A_105 = tpu.memref_slice %arg7[%add3A_51, %dma_wait3A_104] : memref<16384x16xf32, #tpu.memory_space<hbm>> -> memref<128x16xf32, #tpu.memory_space<hbm>>
      %dma_wait3A_106 = arith.constant 0 : i32
      %dma_wait3A_107 = tpu.memref_slice %arg7[%add3A_51, %dma_wait3A_106] : memref<16384x16xf32, #tpu.memory_space<hbm>> -> memref<128x16xf32, #tpu.memory_space<hbm>>
      tpu.wait_dma2 semaphore(%run_scoped3A : memref<!tpu.dma_semaphore, #tpu.memory_space<semaphore_mem>>) src(%arg13 : memref<128x16xf32, #tpu.memory_space<vmem>>) dst(%dma_wait3A_107 : memref<128x16xf32, #tpu.memory_space<hbm>>)
      tpu.yield
    }) : () -> ()
    %add3A_75 = arith.constant 384 : i32
    %add3A_76 = arith.addi %mul3A_2, %add3A_75 : i32
    "tpu.region"() ({
      %run_scoped3A = tpu.sem_alloc : memref<!tpu.dma_semaphore, #tpu.memory_space<semaphore_mem>>
      %dma_start3A_100 = tpu.memref_slice %arg2[%add3A_76] : memref<16384xi32, #tpu.memory_space<hbm>> -> memref<128xi32, #tpu.memory_space<hbm>>
      %dma_start3A_101 = tpu.memref_slice %arg2[%add3A_76] : memref<16384xi32, #tpu.memory_space<hbm>> -> memref<128xi32, #tpu.memory_space<hbm>>
      tpu.enqueue_dma source(%dma_start3A_101 : memref<128xi32, #tpu.memory_space<hbm>>) target(%arg8 : memref<128xi32, #tpu.memory_space<vmem>>) target_semaphore(%run_scoped3A : memref<!tpu.dma_semaphore, #tpu.memory_space<semaphore_mem>>)
      %dma_wait3A_102 = tpu.memref_slice %arg2[%add3A_76] : memref<16384xi32, #tpu.memory_space<hbm>> -> memref<128xi32, #tpu.memory_space<hbm>>
      %dma_wait3A_103 = tpu.memref_slice %arg2[%add3A_76] : memref<16384xi32, #tpu.memory_space<hbm>> -> memref<128xi32, #tpu.memory_space<hbm>>
      tpu.wait_dma2 semaphore(%run_scoped3A : memref<!tpu.dma_semaphore, #tpu.memory_space<semaphore_mem>>) src(%dma_wait3A_103 : memref<128xi32, #tpu.memory_space<hbm>>) dst(%arg8 : memref<128xi32, #tpu.memory_space<vmem>>)
      tpu.yield
    }) : () -> ()
    %dma_start3A_77 = arith.constant 0 : i32
    %dma_start3A_78 = arith.constant 0 : i32
    %dma_start3A_79 = tpu.memref_slice %arg4[%dma_start3A_77, %dma_start3A_78] : memref<100000x128xf32, #tpu.memory_space<hbm>> -> memref<100000x128xf32, #tpu.memory_space<hbm>>
    tpu.enqueue_indirect_dma source(%dma_start3A_79 : memref<100000x128xf32, #tpu.memory_space<hbm>>) target(%arg9 : memref<128x128xf32, #tpu.memory_space<vmem>>) offsets(%arg8 : memref<128xi32, #tpu.memory_space<vmem>>) semaphore(%arg14 : memref<!tpu.dma_semaphore, #tpu.memory_space<semaphore_mem>>)
    %dma_start3A_80 = arith.constant 0 : i32
    %dma_start3A_81 = arith.constant 0 : i32
    %dma_start3A_82 = tpu.memref_slice %arg5[%dma_start3A_80, %dma_start3A_81] : memref<100000x128xf32, #tpu.memory_space<hbm>> -> memref<100000x128xf32, #tpu.memory_space<hbm>>
    tpu.enqueue_indirect_dma source(%dma_start3A_82 : memref<100000x128xf32, #tpu.memory_space<hbm>>) target(%arg10 : memref<128x128xf32, #tpu.memory_space<vmem>>) offsets(%arg8 : memref<128xi32, #tpu.memory_space<vmem>>) semaphore(%arg14 : memref<!tpu.dma_semaphore, #tpu.memory_space<semaphore_mem>>)
    %dma_start3A_83 = arith.constant 0 : i32
    %dma_start3A_84 = arith.constant 0 : i32
    %dma_start3A_85 = tpu.memref_slice %arg3[%dma_start3A_83, %dma_start3A_84] : memref<100000x16xf32, #tpu.memory_space<hbm>> -> memref<100000x16xf32, #tpu.memory_space<hbm>>
    tpu.enqueue_indirect_dma source(%dma_start3A_85 : memref<100000x16xf32, #tpu.memory_space<hbm>>) target(%arg11 : memref<128x16xf32, #tpu.memory_space<vmem>>) offsets(%arg8 : memref<128xi32, #tpu.memory_space<vmem>>) semaphore(%arg14 : memref<!tpu.dma_semaphore, #tpu.memory_space<semaphore_mem>>)
    "tpu.region"() ({
      %run_scoped3A = tpu.sem_alloc : memref<!tpu.dma_semaphore, #tpu.memory_space<semaphore_mem>>
      %dma_start3A_100 = arith.constant 0 : i32
      %dma_start3A_101 = tpu.memref_slice %arg6[%add3A_76, %dma_start3A_100] : memref<16384x16xf32, #tpu.memory_space<hbm>> -> memref<128x16xf32, #tpu.memory_space<hbm>>
      %dma_start3A_102 = arith.constant 0 : i32
      %dma_start3A_103 = tpu.memref_slice %arg6[%add3A_76, %dma_start3A_102] : memref<16384x16xf32, #tpu.memory_space<hbm>> -> memref<128x16xf32, #tpu.memory_space<hbm>>
      tpu.enqueue_dma source(%dma_start3A_103 : memref<128x16xf32, #tpu.memory_space<hbm>>) target(%arg12 : memref<128x16xf32, #tpu.memory_space<vmem>>) target_semaphore(%run_scoped3A : memref<!tpu.dma_semaphore, #tpu.memory_space<semaphore_mem>>)
      %dma_wait3A_104 = arith.constant 0 : i32
      %dma_wait3A_105 = tpu.memref_slice %arg6[%add3A_76, %dma_wait3A_104] : memref<16384x16xf32, #tpu.memory_space<hbm>> -> memref<128x16xf32, #tpu.memory_space<hbm>>
      %dma_wait3A_106 = arith.constant 0 : i32
      %dma_wait3A_107 = tpu.memref_slice %arg6[%add3A_76, %dma_wait3A_106] : memref<16384x16xf32, #tpu.memory_space<hbm>> -> memref<128x16xf32, #tpu.memory_space<hbm>>
      tpu.wait_dma2 semaphore(%run_scoped3A : memref<!tpu.dma_semaphore, #tpu.memory_space<semaphore_mem>>) src(%dma_wait3A_107 : memref<128x16xf32, #tpu.memory_space<hbm>>) dst(%arg12 : memref<128x16xf32, #tpu.memory_space<vmem>>)
      tpu.yield
    }) : () -> ()
    %dma_wait3A_86 = arith.constant 0 : i32
    %dma_wait3A_87 = arith.constant 0 : i32
    %dma_wait3A_88 = tpu.memref_slice %arg4[%dma_wait3A_86, %dma_wait3A_87] : memref<100000x128xf32, #tpu.memory_space<hbm>> -> memref<100000x128xf32, #tpu.memory_space<hbm>>
    tpu.wait_indirect_dma semaphore(%arg14 : memref<!tpu.dma_semaphore, #tpu.memory_space<semaphore_mem>>) src(%dma_wait3A_88 : memref<100000x128xf32, #tpu.memory_space<hbm>>) dst(%arg9 : memref<128x128xf32, #tpu.memory_space<vmem>>)
    %dma_wait3A_89 = arith.constant 0 : i32
    %dma_wait3A_90 = arith.constant 0 : i32
    %dma_wait3A_91 = tpu.memref_slice %arg5[%dma_wait3A_89, %dma_wait3A_90] : memref<100000x128xf32, #tpu.memory_space<hbm>> -> memref<100000x128xf32, #tpu.memory_space<hbm>>
    tpu.wait_indirect_dma semaphore(%arg14 : memref<!tpu.dma_semaphore, #tpu.memory_space<semaphore_mem>>) src(%dma_wait3A_91 : memref<100000x128xf32, #tpu.memory_space<hbm>>) dst(%arg10 : memref<128x128xf32, #tpu.memory_space<vmem>>)
    %dma_wait3A_92 = arith.constant 0 : i32
    %dma_wait3A_93 = arith.constant 0 : i32
    %dma_wait3A_94 = tpu.memref_slice %arg3[%dma_wait3A_92, %dma_wait3A_93] : memref<100000x16xf32, #tpu.memory_space<hbm>> -> memref<100000x16xf32, #tpu.memory_space<hbm>>
    tpu.wait_indirect_dma semaphore(%arg14 : memref<!tpu.dma_semaphore, #tpu.memory_space<semaphore_mem>>) src(%dma_wait3A_94 : memref<100000x16xf32, #tpu.memory_space<hbm>>) dst(%arg11 : memref<128x16xf32, #tpu.memory_space<vmem>>)
    %scan3A_95 = arith.constant 0 : i32
    %scan3A_96 = arith.constant 8 : i32
    %scan3A_97 = arith.addi %scan3A_95, %scan3A_96 : i32
    %scan3A_98 = arith.constant 1 : i32
    scf.for %scan3A_100 = %scan3A_95 to %scan3A_97 step %scan3A_98  : i32 {
      %mul3A_101 = arith.constant 16 : i32
      %mul3A_102 = arith.muli %scan3A_100, %mul3A_101 : i32
      %add3A_103 = vector.broadcast %mul3A_102 : i32 to vector<16xi32>
      %add3A_104 = arith.addi %add3A_103, %iota3A : vector<16xi32>
      %broadcast_in_dim3A = arith.constant 0 : i32
      %broadcast_in_dim3A_105 = vector.broadcast %broadcast_in_dim3A : i32 to vector<16xi32>
      %gather3A = tpu.vector_load_idx %arg12[%add3A_104, %broadcast_in_dim3A_105] : memref<128x16xf32, #tpu.memory_space<vmem>>[vector<16xi32>, vector<16xi32>], vector<16xf32>,
      %broadcast_in_dim3A_106 = arith.constant 1 : i32
      %broadcast_in_dim3A_107 = vector.broadcast %broadcast_in_dim3A_106 : i32 to vector<16xi32>
      %gather3A_108 = tpu.vector_load_idx %arg12[%add3A_104, %broadcast_in_dim3A_107] : memref<128x16xf32, #tpu.memory_space<vmem>>[vector<16xi32>, vector<16xi32>], vector<16xf32>,
      %broadcast_in_dim3A_109 = arith.constant 2 : i32
      %broadcast_in_dim3A_110 = vector.broadcast %broadcast_in_dim3A_109 : i32 to vector<16xi32>
      %gather3A_111 = tpu.vector_load_idx %arg12[%add3A_104, %broadcast_in_dim3A_110] : memref<128x16xf32, #tpu.memory_space<vmem>>[vector<16xi32>, vector<16xi32>], vector<16xf32>,
      %broadcast_in_dim3A_112 = arith.constant 3 : i32
      %broadcast_in_dim3A_113 = vector.broadcast %broadcast_in_dim3A_112 : i32 to vector<16xi32>
      %gather3A_114 = tpu.vector_load_idx %arg12[%add3A_104, %broadcast_in_dim3A_113] : memref<128x16xf32, #tpu.memory_space<vmem>>[vector<16xi32>, vector<16xi32>], vector<16xf32>,
      %broadcast_in_dim3A_115 = arith.constant 4 : i32
      %broadcast_in_dim3A_116 = vector.broadcast %broadcast_in_dim3A_115 : i32 to vector<16xi32>
      %gather3A_117 = tpu.vector_load_idx %arg12[%add3A_104, %broadcast_in_dim3A_116] : memref<128x16xf32, #tpu.memory_space<vmem>>[vector<16xi32>, vector<16xi32>], vector<16xf32>,
      %broadcast_in_dim3A_118 = arith.constant 5 : i32
      %broadcast_in_dim3A_119 = vector.broadcast %broadcast_in_dim3A_118 : i32 to vector<16xi32>
      %gather3A_120 = tpu.vector_load_idx %arg12[%add3A_104, %broadcast_in_dim3A_119] : memref<128x16xf32, #tpu.memory_space<vmem>>[vector<16xi32>, vector<16xi32>], vector<16xf32>,
      %broadcast_in_dim3A_121 = arith.constant 6 : i32
      %broadcast_in_dim3A_122 = vector.broadcast %broadcast_in_dim3A_121 : i32 to vector<16xi32>
      %gather3A_123 = tpu.vector_load_idx %arg12[%add3A_104, %broadcast_in_dim3A_122] : memref<128x16xf32, #tpu.memory_space<vmem>>[vector<16xi32>, vector<16xi32>], vector<16xf32>,
      %broadcast_in_dim3A_124 = arith.constant 7 : i32
      %broadcast_in_dim3A_125 = vector.broadcast %broadcast_in_dim3A_124 : i32 to vector<16xi32>
      %gather3A_126 = tpu.vector_load_idx %arg12[%add3A_104, %broadcast_in_dim3A_125] : memref<128x16xf32, #tpu.memory_space<vmem>>[vector<16xi32>, vector<16xi32>], vector<16xf32>,
      %broadcast_in_dim3A_127 = arith.constant 8 : i32
      %broadcast_in_dim3A_128 = vector.broadcast %broadcast_in_dim3A_127 : i32 to vector<16xi32>
      %gather3A_129 = tpu.vector_load_idx %arg12[%add3A_104, %broadcast_in_dim3A_128] : memref<128x16xf32, #tpu.memory_space<vmem>>[vector<16xi32>, vector<16xi32>], vector<16xf32>,
      %broadcast_in_dim3A_130 = arith.constant 9 : i32
      %broadcast_in_dim3A_131 = vector.broadcast %broadcast_in_dim3A_130 : i32 to vector<16xi32>
      %gather3A_132 = tpu.vector_load_idx %arg12[%add3A_104, %broadcast_in_dim3A_131] : memref<128x16xf32, #tpu.memory_space<vmem>>[vector<16xi32>, vector<16xi32>], vector<16xf32>,
      %broadcast_in_dim3A_133 = arith.constant 10 : i32
      %broadcast_in_dim3A_134 = vector.broadcast %broadcast_in_dim3A_133 : i32 to vector<16xi32>
      %gather3A_135 = tpu.vector_load_idx %arg12[%add3A_104, %broadcast_in_dim3A_134] : memref<128x16xf32, #tpu.memory_space<vmem>>[vector<16xi32>, vector<16xi32>], vector<16xf32>,
      %broadcast_in_dim3A_136 = arith.constant 11 : i32
      %broadcast_in_dim3A_137 = vector.broadcast %broadcast_in_dim3A_136 : i32 to vector<16xi32>
      %gather3A_138 = tpu.vector_load_idx %arg12[%add3A_104, %broadcast_in_dim3A_137] : memref<128x16xf32, #tpu.memory_space<vmem>>[vector<16xi32>, vector<16xi32>], vector<16xf32>,
      %broadcast_in_dim3A_139 = arith.constant 12 : i32
      %broadcast_in_dim3A_140 = vector.broadcast %broadcast_in_dim3A_139 : i32 to vector<16xi32>
      %gather3A_141 = tpu.vector_load_idx %arg12[%add3A_104, %broadcast_in_dim3A_140] : memref<128x16xf32, #tpu.memory_space<vmem>>[vector<16xi32>, vector<16xi32>], vector<16xf32>,
      %broadcast_in_dim3A_142 = arith.constant 13 : i32
      %broadcast_in_dim3A_143 = vector.broadcast %broadcast_in_dim3A_142 : i32 to vector<16xi32>
      %gather3A_144 = tpu.vector_load_idx %arg12[%add3A_104, %broadcast_in_dim3A_143] : memref<128x16xf32, #tpu.memory_space<vmem>>[vector<16xi32>, vector<16xi32>], vector<16xf32>,
      %broadcast_in_dim3A_145 = arith.constant 14 : i32
      %broadcast_in_dim3A_146 = vector.broadcast %broadcast_in_dim3A_145 : i32 to vector<16xi32>
      %gather3A_147 = tpu.vector_load_idx %arg12[%add3A_104, %broadcast_in_dim3A_146] : memref<128x16xf32, #tpu.memory_space<vmem>>[vector<16xi32>, vector<16xi32>], vector<16xf32>,
      %broadcast_in_dim3A_148 = arith.constant 15 : i32
      %broadcast_in_dim3A_149 = vector.broadcast %broadcast_in_dim3A_148 : i32 to vector<16xi32>
      %gather3A_150 = tpu.vector_load_idx %arg12[%add3A_104, %broadcast_in_dim3A_149] : memref<128x16xf32, #tpu.memory_space<vmem>>[vector<16xi32>, vector<16xi32>], vector<16xf32>,
      %broadcast_in_dim3A_151 = arith.constant 0 : i32
      %broadcast_in_dim3A_152 = vector.broadcast %broadcast_in_dim3A_151 : i32 to vector<16xi32>
      %gather3A_153 = tpu.vector_load_idx %arg11[%add3A_104, %broadcast_in_dim3A_152] : memref<128x16xf32, #tpu.memory_space<vmem>>[vector<16xi32>, vector<16xi32>], vector<16xf32>,
      %broadcast_in_dim3A_154 = arith.constant 0 : i32
      %broadcast_in_dim3A_155 = vector.broadcast %broadcast_in_dim3A_154 : i32 to vector<16xi32>
      %gather3A_156 = tpu.vector_load_idx %arg9[%add3A_104, %broadcast_in_dim3A_155] : memref<128x128xf32, #tpu.memory_space<vmem>>[vector<16xi32>, vector<16xi32>], vector<16xf32>,
      %mul3A_157 = arith.mulf %gather3A_156, %gather3A : vector<16xf32>
      %add3A_158 = arith.addf %gather3A_153, %mul3A_157 : vector<16xf32>
      %broadcast_in_dim3A_159 = arith.constant 0 : i32
      %broadcast_in_dim3A_160 = vector.broadcast %broadcast_in_dim3A_159 : i32 to vector<16xi32>
      tpu.vector_store_idx %arg13[%add3A_104, %broadcast_in_dim3A_160], %add3A_158 : memref<128x16xf32, #tpu.memory_space<vmem>>[vector<16xi32>, vector<16xi32>], vector<16xf32>,
      %broadcast_in_dim3A_161 = arith.constant 1 : i32
      %broadcast_in_dim3A_162 = vector.broadcast %broadcast_in_dim3A_161 : i32 to vector<16xi32>
      %gather3A_163 = tpu.vector_load_idx %arg11[%add3A_104, %broadcast_in_dim3A_162] : memref<128x16xf32, #tpu.memory_space<vmem>>[vector<16xi32>, vector<16xi32>], vector<16xf32>,
      %broadcast_in_dim3A_164 = arith.constant 16 : i32
      %broadcast_in_dim3A_165 = vector.broadcast %broadcast_in_dim3A_164 : i32 to vector<16xi32>
      %gather3A_166 = tpu.vector_load_idx %arg9[%add3A_104, %broadcast_in_dim3A_165] : memref<128x128xf32, #tpu.memory_space<vmem>>[vector<16xi32>, vector<16xi32>], vector<16xf32>,
      %mul3A_167 = arith.mulf %gather3A_166, %gather3A : vector<16xf32>
      %add3A_168 = arith.addf %gather3A_163, %mul3A_167 : vector<16xf32>
      %broadcast_in_dim3A_169 = arith.constant 17 : i32
      %broadcast_in_dim3A_170 = vector.broadcast %broadcast_in_dim3A_169 : i32 to vector<16xi32>
      %gather3A_171 = tpu.vector_load_idx %arg9[%add3A_104, %broadcast_in_dim3A_170] : memref<128x128xf32, #tpu.memory_space<vmem>>[vector<16xi32>, vector<16xi32>], vector<16xf32>,
      %mul3A_172 = arith.mulf %gather3A_171, %gather3A_108 : vector<16xf32>
      %add3A_173 = arith.addf %add3A_168, %mul3A_172 : vector<16xf32>
      %broadcast_in_dim3A_174 = arith.constant 1 : i32
      %broadcast_in_dim3A_175 = vector.broadcast %broadcast_in_dim3A_174 : i32 to vector<16xi32>
      tpu.vector_store_idx %arg13[%add3A_104, %broadcast_in_dim3A_175], %add3A_173 : memref<128x16xf32, #tpu.memory_space<vmem>>[vector<16xi32>, vector<16xi32>], vector<16xf32>,
      %broadcast_in_dim3A_176 = arith.constant 2 : i32
      %broadcast_in_dim3A_177 = vector.broadcast %broadcast_in_dim3A_176 : i32 to vector<16xi32>
      %gather3A_178 = tpu.vector_load_idx %arg11[%add3A_104, %broadcast_in_dim3A_177] : memref<128x16xf32, #tpu.memory_space<vmem>>[vector<16xi32>, vector<16xi32>], vector<16xf32>,
      %broadcast_in_dim3A_179 = arith.constant 32 : i32
      %broadcast_in_dim3A_180 = vector.broadcast %broadcast_in_dim3A_179 : i32 to vector<16xi32>
      %gather3A_181 = tpu.vector_load_idx %arg9[%add3A_104, %broadcast_in_dim3A_180] : memref<128x128xf32, #tpu.memory_space<vmem>>[vector<16xi32>, vector<16xi32>], vector<16xf32>,
      %mul3A_182 = arith.mulf %gather3A_181, %gather3A : vector<16xf32>
      %add3A_183 = arith.addf %gather3A_178, %mul3A_182 : vector<16xf32>
      %broadcast_in_dim3A_184 = arith.constant 33 : i32
      %broadcast_in_dim3A_185 = vector.broadcast %broadcast_in_dim3A_184 : i32 to vector<16xi32>
      %gather3A_186 = tpu.vector_load_idx %arg9[%add3A_104, %broadcast_in_dim3A_185] : memref<128x128xf32, #tpu.memory_space<vmem>>[vector<16xi32>, vector<16xi32>], vector<16xf32>,
      %mul3A_187 = arith.mulf %gather3A_186, %gather3A_108 : vector<16xf32>
      %broadcast_in_dim3A_188 = arith.constant 34 : i32
      %broadcast_in_dim3A_189 = vector.broadcast %broadcast_in_dim3A_188 : i32 to vector<16xi32>
      %gather3A_190 = tpu.vector_load_idx %arg9[%add3A_104, %broadcast_in_dim3A_189] : memref<128x128xf32, #tpu.memory_space<vmem>>[vector<16xi32>, vector<16xi32>], vector<16xf32>,
      %mul3A_191 = arith.mulf %gather3A_190, %gather3A_111 : vector<16xf32>
      %add3A_192 = arith.addf %add3A_183, %mul3A_191 : vector<16xf32>
      %add3A_193 = arith.addf %add3A_192, %mul3A_187 : vector<16xf32>
      %broadcast_in_dim3A_194 = arith.constant 2 : i32
      %broadcast_in_dim3A_195 = vector.broadcast %broadcast_in_dim3A_194 : i32 to vector<16xi32>
      tpu.vector_store_idx %arg13[%add3A_104, %broadcast_in_dim3A_195], %add3A_193 : memref<128x16xf32, #tpu.memory_space<vmem>>[vector<16xi32>, vector<16xi32>], vector<16xf32>,
      %broadcast_in_dim3A_196 = arith.constant 3 : i32
      %broadcast_in_dim3A_197 = vector.broadcast %broadcast_in_dim3A_196 : i32 to vector<16xi32>
      %gather3A_198 = tpu.vector_load_idx %arg11[%add3A_104, %broadcast_in_dim3A_197] : memref<128x16xf32, #tpu.memory_space<vmem>>[vector<16xi32>, vector<16xi32>], vector<16xf32>,
      %broadcast_in_dim3A_199 = arith.constant 48 : i32
      %broadcast_in_dim3A_200 = vector.broadcast %broadcast_in_dim3A_199 : i32 to vector<16xi32>
      %gather3A_201 = tpu.vector_load_idx %arg9[%add3A_104, %broadcast_in_dim3A_200] : memref<128x128xf32, #tpu.memory_space<vmem>>[vector<16xi32>, vector<16xi32>], vector<16xf32>,
      %mul3A_202 = arith.mulf %gather3A_201, %gather3A : vector<16xf32>
      %add3A_203 = arith.addf %gather3A_198, %mul3A_202 : vector<16xf32>
      %broadcast_in_dim3A_204 = arith.constant 49 : i32
      %broadcast_in_dim3A_205 = vector.broadcast %broadcast_in_dim3A_204 : i32 to vector<16xi32>
      %gather3A_206 = tpu.vector_load_idx %arg9[%add3A_104, %broadcast_in_dim3A_205] : memref<128x128xf32, #tpu.memory_space<vmem>>[vector<16xi32>, vector<16xi32>], vector<16xf32>,
      %mul3A_207 = arith.mulf %gather3A_206, %gather3A_108 : vector<16xf32>
      %broadcast_in_dim3A_208 = arith.constant 50 : i32
      %broadcast_in_dim3A_209 = vector.broadcast %broadcast_in_dim3A_208 : i32 to vector<16xi32>
      %gather3A_210 = tpu.vector_load_idx %arg9[%add3A_104, %broadcast_in_dim3A_209] : memref<128x128xf32, #tpu.memory_space<vmem>>[vector<16xi32>, vector<16xi32>], vector<16xf32>,
      %mul3A_211 = arith.mulf %gather3A_210, %gather3A_111 : vector<16xf32>
      %add3A_212 = arith.addf %add3A_203, %mul3A_211 : vector<16xf32>
      %broadcast_in_dim3A_213 = arith.constant 51 : i32
      %broadcast_in_dim3A_214 = vector.broadcast %broadcast_in_dim3A_213 : i32 to vector<16xi32>
      %gather3A_215 = tpu.vector_load_idx %arg9[%add3A_104, %broadcast_in_dim3A_214] : memref<128x128xf32, #tpu.memory_space<vmem>>[vector<16xi32>, vector<16xi32>], vector<16xf32>,
      %mul3A_216 = arith.mulf %gather3A_215, %gather3A_114 : vector<16xf32>
      %add3A_217 = arith.addf %mul3A_207, %mul3A_216 : vector<16xf32>
      %add3A_218 = arith.addf %add3A_212, %add3A_217 : vector<16xf32>
      %broadcast_in_dim3A_219 = arith.constant 3 : i32
      %broadcast_in_dim3A_220 = vector.broadcast %broadcast_in_dim3A_219 : i32 to vector<16xi32>
      tpu.vector_store_idx %arg13[%add3A_104, %broadcast_in_dim3A_220], %add3A_218 : memref<128x16xf32, #tpu.memory_space<vmem>>[vector<16xi32>, vector<16xi32>], vector<16xf32>,
      %broadcast_in_dim3A_221 = arith.constant 4 : i32
      %broadcast_in_dim3A_222 = vector.broadcast %broadcast_in_dim3A_221 : i32 to vector<16xi32>
      %gather3A_223 = tpu.vector_load_idx %arg11[%add3A_104, %broadcast_in_dim3A_222] : memref<128x16xf32, #tpu.memory_space<vmem>>[vector<16xi32>, vector<16xi32>], vector<16xf32>,
      %broadcast_in_dim3A_224 = arith.constant 64 : i32
      %broadcast_in_dim3A_225 = vector.broadcast %broadcast_in_dim3A_224 : i32 to vector<16xi32>
      %gather3A_226 = tpu.vector_load_idx %arg9[%add3A_104, %broadcast_in_dim3A_225] : memref<128x128xf32, #tpu.memory_space<vmem>>[vector<16xi32>, vector<16xi32>], vector<16xf32>,
      %mul3A_227 = arith.mulf %gather3A_226, %gather3A : vector<16xf32>
      %add3A_228 = arith.addf %gather3A_223, %mul3A_227 : vector<16xf32>
      %broadcast_in_dim3A_229 = arith.constant 65 : i32
      %broadcast_in_dim3A_230 = vector.broadcast %broadcast_in_dim3A_229 : i32 to vector<16xi32>
      %gather3A_231 = tpu.vector_load_idx %arg9[%add3A_104, %broadcast_in_dim3A_230] : memref<128x128xf32, #tpu.memory_space<vmem>>[vector<16xi32>, vector<16xi32>], vector<16xf32>,
      %mul3A_232 = arith.mulf %gather3A_231, %gather3A_108 : vector<16xf32>
      %broadcast_in_dim3A_233 = arith.constant 66 : i32
      %broadcast_in_dim3A_234 = vector.broadcast %broadcast_in_dim3A_233 : i32 to vector<16xi32>
      %gather3A_235 = tpu.vector_load_idx %arg9[%add3A_104, %broadcast_in_dim3A_234] : memref<128x128xf32, #tpu.memory_space<vmem>>[vector<16xi32>, vector<16xi32>], vector<16xf32>,
      %mul3A_236 = arith.mulf %gather3A_235, %gather3A_111 : vector<16xf32>
      %add3A_237 = arith.addf %add3A_228, %mul3A_236 : vector<16xf32>
      %broadcast_in_dim3A_238 = arith.constant 67 : i32
      %broadcast_in_dim3A_239 = vector.broadcast %broadcast_in_dim3A_238 : i32 to vector<16xi32>
      %gather3A_240 = tpu.vector_load_idx %arg9[%add3A_104, %broadcast_in_dim3A_239] : memref<128x128xf32, #tpu.memory_space<vmem>>[vector<16xi32>, vector<16xi32>], vector<16xf32>,
      %mul3A_241 = arith.mulf %gather3A_240, %gather3A_114 : vector<16xf32>
      %add3A_242 = arith.addf %mul3A_232, %mul3A_241 : vector<16xf32>
      %broadcast_in_dim3A_243 = arith.constant 68 : i32
      %broadcast_in_dim3A_244 = vector.broadcast %broadcast_in_dim3A_243 : i32 to vector<16xi32>
      %gather3A_245 = tpu.vector_load_idx %arg9[%add3A_104, %broadcast_in_dim3A_244] : memref<128x128xf32, #tpu.memory_space<vmem>>[vector<16xi32>, vector<16xi32>], vector<16xf32>,
      %mul3A_246 = arith.mulf %gather3A_245, %gather3A_117 : vector<16xf32>
      %add3A_247 = arith.addf %add3A_237, %mul3A_246 : vector<16xf32>
      %add3A_248 = arith.addf %add3A_247, %add3A_242 : vector<16xf32>
      %broadcast_in_dim3A_249 = arith.constant 4 : i32
      %broadcast_in_dim3A_250 = vector.broadcast %broadcast_in_dim3A_249 : i32 to vector<16xi32>
      tpu.vector_store_idx %arg13[%add3A_104, %broadcast_in_dim3A_250], %add3A_248 : memref<128x16xf32, #tpu.memory_space<vmem>>[vector<16xi32>, vector<16xi32>], vector<16xf32>,
      %broadcast_in_dim3A_251 = arith.constant 5 : i32
      %broadcast_in_dim3A_252 = vector.broadcast %broadcast_in_dim3A_251 : i32 to vector<16xi32>
      %gather3A_253 = tpu.vector_load_idx %arg11[%add3A_104, %broadcast_in_dim3A_252] : memref<128x16xf32, #tpu.memory_space<vmem>>[vector<16xi32>, vector<16xi32>], vector<16xf32>,
      %broadcast_in_dim3A_254 = arith.constant 80 : i32
      %broadcast_in_dim3A_255 = vector.broadcast %broadcast_in_dim3A_254 : i32 to vector<16xi32>
      %gather3A_256 = tpu.vector_load_idx %arg9[%add3A_104, %broadcast_in_dim3A_255] : memref<128x128xf32, #tpu.memory_space<vmem>>[vector<16xi32>, vector<16xi32>], vector<16xf32>,
      %mul3A_257 = arith.mulf %gather3A_256, %gather3A : vector<16xf32>
      %add3A_258 = arith.addf %gather3A_253, %mul3A_257 : vector<16xf32>
      %broadcast_in_dim3A_259 = arith.constant 81 : i32
      %broadcast_in_dim3A_260 = vector.broadcast %broadcast_in_dim3A_259 : i32 to vector<16xi32>
      %gather3A_261 = tpu.vector_load_idx %arg9[%add3A_104, %broadcast_in_dim3A_260] : memref<128x128xf32, #tpu.memory_space<vmem>>[vector<16xi32>, vector<16xi32>], vector<16xf32>,
      %mul3A_262 = arith.mulf %gather3A_261, %gather3A_108 : vector<16xf32>
      %broadcast_in_dim3A_263 = arith.constant 82 : i32
      %broadcast_in_dim3A_264 = vector.broadcast %broadcast_in_dim3A_263 : i32 to vector<16xi32>
      %gather3A_265 = tpu.vector_load_idx %arg9[%add3A_104, %broadcast_in_dim3A_264] : memref<128x128xf32, #tpu.memory_space<vmem>>[vector<16xi32>, vector<16xi32>], vector<16xf32>,
      %mul3A_266 = arith.mulf %gather3A_265, %gather3A_111 : vector<16xf32>
      %add3A_267 = arith.addf %add3A_258, %mul3A_266 : vector<16xf32>
      %broadcast_in_dim3A_268 = arith.constant 83 : i32
      %broadcast_in_dim3A_269 = vector.broadcast %broadcast_in_dim3A_268 : i32 to vector<16xi32>
      %gather3A_270 = tpu.vector_load_idx %arg9[%add3A_104, %broadcast_in_dim3A_269] : memref<128x128xf32, #tpu.memory_space<vmem>>[vector<16xi32>, vector<16xi32>], vector<16xf32>,
      %mul3A_271 = arith.mulf %gather3A_270, %gather3A_114 : vector<16xf32>
      %add3A_272 = arith.addf %mul3A_262, %mul3A_271 : vector<16xf32>
      %broadcast_in_dim3A_273 = arith.constant 84 : i32
      %broadcast_in_dim3A_274 = vector.broadcast %broadcast_in_dim3A_273 : i32 to vector<16xi32>
      %gather3A_275 = tpu.vector_load_idx %arg9[%add3A_104, %broadcast_in_dim3A_274] : memref<128x128xf32, #tpu.memory_space<vmem>>[vector<16xi32>, vector<16xi32>], vector<16xf32>,
      %mul3A_276 = arith.mulf %gather3A_275, %gather3A_117 : vector<16xf32>
      %add3A_277 = arith.addf %add3A_267, %mul3A_276 : vector<16xf32>
      %broadcast_in_dim3A_278 = arith.constant 85 : i32
      %broadcast_in_dim3A_279 = vector.broadcast %broadcast_in_dim3A_278 : i32 to vector<16xi32>
      %gather3A_280 = tpu.vector_load_idx %arg9[%add3A_104, %broadcast_in_dim3A_279] : memref<128x128xf32, #tpu.memory_space<vmem>>[vector<16xi32>, vector<16xi32>], vector<16xf32>,
      %mul3A_281 = arith.mulf %gather3A_280, %gather3A_120 : vector<16xf32>
      %add3A_282 = arith.addf %add3A_272, %mul3A_281 : vector<16xf32>
      %add3A_283 = arith.addf %add3A_277, %add3A_282 : vector<16xf32>
      %broadcast_in_dim3A_284 = arith.constant 5 : i32
      %broadcast_in_dim3A_285 = vector.broadcast %broadcast_in_dim3A_284 : i32 to vector<16xi32>
      tpu.vector_store_idx %arg13[%add3A_104, %broadcast_in_dim3A_285], %add3A_283 : memref<128x16xf32, #tpu.memory_space<vmem>>[vector<16xi32>, vector<16xi32>], vector<16xf32>,
      %broadcast_in_dim3A_286 = arith.constant 6 : i32
      %broadcast_in_dim3A_287 = vector.broadcast %broadcast_in_dim3A_286 : i32 to vector<16xi32>
      %gather3A_288 = tpu.vector_load_idx %arg11[%add3A_104, %broadcast_in_dim3A_287] : memref<128x16xf32, #tpu.memory_space<vmem>>[vector<16xi32>, vector<16xi32>], vector<16xf32>,
      %broadcast_in_dim3A_289 = arith.constant 96 : i32
      %broadcast_in_dim3A_290 = vector.broadcast %broadcast_in_dim3A_289 : i32 to vector<16xi32>
      %gather3A_291 = tpu.vector_load_idx %arg9[%add3A_104, %broadcast_in_dim3A_290] : memref<128x128xf32, #tpu.memory_space<vmem>>[vector<16xi32>, vector<16xi32>], vector<16xf32>,
      %mul3A_292 = arith.mulf %gather3A_291, %gather3A : vector<16xf32>
      %add3A_293 = arith.addf %gather3A_288, %mul3A_292 : vector<16xf32>
      %broadcast_in_dim3A_294 = arith.constant 97 : i32
      %broadcast_in_dim3A_295 = vector.broadcast %broadcast_in_dim3A_294 : i32 to vector<16xi32>
      %gather3A_296 = tpu.vector_load_idx %arg9[%add3A_104, %broadcast_in_dim3A_295] : memref<128x128xf32, #tpu.memory_space<vmem>>[vector<16xi32>, vector<16xi32>], vector<16xf32>,
      %mul3A_297 = arith.mulf %gather3A_296, %gather3A_108 : vector<16xf32>
      %broadcast_in_dim3A_298 = arith.constant 98 : i32
      %broadcast_in_dim3A_299 = vector.broadcast %broadcast_in_dim3A_298 : i32 to vector<16xi32>
      %gather3A_300 = tpu.vector_load_idx %arg9[%add3A_104, %broadcast_in_dim3A_299] : memref<128x128xf32, #tpu.memory_space<vmem>>[vector<16xi32>, vector<16xi32>], vector<16xf32>,
      %mul3A_301 = arith.mulf %gather3A_300, %gather3A_111 : vector<16xf32>
      %add3A_302 = arith.addf %add3A_293, %mul3A_301 : vector<16xf32>
      %broadcast_in_dim3A_303 = arith.constant 99 : i32
      %broadcast_in_dim3A_304 = vector.broadcast %broadcast_in_dim3A_303 : i32 to vector<16xi32>
      %gather3A_305 = tpu.vector_load_idx %arg9[%add3A_104, %broadcast_in_dim3A_304] : memref<128x128xf32, #tpu.memory_space<vmem>>[vector<16xi32>, vector<16xi32>], vector<16xf32>,
      %mul3A_306 = arith.mulf %gather3A_305, %gather3A_114 : vector<16xf32>
      %add3A_307 = arith.addf %mul3A_297, %mul3A_306 : vector<16xf32>
      %broadcast_in_dim3A_308 = arith.constant 100 : i32
      %broadcast_in_dim3A_309 = vector.broadcast %broadcast_in_dim3A_308 : i32 to vector<16xi32>
      %gather3A_310 = tpu.vector_load_idx %arg9[%add3A_104, %broadcast_in_dim3A_309] : memref<128x128xf32, #tpu.memory_space<vmem>>[vector<16xi32>, vector<16xi32>], vector<16xf32>,
      %mul3A_311 = arith.mulf %gather3A_310, %gather3A_117 : vector<16xf32>
      %add3A_312 = arith.addf %add3A_302, %mul3A_311 : vector<16xf32>
      %broadcast_in_dim3A_313 = arith.constant 101 : i32
      %broadcast_in_dim3A_314 = vector.broadcast %broadcast_in_dim3A_313 : i32 to vector<16xi32>
      %gather3A_315 = tpu.vector_load_idx %arg9[%add3A_104, %broadcast_in_dim3A_314] : memref<128x128xf32, #tpu.memory_space<vmem>>[vector<16xi32>, vector<16xi32>], vector<16xf32>,
      %mul3A_316 = arith.mulf %gather3A_315, %gather3A_120 : vector<16xf32>
      %add3A_317 = arith.addf %add3A_307, %mul3A_316 : vector<16xf32>
      %broadcast_in_dim3A_318 = arith.constant 102 : i32
      %broadcast_in_dim3A_319 = vector.broadcast %broadcast_in_dim3A_318 : i32 to vector<16xi32>
      %gather3A_320 = tpu.vector_load_idx %arg9[%add3A_104, %broadcast_in_dim3A_319] : memref<128x128xf32, #tpu.memory_space<vmem>>[vector<16xi32>, vector<16xi32>], vector<16xf32>,
      %mul3A_321 = arith.mulf %gather3A_320, %gather3A_123 : vector<16xf32>
      %add3A_322 = arith.addf %add3A_312, %mul3A_321 : vector<16xf32>
      %add3A_323 = arith.addf %add3A_322, %add3A_317 : vector<16xf32>
      %broadcast_in_dim3A_324 = arith.constant 6 : i32
      %broadcast_in_dim3A_325 = vector.broadcast %broadcast_in_dim3A_324 : i32 to vector<16xi32>
      tpu.vector_store_idx %arg13[%add3A_104, %broadcast_in_dim3A_325], %add3A_323 : memref<128x16xf32, #tpu.memory_space<vmem>>[vector<16xi32>, vector<16xi32>], vector<16xf32>,
      %broadcast_in_dim3A_326 = arith.constant 7 : i32
      %broadcast_in_dim3A_327 = vector.broadcast %broadcast_in_dim3A_326 : i32 to vector<16xi32>
      %gather3A_328 = tpu.vector_load_idx %arg11[%add3A_104, %broadcast_in_dim3A_327] : memref<128x16xf32, #tpu.memory_space<vmem>>[vector<16xi32>, vector<16xi32>], vector<16xf32>,
      %broadcast_in_dim3A_329 = arith.constant 112 : i32
      %broadcast_in_dim3A_330 = vector.broadcast %broadcast_in_dim3A_329 : i32 to vector<16xi32>
      %gather3A_331 = tpu.vector_load_idx %arg9[%add3A_104, %broadcast_in_dim3A_330] : memref<128x128xf32, #tpu.memory_space<vmem>>[vector<16xi32>, vector<16xi32>], vector<16xf32>,
      %mul3A_332 = arith.mulf %gather3A_331, %gather3A : vector<16xf32>
      %add3A_333 = arith.addf %gather3A_328, %mul3A_332 : vector<16xf32>
      %broadcast_in_dim3A_334 = arith.constant 113 : i32
      %broadcast_in_dim3A_335 = vector.broadcast %broadcast_in_dim3A_334 : i32 to vector<16xi32>
      %gather3A_336 = tpu.vector_load_idx %arg9[%add3A_104, %broadcast_in_dim3A_335] : memref<128x128xf32, #tpu.memory_space<vmem>>[vector<16xi32>, vector<16xi32>], vector<16xf32>,
      %mul3A_337 = arith.mulf %gather3A_336, %gather3A_108 : vector<16xf32>
      %broadcast_in_dim3A_338 = arith.constant 114 : i32
      %broadcast_in_dim3A_339 = vector.broadcast %broadcast_in_dim3A_338 : i32 to vector<16xi32>
      %gather3A_340 = tpu.vector_load_idx %arg9[%add3A_104, %broadcast_in_dim3A_339] : memref<128x128xf32, #tpu.memory_space<vmem>>[vector<16xi32>, vector<16xi32>], vector<16xf32>,
      %mul3A_341 = arith.mulf %gather3A_340, %gather3A_111 : vector<16xf32>
      %add3A_342 = arith.addf %add3A_333, %mul3A_341 : vector<16xf32>
      %broadcast_in_dim3A_343 = arith.constant 115 : i32
      %broadcast_in_dim3A_344 = vector.broadcast %broadcast_in_dim3A_343 : i32 to vector<16xi32>
      %gather3A_345 = tpu.vector_load_idx %arg9[%add3A_104, %broadcast_in_dim3A_344] : memref<128x128xf32, #tpu.memory_space<vmem>>[vector<16xi32>, vector<16xi32>], vector<16xf32>,
      %mul3A_346 = arith.mulf %gather3A_345, %gather3A_114 : vector<16xf32>
      %add3A_347 = arith.addf %mul3A_337, %mul3A_346 : vector<16xf32>
      %broadcast_in_dim3A_348 = arith.constant 116 : i32
      %broadcast_in_dim3A_349 = vector.broadcast %broadcast_in_dim3A_348 : i32 to vector<16xi32>
      %gather3A_350 = tpu.vector_load_idx %arg9[%add3A_104, %broadcast_in_dim3A_349] : memref<128x128xf32, #tpu.memory_space<vmem>>[vector<16xi32>, vector<16xi32>], vector<16xf32>,
      %mul3A_351 = arith.mulf %gather3A_350, %gather3A_117 : vector<16xf32>
      %add3A_352 = arith.addf %add3A_342, %mul3A_351 : vector<16xf32>
      %broadcast_in_dim3A_353 = arith.constant 117 : i32
      %broadcast_in_dim3A_354 = vector.broadcast %broadcast_in_dim3A_353 : i32 to vector<16xi32>
      %gather3A_355 = tpu.vector_load_idx %arg9[%add3A_104, %broadcast_in_dim3A_354] : memref<128x128xf32, #tpu.memory_space<vmem>>[vector<16xi32>, vector<16xi32>], vector<16xf32>,
      %mul3A_356 = arith.mulf %gather3A_355, %gather3A_120 : vector<16xf32>
      %add3A_357 = arith.addf %add3A_347, %mul3A_356 : vector<16xf32>
      %broadcast_in_dim3A_358 = arith.constant 118 : i32
      %broadcast_in_dim3A_359 = vector.broadcast %broadcast_in_dim3A_358 : i32 to vector<16xi32>
      %gather3A_360 = tpu.vector_load_idx %arg9[%add3A_104, %broadcast_in_dim3A_359] : memref<128x128xf32, #tpu.memory_space<vmem>>[vector<16xi32>, vector<16xi32>], vector<16xf32>,
      %mul3A_361 = arith.mulf %gather3A_360, %gather3A_123 : vector<16xf32>
      %add3A_362 = arith.addf %add3A_352, %mul3A_361 : vector<16xf32>
      %broadcast_in_dim3A_363 = arith.constant 119 : i32
      %broadcast_in_dim3A_364 = vector.broadcast %broadcast_in_dim3A_363 : i32 to vector<16xi32>
      %gather3A_365 = tpu.vector_load_idx %arg9[%add3A_104, %broadcast_in_dim3A_364] : memref<128x128xf32, #tpu.memory_space<vmem>>[vector<16xi32>, vector<16xi32>], vector<16xf32>,
      %mul3A_366 = arith.mulf %gather3A_365, %gather3A_126 : vector<16xf32>
      %add3A_367 = arith.addf %add3A_357, %mul3A_366 : vector<16xf32>
      %add3A_368 = arith.addf %add3A_362, %add3A_367 : vector<16xf32>
      %broadcast_in_dim3A_369 = arith.constant 7 : i32
      %broadcast_in_dim3A_370 = vector.broadcast %broadcast_in_dim3A_369 : i32 to vector<16xi32>
      tpu.vector_store_idx %arg13[%add3A_104, %broadcast_in_dim3A_370], %add3A_368 : memref<128x16xf32, #tpu.memory_space<vmem>>[vector<16xi32>, vector<16xi32>], vector<16xf32>,
      %broadcast_in_dim3A_371 = arith.constant 8 : i32
      %broadcast_in_dim3A_372 = vector.broadcast %broadcast_in_dim3A_371 : i32 to vector<16xi32>
      %gather3A_373 = tpu.vector_load_idx %arg11[%add3A_104, %broadcast_in_dim3A_372] : memref<128x16xf32, #tpu.memory_space<vmem>>[vector<16xi32>, vector<16xi32>], vector<16xf32>,
      %broadcast_in_dim3A_374 = arith.constant 0 : i32
      %broadcast_in_dim3A_375 = vector.broadcast %broadcast_in_dim3A_374 : i32 to vector<16xi32>
      %gather3A_376 = tpu.vector_load_idx %arg10[%add3A_104, %broadcast_in_dim3A_375] : memref<128x128xf32, #tpu.memory_space<vmem>>[vector<16xi32>, vector<16xi32>], vector<16xf32>,
      %mul3A_377 = arith.mulf %gather3A_376, %gather3A : vector<16xf32>
      %add3A_378 = arith.addf %gather3A_373, %mul3A_377 : vector<16xf32>
      %broadcast_in_dim3A_379 = arith.constant 1 : i32
      %broadcast_in_dim3A_380 = vector.broadcast %broadcast_in_dim3A_379 : i32 to vector<16xi32>
      %gather3A_381 = tpu.vector_load_idx %arg10[%add3A_104, %broadcast_in_dim3A_380] : memref<128x128xf32, #tpu.memory_space<vmem>>[vector<16xi32>, vector<16xi32>], vector<16xf32>,
      %mul3A_382 = arith.mulf %gather3A_381, %gather3A_108 : vector<16xf32>
      %broadcast_in_dim3A_383 = arith.constant 2 : i32
      %broadcast_in_dim3A_384 = vector.broadcast %broadcast_in_dim3A_383 : i32 to vector<16xi32>
      %gather3A_385 = tpu.vector_load_idx %arg10[%add3A_104, %broadcast_in_dim3A_384] : memref<128x128xf32, #tpu.memory_space<vmem>>[vector<16xi32>, vector<16xi32>], vector<16xf32>,
      %mul3A_386 = arith.mulf %gather3A_385, %gather3A_111 : vector<16xf32>
      %add3A_387 = arith.addf %add3A_378, %mul3A_386 : vector<16xf32>
      %broadcast_in_dim3A_388 = arith.constant 3 : i32
      %broadcast_in_dim3A_389 = vector.broadcast %broadcast_in_dim3A_388 : i32 to vector<16xi32>
      %gather3A_390 = tpu.vector_load_idx %arg10[%add3A_104, %broadcast_in_dim3A_389] : memref<128x128xf32, #tpu.memory_space<vmem>>[vector<16xi32>, vector<16xi32>], vector<16xf32>,
      %mul3A_391 = arith.mulf %gather3A_390, %gather3A_114 : vector<16xf32>
      %add3A_392 = arith.addf %mul3A_382, %mul3A_391 : vector<16xf32>
      %broadcast_in_dim3A_393 = arith.constant 4 : i32
      %broadcast_in_dim3A_394 = vector.broadcast %broadcast_in_dim3A_393 : i32 to vector<16xi32>
      %gather3A_395 = tpu.vector_load_idx %arg10[%add3A_104, %broadcast_in_dim3A_394] : memref<128x128xf32, #tpu.memory_space<vmem>>[vector<16xi32>, vector<16xi32>], vector<16xf32>,
      %mul3A_396 = arith.mulf %gather3A_395, %gather3A_117 : vector<16xf32>
      %add3A_397 = arith.addf %add3A_387, %mul3A_396 : vector<16xf32>
      %broadcast_in_dim3A_398 = arith.constant 5 : i32
      %broadcast_in_dim3A_399 = vector.broadcast %broadcast_in_dim3A_398 : i32 to vector<16xi32>
      %gather3A_400 = tpu.vector_load_idx %arg10[%add3A_104, %broadcast_in_dim3A_399] : memref<128x128xf32, #tpu.memory_space<vmem>>[vector<16xi32>, vector<16xi32>], vector<16xf32>,
      %mul3A_401 = arith.mulf %gather3A_400, %gather3A_120 : vector<16xf32>
      %add3A_402 = arith.addf %add3A_392, %mul3A_401 : vector<16xf32>
      %broadcast_in_dim3A_403 = arith.constant 6 : i32
      %broadcast_in_dim3A_404 = vector.broadcast %broadcast_in_dim3A_403 : i32 to vector<16xi32>
      %gather3A_405 = tpu.vector_load_idx %arg10[%add3A_104, %broadcast_in_dim3A_404] : memref<128x128xf32, #tpu.memory_space<vmem>>[vector<16xi32>, vector<16xi32>], vector<16xf32>,
      %mul3A_406 = arith.mulf %gather3A_405, %gather3A_123 : vector<16xf32>
      %add3A_407 = arith.addf %add3A_397, %mul3A_406 : vector<16xf32>
      %broadcast_in_dim3A_408 = arith.constant 7 : i32
      %broadcast_in_dim3A_409 = vector.broadcast %broadcast_in_dim3A_408 : i32 to vector<16xi32>
      %gather3A_410 = tpu.vector_load_idx %arg10[%add3A_104, %broadcast_in_dim3A_409] : memref<128x128xf32, #tpu.memory_space<vmem>>[vector<16xi32>, vector<16xi32>], vector<16xf32>,
      %mul3A_411 = arith.mulf %gather3A_410, %gather3A_126 : vector<16xf32>
      %add3A_412 = arith.addf %add3A_402, %mul3A_411 : vector<16xf32>
      %broadcast_in_dim3A_413 = arith.constant 8 : i32
      %broadcast_in_dim3A_414 = vector.broadcast %broadcast_in_dim3A_413 : i32 to vector<16xi32>
      %gather3A_415 = tpu.vector_load_idx %arg10[%add3A_104, %broadcast_in_dim3A_414] : memref<128x128xf32, #tpu.memory_space<vmem>>[vector<16xi32>, vector<16xi32>], vector<16xf32>,
      %mul3A_416 = arith.mulf %gather3A_415, %gather3A_129 : vector<16xf32>
      %add3A_417 = arith.addf %add3A_407, %mul3A_416 : vector<16xf32>
      %add3A_418 = arith.addf %add3A_417, %add3A_412 : vector<16xf32>
      %broadcast_in_dim3A_419 = arith.constant 8 : i32
      %broadcast_in_dim3A_420 = vector.broadcast %broadcast_in_dim3A_419 : i32 to vector<16xi32>
      tpu.vector_store_idx %arg13[%add3A_104, %broadcast_in_dim3A_420], %add3A_418 : memref<128x16xf32, #tpu.memory_space<vmem>>[vector<16xi32>, vector<16xi32>], vector<16xf32>,
      %broadcast_in_dim3A_421 = arith.constant 9 : i32
      %broadcast_in_dim3A_422 = vector.broadcast %broadcast_in_dim3A_421 : i32 to vector<16xi32>
      %gather3A_423 = tpu.vector_load_idx %arg11[%add3A_104, %broadcast_in_dim3A_422] : memref<128x16xf32, #tpu.memory_space<vmem>>[vector<16xi32>, vector<16xi32>], vector<16xf32>,
      %broadcast_in_dim3A_424 = arith.constant 16 : i32
      %broadcast_in_dim3A_425 = vector.broadcast %broadcast_in_dim3A_424 : i32 to vector<16xi32>
      %gather3A_426 = tpu.vector_load_idx %arg10[%add3A_104, %broadcast_in_dim3A_425] : memref<128x128xf32, #tpu.memory_space<vmem>>[vector<16xi32>, vector<16xi32>], vector<16xf32>,
      %mul3A_427 = arith.mulf %gather3A_426, %gather3A : vector<16xf32>
      %add3A_428 = arith.addf %gather3A_423, %mul3A_427 : vector<16xf32>
      %broadcast_in_dim3A_429 = arith.constant 17 : i32
      %broadcast_in_dim3A_430 = vector.broadcast %broadcast_in_dim3A_429 : i32 to vector<16xi32>
      %gather3A_431 = tpu.vector_load_idx %arg10[%add3A_104, %broadcast_in_dim3A_430] : memref<128x128xf32, #tpu.memory_space<vmem>>[vector<16xi32>, vector<16xi32>], vector<16xf32>,
      %mul3A_432 = arith.mulf %gather3A_431, %gather3A_108 : vector<16xf32>
      %broadcast_in_dim3A_433 = arith.constant 18 : i32
      %broadcast_in_dim3A_434 = vector.broadcast %broadcast_in_dim3A_433 : i32 to vector<16xi32>
      %gather3A_435 = tpu.vector_load_idx %arg10[%add3A_104, %broadcast_in_dim3A_434] : memref<128x128xf32, #tpu.memory_space<vmem>>[vector<16xi32>, vector<16xi32>], vector<16xf32>,
      %mul3A_436 = arith.mulf %gather3A_435, %gather3A_111 : vector<16xf32>
      %add3A_437 = arith.addf %add3A_428, %mul3A_436 : vector<16xf32>
      %broadcast_in_dim3A_438 = arith.constant 19 : i32
      %broadcast_in_dim3A_439 = vector.broadcast %broadcast_in_dim3A_438 : i32 to vector<16xi32>
      %gather3A_440 = tpu.vector_load_idx %arg10[%add3A_104, %broadcast_in_dim3A_439] : memref<128x128xf32, #tpu.memory_space<vmem>>[vector<16xi32>, vector<16xi32>], vector<16xf32>,
      %mul3A_441 = arith.mulf %gather3A_440, %gather3A_114 : vector<16xf32>
      %add3A_442 = arith.addf %mul3A_432, %mul3A_441 : vector<16xf32>
      %broadcast_in_dim3A_443 = arith.constant 20 : i32
      %broadcast_in_dim3A_444 = vector.broadcast %broadcast_in_dim3A_443 : i32 to vector<16xi32>
      %gather3A_445 = tpu.vector_load_idx %arg10[%add3A_104, %broadcast_in_dim3A_444] : memref<128x128xf32, #tpu.memory_space<vmem>>[vector<16xi32>, vector<16xi32>], vector<16xf32>,
      %mul3A_446 = arith.mulf %gather3A_445, %gather3A_117 : vector<16xf32>
      %add3A_447 = arith.addf %add3A_437, %mul3A_446 : vector<16xf32>
      %broadcast_in_dim3A_448 = arith.constant 21 : i32
      %broadcast_in_dim3A_449 = vector.broadcast %broadcast_in_dim3A_448 : i32 to vector<16xi32>
      %gather3A_450 = tpu.vector_load_idx %arg10[%add3A_104, %broadcast_in_dim3A_449] : memref<128x128xf32, #tpu.memory_space<vmem>>[vector<16xi32>, vector<16xi32>], vector<16xf32>,
      %mul3A_451 = arith.mulf %gather3A_450, %gather3A_120 : vector<16xf32>
      %add3A_452 = arith.addf %add3A_442, %mul3A_451 : vector<16xf32>
      %broadcast_in_dim3A_453 = arith.constant 22 : i32
      %broadcast_in_dim3A_454 = vector.broadcast %broadcast_in_dim3A_453 : i32 to vector<16xi32>
      %gather3A_455 = tpu.vector_load_idx %arg10[%add3A_104, %broadcast_in_dim3A_454] : memref<128x128xf32, #tpu.memory_space<vmem>>[vector<16xi32>, vector<16xi32>], vector<16xf32>,
      %mul3A_456 = arith.mulf %gather3A_455, %gather3A_123 : vector<16xf32>
      %add3A_457 = arith.addf %add3A_447, %mul3A_456 : vector<16xf32>
      %broadcast_in_dim3A_458 = arith.constant 23 : i32
      %broadcast_in_dim3A_459 = vector.broadcast %broadcast_in_dim3A_458 : i32 to vector<16xi32>
      %gather3A_460 = tpu.vector_load_idx %arg10[%add3A_104, %broadcast_in_dim3A_459] : memref<128x128xf32, #tpu.memory_space<vmem>>[vector<16xi32>, vector<16xi32>], vector<16xf32>,
      %mul3A_461 = arith.mulf %gather3A_460, %gather3A_126 : vector<16xf32>
      %add3A_462 = arith.addf %add3A_452, %mul3A_461 : vector<16xf32>
      %broadcast_in_dim3A_463 = arith.constant 24 : i32
      %broadcast_in_dim3A_464 = vector.broadcast %broadcast_in_dim3A_463 : i32 to vector<16xi32>
      %gather3A_465 = tpu.vector_load_idx %arg10[%add3A_104, %broadcast_in_dim3A_464] : memref<128x128xf32, #tpu.memory_space<vmem>>[vector<16xi32>, vector<16xi32>], vector<16xf32>,
      %mul3A_466 = arith.mulf %gather3A_465, %gather3A_129 : vector<16xf32>
      %add3A_467 = arith.addf %add3A_457, %mul3A_466 : vector<16xf32>
      %broadcast_in_dim3A_468 = arith.constant 25 : i32
      %broadcast_in_dim3A_469 = vector.broadcast %broadcast_in_dim3A_468 : i32 to vector<16xi32>
      %gather3A_470 = tpu.vector_load_idx %arg10[%add3A_104, %broadcast_in_dim3A_469] : memref<128x128xf32, #tpu.memory_space<vmem>>[vector<16xi32>, vector<16xi32>], vector<16xf32>,
      %mul3A_471 = arith.mulf %gather3A_470, %gather3A_132 : vector<16xf32>
      %add3A_472 = arith.addf %add3A_462, %mul3A_471 : vector<16xf32>
      %add3A_473 = arith.addf %add3A_467, %add3A_472 : vector<16xf32>
      %broadcast_in_dim3A_474 = arith.constant 9 : i32
      %broadcast_in_dim3A_475 = vector.broadcast %broadcast_in_dim3A_474 : i32 to vector<16xi32>
      tpu.vector_store_idx %arg13[%add3A_104, %broadcast_in_dim3A_475], %add3A_473 : memref<128x16xf32, #tpu.memory_space<vmem>>[vector<16xi32>, vector<16xi32>], vector<16xf32>,
      %broadcast_in_dim3A_476 = arith.constant 10 : i32
      %broadcast_in_dim3A_477 = vector.broadcast %broadcast_in_dim3A_476 : i32 to vector<16xi32>
      %gather3A_478 = tpu.vector_load_idx %arg11[%add3A_104, %broadcast_in_dim3A_477] : memref<128x16xf32, #tpu.memory_space<vmem>>[vector<16xi32>, vector<16xi32>], vector<16xf32>,
      %broadcast_in_dim3A_479 = arith.constant 32 : i32
      %broadcast_in_dim3A_480 = vector.broadcast %broadcast_in_dim3A_479 : i32 to vector<16xi32>
      %gather3A_481 = tpu.vector_load_idx %arg10[%add3A_104, %broadcast_in_dim3A_480] : memref<128x128xf32, #tpu.memory_space<vmem>>[vector<16xi32>, vector<16xi32>], vector<16xf32>,
      %mul3A_482 = arith.mulf %gather3A_481, %gather3A : vector<16xf32>
      %add3A_483 = arith.addf %gather3A_478, %mul3A_482 : vector<16xf32>
      %broadcast_in_dim3A_484 = arith.constant 33 : i32
      %broadcast_in_dim3A_485 = vector.broadcast %broadcast_in_dim3A_484 : i32 to vector<16xi32>
      %gather3A_486 = tpu.vector_load_idx %arg10[%add3A_104, %broadcast_in_dim3A_485] : memref<128x128xf32, #tpu.memory_space<vmem>>[vector<16xi32>, vector<16xi32>], vector<16xf32>,
      %mul3A_487 = arith.mulf %gather3A_486, %gather3A_108 : vector<16xf32>
      %broadcast_in_dim3A_488 = arith.constant 34 : i32
      %broadcast_in_dim3A_489 = vector.broadcast %broadcast_in_dim3A_488 : i32 to vector<16xi32>
      %gather3A_490 = tpu.vector_load_idx %arg10[%add3A_104, %broadcast_in_dim3A_489] : memref<128x128xf32, #tpu.memory_space<vmem>>[vector<16xi32>, vector<16xi32>], vector<16xf32>,
      %mul3A_491 = arith.mulf %gather3A_490, %gather3A_111 : vector<16xf32>
      %add3A_492 = arith.addf %add3A_483, %mul3A_491 : vector<16xf32>
      %broadcast_in_dim3A_493 = arith.constant 35 : i32
      %broadcast_in_dim3A_494 = vector.broadcast %broadcast_in_dim3A_493 : i32 to vector<16xi32>
      %gather3A_495 = tpu.vector_load_idx %arg10[%add3A_104, %broadcast_in_dim3A_494] : memref<128x128xf32, #tpu.memory_space<vmem>>[vector<16xi32>, vector<16xi32>], vector<16xf32>,
      %mul3A_496 = arith.mulf %gather3A_495, %gather3A_114 : vector<16xf32>
      %add3A_497 = arith.addf %mul3A_487, %mul3A_496 : vector<16xf32>
      %broadcast_in_dim3A_498 = arith.constant 36 : i32
      %broadcast_in_dim3A_499 = vector.broadcast %broadcast_in_dim3A_498 : i32 to vector<16xi32>
      %gather3A_500 = tpu.vector_load_idx %arg10[%add3A_104, %broadcast_in_dim3A_499] : memref<128x128xf32, #tpu.memory_space<vmem>>[vector<16xi32>, vector<16xi32>], vector<16xf32>,
      %mul3A_501 = arith.mulf %gather3A_500, %gather3A_117 : vector<16xf32>
      %add3A_502 = arith.addf %add3A_492, %mul3A_501 : vector<16xf32>
      %broadcast_in_dim3A_503 = arith.constant 37 : i32
      %broadcast_in_dim3A_504 = vector.broadcast %broadcast_in_dim3A_503 : i32 to vector<16xi32>
      %gather3A_505 = tpu.vector_load_idx %arg10[%add3A_104, %broadcast_in_dim3A_504] : memref<128x128xf32, #tpu.memory_space<vmem>>[vector<16xi32>, vector<16xi32>], vector<16xf32>,
      %mul3A_506 = arith.mulf %gather3A_505, %gather3A_120 : vector<16xf32>
      %add3A_507 = arith.addf %add3A_497, %mul3A_506 : vector<16xf32>
      %broadcast_in_dim3A_508 = arith.constant 38 : i32
      %broadcast_in_dim3A_509 = vector.broadcast %broadcast_in_dim3A_508 : i32 to vector<16xi32>
      %gather3A_510 = tpu.vector_load_idx %arg10[%add3A_104, %broadcast_in_dim3A_509] : memref<128x128xf32, #tpu.memory_space<vmem>>[vector<16xi32>, vector<16xi32>], vector<16xf32>,
      %mul3A_511 = arith.mulf %gather3A_510, %gather3A_123 : vector<16xf32>
      %add3A_512 = arith.addf %add3A_502, %mul3A_511 : vector<16xf32>
      %broadcast_in_dim3A_513 = arith.constant 39 : i32
      %broadcast_in_dim3A_514 = vector.broadcast %broadcast_in_dim3A_513 : i32 to vector<16xi32>
      %gather3A_515 = tpu.vector_load_idx %arg10[%add3A_104, %broadcast_in_dim3A_514] : memref<128x128xf32, #tpu.memory_space<vmem>>[vector<16xi32>, vector<16xi32>], vector<16xf32>,
      %mul3A_516 = arith.mulf %gather3A_515, %gather3A_126 : vector<16xf32>
      %add3A_517 = arith.addf %add3A_507, %mul3A_516 : vector<16xf32>
      %broadcast_in_dim3A_518 = arith.constant 40 : i32
      %broadcast_in_dim3A_519 = vector.broadcast %broadcast_in_dim3A_518 : i32 to vector<16xi32>
      %gather3A_520 = tpu.vector_load_idx %arg10[%add3A_104, %broadcast_in_dim3A_519] : memref<128x128xf32, #tpu.memory_space<vmem>>[vector<16xi32>, vector<16xi32>], vector<16xf32>,
      %mul3A_521 = arith.mulf %gather3A_520, %gather3A_129 : vector<16xf32>
      %add3A_522 = arith.addf %add3A_512, %mul3A_521 : vector<16xf32>
      %broadcast_in_dim3A_523 = arith.constant 41 : i32
      %broadcast_in_dim3A_524 = vector.broadcast %broadcast_in_dim3A_523 : i32 to vector<16xi32>
      %gather3A_525 = tpu.vector_load_idx %arg10[%add3A_104, %broadcast_in_dim3A_524] : memref<128x128xf32, #tpu.memory_space<vmem>>[vector<16xi32>, vector<16xi32>], vector<16xf32>,
      %mul3A_526 = arith.mulf %gather3A_525, %gather3A_132 : vector<16xf32>
      %add3A_527 = arith.addf %add3A_517, %mul3A_526 : vector<16xf32>
      %broadcast_in_dim3A_528 = arith.constant 42 : i32
      %broadcast_in_dim3A_529 = vector.broadcast %broadcast_in_dim3A_528 : i32 to vector<16xi32>
      %gather3A_530 = tpu.vector_load_idx %arg10[%add3A_104, %broadcast_in_dim3A_529] : memref<128x128xf32, #tpu.memory_space<vmem>>[vector<16xi32>, vector<16xi32>], vector<16xf32>,
      %mul3A_531 = arith.mulf %gather3A_530, %gather3A_135 : vector<16xf32>
      %add3A_532 = arith.addf %add3A_522, %mul3A_531 : vector<16xf32>
      %add3A_533 = arith.addf %add3A_532, %add3A_527 : vector<16xf32>
      %broadcast_in_dim3A_534 = arith.constant 10 : i32
      %broadcast_in_dim3A_535 = vector.broadcast %broadcast_in_dim3A_534 : i32 to vector<16xi32>
      tpu.vector_store_idx %arg13[%add3A_104, %broadcast_in_dim3A_535], %add3A_533 : memref<128x16xf32, #tpu.memory_space<vmem>>[vector<16xi32>, vector<16xi32>], vector<16xf32>,
      %broadcast_in_dim3A_536 = arith.constant 11 : i32
      %broadcast_in_dim3A_537 = vector.broadcast %broadcast_in_dim3A_536 : i32 to vector<16xi32>
      %gather3A_538 = tpu.vector_load_idx %arg11[%add3A_104, %broadcast_in_dim3A_537] : memref<128x16xf32, #tpu.memory_space<vmem>>[vector<16xi32>, vector<16xi32>], vector<16xf32>,
      %broadcast_in_dim3A_539 = arith.constant 48 : i32
      %broadcast_in_dim3A_540 = vector.broadcast %broadcast_in_dim3A_539 : i32 to vector<16xi32>
      %gather3A_541 = tpu.vector_load_idx %arg10[%add3A_104, %broadcast_in_dim3A_540] : memref<128x128xf32, #tpu.memory_space<vmem>>[vector<16xi32>, vector<16xi32>], vector<16xf32>,
      %mul3A_542 = arith.mulf %gather3A_541, %gather3A : vector<16xf32>
      %add3A_543 = arith.addf %gather3A_538, %mul3A_542 : vector<16xf32>
      %broadcast_in_dim3A_544 = arith.constant 49 : i32
      %broadcast_in_dim3A_545 = vector.broadcast %broadcast_in_dim3A_544 : i32 to vector<16xi32>
      %gather3A_546 = tpu.vector_load_idx %arg10[%add3A_104, %broadcast_in_dim3A_545] : memref<128x128xf32, #tpu.memory_space<vmem>>[vector<16xi32>, vector<16xi32>], vector<16xf32>,
      %mul3A_547 = arith.mulf %gather3A_546, %gather3A_108 : vector<16xf32>
      %broadcast_in_dim3A_548 = arith.constant 50 : i32
      %broadcast_in_dim3A_549 = vector.broadcast %broadcast_in_dim3A_548 : i32 to vector<16xi32>
      %gather3A_550 = tpu.vector_load_idx %arg10[%add3A_104, %broadcast_in_dim3A_549] : memref<128x128xf32, #tpu.memory_space<vmem>>[vector<16xi32>, vector<16xi32>], vector<16xf32>,
      %mul3A_551 = arith.mulf %gather3A_550, %gather3A_111 : vector<16xf32>
      %add3A_552 = arith.addf %add3A_543, %mul3A_551 : vector<16xf32>
      %broadcast_in_dim3A_553 = arith.constant 51 : i32
      %broadcast_in_dim3A_554 = vector.broadcast %broadcast_in_dim3A_553 : i32 to vector<16xi32>
      %gather3A_555 = tpu.vector_load_idx %arg10[%add3A_104, %broadcast_in_dim3A_554] : memref<128x128xf32, #tpu.memory_space<vmem>>[vector<16xi32>, vector<16xi32>], vector<16xf32>,
      %mul3A_556 = arith.mulf %gather3A_555, %gather3A_114 : vector<16xf32>
      %add3A_557 = arith.addf %mul3A_547, %mul3A_556 : vector<16xf32>
      %broadcast_in_dim3A_558 = arith.constant 52 : i32
      %broadcast_in_dim3A_559 = vector.broadcast %broadcast_in_dim3A_558 : i32 to vector<16xi32>
      %gather3A_560 = tpu.vector_load_idx %arg10[%add3A_104, %broadcast_in_dim3A_559] : memref<128x128xf32, #tpu.memory_space<vmem>>[vector<16xi32>, vector<16xi32>], vector<16xf32>,
      %mul3A_561 = arith.mulf %gather3A_560, %gather3A_117 : vector<16xf32>
      %add3A_562 = arith.addf %add3A_552, %mul3A_561 : vector<16xf32>
      %broadcast_in_dim3A_563 = arith.constant 53 : i32
      %broadcast_in_dim3A_564 = vector.broadcast %broadcast_in_dim3A_563 : i32 to vector<16xi32>
      %gather3A_565 = tpu.vector_load_idx %arg10[%add3A_104, %broadcast_in_dim3A_564] : memref<128x128xf32, #tpu.memory_space<vmem>>[vector<16xi32>, vector<16xi32>], vector<16xf32>,
      %mul3A_566 = arith.mulf %gather3A_565, %gather3A_120 : vector<16xf32>
      %add3A_567 = arith.addf %add3A_557, %mul3A_566 : vector<16xf32>
      %broadcast_in_dim3A_568 = arith.constant 54 : i32
      %broadcast_in_dim3A_569 = vector.broadcast %broadcast_in_dim3A_568 : i32 to vector<16xi32>
      %gather3A_570 = tpu.vector_load_idx %arg10[%add3A_104, %broadcast_in_dim3A_569] : memref<128x128xf32, #tpu.memory_space<vmem>>[vector<16xi32>, vector<16xi32>], vector<16xf32>,
      %mul3A_571 = arith.mulf %gather3A_570, %gather3A_123 : vector<16xf32>
      %add3A_572 = arith.addf %add3A_562, %mul3A_571 : vector<16xf32>
      %broadcast_in_dim3A_573 = arith.constant 55 : i32
      %broadcast_in_dim3A_574 = vector.broadcast %broadcast_in_dim3A_573 : i32 to vector<16xi32>
      %gather3A_575 = tpu.vector_load_idx %arg10[%add3A_104, %broadcast_in_dim3A_574] : memref<128x128xf32, #tpu.memory_space<vmem>>[vector<16xi32>, vector<16xi32>], vector<16xf32>,
      %mul3A_576 = arith.mulf %gather3A_575, %gather3A_126 : vector<16xf32>
      %add3A_577 = arith.addf %add3A_567, %mul3A_576 : vector<16xf32>
      %broadcast_in_dim3A_578 = arith.constant 56 : i32
      %broadcast_in_dim3A_579 = vector.broadcast %broadcast_in_dim3A_578 : i32 to vector<16xi32>
      %gather3A_580 = tpu.vector_load_idx %arg10[%add3A_104, %broadcast_in_dim3A_579] : memref<128x128xf32, #tpu.memory_space<vmem>>[vector<16xi32>, vector<16xi32>], vector<16xf32>,
      %mul3A_581 = arith.mulf %gather3A_580, %gather3A_129 : vector<16xf32>
      %add3A_582 = arith.addf %add3A_572, %mul3A_581 : vector<16xf32>
      %broadcast_in_dim3A_583 = arith.constant 57 : i32
      %broadcast_in_dim3A_584 = vector.broadcast %broadcast_in_dim3A_583 : i32 to vector<16xi32>
      %gather3A_585 = tpu.vector_load_idx %arg10[%add3A_104, %broadcast_in_dim3A_584] : memref<128x128xf32, #tpu.memory_space<vmem>>[vector<16xi32>, vector<16xi32>], vector<16xf32>,
      %mul3A_586 = arith.mulf %gather3A_585, %gather3A_132 : vector<16xf32>
      %add3A_587 = arith.addf %add3A_577, %mul3A_586 : vector<16xf32>
      %broadcast_in_dim3A_588 = arith.constant 58 : i32
      %broadcast_in_dim3A_589 = vector.broadcast %broadcast_in_dim3A_588 : i32 to vector<16xi32>
      %gather3A_590 = tpu.vector_load_idx %arg10[%add3A_104, %broadcast_in_dim3A_589] : memref<128x128xf32, #tpu.memory_space<vmem>>[vector<16xi32>, vector<16xi32>], vector<16xf32>,
      %mul3A_591 = arith.mulf %gather3A_590, %gather3A_135 : vector<16xf32>
      %add3A_592 = arith.addf %add3A_582, %mul3A_591 : vector<16xf32>
      %broadcast_in_dim3A_593 = arith.constant 59 : i32
      %broadcast_in_dim3A_594 = vector.broadcast %broadcast_in_dim3A_593 : i32 to vector<16xi32>
      %gather3A_595 = tpu.vector_load_idx %arg10[%add3A_104, %broadcast_in_dim3A_594] : memref<128x128xf32, #tpu.memory_space<vmem>>[vector<16xi32>, vector<16xi32>], vector<16xf32>,
      %mul3A_596 = arith.mulf %gather3A_595, %gather3A_138 : vector<16xf32>
      %add3A_597 = arith.addf %add3A_587, %mul3A_596 : vector<16xf32>
      %add3A_598 = arith.addf %add3A_592, %add3A_597 : vector<16xf32>
      %broadcast_in_dim3A_599 = arith.constant 11 : i32
      %broadcast_in_dim3A_600 = vector.broadcast %broadcast_in_dim3A_599 : i32 to vector<16xi32>
      tpu.vector_store_idx %arg13[%add3A_104, %broadcast_in_dim3A_600], %add3A_598 : memref<128x16xf32, #tpu.memory_space<vmem>>[vector<16xi32>, vector<16xi32>], vector<16xf32>,
      %broadcast_in_dim3A_601 = arith.constant 12 : i32
      %broadcast_in_dim3A_602 = vector.broadcast %broadcast_in_dim3A_601 : i32 to vector<16xi32>
      %gather3A_603 = tpu.vector_load_idx %arg11[%add3A_104, %broadcast_in_dim3A_602] : memref<128x16xf32, #tpu.memory_space<vmem>>[vector<16xi32>, vector<16xi32>], vector<16xf32>,
      %broadcast_in_dim3A_604 = arith.constant 64 : i32
      %broadcast_in_dim3A_605 = vector.broadcast %broadcast_in_dim3A_604 : i32 to vector<16xi32>
      %gather3A_606 = tpu.vector_load_idx %arg10[%add3A_104, %broadcast_in_dim3A_605] : memref<128x128xf32, #tpu.memory_space<vmem>>[vector<16xi32>, vector<16xi32>], vector<16xf32>,
      %mul3A_607 = arith.mulf %gather3A_606, %gather3A : vector<16xf32>
      %add3A_608 = arith.addf %gather3A_603, %mul3A_607 : vector<16xf32>
      %broadcast_in_dim3A_609 = arith.constant 65 : i32
      %broadcast_in_dim3A_610 = vector.broadcast %broadcast_in_dim3A_609 : i32 to vector<16xi32>
      %gather3A_611 = tpu.vector_load_idx %arg10[%add3A_104, %broadcast_in_dim3A_610] : memref<128x128xf32, #tpu.memory_space<vmem>>[vector<16xi32>, vector<16xi32>], vector<16xf32>,
      %mul3A_612 = arith.mulf %gather3A_611, %gather3A_108 : vector<16xf32>
      %broadcast_in_dim3A_613 = arith.constant 66 : i32
      %broadcast_in_dim3A_614 = vector.broadcast %broadcast_in_dim3A_613 : i32 to vector<16xi32>
      %gather3A_615 = tpu.vector_load_idx %arg10[%add3A_104, %broadcast_in_dim3A_614] : memref<128x128xf32, #tpu.memory_space<vmem>>[vector<16xi32>, vector<16xi32>], vector<16xf32>,
      %mul3A_616 = arith.mulf %gather3A_615, %gather3A_111 : vector<16xf32>
      %add3A_617 = arith.addf %add3A_608, %mul3A_616 : vector<16xf32>
      %broadcast_in_dim3A_618 = arith.constant 67 : i32
      %broadcast_in_dim3A_619 = vector.broadcast %broadcast_in_dim3A_618 : i32 to vector<16xi32>
      %gather3A_620 = tpu.vector_load_idx %arg10[%add3A_104, %broadcast_in_dim3A_619] : memref<128x128xf32, #tpu.memory_space<vmem>>[vector<16xi32>, vector<16xi32>], vector<16xf32>,
      %mul3A_621 = arith.mulf %gather3A_620, %gather3A_114 : vector<16xf32>
      %add3A_622 = arith.addf %mul3A_612, %mul3A_621 : vector<16xf32>
      %broadcast_in_dim3A_623 = arith.constant 68 : i32
      %broadcast_in_dim3A_624 = vector.broadcast %broadcast_in_dim3A_623 : i32 to vector<16xi32>
      %gather3A_625 = tpu.vector_load_idx %arg10[%add3A_104, %broadcast_in_dim3A_624] : memref<128x128xf32, #tpu.memory_space<vmem>>[vector<16xi32>, vector<16xi32>], vector<16xf32>,
      %mul3A_626 = arith.mulf %gather3A_625, %gather3A_117 : vector<16xf32>
      %add3A_627 = arith.addf %add3A_617, %mul3A_626 : vector<16xf32>
      %broadcast_in_dim3A_628 = arith.constant 69 : i32
      %broadcast_in_dim3A_629 = vector.broadcast %broadcast_in_dim3A_628 : i32 to vector<16xi32>
      %gather3A_630 = tpu.vector_load_idx %arg10[%add3A_104, %broadcast_in_dim3A_629] : memref<128x128xf32, #tpu.memory_space<vmem>>[vector<16xi32>, vector<16xi32>], vector<16xf32>,
      %mul3A_631 = arith.mulf %gather3A_630, %gather3A_120 : vector<16xf32>
      %add3A_632 = arith.addf %add3A_622, %mul3A_631 : vector<16xf32>
      %broadcast_in_dim3A_633 = arith.constant 70 : i32
      %broadcast_in_dim3A_634 = vector.broadcast %broadcast_in_dim3A_633 : i32 to vector<16xi32>
      %gather3A_635 = tpu.vector_load_idx %arg10[%add3A_104, %broadcast_in_dim3A_634] : memref<128x128xf32, #tpu.memory_space<vmem>>[vector<16xi32>, vector<16xi32>], vector<16xf32>,
      %mul3A_636 = arith.mulf %gather3A_635, %gather3A_123 : vector<16xf32>
      %add3A_637 = arith.addf %add3A_627, %mul3A_636 : vector<16xf32>
      %broadcast_in_dim3A_638 = arith.constant 71 : i32
      %broadcast_in_dim3A_639 = vector.broadcast %broadcast_in_dim3A_638 : i32 to vector<16xi32>
      %gather3A_640 = tpu.vector_load_idx %arg10[%add3A_104, %broadcast_in_dim3A_639] : memref<128x128xf32, #tpu.memory_space<vmem>>[vector<16xi32>, vector<16xi32>], vector<16xf32>,
      %mul3A_641 = arith.mulf %gather3A_640, %gather3A_126 : vector<16xf32>
      %add3A_642 = arith.addf %add3A_632, %mul3A_641 : vector<16xf32>
      %broadcast_in_dim3A_643 = arith.constant 72 : i32
      %broadcast_in_dim3A_644 = vector.broadcast %broadcast_in_dim3A_643 : i32 to vector<16xi32>
      %gather3A_645 = tpu.vector_load_idx %arg10[%add3A_104, %broadcast_in_dim3A_644] : memref<128x128xf32, #tpu.memory_space<vmem>>[vector<16xi32>, vector<16xi32>], vector<16xf32>,
      %mul3A_646 = arith.mulf %gather3A_645, %gather3A_129 : vector<16xf32>
      %add3A_647 = arith.addf %add3A_637, %mul3A_646 : vector<16xf32>
      %broadcast_in_dim3A_648 = arith.constant 73 : i32
      %broadcast_in_dim3A_649 = vector.broadcast %broadcast_in_dim3A_648 : i32 to vector<16xi32>
      %gather3A_650 = tpu.vector_load_idx %arg10[%add3A_104, %broadcast_in_dim3A_649] : memref<128x128xf32, #tpu.memory_space<vmem>>[vector<16xi32>, vector<16xi32>], vector<16xf32>,
      %mul3A_651 = arith.mulf %gather3A_650, %gather3A_132 : vector<16xf32>
      %add3A_652 = arith.addf %add3A_642, %mul3A_651 : vector<16xf32>
      %broadcast_in_dim3A_653 = arith.constant 74 : i32
      %broadcast_in_dim3A_654 = vector.broadcast %broadcast_in_dim3A_653 : i32 to vector<16xi32>
      %gather3A_655 = tpu.vector_load_idx %arg10[%add3A_104, %broadcast_in_dim3A_654] : memref<128x128xf32, #tpu.memory_space<vmem>>[vector<16xi32>, vector<16xi32>], vector<16xf32>,
      %mul3A_656 = arith.mulf %gather3A_655, %gather3A_135 : vector<16xf32>
      %add3A_657 = arith.addf %add3A_647, %mul3A_656 : vector<16xf32>
      %broadcast_in_dim3A_658 = arith.constant 75 : i32
      %broadcast_in_dim3A_659 = vector.broadcast %broadcast_in_dim3A_658 : i32 to vector<16xi32>
      %gather3A_660 = tpu.vector_load_idx %arg10[%add3A_104, %broadcast_in_dim3A_659] : memref<128x128xf32, #tpu.memory_space<vmem>>[vector<16xi32>, vector<16xi32>], vector<16xf32>,
      %mul3A_661 = arith.mulf %gather3A_660, %gather3A_138 : vector<16xf32>
      %add3A_662 = arith.addf %add3A_652, %mul3A_661 : vector<16xf32>
      %broadcast_in_dim3A_663 = arith.constant 76 : i32
      %broadcast_in_dim3A_664 = vector.broadcast %broadcast_in_dim3A_663 : i32 to vector<16xi32>
      %gather3A_665 = tpu.vector_load_idx %arg10[%add3A_104, %broadcast_in_dim3A_664] : memref<128x128xf32, #tpu.memory_space<vmem>>[vector<16xi32>, vector<16xi32>], vector<16xf32>,
      %mul3A_666 = arith.mulf %gather3A_665, %gather3A_141 : vector<16xf32>
      %add3A_667 = arith.addf %add3A_657, %mul3A_666 : vector<16xf32>
      %add3A_668 = arith.addf %add3A_667, %add3A_662 : vector<16xf32>
      %broadcast_in_dim3A_669 = arith.constant 12 : i32
      %broadcast_in_dim3A_670 = vector.broadcast %broadcast_in_dim3A_669 : i32 to vector<16xi32>
      tpu.vector_store_idx %arg13[%add3A_104, %broadcast_in_dim3A_670], %add3A_668 : memref<128x16xf32, #tpu.memory_space<vmem>>[vector<16xi32>, vector<16xi32>], vector<16xf32>,
      %broadcast_in_dim3A_671 = arith.constant 13 : i32
      %broadcast_in_dim3A_672 = vector.broadcast %broadcast_in_dim3A_671 : i32 to vector<16xi32>
      %gather3A_673 = tpu.vector_load_idx %arg11[%add3A_104, %broadcast_in_dim3A_672] : memref<128x16xf32, #tpu.memory_space<vmem>>[vector<16xi32>, vector<16xi32>], vector<16xf32>,
      %broadcast_in_dim3A_674 = arith.constant 80 : i32
      %broadcast_in_dim3A_675 = vector.broadcast %broadcast_in_dim3A_674 : i32 to vector<16xi32>
      %gather3A_676 = tpu.vector_load_idx %arg10[%add3A_104, %broadcast_in_dim3A_675] : memref<128x128xf32, #tpu.memory_space<vmem>>[vector<16xi32>, vector<16xi32>], vector<16xf32>,
      %mul3A_677 = arith.mulf %gather3A_676, %gather3A : vector<16xf32>
      %add3A_678 = arith.addf %gather3A_673, %mul3A_677 : vector<16xf32>
      %broadcast_in_dim3A_679 = arith.constant 81 : i32
      %broadcast_in_dim3A_680 = vector.broadcast %broadcast_in_dim3A_679 : i32 to vector<16xi32>
      %gather3A_681 = tpu.vector_load_idx %arg10[%add3A_104, %broadcast_in_dim3A_680] : memref<128x128xf32, #tpu.memory_space<vmem>>[vector<16xi32>, vector<16xi32>], vector<16xf32>,
      %mul3A_682 = arith.mulf %gather3A_681, %gather3A_108 : vector<16xf32>
      %broadcast_in_dim3A_683 = arith.constant 82 : i32
      %broadcast_in_dim3A_684 = vector.broadcast %broadcast_in_dim3A_683 : i32 to vector<16xi32>
      %gather3A_685 = tpu.vector_load_idx %arg10[%add3A_104, %broadcast_in_dim3A_684] : memref<128x128xf32, #tpu.memory_space<vmem>>[vector<16xi32>, vector<16xi32>], vector<16xf32>,
      %mul3A_686 = arith.mulf %gather3A_685, %gather3A_111 : vector<16xf32>
      %add3A_687 = arith.addf %add3A_678, %mul3A_686 : vector<16xf32>
      %broadcast_in_dim3A_688 = arith.constant 83 : i32
      %broadcast_in_dim3A_689 = vector.broadcast %broadcast_in_dim3A_688 : i32 to vector<16xi32>
      %gather3A_690 = tpu.vector_load_idx %arg10[%add3A_104, %broadcast_in_dim3A_689] : memref<128x128xf32, #tpu.memory_space<vmem>>[vector<16xi32>, vector<16xi32>], vector<16xf32>,
      %mul3A_691 = arith.mulf %gather3A_690, %gather3A_114 : vector<16xf32>
      %add3A_692 = arith.addf %mul3A_682, %mul3A_691 : vector<16xf32>
      %broadcast_in_dim3A_693 = arith.constant 84 : i32
      %broadcast_in_dim3A_694 = vector.broadcast %broadcast_in_dim3A_693 : i32 to vector<16xi32>
      %gather3A_695 = tpu.vector_load_idx %arg10[%add3A_104, %broadcast_in_dim3A_694] : memref<128x128xf32, #tpu.memory_space<vmem>>[vector<16xi32>, vector<16xi32>], vector<16xf32>,
      %mul3A_696 = arith.mulf %gather3A_695, %gather3A_117 : vector<16xf32>
      %add3A_697 = arith.addf %add3A_687, %mul3A_696 : vector<16xf32>
      %broadcast_in_dim3A_698 = arith.constant 85 : i32
      %broadcast_in_dim3A_699 = vector.broadcast %broadcast_in_dim3A_698 : i32 to vector<16xi32>
      %gather3A_700 = tpu.vector_load_idx %arg10[%add3A_104, %broadcast_in_dim3A_699] : memref<128x128xf32, #tpu.memory_space<vmem>>[vector<16xi32>, vector<16xi32>], vector<16xf32>,
      %mul3A_701 = arith.mulf %gather3A_700, %gather3A_120 : vector<16xf32>
      %add3A_702 = arith.addf %add3A_692, %mul3A_701 : vector<16xf32>
      %broadcast_in_dim3A_703 = arith.constant 86 : i32
      %broadcast_in_dim3A_704 = vector.broadcast %broadcast_in_dim3A_703 : i32 to vector<16xi32>
      %gather3A_705 = tpu.vector_load_idx %arg10[%add3A_104, %broadcast_in_dim3A_704] : memref<128x128xf32, #tpu.memory_space<vmem>>[vector<16xi32>, vector<16xi32>], vector<16xf32>,
      %mul3A_706 = arith.mulf %gather3A_705, %gather3A_123 : vector<16xf32>
      %add3A_707 = arith.addf %add3A_697, %mul3A_706 : vector<16xf32>
      %broadcast_in_dim3A_708 = arith.constant 87 : i32
      %broadcast_in_dim3A_709 = vector.broadcast %broadcast_in_dim3A_708 : i32 to vector<16xi32>
      %gather3A_710 = tpu.vector_load_idx %arg10[%add3A_104, %broadcast_in_dim3A_709] : memref<128x128xf32, #tpu.memory_space<vmem>>[vector<16xi32>, vector<16xi32>], vector<16xf32>,
      %mul3A_711 = arith.mulf %gather3A_710, %gather3A_126 : vector<16xf32>
      %add3A_712 = arith.addf %add3A_702, %mul3A_711 : vector<16xf32>
      %broadcast_in_dim3A_713 = arith.constant 88 : i32
      %broadcast_in_dim3A_714 = vector.broadcast %broadcast_in_dim3A_713 : i32 to vector<16xi32>
      %gather3A_715 = tpu.vector_load_idx %arg10[%add3A_104, %broadcast_in_dim3A_714] : memref<128x128xf32, #tpu.memory_space<vmem>>[vector<16xi32>, vector<16xi32>], vector<16xf32>,
      %mul3A_716 = arith.mulf %gather3A_715, %gather3A_129 : vector<16xf32>
      %add3A_717 = arith.addf %add3A_707, %mul3A_716 : vector<16xf32>
      %broadcast_in_dim3A_718 = arith.constant 89 : i32
      %broadcast_in_dim3A_719 = vector.broadcast %broadcast_in_dim3A_718 : i32 to vector<16xi32>
      %gather3A_720 = tpu.vector_load_idx %arg10[%add3A_104, %broadcast_in_dim3A_719] : memref<128x128xf32, #tpu.memory_space<vmem>>[vector<16xi32>, vector<16xi32>], vector<16xf32>,
      %mul3A_721 = arith.mulf %gather3A_720, %gather3A_132 : vector<16xf32>
      %add3A_722 = arith.addf %add3A_712, %mul3A_721 : vector<16xf32>
      %broadcast_in_dim3A_723 = arith.constant 90 : i32
      %broadcast_in_dim3A_724 = vector.broadcast %broadcast_in_dim3A_723 : i32 to vector<16xi32>
      %gather3A_725 = tpu.vector_load_idx %arg10[%add3A_104, %broadcast_in_dim3A_724] : memref<128x128xf32, #tpu.memory_space<vmem>>[vector<16xi32>, vector<16xi32>], vector<16xf32>,
      %mul3A_726 = arith.mulf %gather3A_725, %gather3A_135 : vector<16xf32>
      %add3A_727 = arith.addf %add3A_717, %mul3A_726 : vector<16xf32>
      %broadcast_in_dim3A_728 = arith.constant 91 : i32
      %broadcast_in_dim3A_729 = vector.broadcast %broadcast_in_dim3A_728 : i32 to vector<16xi32>
      %gather3A_730 = tpu.vector_load_idx %arg10[%add3A_104, %broadcast_in_dim3A_729] : memref<128x128xf32, #tpu.memory_space<vmem>>[vector<16xi32>, vector<16xi32>], vector<16xf32>,
      %mul3A_731 = arith.mulf %gather3A_730, %gather3A_138 : vector<16xf32>
      %add3A_732 = arith.addf %add3A_722, %mul3A_731 : vector<16xf32>
      %broadcast_in_dim3A_733 = arith.constant 92 : i32
      %broadcast_in_dim3A_734 = vector.broadcast %broadcast_in_dim3A_733 : i32 to vector<16xi32>
      %gather3A_735 = tpu.vector_load_idx %arg10[%add3A_104, %broadcast_in_dim3A_734] : memref<128x128xf32, #tpu.memory_space<vmem>>[vector<16xi32>, vector<16xi32>], vector<16xf32>,
      %mul3A_736 = arith.mulf %gather3A_735, %gather3A_141 : vector<16xf32>
      %add3A_737 = arith.addf %add3A_727, %mul3A_736 : vector<16xf32>
      %broadcast_in_dim3A_738 = arith.constant 93 : i32
      %broadcast_in_dim3A_739 = vector.broadcast %broadcast_in_dim3A_738 : i32 to vector<16xi32>
      %gather3A_740 = tpu.vector_load_idx %arg10[%add3A_104, %broadcast_in_dim3A_739] : memref<128x128xf32, #tpu.memory_space<vmem>>[vector<16xi32>, vector<16xi32>], vector<16xf32>,
      %mul3A_741 = arith.mulf %gather3A_740, %gather3A_144 : vector<16xf32>
      %add3A_742 = arith.addf %add3A_732, %mul3A_741 : vector<16xf32>
      %add3A_743 = arith.addf %add3A_737, %add3A_742 : vector<16xf32>
      %broadcast_in_dim3A_744 = arith.constant 13 : i32
      %broadcast_in_dim3A_745 = vector.broadcast %broadcast_in_dim3A_744 : i32 to vector<16xi32>
      tpu.vector_store_idx %arg13[%add3A_104, %broadcast_in_dim3A_745], %add3A_743 : memref<128x16xf32, #tpu.memory_space<vmem>>[vector<16xi32>, vector<16xi32>], vector<16xf32>,
      %broadcast_in_dim3A_746 = arith.constant 14 : i32
      %broadcast_in_dim3A_747 = vector.broadcast %broadcast_in_dim3A_746 : i32 to vector<16xi32>
      %gather3A_748 = tpu.vector_load_idx %arg11[%add3A_104, %broadcast_in_dim3A_747] : memref<128x16xf32, #tpu.memory_space<vmem>>[vector<16xi32>, vector<16xi32>], vector<16xf32>,
      %broadcast_in_dim3A_749 = arith.constant 96 : i32
      %broadcast_in_dim3A_750 = vector.broadcast %broadcast_in_dim3A_749 : i32 to vector<16xi32>
      %gather3A_751 = tpu.vector_load_idx %arg10[%add3A_104, %broadcast_in_dim3A_750] : memref<128x128xf32, #tpu.memory_space<vmem>>[vector<16xi32>, vector<16xi32>], vector<16xf32>,
      %mul3A_752 = arith.mulf %gather3A_751, %gather3A : vector<16xf32>
      %add3A_753 = arith.addf %gather3A_748, %mul3A_752 : vector<16xf32>
      %broadcast_in_dim3A_754 = arith.constant 97 : i32
      %broadcast_in_dim3A_755 = vector.broadcast %broadcast_in_dim3A_754 : i32 to vector<16xi32>
      %gather3A_756 = tpu.vector_load_idx %arg10[%add3A_104, %broadcast_in_dim3A_755] : memref<128x128xf32, #tpu.memory_space<vmem>>[vector<16xi32>, vector<16xi32>], vector<16xf32>,
      %mul3A_757 = arith.mulf %gather3A_756, %gather3A_108 : vector<16xf32>
      %broadcast_in_dim3A_758 = arith.constant 98 : i32
      %broadcast_in_dim3A_759 = vector.broadcast %broadcast_in_dim3A_758 : i32 to vector<16xi32>
      %gather3A_760 = tpu.vector_load_idx %arg10[%add3A_104, %broadcast_in_dim3A_759] : memref<128x128xf32, #tpu.memory_space<vmem>>[vector<16xi32>, vector<16xi32>], vector<16xf32>,
      %mul3A_761 = arith.mulf %gather3A_760, %gather3A_111 : vector<16xf32>
      %add3A_762 = arith.addf %add3A_753, %mul3A_761 : vector<16xf32>
      %broadcast_in_dim3A_763 = arith.constant 99 : i32
      %broadcast_in_dim3A_764 = vector.broadcast %broadcast_in_dim3A_763 : i32 to vector<16xi32>
      %gather3A_765 = tpu.vector_load_idx %arg10[%add3A_104, %broadcast_in_dim3A_764] : memref<128x128xf32, #tpu.memory_space<vmem>>[vector<16xi32>, vector<16xi32>], vector<16xf32>,
      %mul3A_766 = arith.mulf %gather3A_765, %gather3A_114 : vector<16xf32>
      %add3A_767 = arith.addf %mul3A_757, %mul3A_766 : vector<16xf32>
      %broadcast_in_dim3A_768 = arith.constant 100 : i32
      %broadcast_in_dim3A_769 = vector.broadcast %broadcast_in_dim3A_768 : i32 to vector<16xi32>
      %gather3A_770 = tpu.vector_load_idx %arg10[%add3A_104, %broadcast_in_dim3A_769] : memref<128x128xf32, #tpu.memory_space<vmem>>[vector<16xi32>, vector<16xi32>], vector<16xf32>,
      %mul3A_771 = arith.mulf %gather3A_770, %gather3A_117 : vector<16xf32>
      %add3A_772 = arith.addf %add3A_762, %mul3A_771 : vector<16xf32>
      %broadcast_in_dim3A_773 = arith.constant 101 : i32
      %broadcast_in_dim3A_774 = vector.broadcast %broadcast_in_dim3A_773 : i32 to vector<16xi32>
      %gather3A_775 = tpu.vector_load_idx %arg10[%add3A_104, %broadcast_in_dim3A_774] : memref<128x128xf32, #tpu.memory_space<vmem>>[vector<16xi32>, vector<16xi32>], vector<16xf32>,
      %mul3A_776 = arith.mulf %gather3A_775, %gather3A_120 : vector<16xf32>
      %add3A_777 = arith.addf %add3A_767, %mul3A_776 : vector<16xf32>
      %broadcast_in_dim3A_778 = arith.constant 102 : i32
      %broadcast_in_dim3A_779 = vector.broadcast %broadcast_in_dim3A_778 : i32 to vector<16xi32>
      %gather3A_780 = tpu.vector_load_idx %arg10[%add3A_104, %broadcast_in_dim3A_779] : memref<128x128xf32, #tpu.memory_space<vmem>>[vector<16xi32>, vector<16xi32>], vector<16xf32>,
      %mul3A_781 = arith.mulf %gather3A_780, %gather3A_123 : vector<16xf32>
      %add3A_782 = arith.addf %add3A_772, %mul3A_781 : vector<16xf32>
      %broadcast_in_dim3A_783 = arith.constant 103 : i32
      %broadcast_in_dim3A_784 = vector.broadcast %broadcast_in_dim3A_783 : i32 to vector<16xi32>
      %gather3A_785 = tpu.vector_load_idx %arg10[%add3A_104, %broadcast_in_dim3A_784] : memref<128x128xf32, #tpu.memory_space<vmem>>[vector<16xi32>, vector<16xi32>], vector<16xf32>,
      %mul3A_786 = arith.mulf %gather3A_785, %gather3A_126 : vector<16xf32>
      %add3A_787 = arith.addf %add3A_777, %mul3A_786 : vector<16xf32>
      %broadcast_in_dim3A_788 = arith.constant 104 : i32
      %broadcast_in_dim3A_789 = vector.broadcast %broadcast_in_dim3A_788 : i32 to vector<16xi32>
      %gather3A_790 = tpu.vector_load_idx %arg10[%add3A_104, %broadcast_in_dim3A_789] : memref<128x128xf32, #tpu.memory_space<vmem>>[vector<16xi32>, vector<16xi32>], vector<16xf32>,
      %mul3A_791 = arith.mulf %gather3A_790, %gather3A_129 : vector<16xf32>
      %add3A_792 = arith.addf %add3A_782, %mul3A_791 : vector<16xf32>
      %broadcast_in_dim3A_793 = arith.constant 105 : i32
      %broadcast_in_dim3A_794 = vector.broadcast %broadcast_in_dim3A_793 : i32 to vector<16xi32>
      %gather3A_795 = tpu.vector_load_idx %arg10[%add3A_104, %broadcast_in_dim3A_794] : memref<128x128xf32, #tpu.memory_space<vmem>>[vector<16xi32>, vector<16xi32>], vector<16xf32>,
      %mul3A_796 = arith.mulf %gather3A_795, %gather3A_132 : vector<16xf32>
      %add3A_797 = arith.addf %add3A_787, %mul3A_796 : vector<16xf32>
      %broadcast_in_dim3A_798 = arith.constant 106 : i32
      %broadcast_in_dim3A_799 = vector.broadcast %broadcast_in_dim3A_798 : i32 to vector<16xi32>
      %gather3A_800 = tpu.vector_load_idx %arg10[%add3A_104, %broadcast_in_dim3A_799] : memref<128x128xf32, #tpu.memory_space<vmem>>[vector<16xi32>, vector<16xi32>], vector<16xf32>,
      %mul3A_801 = arith.mulf %gather3A_800, %gather3A_135 : vector<16xf32>
      %add3A_802 = arith.addf %add3A_792, %mul3A_801 : vector<16xf32>
      %broadcast_in_dim3A_803 = arith.constant 107 : i32
      %broadcast_in_dim3A_804 = vector.broadcast %broadcast_in_dim3A_803 : i32 to vector<16xi32>
      %gather3A_805 = tpu.vector_load_idx %arg10[%add3A_104, %broadcast_in_dim3A_804] : memref<128x128xf32, #tpu.memory_space<vmem>>[vector<16xi32>, vector<16xi32>], vector<16xf32>,
      %mul3A_806 = arith.mulf %gather3A_805, %gather3A_138 : vector<16xf32>
      %add3A_807 = arith.addf %add3A_797, %mul3A_806 : vector<16xf32>
      %broadcast_in_dim3A_808 = arith.constant 108 : i32
      %broadcast_in_dim3A_809 = vector.broadcast %broadcast_in_dim3A_808 : i32 to vector<16xi32>
      %gather3A_810 = tpu.vector_load_idx %arg10[%add3A_104, %broadcast_in_dim3A_809] : memref<128x128xf32, #tpu.memory_space<vmem>>[vector<16xi32>, vector<16xi32>], vector<16xf32>,
      %mul3A_811 = arith.mulf %gather3A_810, %gather3A_141 : vector<16xf32>
      %add3A_812 = arith.addf %add3A_802, %mul3A_811 : vector<16xf32>
      %broadcast_in_dim3A_813 = arith.constant 109 : i32
      %broadcast_in_dim3A_814 = vector.broadcast %broadcast_in_dim3A_813 : i32 to vector<16xi32>
      %gather3A_815 = tpu.vector_load_idx %arg10[%add3A_104, %broadcast_in_dim3A_814] : memref<128x128xf32, #tpu.memory_space<vmem>>[vector<16xi32>, vector<16xi32>], vector<16xf32>,
      %mul3A_816 = arith.mulf %gather3A_815, %gather3A_144 : vector<16xf32>
      %add3A_817 = arith.addf %add3A_807, %mul3A_816 : vector<16xf32>
      %broadcast_in_dim3A_818 = arith.constant 110 : i32
      %broadcast_in_dim3A_819 = vector.broadcast %broadcast_in_dim3A_818 : i32 to vector<16xi32>
      %gather3A_820 = tpu.vector_load_idx %arg10[%add3A_104, %broadcast_in_dim3A_819] : memref<128x128xf32, #tpu.memory_space<vmem>>[vector<16xi32>, vector<16xi32>], vector<16xf32>,
      %mul3A_821 = arith.mulf %gather3A_820, %gather3A_147 : vector<16xf32>
      %add3A_822 = arith.addf %add3A_812, %mul3A_821 : vector<16xf32>
      %add3A_823 = arith.addf %add3A_822, %add3A_817 : vector<16xf32>
      %broadcast_in_dim3A_824 = arith.constant 14 : i32
      %broadcast_in_dim3A_825 = vector.broadcast %broadcast_in_dim3A_824 : i32 to vector<16xi32>
      tpu.vector_store_idx %arg13[%add3A_104, %broadcast_in_dim3A_825], %add3A_823 : memref<128x16xf32, #tpu.memory_space<vmem>>[vector<16xi32>, vector<16xi32>], vector<16xf32>,
      %broadcast_in_dim3A_826 = arith.constant 15 : i32
      %broadcast_in_dim3A_827 = vector.broadcast %broadcast_in_dim3A_826 : i32 to vector<16xi32>
      %gather3A_828 = tpu.vector_load_idx %arg11[%add3A_104, %broadcast_in_dim3A_827] : memref<128x16xf32, #tpu.memory_space<vmem>>[vector<16xi32>, vector<16xi32>], vector<16xf32>,
      %broadcast_in_dim3A_829 = arith.constant 112 : i32
      %broadcast_in_dim3A_830 = vector.broadcast %broadcast_in_dim3A_829 : i32 to vector<16xi32>
      %gather3A_831 = tpu.vector_load_idx %arg10[%add3A_104, %broadcast_in_dim3A_830] : memref<128x128xf32, #tpu.memory_space<vmem>>[vector<16xi32>, vector<16xi32>], vector<16xf32>,
      %mul3A_832 = arith.mulf %gather3A_831, %gather3A : vector<16xf32>
      %add3A_833 = arith.addf %gather3A_828, %mul3A_832 : vector<16xf32>
      %broadcast_in_dim3A_834 = arith.constant 113 : i32
      %broadcast_in_dim3A_835 = vector.broadcast %broadcast_in_dim3A_834 : i32 to vector<16xi32>
      %gather3A_836 = tpu.vector_load_idx %arg10[%add3A_104, %broadcast_in_dim3A_835] : memref<128x128xf32, #tpu.memory_space<vmem>>[vector<16xi32>, vector<16xi32>], vector<16xf32>,
      %mul3A_837 = arith.mulf %gather3A_836, %gather3A_108 : vector<16xf32>
      %broadcast_in_dim3A_838 = arith.constant 114 : i32
      %broadcast_in_dim3A_839 = vector.broadcast %broadcast_in_dim3A_838 : i32 to vector<16xi32>
      %gather3A_840 = tpu.vector_load_idx %arg10[%add3A_104, %broadcast_in_dim3A_839] : memref<128x128xf32, #tpu.memory_space<vmem>>[vector<16xi32>, vector<16xi32>], vector<16xf32>,
      %mul3A_841 = arith.mulf %gather3A_840, %gather3A_111 : vector<16xf32>
      %add3A_842 = arith.addf %add3A_833, %mul3A_841 : vector<16xf32>
      %broadcast_in_dim3A_843 = arith.constant 115 : i32
      %broadcast_in_dim3A_844 = vector.broadcast %broadcast_in_dim3A_843 : i32 to vector<16xi32>
      %gather3A_845 = tpu.vector_load_idx %arg10[%add3A_104, %broadcast_in_dim3A_844] : memref<128x128xf32, #tpu.memory_space<vmem>>[vector<16xi32>, vector<16xi32>], vector<16xf32>,
      %mul3A_846 = arith.mulf %gather3A_845, %gather3A_114 : vector<16xf32>
      %add3A_847 = arith.addf %mul3A_837, %mul3A_846 : vector<16xf32>
      %broadcast_in_dim3A_848 = arith.constant 116 : i32
      %broadcast_in_dim3A_849 = vector.broadcast %broadcast_in_dim3A_848 : i32 to vector<16xi32>
      %gather3A_850 = tpu.vector_load_idx %arg10[%add3A_104, %broadcast_in_dim3A_849] : memref<128x128xf32, #tpu.memory_space<vmem>>[vector<16xi32>, vector<16xi32>], vector<16xf32>,
      %mul3A_851 = arith.mulf %gather3A_850, %gather3A_117 : vector<16xf32>
      %add3A_852 = arith.addf %add3A_842, %mul3A_851 : vector<16xf32>
      %broadcast_in_dim3A_853 = arith.constant 117 : i32
      %broadcast_in_dim3A_854 = vector.broadcast %broadcast_in_dim3A_853 : i32 to vector<16xi32>
      %gather3A_855 = tpu.vector_load_idx %arg10[%add3A_104, %broadcast_in_dim3A_854] : memref<128x128xf32, #tpu.memory_space<vmem>>[vector<16xi32>, vector<16xi32>], vector<16xf32>,
      %mul3A_856 = arith.mulf %gather3A_855, %gather3A_120 : vector<16xf32>
      %add3A_857 = arith.addf %add3A_847, %mul3A_856 : vector<16xf32>
      %broadcast_in_dim3A_858 = arith.constant 118 : i32
      %broadcast_in_dim3A_859 = vector.broadcast %broadcast_in_dim3A_858 : i32 to vector<16xi32>
      %gather3A_860 = tpu.vector_load_idx %arg10[%add3A_104, %broadcast_in_dim3A_859] : memref<128x128xf32, #tpu.memory_space<vmem>>[vector<16xi32>, vector<16xi32>], vector<16xf32>,
      %mul3A_861 = arith.mulf %gather3A_860, %gather3A_123 : vector<16xf32>
      %add3A_862 = arith.addf %add3A_852, %mul3A_861 : vector<16xf32>
      %broadcast_in_dim3A_863 = arith.constant 119 : i32
      %broadcast_in_dim3A_864 = vector.broadcast %broadcast_in_dim3A_863 : i32 to vector<16xi32>
      %gather3A_865 = tpu.vector_load_idx %arg10[%add3A_104, %broadcast_in_dim3A_864] : memref<128x128xf32, #tpu.memory_space<vmem>>[vector<16xi32>, vector<16xi32>], vector<16xf32>,
      %mul3A_866 = arith.mulf %gather3A_865, %gather3A_126 : vector<16xf32>
      %add3A_867 = arith.addf %add3A_857, %mul3A_866 : vector<16xf32>
      %broadcast_in_dim3A_868 = arith.constant 120 : i32
      %broadcast_in_dim3A_869 = vector.broadcast %broadcast_in_dim3A_868 : i32 to vector<16xi32>
      %gather3A_870 = tpu.vector_load_idx %arg10[%add3A_104, %broadcast_in_dim3A_869] : memref<128x128xf32, #tpu.memory_space<vmem>>[vector<16xi32>, vector<16xi32>], vector<16xf32>,
      %mul3A_871 = arith.mulf %gather3A_870, %gather3A_129 : vector<16xf32>
      %add3A_872 = arith.addf %add3A_862, %mul3A_871 : vector<16xf32>
      %broadcast_in_dim3A_873 = arith.constant 121 : i32
      %broadcast_in_dim3A_874 = vector.broadcast %broadcast_in_dim3A_873 : i32 to vector<16xi32>
      %gather3A_875 = tpu.vector_load_idx %arg10[%add3A_104, %broadcast_in_dim3A_874] : memref<128x128xf32, #tpu.memory_space<vmem>>[vector<16xi32>, vector<16xi32>], vector<16xf32>,
      %mul3A_876 = arith.mulf %gather3A_875, %gather3A_132 : vector<16xf32>
      %add3A_877 = arith.addf %add3A_867, %mul3A_876 : vector<16xf32>
      %broadcast_in_dim3A_878 = arith.constant 122 : i32
      %broadcast_in_dim3A_879 = vector.broadcast %broadcast_in_dim3A_878 : i32 to vector<16xi32>
      %gather3A_880 = tpu.vector_load_idx %arg10[%add3A_104, %broadcast_in_dim3A_879] : memref<128x128xf32, #tpu.memory_space<vmem>>[vector<16xi32>, vector<16xi32>], vector<16xf32>,
      %mul3A_881 = arith.mulf %gather3A_880, %gather3A_135 : vector<16xf32>
      %add3A_882 = arith.addf %add3A_872, %mul3A_881 : vector<16xf32>
      %broadcast_in_dim3A_883 = arith.constant 123 : i32
      %broadcast_in_dim3A_884 = vector.broadcast %broadcast_in_dim3A_883 : i32 to vector<16xi32>
      %gather3A_885 = tpu.vector_load_idx %arg10[%add3A_104, %broadcast_in_dim3A_884] : memref<128x128xf32, #tpu.memory_space<vmem>>[vector<16xi32>, vector<16xi32>], vector<16xf32>,
      %mul3A_886 = arith.mulf %gather3A_885, %gather3A_138 : vector<16xf32>
      %add3A_887 = arith.addf %add3A_877, %mul3A_886 : vector<16xf32>
      %broadcast_in_dim3A_888 = arith.constant 124 : i32
      %broadcast_in_dim3A_889 = vector.broadcast %broadcast_in_dim3A_888 : i32 to vector<16xi32>
      %gather3A_890 = tpu.vector_load_idx %arg10[%add3A_104, %broadcast_in_dim3A_889] : memref<128x128xf32, #tpu.memory_space<vmem>>[vector<16xi32>, vector<16xi32>], vector<16xf32>,
      %mul3A_891 = arith.mulf %gather3A_890, %gather3A_141 : vector<16xf32>
      %add3A_892 = arith.addf %add3A_882, %mul3A_891 : vector<16xf32>
      %broadcast_in_dim3A_893 = arith.constant 125 : i32
      %broadcast_in_dim3A_894 = vector.broadcast %broadcast_in_dim3A_893 : i32 to vector<16xi32>
      %gather3A_895 = tpu.vector_load_idx %arg10[%add3A_104, %broadcast_in_dim3A_894] : memref<128x128xf32, #tpu.memory_space<vmem>>[vector<16xi32>, vector<16xi32>], vector<16xf32>,
      %mul3A_896 = arith.mulf %gather3A_895, %gather3A_144 : vector<16xf32>
      %add3A_897 = arith.addf %add3A_887, %mul3A_896 : vector<16xf32>
      %broadcast_in_dim3A_898 = arith.constant 126 : i32
      %broadcast_in_dim3A_899 = vector.broadcast %broadcast_in_dim3A_898 : i32 to vector<16xi32>
      %gather3A_900 = tpu.vector_load_idx %arg10[%add3A_104, %broadcast_in_dim3A_899] : memref<128x128xf32, #tpu.memory_space<vmem>>[vector<16xi32>, vector<16xi32>], vector<16xf32>,
      %mul3A_901 = arith.mulf %gather3A_900, %gather3A_147 : vector<16xf32>
      %add3A_902 = arith.addf %add3A_892, %mul3A_901 : vector<16xf32>
      %broadcast_in_dim3A_903 = arith.constant 127 : i32
      %broadcast_in_dim3A_904 = vector.broadcast %broadcast_in_dim3A_903 : i32 to vector<16xi32>
      %gather3A_905 = tpu.vector_load_idx %arg10[%add3A_104, %broadcast_in_dim3A_904] : memref<128x128xf32, #tpu.memory_space<vmem>>[vector<16xi32>, vector<16xi32>], vector<16xf32>,
      %mul3A_906 = arith.mulf %gather3A_905, %gather3A_150 : vector<16xf32>
      %add3A_907 = arith.addf %add3A_897, %mul3A_906 : vector<16xf32>
      %add3A_908 = arith.addf %add3A_902, %add3A_907 : vector<16xf32>
      %broadcast_in_dim3A_909 = arith.constant 15 : i32
      %broadcast_in_dim3A_910 = vector.broadcast %broadcast_in_dim3A_909 : i32 to vector<16xi32>
      tpu.vector_store_idx %arg13[%add3A_104, %broadcast_in_dim3A_910], %add3A_908 : memref<128x16xf32, #tpu.memory_space<vmem>>[vector<16xi32>, vector<16xi32>], vector<16xf32>,
    }
    %scan3A_99 = arith.constant 8 : i32
    "tpu.region"() ({
      %run_scoped3A = tpu.sem_alloc : memref<!tpu.dma_semaphore, #tpu.memory_space<semaphore_mem>>
      %dma_start3A_100 = arith.constant 0 : i32
      %dma_start3A_101 = tpu.memref_slice %arg7[%add3A_76, %dma_start3A_100] : memref<16384x16xf32, #tpu.memory_space<hbm>> -> memref<128x16xf32, #tpu.memory_space<hbm>>
      %dma_start3A_102 = arith.constant 0 : i32
      %dma_start3A_103 = tpu.memref_slice %arg7[%add3A_76, %dma_start3A_102] : memref<16384x16xf32, #tpu.memory_space<hbm>> -> memref<128x16xf32, #tpu.memory_space<hbm>>
      tpu.enqueue_dma source(%arg13 : memref<128x16xf32, #tpu.memory_space<vmem>>) target(%dma_start3A_103 : memref<128x16xf32, #tpu.memory_space<hbm>>) target_semaphore(%run_scoped3A : memref<!tpu.dma_semaphore, #tpu.memory_space<semaphore_mem>>)
      %dma_wait3A_104 = arith.constant 0 : i32
      %dma_wait3A_105 = tpu.memref_slice %arg7[%add3A_76, %dma_wait3A_104] : memref<16384x16xf32, #tpu.memory_space<hbm>> -> memref<128x16xf32, #tpu.memory_space<hbm>>
      %dma_wait3A_106 = arith.constant 0 : i32
      %dma_wait3A_107 = tpu.memref_slice %arg7[%add3A_76, %dma_wait3A_106] : memref<16384x16xf32, #tpu.memory_space<hbm>> -> memref<128x16xf32, #tpu.memory_space<hbm>>
      tpu.wait_dma2 semaphore(%run_scoped3A : memref<!tpu.dma_semaphore, #tpu.memory_space<semaphore_mem>>) src(%arg13 : memref<128x16xf32, #tpu.memory_space<vmem>>) dst(%dma_wait3A_107 : memref<128x16xf32, #tpu.memory_space<hbm>>)
      tpu.yield
    }) : () -> ()
    return
  }
}

module attributes {stable_mosaic.version = 14 : i64} {
  func.func @_pack_body(%arg0: i32, %arg1: memref<256x2048xf32, #tpu.memory_space<vmem>>, %arg2: memref<2048x128xf32, #tpu.memory_space<vmem>>, %arg3: memref<2048x128xf32, #tpu.memory_space<vmem>>) attributes {dimension_semantics = [#tpu.dimension_semantics<arbitrary>], iteration_bounds = array<i64: 49>, scalar_prefetch = 0 : i64, scratch_operands = 0 : i64, tpu.core_type = #tpu.core_type<tc>, window_params = [{transform_indices = @transform_0, window_bounds = array<i64: 256, 2048>}, {transform_indices = @transform_1, window_bounds = array<i64: 2048, 128>}, {transform_indices = @transform_2, window_bounds = array<i64: 2048, 128>}]} {
    %get3A = arith.constant 0 : index
    %get3A_0 = arith.constant 0 : index
    %get3A_1 = vector.load %arg1[%get3A, %get3A_0] : memref<256x2048xf32, #tpu.memory_space<vmem>>, vector<256x2048xf32>
    %slice3A = vector.extract_strided_slice %get3A_1 {offsets = [0, 0], sizes = [128, 2048], strides = [1, 1]} : vector<256x2048xf32> to vector<128x2048xf32>
    %transpose3A = tpu.transpose %slice3A, [1, 0] : vector<128x2048xf32> -> vector<2048x128xf32>
    %swap3A = arith.constant 0 : index
    %swap3A_2 = arith.constant 0 : index
    %swap3A_3 = vector.load %arg2[%swap3A, %swap3A_2] : memref<2048x128xf32, #tpu.memory_space<vmem>>, vector<2048x128xf32>
    tpu.vector_store %arg2[%swap3A, %swap3A_2], %transpose3A {strides = array<i32>} : memref<2048x128xf32, #tpu.memory_space<vmem>>, vector<2048x128xf32>,
    %slice3A_4 = vector.extract_strided_slice %get3A_1 {offsets = [128, 0], sizes = [128, 2048], strides = [1, 1]} : vector<256x2048xf32> to vector<128x2048xf32>
    %transpose3A_5 = tpu.transpose %slice3A_4, [1, 0] : vector<128x2048xf32> -> vector<2048x128xf32>
    %swap3A_6 = arith.constant 0 : index
    %swap3A_7 = arith.constant 0 : index
    %swap3A_8 = vector.load %arg3[%swap3A_6, %swap3A_7] : memref<2048x128xf32, #tpu.memory_space<vmem>>, vector<2048x128xf32>
    tpu.vector_store %arg3[%swap3A_6, %swap3A_7], %transpose3A_5 {strides = array<i32>} : memref<2048x128xf32, #tpu.memory_space<vmem>>, vector<2048x128xf32>,
    return
  }
  func.func @transform_0(%arg0: i32) -> (i32, i32) {
    %c0_i32 = arith.constant 0 : i32
    %c0_i32_0 = arith.constant 0 : i32
    return %c0_i32, %arg0 : i32, i32
  }
  func.func @transform_1(%arg0: i32) -> (i32, i32) {
    %c0_i32 = arith.constant 0 : i32
    %c0_i32_0 = arith.constant 0 : i32
    return %arg0, %c0_i32 : i32, i32
  }
  func.func @transform_2(%arg0: i32) -> (i32, i32) {
    %c0_i32 = arith.constant 0 : i32
    %c0_i32_0 = arith.constant 0 : i32
    return %arg0, %c0_i32 : i32, i32
  }
}

</mosaic_0001>

<sc_bundles>
// kernel: kernel.4.cloned.1.call-start
scs
__scs_entry_jumppad:
0x0: {  	(pc) =	sbr.rel $0x88, $3  }
0x1: {  	(tag) =	ssettag $0x0;
	lr =	simm.s32 $0x1  }
0x2: {  	[smem:$0x3F9E] =	sst lr;
	_ =	strace $0xD0000000  }
0x3: {  	_ = 	snop  }
0x4: {  	_ = 	snop  }
0x5: {  	_ = 	snop  }
0x6: {  	_ = 	snop  }
0x7: {  	_ = 	snop  }
__scs_overlays_trampoline_lowered:
0x8: {  	[smem:$0x3FAD] =	sst s0  }
0x9: {  	[smem:$0x3FAE] =	sst s1  }
0xa: {  	[smem:$0x3FAF] =	sst s2  }
0xb: {  	[smem:$0x3FB0] =	sst s3  }
0xc: {  	[smem:$0x3FB1] =	sst s4  }
0xd: {  	[smem:$0x3FB2] =	sst s5  }
0xe: {  	[smem:$0x3FB3] =	sst s6  }
0xf: {  	[smem:$0x3FB4] =	sst s7  }
0x10: {  	[smem:$0x3FB5] =	sst s8  }
0x11: {  	[smem:$0x3FB6] =	sst s9;
	s0 =	simm.s32 @!p0 $0x0  }
0x12: {  	s1 =	sld [smem:$0x3F9C];
	s0 =	simm.s32 @p0 $0x1  }
0x13: {  	[smem:$0x3FB7] =	sst s0;
	s0 =	simm.s32 @!p1 $0x0  }
0x14: {  	s2 =	sld [smem:$0x3F9B];
	s0 =	simm.s32 @p1 $0x1  }
0x15: {  	[smem:$0x3FB8] =	sst s0;
	s0 =	simm.s32 @!p2 $0x0  }
0x16: {  	s3 =	sld [smem:$0x3FDB];
	s0 =	simm.s32 @p2 $0x1  }
0x17: {  	s4 =	simm.s32 $0x1BF5;
	[smem:$0x3FBA] =	sst s0  }
0x18: {  	s0 =	sld [smem:$0x3F9D];
	_ =	swait.ge [sflag:s4], $0x0  }
0x19: {  	s7 =	sld [smem:$0x3F9E]  }
0x1a: {  	s8 =	sadd.s32 $0xFFFFE003, lr  }
0x1b: {  	s9 =	sadd.s32 $0xFFFFFEF7, lr;
	s5 =	simm.s32 $0xFFFFFFFF;
	p2 =	slt.u32 s8, $0xFFFFF086  }
0x1c: {  	p1 =	slt.u32 s9, $0xF7A;
	s5 =	simm.s32 @!p2 $0x0  }
0x1d: {  	s5 =	simm.s32 @p1 $0x1;
	p0 =	seq.s32 s7, s2  }
0x1e: {  	s7 =	smul.u32 @!p0 $0xF7A, s2;
	p2 =	seq.s32 @!p0 s5, $0x0  }
0x1f: {  	s9 =	smul.u32 $0xF7A, s1;
	s8 =	simm.s32 @!p0 $0x1BF5;
	p2 =	por !p2, p0  }
0x20: {  	[sflag:s8] =	ssyncset.s32 @!p0 $0xFFFFF086;
	s6 =	sadd.s32 @!p0 s3, s7;
	s7 =	simm.s32 @!p0 $0x108  }
0x21: {  	s3 =	sadd.s32 s3, s9;
	s6 =	sadd.s32 @!p0 $0x88, s6;
	s7 =	simm.s32 @p2 $0x1082  }
0x22: {  	[simem:s7], [sflag:s8] =	dma.local @!p0 [hbm:s6], $0xF7A  }
0x23: {  	s9 =	sor.u32 $0xD0000000, s2;
	s6 =	simm.s32 $0x108;
	_ =	swait.ge @!p0 [sflag:s8], $0x0  }
0x24: {  	s3 =	sadd.s32 $0x88, s3;
	s6 =	simm.s32 @!p1 $0x1082;
	[sflag:s4] =	ssyncset.s32 $0xFFFFF086  }
0x25: {  	[simem:s6], [sflag:s4] =	dma.local [hbm:s3], $0xF7A  }
0x26: {  	[smem:$0x3F9E] =	sst s1;
	(tag) =	ssettag s2;
	_ =	strace s9  }
0x27: {  	s1 =	sld [smem:$0x3FAE]  }
0x28: {  	s2 =	sld [smem:$0x3FAF]  }
0x29: {  	s4 =	sld [smem:$0x3FB1]  }
0x2a: {  	p0 =	seq.s32 s5, $0x0;
	s5 =	sld [smem:$0x3FB2]  }
0x2b: {  	s6 =	sld [smem:$0x3FB3]  }
0x2c: {  	s7 =	sld [smem:$0x3FB4]  }
0x2d: {  	s3 =	simm.s32 $0x108;
	s8 =	sld [smem:$0x3FB5]  }
0x2e: {  	s3 =	simm.s32 @!p0 $0x1082;
	s9 =	sld [smem:$0x3FB6]  }
0x2f: {  	lr =	sadd.s32 s0, s3;
	s0 =	sld [smem:$0x3FAD]  }
0x30: {  	s3 =	sld [smem:$0x3FB0]  }
0x31: {  	[smem:$0x3FB9] =	sst s10  }
0x32: {  	s10 =	sld [smem:$0x3FB7];
	_ =	sdelay $0x3  }
0x33: {  	p0 =	seq.s32 s10, $0x1;
	s10 =	sld [smem:$0x3FB9];
	_ =	sdelay $0x3  }
0x34: {  	[smem:$0x3FB9] =	sst s10  }
0x35: {  	s10 =	sld [smem:$0x3FB8];
	_ =	sdelay $0x3  }
0x36: {  	p1 =	seq.s32 s10, $0x1;
	s10 =	sld [smem:$0x3FB9];
	_ =	sdelay $0x3  }
0x37: {  	[smem:$0x3FB9] =	sst s10  }
0x38: {  	s10 =	sld [smem:$0x3FBA]  }
0x39: {  	_ = 	snop;
	(pc) =	sbr.ind lr, $3  }
0x3a: {  	_ = 	snop  }
0x3b: {  	_ = 	snop  }
0x3c: {  	p2 =	seq.s32 s10, $0x1;
	s10 =	sld [smem:$0x3FB9]  }
0x3d: {  	_ =	shalt  }
0x3e: {  	_ =	shalt  }
0x3f: {  	_ =	shalt  }
0x40: {  	_ =	shalt  }
0x41: {  	_ =	shalt  }
0x42: {  	_ =	shalt  }
0x43: {  	_ =	shalt  }
0x44: {  	_ =	shalt  }
0x45: {  	_ =	shalt  }
0x46: {  	_ =	shalt  }
0x47: {  	_ =	shalt  }
0x48: {  	_ =	shalt  }
0x49: {  	_ =	shalt  }
0x4a: {  	_ =	shalt  }
0x4b: {  	_ =	shalt  }
0x4c: {  	_ =	shalt  }
0x4d: {  	_ =	shalt  }
0x4e: {  	_ =	shalt  }
0x4f: {  	_ =	shalt  }
0x50: {  	_ =	shalt  }
0x51: {  	_ =	shalt  }
0x52: {  	_ =	shalt  }
0x53: {  	_ =	shalt  }
0x54: {  	_ =	shalt  }
0x55: {  	_ =	shalt  }
0x56: {  	_ =	shalt  }
0x57: {  	_ =	shalt  }
0x58: {  	_ =	shalt  }
0x59: {  	_ =	shalt  }
0x5a: {  	_ =	shalt  }
0x5b: {  	_ =	shalt  }
0x5c: {  	_ =	shalt  }
0x5d: {  	_ =	shalt  }
0x5e: {  	_ =	shalt  }
0x5f: {  	_ =	shalt  }
0x60: {  	_ =	shalt  }
0x61: {  	_ =	shalt  }
0x62: {  	_ =	shalt  }
0x63: {  	_ =	shalt  }
0x64: {  	_ =	shalt  }
0x65: {  	_ =	shalt  }
0x66: {  	_ =	shalt  }
0x67: {  	_ =	shalt  }
0x68: {  	_ =	shalt  }
0x69: {  	_ =	shalt  }
0x6a: {  	_ =	shalt  }
0x6b: {  	_ =	shalt  }
0x6c: {  	_ =	shalt  }
0x6d: {  	_ =	shalt  }
0x6e: {  	_ =	shalt  }
0x6f: {  	_ =	shalt  }
0x70: {  	_ =	shalt  }
0x71: {  	_ =	shalt  }
0x72: {  	_ =	shalt  }
0x73: {  	_ =	shalt  }
0x74: {  	_ =	shalt  }
0x75: {  	_ =	shalt  }
0x76: {  	_ =	shalt  }
0x77: {  	_ =	shalt  }
0x78: {  	_ =	shalt  }
0x79: {  	_ =	shalt  }
0x7a: {  	_ =	shalt  }
0x7b: {  	_ =	shalt  }
0x7c: {  	_ =	shalt  }
0x7d: {  	_ =	shalt  }
0x7e: {  	_ =	shalt  }
0x7f: {  	_ =	shalt  }
0x80: {  	_ =	shalt  }
0x81: {  	_ =	shalt  }
0x82: {  	_ =	shalt  }
0x83: {  	_ =	shalt  }
0x84: {  	_ =	shalt  }
0x85: {  	_ =	shalt  }
0x86: {  	_ =	shalt  }
0x87: {  	_ =	shalt  }
.Lfunc_end0:
.L_simem_size_0:
called_computation_lowered:
.L_overlay_start_0:
0x88: {  	s2 =	sld [smem:$0x3FD9]  }
0x89: {  	s3 =	sld [smem:$0x3FFE];
	_ =	sdelay $0x1  }
0x8a: {  	s1 =	srdreg.scid  }
0x8b: {  	s0 =	sand.u32 $0x1, s1  }
0x8c: {  	s17 =	sshll.u32 s0, $0xA;
	s2 =	sadd.s32 s3, s2  }
0x8d: {  	s2 =	sadd.s32 s2, s17  }
0x8e: {  	[smem:$0x3FC5] =	sst s2  }
0x8f: {  	_ = 	snop  }
0x90: {  	s2 =	sld [smem:$0x3FC9]  }
0x91: {  	s18 =	sld [smem:$0x3FD0];
	(tm) =	ssettm $0x1  }
0x92: {  	s4 =	sld [smem:$0x3FFB];
	_ =	sdelay $0x3  }
0x93: {  	_ =	strace s4  }
0x94: {  	s4 =	sld [smem:$0x3FFC];
	_ =	sdelay $0x3  }
0x95: {  	_ =	strace s4  }
0x96: {  	s4 =	sld [smem:$0x3FFD];
	_ =	sdelay $0x3  }
0x97: {  	_ =	strace s4  }
0x98: {  	_ =	strace $0x8FFFFFFF  }
0x99: {  	s19 =	sld [smem:$0x3FDB];
	_ =	sdelay $0x1  }
0x9a: {  	s5 =	simm.s32 $_scs_section_size  }
0x9b: {  	s6 =	simm.s32 $_size__tile_overlayer_lowered;
	s7 =	simm.s32 $_tile_overlayer_lowered  }
0x9c: {  	s22 =	simm.s32 $0x1BFF;
	s21 =	sshll.u32 s7, $0x1;
	s4 =	sadd.s32 s5, s19  }
0x9d: {  	s8 =	simm.s32 $0x0;
	s20 =	sshll.u32 s6, $0x1;
	s6 =	sadd.s32 s21, s4  }
0x9e: {  	[timem:s8], [sflag:s22] =	dma.local [hbm:s6], s20  }
0x9f: {  	_ =	swait.ge [sflag:s22], s20  }
0xa0: {  	s5 =	ssub.s32 $0x0, s20;
	[sflag:s22] =	ssyncset.done $0x0  }
0xa1: {  	[sflag:s22] =	ssyncadd.s32 s5;
	_ =	sdelay $0x1  }
0xa2: {  	s23 =	simm.s32 $0x1B8B  }
0xa3: {  	_ =	swait.ge [sflag:s23], $0x1  }
0xa4: {  	[sflag:s23] =	ssyncset.done $0x0  }
0xa5: {  	s25 =	simm.s32 $0x1B8E;
	s24 =	sld [smem:$0x3FFE];
	[sflag:s23] =	ssyncadd.s32 $0xFFFFFFFF  }
0xa6: {  	s26 =	simm.s32 $execute0_lowered;
	[smem:$0x3FD2] =	sst s25  }
0xa7: {  	s6 =	sshll.u32 s26, $0x1;
	_ =	strace $0x80000046;
	[dreg:$0x1] =	wrdreg $0xFFFFFFFF  }
0xa8: {  	s28 =	simm.s32 $_size_execute0_lowered;
	s4 =	sadd.s32 s4, s6;
	[dreg:$0x0] =	wrdreg $0x0  }
0xa9: {  	s6 =	sshll.u32 s28, $0x1;
	[dreg:$0x2] =	wrdreg s4  }
0xaa: {  	[dreg:$0x3] =	wrdreg s6  }
0xab: {  	[dreg:$0x4] =	wrdreg $0xC0  }
0xac: {  	_ =	task [dreg:s8], $0x5FFFF  }
0xad: {  	[dreg:$0x1] =	wrdreg $0xFFFFFFFF  }
0xae: {  	[dreg:$0x0] =	wrdreg $0x60  }
0xaf: {  	[dreg:$0x2] =	wrdreg s2  }
0xb0: {  	[dreg:$0x3] =	wrdreg s24  }
0xb1: {  	[dreg:$0x4] =	wrdreg s18  }
0xb2: {  	[dreg:$0x5] =	wrdreg $0x9  }
0xb3: {  	_ =	task.clear_ibuf [dreg:s8], $0x6FFFF;
	_ =	strace $0x90000046  }
0xb4: {  	s29 =	simm.s32 $0x9;
	_ =	strace $0x80000048  }
0xb5: {  	_ =	swait.ge [sflag:s29], $0x1  }
0xb6: {  	[sflag:s29] =	ssyncadd.s32 $0xFFFFFFFF  }
0xb7: {  	_ =	strace $0x90000048  }
0xb8: {  	_ =	sfence  }
0xb9: {  	s30 =	sld [smem:$0x0];
	_ =	sdelay $0x2  }
0xba: {  	s31 =	sshll.u32 s1, $0xD;
	s1 =	sshrl.u32 s1, $0x2  }
0xbb: {  	s3 =	sand.u32 $0x4000, s31;
	s1 =	sadd.s32 s1, s30  }
0xbc: {  	s0 =	sor.u32 s3, s0;
	s1 =	sshll.u32 s1, $0x11  }
0xbd: {  	s0 =	sor.u32 s1, s0  }
0xbe: {  	s0 =	sadd.s32 $0x8F2B, s0  }
0xbf: {  	[sflag:s0] =	ssyncadd.remote.s32 $0x1  }
0xc0: {  	_ =	sfence.sel $0xFFFF  }
0xc1: {  	[dreg:$0x0] =	wrdreg $0xFFFFFFFF;
	(pc) =	sbr.abs _section_cstart, $3  }
0xc2: {  	[dreg:$0x1] =	wrdreg $0xFFFFFFFF  }
0xc3: {  	_ =	task.clear_ibuf [dreg:s8], $0x2FFFF;
	_ =	strace $0x9FFFFFFF  }
0xc4: {  	(tm) =	ssettm $0x7FFFFFFF  }
0xc5: {  	_ =	shalt  }
tec
execute0_lowered:
.L_overlay_start_1:
0x0: {  	(tag) =	ssettag $0x1  }
0x1: {  	s15 =	rddreg [dreg:$0x0]  }
0x2: {  	s6 =	rddreg [dreg:$0x1]  }
0x3: {  	s16 =	rddreg [dreg:$0x2]  }
0x4: {  	s0 =	rddreg [dreg:$0x3]  }
0x5: {  	s1 =	simm.s32 $0x0;
	s7 =	srdreg.scid;
	s2 =	stileid.u32  }
0x6: {  	s21 =	simm.s32 $0x4080;
	s22 =	simm.s32 $0x8080;
	s23 =	simm.s32 $0x8880  }
0x7: {  	s24 =	simm.s32 $0x1;
	s25 =	simm.s32 $0x9080;
	s26 =	simm.s32 $0x0  }
0x8: {  	[smem:$0x7FF] =	sst s1;
	s3 =	sadd.s32 $0x187A00, s6;
	s4 =	sadd.s32 $0x1000, s6  }
0x9: {  	s5 =	sadd.s32 $0x1B8800, s6;
	s7 =	sand.u32 $0x1, s7;
	s9 =	sshll.u32 s2, $0xA  }
0xa: {  	s17 =	sadd.s32 $0x33F200, s6;
	s8 =	ssub.s32 $0x2, s7;
	s7 =	sshll.u32 s7, $0x9  }
0xb: {  	_ =	strace $0x80000047;
	s28 =	sshrl.u32 s8, $0x1;
	s14 =	sor.u32 s7, s9  }
0xc: {  	s18 =	ssub.s32 s8, s28;
	s29 =	sshrl.u32 s14, $0x3;
	s30 =	sshll.u32 s14, $0x1  }
0xd: {  	s9 =	sor.u32 $0x80, s14;
	s12 =	sor.u32 $0x100, s14;
	s20 =	sor.u32 $0x180, s14  }
0xe: {  	s6 =	sadd.s32 s15, s29;
	s7 =	sadd.s32 s16, s30;
	s8 =	sadd.s32 s17, s30  }
0xf: {  	s10 =	sshrl.u32 s9, $0x3;
	s11 =	sshll.u32 s9, $0x1;
	s13 =	sshrl.u32 s12, $0x3  }
0x10: {  	s19 =	sshll.u32 s12, $0x1;
	s31 =	sshrl.u32 s20, $0x3;
	s20 =	sshll.u32 s20, $0x1  }
0x11: {  	s18 =	smax.u32 s18, $0x1;
	s9 =	sadd.s32 s15, s10;
	s10 =	sadd.s32 s16, s11  }
0x12: {  	s11 =	sadd.s32 s17, s11;
	s12 =	sadd.s32 s15, s13;
	s13 =	sadd.s32 s16, s19  }
0x13: {  	s14 =	sadd.s32 s17, s19;
	s15 =	sadd.s32 s15, s31;
	s16 =	sadd.s32 s16, s20  }
0x14: {  	v0 =	vlaneseq.u32;
	s17 =	sadd.s32 s17, s20;
	s19 =	simm.s32 $0x2;
	s20 =	simm.s32 $0x80  }
.LBB2_1:
0x15: {  	[tilespmem:s1], [sflag:$0x2] =	stream.linear.gather [hbm4b:s6+s1], $0x80, $0x38;
	[tilespmem:$0x9880] =	vst v63  }
0x16: {  	_ =	swait.ge [sflag:s19], $0x80  }
0x17: {  	[sflag:s19] =	ssyncset.done $0x0  }
0x18: {  	[sflag:s19] =	ssyncadd.s32 $0xFFFFFF80  }
0x19: {  	[tilespmem:s20], [sflag:$0x1] =	stream.indirect.gather [hbm4b:s4+s20], $0x80, s1, s20, $0xb8;
	[tilespmem:$0x9880] =	vst v63  }
0x1a: {  	_ = 	snop  }
0x1b: {  	[tilespmem:s21], [sflag:$0x1] =	stream.indirect.gather [hbm4b:s5+s20], $0x80, s1, s20, $0xb8;
	[tilespmem:$0x9880] =	vst v63  }
0x1c: {  	_ = 	snop  }
0x1d: {  	[tilespmem:s22], [sflag:$0x1] =	stream.indirect.gather [hbm4b:s3+s20], $0x10, s1, s20, $0xb8;
	[tilespmem:$0x9880] =	vst v63  }
0x1e: {  	_ = 	snop  }
0x1f: {  	[tilespmem:s23], [sflag:$0x2] =	stream.linear.gather [hbm4b:s7+s1], $0x800, $0x38;
	[tilespmem:$0x9880] =	vst v63  }
0x20: {  	_ =	swait.ge [sflag:s19], $0x800  }
0x21: {  	[sflag:s19] =	ssyncset.done $0x0  }
0x22: {  	[sflag:s19] =	ssyncadd.s32 $0xFFFFF800  }
0x23: {  	_ =	swait.ge [sflag:s24], $0x4000  }
0x24: {  	[sflag:s24] =	ssyncset.done $0x0  }
0x25: {  	[sflag:s24] =	ssyncadd.s32 $0xFFFFC000  }
0x26: {  	_ =	swait.ge [sflag:s24], $0x4000  }
0x27: {  	[sflag:s24] =	ssyncset.done $0x0  }
0x28: {  	[sflag:s24] =	ssyncadd.s32 $0xFFFFC000  }
0x29: {  	_ =	swait.ge [sflag:s24], $0x800  }
0x2a: {  	[sflag:s24] =	ssyncset.done $0x0  }
0x2b: {  	s28 =	simm.s32 $0x0;
	[sflag:s24] =	ssyncadd.s32 $0xFFFFF800  }
.LBB2_2:
0x2c: {  	v1 =	vor.u32 s28, v0  }
0x2d: {  	v23 =	vshll.u32 v1, $0x4  }
0x2e: {  	v11 =	vshll.u32 v1, $0x7;
	_ =	sdelay $0x1  }
0x2f: {  	v24 =	vor.u32 $0x1, v23  }
0x30: {  	v25 =	vor.u32 $0x2, v23  }
0x31: {  	v26 =	vor.u32 $0x3, v23;
	v18 =	vld.idx.msk [tilespmem:v23+s23+$0x0], $0xffff  }
0x32: {  	v27 =	vor.u32 $0x4, v23;
	v2 =	vld.idx.msk [tilespmem:v11+s20+$0x0], $0xffff  }
0x33: {  	v28 =	vor.u32 $0x5, v23;
	v9 =	vld.idx.msk [tilespmem:v23+s22+$0x0], $0xffff  }
0x34: {  	v22 =	vor.u32 $0x6, v23;
	v14 =	vld.idx.msk [tilespmem:v24+s23+$0x0], $0xffff  }
0x35: {  	v61 =	vor.u32 $0x7, v23;
	v17 =	vld.idx.msk [tilespmem:v25+s23+$0x0], $0xffff  }
0x36: {  	v58 =	vor.u32 $0x8, v23;
	v16 =	vld.idx.msk [tilespmem:v26+s23+$0x0], $0xffff  }
0x37: {  	v33 =	vor.u32 $0xD, v23;
	v15 =	vld.idx.msk [tilespmem:v27+s23+$0x0], $0xffff  }
0x38: {  	v54 =	vor.u32 $0x9, v23;
	v13 =	vld.idx.msk [tilespmem:v28+s23+$0x0], $0xffff  }
0x39: {  	v44 =	vor.u32 $0xA, v23;
	v12 =	vld.idx.msk [tilespmem:v22+s23+$0x0], $0xffff  }
0x3a: {  	v30 =	vor.u32 $0xB, v23;
	v7 =	vld.idx.msk [tilespmem:v61+s23+$0x0], $0xffff  }
0x3b: {  	v21 =	vor.u32 $0xC, v23;
	v8 =	vld.idx.msk [tilespmem:v58+s23+$0x0], $0xffff  }
0x3c: {  	v1 =	vor.u32 $0xE, v23;
	v29 =	vmul.f32 v2, v18;
	v2 =	vld.idx.msk [tilespmem:v33+s23+$0x0], $0xffff  }
0x3d: {  	v0 =	vor.u32 $0xF, v23;
	v10 =	vld.idx.msk [tilespmem:v54+s23+$0x0], $0xffff  }
0x3e: {  	v59 =	vor.u32 $0x10, v11;
	v19 =	vld.idx.msk [tilespmem:v44+s23+$0x0], $0xffff  }
0x3f: {  	v20 =	vld.idx.msk [tilespmem:v30+s23+$0x0], $0xffff  }
0x40: {  	v60 =	vor.u32 $0x11, v11;
	[tilespmem:$0x1FFB0] =	vst v1;
	v32 =	vld.idx.msk [tilespmem:v21+s23+$0x0], $0xffff;
	v29 =	vadd.f32 v29, v9  }
0x41: {  	[tilespmem:$0x1FFA0] =	vst v2;
	v2 =	vld.idx.msk [tilespmem:v1+s23+$0x0], $0xffff  }
0x42: {  	v1 =	vld.idx.msk [tilespmem:v0+s23+$0x0], $0xffff;
	[tilespmem:v23+s25+$0x0] =	vst.idx.msk $0xffff, v29  }
0x43: {  	v23 =	vld.idx.msk [tilespmem:v59+s20+$0x0], $0xffff  }
0x44: {  	v29 =	vld.idx.msk [tilespmem:v24+s22+$0x0], $0xffff  }
0x45: {  	v31 =	vld.idx.msk [tilespmem:v60+s20+$0x0], $0xffff;
	_ =	sdelay $0x2  }
0x46: {  	v23 =	vmul.f32 v23, v18;
	_ =	sdelay $0x1  }
0x47: {  	v56 =	vor.u32 $0x20, v11;
	v62 =	vmul.f32 v31, v14;
	v23 =	vadd.f32 v23, v29;
	_ =	sdelay $0x1  }
0x48: {  	v55 =	vor.u32 $0x22, v11;
	v23 =	vadd.f32 v62, v23;
	_ =	sdelay $0x1  }
0x49: {  	v57 =	vor.u32 $0x21, v11;
	[tilespmem:v24+s25+$0x0] =	vst.idx.msk $0xffff, v23  }
0x4a: {  	v23 =	vld.idx.msk [tilespmem:v56+s20+$0x0], $0xffff  }
0x4b: {  	v24 =	vld.idx.msk [tilespmem:v25+s22+$0x0], $0xffff  }
0x4c: {  	v63 =	vld.idx.msk [tilespmem:v55+s20+$0x0], $0xffff;
	_ =	sdelay $0x1  }
0x4d: {  	v4 =	vld.idx.msk [tilespmem:v57+s20+$0x0], $0xffff  }
0x4e: {  	v23 =	vmul.f32 v23, v18;
	_ =	sdelay $0x1  }
0x4f: {  	v5 =	vmul.f32 v63, v17;
	v23 =	vadd.f32 v23, v24;
	_ =	sdelay $0x1  }
0x50: {  	v6 =	vmul.f32 v4, v14;
	v23 =	vadd.f32 v5, v23  }
0x51: {  	v52 =	vor.u32 $0x30, v11  }
0x52: {  	v53 =	vor.u32 $0x31, v11;
	v23 =	vadd.f32 v23, v6  }
0x53: {  	v50 =	vor.u32 $0x32, v11  }
0x54: {  	v51 =	vor.u32 $0x33, v11;
	[tilespmem:v25+s25+$0x0] =	vst.idx.msk $0xffff, v23  }
0x55: {  	v23 =	vld.idx.msk [tilespmem:v26+s22+$0x0], $0xffff  }
0x56: {  	v9 =	vld.idx.msk [tilespmem:v52+s20+$0x0], $0xffff  }
0x57: {  	v25 =	vld.idx.msk [tilespmem:v53+s20+$0x0], $0xffff  }
0x58: {  	v34 =	vld.idx.msk [tilespmem:v50+s20+$0x0], $0xffff  }
0x59: {  	v35 =	vld.idx.msk [tilespmem:v51+s20+$0x0], $0xffff;
	_ =	sdelay $0x2  }
0x5a: {  	v24 =	vmul.f32 v9, v18  }
0x5b: {  	v25 =	vmul.f32 v25, v14  }
0x5c: {  	v36 =	vmul.f32 v34, v17;
	v37 =	vmul.f32 v35, v16;
	v23 =	vadd.f32 v24, v23;
	_ =	sdelay $0x1  }
0x5d: {  	v38 =	vadd.f32 v37, v25;
	v23 =	vadd.f32 v36, v23  }
0x5e: {  	v48 =	vor.u32 $0x40, v11  }
0x5f: {  	v49 =	vor.u32 $0x41, v11;
	v23 =	vadd.f32 v38, v23  }
0x60: {  	v45 =	vor.u32 $0x42, v11  }
0x61: {  	v46 =	vor.u32 $0x43, v11;
	[tilespmem:v26+s25+$0x0] =	vst.idx.msk $0xffff, v23  }
0x62: {  	v47 =	vor.u32 $0x44, v11;
	v23 =	vld.idx.msk [tilespmem:v27+s22+$0x0], $0xffff  }
0x63: {  	v39 =	vld.idx.msk [tilespmem:v48+s20+$0x0], $0xffff  }
0x64: {  	v40 =	vld.idx.msk [tilespmem:v49+s20+$0x0], $0xffff  }
0x65: {  	v26 =	vld.idx.msk [tilespmem:v45+s20+$0x0], $0xffff  }
0x66: {  	v41 =	vld.idx.msk [tilespmem:v46+s20+$0x0], $0xffff  }
0x67: {  	v42 =	vld.idx.msk [tilespmem:v47+s20+$0x0], $0xffff  }
0x68: {  	v24 =	vmul.f32 v39, v18;
	_ =	sdelay $0x1  }
0x69: {  	v43 =	vmul.f32 v26, v17;
	v23 =	vadd.f32 v24, v23  }
0x6a: {  	v25 =	vmul.f32 v40, v14  }
0x6b: {  	v62 =	vmul.f32 v41, v16;
	v63 =	vmul.f32 v42, v15;
	v23 =	vadd.f32 v43, v23;
	_ =	sdelay $0x1  }
0x6c: {  	v24 =	vadd.f32 v62, v25;
	v23 =	vadd.f32 v63, v23  }
0x6d: {  	v39 =	vor.u32 $0x50, v11  }
0x6e: {  	v43 =	vor.u32 $0x51, v11;
	v23 =	vadd.f32 v23, v24  }
0x6f: {  	v40 =	vor.u32 $0x52, v11  }
0x70: {  	v41 =	vor.u32 $0x53, v11;
	[tilespmem:v27+s25+$0x0] =	vst.idx.msk $0xffff, v23  }
0x71: {  	v42 =	vor.u32 $0x54, v11;
	v23 =	vld.idx.msk [tilespmem:v28+s22+$0x0], $0xffff  }
0x72: {  	v38 =	vor.u32 $0x55, v11;
	v4 =	vld.idx.msk [tilespmem:v39+s20+$0x0], $0xffff  }
0x73: {  	v5 =	vld.idx.msk [tilespmem:v43+s20+$0x0], $0xffff  }
0x74: {  	v6 =	vld.idx.msk [tilespmem:v40+s20+$0x0], $0xffff  }
0x75: {  	v27 =	vld.idx.msk [tilespmem:v41+s20+$0x0], $0xffff  }
0x76: {  	v9 =	vld.idx.msk [tilespmem:v42+s20+$0x0], $0xffff  }
0x77: {  	v34 =	vld.idx.msk [tilespmem:v38+s20+$0x0], $0xffff  }
0x78: {  	v24 =	vmul.f32 v4, v18  }
0x79: {  	v35 =	vmul.f32 v6, v17  }
0x7a: {  	v25 =	vmul.f32 v5, v14;
	v36 =	vmul.f32 v27, v16;
	v23 =	vadd.f32 v24, v23  }
0x7b: {  	v62 =	vmul.f32 v9, v15  }
0x7c: {  	v63 =	vmul.f32 v34, v13;
	v37 =	vadd.f32 v36, v25;
	v23 =	vadd.f32 v35, v23;
	_ =	sdelay $0x1  }
0x7d: {  	v24 =	vadd.f32 v63, v37;
	v23 =	vadd.f32 v62, v23  }
0x7e: {  	v31 =	vor.u32 $0x60, v11  }
0x7f: {  	v34 =	vor.u32 $0x61, v11;
	v23 =	vadd.f32 v24, v23  }
0x80: {  	v35 =	vor.u32 $0x62, v11  }
0x81: {  	v36 =	vor.u32 $0x63, v11;
	[tilespmem:v28+s25+$0x0] =	vst.idx.msk $0xffff, v23  }
0x82: {  	v37 =	vor.u32 $0x64, v11;
	v23 =	vld.idx.msk [tilespmem:v22+s22+$0x0], $0xffff  }
0x83: {  	v9 =	vor.u32 $0x65, v11;
	v4 =	vld.idx.msk [tilespmem:v31+s20+$0x0], $0xffff  }
0x84: {  	[tilespmem:$0x1FFE0] =	vst v0;
	v0 =	vor.u32 $0x66, v11;
	v25 =	vld.idx.msk [tilespmem:v34+s20+$0x0], $0xffff  }
0x85: {  	v5 =	vld.idx.msk [tilespmem:v35+s20+$0x0], $0xffff  }
0x86: {  	v6 =	vld.idx.msk [tilespmem:v36+s20+$0x0], $0xffff  }
0x87: {  	v28 =	vld.idx.msk [tilespmem:v37+s20+$0x0], $0xffff  }
0x88: {  	v29 =	vld.idx.msk [tilespmem:v9+s20+$0x0], $0xffff;
	v24 =	vmul.f32 v4, v18  }
0x89: {  	v62 =	vld.idx.msk [tilespmem:v0+s20+$0x0], $0xffff  }
0x8a: {  	v4 =	vmul.f32 v5, v17;
	v23 =	vadd.f32 v24, v23  }
0x8b: {  	v25 =	vmul.f32 v25, v14  }
0x8c: {  	v5 =	vmul.f32 v6, v16;
	v6 =	vmul.f32 v28, v15;
	v23 =	vadd.f32 v4, v23  }
0x8d: {  	v28 =	vmul.f32 v29, v13  }
0x8e: {  	v29 =	vmul.f32 v62, v12;
	v25 =	vadd.f32 v5, v25;
	v23 =	vadd.f32 v6, v23;
	_ =	sdelay $0x1  }
0x8f: {  	v24 =	vadd.f32 v28, v25;
	v62 =	vadd.f32 v29, v23  }
0x90: {  	v23 =	vor.u32 $0x70, v11  }
0x91: {  	v25 =	vor.u32 $0x72, v11;
	v26 =	vadd.f32 v62, v24  }
0x92: {  	v28 =	vor.u32 $0x73, v11  }
0x93: {  	v24 =	vor.u32 $0x71, v11;
	[tilespmem:v22+s25+$0x0] =	vst.idx.msk $0xffff, v26  }
0x94: {  	v29 =	vor.u32 $0x74, v11;
	v62 =	vld.idx.msk [tilespmem:v61+s22+$0x0], $0xffff  }
0x95: {  	v26 =	vor.u32 $0x75, v11;
	v63 =	vld.idx.msk [tilespmem:v23+s20+$0x0], $0xffff  }
0x96: {  	[tilespmem:$0x1FFC0] =	vst v0;
	v27 =	vor.u32 $0x76, v11;
	v0 =	vld.idx.msk [tilespmem:v25+s20+$0x0], $0xffff  }
0x97: {  	[tilespmem:$0x1FFF0] =	vst v1;
	v22 =	vor.u32 $0x77, v11;
	v1 =	vld.idx.msk [tilespmem:v28+s20+$0x0], $0xffff  }
0x98: {  	v4 =	vld.idx.msk [tilespmem:v24+s20+$0x0], $0xffff  }
0x99: {  	[tilespmem:$0x1FFD0] =	vst v2;
	v2 =	vld.idx.msk [tilespmem:v29+s20+$0x0], $0xffff  }
0x9a: {  	v3 =	vld.idx.msk [tilespmem:v26+s20+$0x0], $0xffff;
	v63 =	vmul.f32 v63, v18  }
0x9b: {  	v5 =	vld.idx.msk [tilespmem:v27+s20+$0x0], $0xffff  }
0x9c: {  	v0 =	vmul.f32 v0, v17;
	v62 =	vadd.f32 v63, v62;
	v63 =	vld.idx.msk [tilespmem:v22+s20+$0x0], $0xffff  }
0x9d: {  	v1 =	vmul.f32 v1, v16;
	v4 =	vmul.f32 v4, v14  }
0x9e: {  	v2 =	vmul.f32 v2, v15;
	v0 =	vadd.f32 v0, v62  }
0x9f: {  	v1 =	vadd.f32 v1, v4;
	v3 =	vmul.f32 v3, v13  }
0xa0: {  	v0 =	vadd.f32 v2, v0  }
0xa1: {  	v1 =	vadd.f32 v3, v1;
	v2 =	vmul.f32 v5, v12;
	v3 =	vmul.f32 v63, v7;
	_ =	sdelay $0x1  }
0xa2: {  	v0 =	vadd.f32 v2, v0;
	v2 =	vor.u32 $0x1, v11;
	v1 =	vadd.f32 v3, v1;
	_ =	sdelay $0x1  }
0xa3: {  	v0 =	vadd.f32 v1, v0  }
0xa4: {  	v1 =	vor.u32 $0x2, v11  }
0xa5: {  	v3 =	vor.u32 $0x4, v11;
	[tilespmem:v61+s25+$0x0] =	vst.idx.msk $0xffff, v0  }
0xa6: {  	v0 =	vor.u32 $0x3, v11;
	v6 =	vld.idx.msk [tilespmem:v2+s21+$0x0], $0xffff  }
0xa7: {  	v5 =	vor.u32 $0x5, v11;
	v4 =	vld.idx.msk [tilespmem:v11+s21+$0x0], $0xffff  }
0xa8: {  	v61 =	vor.u32 $0x6, v11;
	v62 =	vld.idx.msk [tilespmem:v58+s22+$0x0], $0xffff  }
0xa9: {  	v2 =	vld.idx.msk [tilespmem:v1+s21+$0x0], $0xffff;
	v1 =	vor.u32 $0x8, v11  }
0xaa: {  	v63 =	vor.u32 $0x7, v11;
	v3 =	vld.idx.msk [tilespmem:v3+s21+$0x0], $0xffff  }
0xab: {  	v0 =	vld.idx.msk [tilespmem:v0+s21+$0x0], $0xffff  }
0xac: {  	v5 =	vld.idx.msk [tilespmem:v5+s21+$0x0], $0xffff;
	v4 =	vmul.f32 v4, v18  }
0xad: {  	v61 =	vld.idx.msk [tilespmem:v61+s21+$0x0], $0xffff  }
0xae: {  	v4 =	vadd.f32 v4, v62;
	v2 =	vmul.f32 v2, v17;
	v1 =	vld.idx.msk [tilespmem:v1+s21+$0x0], $0xffff  }
0xaf: {  	v6 =	vmul.f32 v6, v14;
	v62 =	vld.idx.msk [tilespmem:v63+s21+$0x0], $0xffff  }
0xb0: {  	v3 =	vmul.f32 v3, v15;
	v0 =	vmul.f32 v0, v16;
	v2 =	vadd.f32 v2, v4  }
0xb1: {  	v63 =	vmul.f32 v5, v13  }
0xb2: {  	v0 =	vadd.f32 v0, v6;
	v2 =	vadd.f32 v3, v2;
	v3 =	vmul.f32 v61, v12  }
0xb3: {  	v1 =	vmul.f32 v1, v8  }
0xb4: {  	v0 =	vadd.f32 v63, v0;
	v2 =	vadd.f32 v3, v2;
	v3 =	vmul.f32 v62, v7;
	_ =	sdelay $0x1  }
0xb5: {  	v0 =	vadd.f32 v3, v0;
	v1 =	vadd.f32 v1, v2;
	_ =	sdelay $0x1  }
0xb6: {  	v0 =	vadd.f32 v1, v0  }
0xb7: {  	v1 =	vor.u32 $0x12, v11  }
0xb8: {  	[tilespmem:v58+s25+$0x0] =	vst.idx.msk $0xffff, v0;
	v0 =	vor.u32 $0x13, v11  }
0xb9: {  	v3 =	vor.u32 $0x14, v11;
	v2 =	vld.idx.msk [tilespmem:v59+s21+$0x0], $0xffff  }
0xba: {  	v5 =	vor.u32 $0x15, v11;
	v4 =	vld.idx.msk [tilespmem:v60+s21+$0x0], $0xffff  }
0xbb: {  	v6 =	vor.u32 $0x16, v11;
	v58 =	vld.idx.msk [tilespmem:v54+s22+$0x0], $0xffff  }
0xbc: {  	v59 =	vor.u32 $0x17, v11;
	v1 =	vld.idx.msk [tilespmem:v1+s21+$0x0], $0xffff  }
0xbd: {  	v60 =	vor.u32 $0x18, v11;
	v0 =	vld.idx.msk [tilespmem:v0+s21+$0x0], $0xffff  }
0xbe: {  	v61 =	vor.u32 $0x19, v11;
	v3 =	vld.idx.msk [tilespmem:v3+s21+$0x0], $0xffff  }
0xbf: {  	v5 =	vld.idx.msk [tilespmem:v5+s21+$0x0], $0xffff;
	v2 =	vmul.f32 v2, v18  }
0xc0: {  	v6 =	vld.idx.msk [tilespmem:v6+s21+$0x0], $0xffff  }
0xc1: {  	v2 =	vadd.f32 v2, v58;
	v1 =	vmul.f32 v1, v17;
	v58 =	vld.idx.msk [tilespmem:v59+s21+$0x0], $0xffff  }
0xc2: {  	v4 =	vmul.f32 v4, v14;
	v62 =	vld.idx.msk [tilespmem:v60+s21+$0x0], $0xffff;
	v0 =	vmul.f32 v0, v16  }
0xc3: {  	v1 =	vadd.f32 v1, v2;
	v2 =	vmul.f32 v3, v15;
	v3 =	vld.idx.msk [tilespmem:v61+s21+$0x0], $0xffff  }
0xc4: {  	v63 =	vmul.f32 v5, v13;
	v0 =	vadd.f32 v0, v4  }
0xc5: {  	v1 =	vadd.f32 v2, v1;
	v2 =	vmul.f32 v6, v12  }
0xc6: {  	v60 =	vmul.f32 v58, v7;
	v0 =	vadd.f32 v63, v0  }
0xc7: {  	v1 =	vadd.f32 v2, v1  }
0xc8: {  	v2 =	vmul.f32 v62, v8;
	v3 =	vmul.f32 v3, v10;
	v0 =	vadd.f32 v60, v0;
	_ =	sdelay $0x1  }
0xc9: {  	v1 =	vadd.f32 v2, v1;
	v0 =	vadd.f32 v3, v0;
	_ =	sdelay $0x1  }
0xca: {  	v0 =	vadd.f32 v0, v1;
	_ =	sdelay $0x1  }
0xcb: {  	v2 =	vor.u32 $0x24, v11;
	[tilespmem:v54+s25+$0x0] =	vst.idx.msk $0xffff, v0  }
0xcc: {  	v0 =	vor.u32 $0x23, v11;
	v1 =	vld.idx.msk [tilespmem:v44+s22+$0x0], $0xffff  }
0xcd: {  	v61 =	vor.u32 $0x25, v11;
	v3 =	vld.idx.msk [tilespmem:v56+s21+$0x0], $0xffff  }
0xce: {  	v5 =	vld.idx.msk [tilespmem:v57+s21+$0x0], $0xffff  }
0xcf: {  	v6 =	vor.u32 $0x26, v11;
	v54 =	vld.idx.msk [tilespmem:v55+s21+$0x0], $0xffff  }
0xd0: {  	v62 =	vor.u32 $0x27, v11;
	v2 =	vld.idx.msk [tilespmem:v2+s21+$0x0], $0xffff  }
0xd1: {  	v63 =	vor.u32 $0x28, v11;
	v0 =	vld.idx.msk [tilespmem:v0+s21+$0x0], $0xffff  }
0xd2: {  	v4 =	vld.idx.msk [tilespmem:v61+s21+$0x0], $0xffff;
	v61 =	vor.u32 $0x2A, v11  }
0xd3: {  	v60 =	vor.u32 $0x29, v11;
	v3 =	vmul.f32 v3, v18  }
0xd4: {  	v6 =	vld.idx.msk [tilespmem:v6+s21+$0x0], $0xffff  }
0xd5: {  	v62 =	vld.idx.msk [tilespmem:v62+s21+$0x0], $0xffff;
	v1 =	vadd.f32 v3, v1;
	v3 =	vmul.f32 v54, v17  }
0xd6: {  	v63 =	vld.idx.msk [tilespmem:v63+s21+$0x0], $0xffff;
	v5 =	vmul.f32 v5, v14;
	v0 =	vmul.f32 v0, v16  }
0xd7: {  	v2 =	vmul.f32 v2, v15;
	v58 =	vld.idx.msk [tilespmem:v61+s21+$0x0], $0xffff;
	v1 =	vadd.f32 v3, v1  }
0xd8: {  	v4 =	vmul.f32 v4, v13;
	v3 =	vld.idx.msk [tilespmem:v60+s21+$0x0], $0xffff;
	v0 =	vadd.f32 v0, v5  }
0xd9: {  	v1 =	vadd.f32 v2, v1;
	v2 =	vmul.f32 v6, v12  }
0xda: {  	v59 =	vmul.f32 v62, v7;
	v0 =	vadd.f32 v4, v0  }
0xdb: {  	v1 =	vadd.f32 v2, v1;
	v2 =	vmul.f32 v63, v8  }
0xdc: {  	v0 =	vadd.f32 v59, v0  }
0xdd: {  	v1 =	vadd.f32 v2, v1;
	v2 =	vmul.f32 v3, v10;
	v3 =	vmul.f32 v58, v19;
	_ =	sdelay $0x1  }
0xde: {  	v0 =	vadd.f32 v2, v0;
	v1 =	vadd.f32 v3, v1;
	_ =	sdelay $0x1  }
0xdf: {  	v0 =	vadd.f32 v1, v0;
	_ =	sdelay $0x1  }
0xe0: {  	[tilespmem:v44+s25+$0x0] =	vst.idx.msk $0xffff, v0  }
0xe1: {  	v1 =	vor.u32 $0x34, v11;
	v0 =	vld.idx.msk [tilespmem:v30+s22+$0x0], $0xffff  }
0xe2: {  	v3 =	vor.u32 $0x35, v11;
	v2 =	vld.idx.msk [tilespmem:v52+s21+$0x0], $0xffff  }
0xe3: {  	v60 =	vor.u32 $0x36, v11;
	v4 =	vld.idx.msk [tilespmem:v53+s21+$0x0], $0xffff  }
0xe4: {  	v62 =	vor.u32 $0x37, v11;
	v61 =	vld.idx.msk [tilespmem:v50+s21+$0x0], $0xffff  }
0xe5: {  	v57 =	vor.u32 $0x38, v11;
	v63 =	vld.idx.msk [tilespmem:v51+s21+$0x0], $0xffff  }
0xe6: {  	v58 =	vor.u32 $0x39, v11;
	v1 =	vld.idx.msk [tilespmem:v1+s21+$0x0], $0xffff  }
0xe7: {  	v59 =	vor.u32 $0x3A, v11;
	v3 =	vld.idx.msk [tilespmem:v3+s21+$0x0], $0xffff;
	v2 =	vmul.f32 v2, v18  }
0xe8: {  	v5 =	vld.idx.msk [tilespmem:v60+s21+$0x0], $0xffff;
	v60 =	vor.u32 $0x3B, v11  }
0xe9: {  	v0 =	vadd.f32 v2, v0;
	v2 =	vmul.f32 v61, v17;
	v61 =	vld.idx.msk [tilespmem:v62+s21+$0x0], $0xffff  }
0xea: {  	v4 =	vmul.f32 v4, v14;
	v62 =	vmul.f32 v63, v16;
	v63 =	vld.idx.msk [tilespmem:v57+s21+$0x0], $0xffff  }
0xeb: {  	v1 =	vmul.f32 v1, v15;
	v0 =	vadd.f32 v2, v0;
	v2 =	vld.idx.msk [tilespmem:v58+s21+$0x0], $0xffff  }
0xec: {  	v52 =	vld.idx.msk [tilespmem:v59+s21+$0x0], $0xffff;
	v3 =	vmul.f32 v3, v13;
	v4 =	vadd.f32 v62, v4  }
0xed: {  	v53 =	vld.idx.msk [tilespmem:v60+s21+$0x0], $0xffff;
	v0 =	vadd.f32 v1, v0;
	v1 =	vmul.f32 v5, v12  }
0xee: {  	v3 =	vadd.f32 v3, v4;
	v54 =	vmul.f32 v61, v7  }
0xef: {  	v0 =	vadd.f32 v1, v0;
	v1 =	vmul.f32 v63, v8  }
0xf0: {  	v3 =	vadd.f32 v54, v3;
	v2 =	vmul.f32 v2, v10  }
0xf1: {  	v0 =	vadd.f32 v1, v0  }
0xf2: {  	v1 =	vadd.f32 v2, v3;
	v2 =	vmul.f32 v52, v19;
	v3 =	vmul.f32 v53, v20;
	_ =	sdelay $0x1  }
0xf3: {  	v0 =	vadd.f32 v2, v0;
	v1 =	vadd.f32 v3, v1;
	_ =	sdelay $0x1  }
0xf4: {  	v0 =	vadd.f32 v1, v0;
	_ =	sdelay $0x1  }
0xf5: {  	[tilespmem:v30+s25+$0x0] =	vst.idx.msk $0xffff, v0  }
0xf6: {  	v0 =	vld.idx.msk [tilespmem:v21+s22+$0x0], $0xffff  }
0xf7: {  	v2 =	vor.u32 $0x45, v11;
	v1 =	vld.idx.msk [tilespmem:v48+s21+$0x0], $0xffff  }
0xf8: {  	v55 =	vor.u32 $0x46, v11;
	v3 =	vld.idx.msk [tilespmem:v49+s21+$0x0], $0xffff  }
0xf9: {  	v57 =	vor.u32 $0x47, v11;
	v56 =	vld.idx.msk [tilespmem:v45+s21+$0x0], $0xffff  }
0xfa: {  	v58 =	vor.u32 $0x48, v11;
	v30 =	vld.idx.msk [tilespmem:v46+s21+$0x0], $0xffff  }
0xfb: {  	v60 =	vor.u32 $0x49, v11;
	v59 =	vld.idx.msk [tilespmem:v47+s21+$0x0], $0xffff  }
0xfc: {  	v61 =	vor.u32 $0x4A, v11;
	v2 =	vld.idx.msk [tilespmem:v2+s21+$0x0], $0xffff;
	v1 =	vmul.f32 v1, v18  }
0xfd: {  	v62 =	vor.u32 $0x4B, v11;
	v4 =	vld.idx.msk [tilespmem:v55+s21+$0x0], $0xffff  }
0xfe: {  	v63 =	vld.idx.msk [tilespmem:v57+s21+$0x0], $0xffff;
	v49 =	vor.u32 $0x4C, v11;
	v0 =	vadd.f32 v1, v0;
	v1 =	vmul.f32 v56, v17  }
0xff: {  	v44 =	vld.idx.msk [tilespmem:v58+s21+$0x0], $0xffff;
	v3 =	vmul.f32 v3, v14;
	v30 =	vmul.f32 v30, v16  }
0x100: {  	v50 =	vld.idx.msk [tilespmem:v60+s21+$0x0], $0xffff;
	v0 =	vadd.f32 v1, v0;
	v1 =	vmul.f32 v59, v15  }
0x101: {  	v51 =	vld.idx.msk [tilespmem:v61+s21+$0x0], $0xffff;
	v2 =	vmul.f32 v2, v13;
	v3 =	vadd.f32 v30, v3  }
0x102: {  	v52 =	vld.idx.msk [tilespmem:v62+s21+$0x0], $0xffff;
	v0 =	vadd.f32 v1, v0;
	v1 =	vmul.f32 v4, v12  }
0x103: {  	v53 =	vld.idx.msk [tilespmem:v49+s21+$0x0], $0xffff;
	v2 =	vadd.f32 v2, v3;
	v3 =	vmul.f32 v63, v7  }
0x104: {  	v0 =	vadd.f32 v1, v0;
	v1 =	vmul.f32 v44, v8  }
0x105: {  	v2 =	vadd.f32 v3, v2;
	v3 =	vmul.f32 v50, v10  }
0x106: {  	v0 =	vadd.f32 v1, v0;
	v1 =	vmul.f32 v51, v19  }
0x107: {  	v2 =	vadd.f32 v3, v2  }
0x108: {  	v3 =	vmul.f32 v53, v32;
	v0 =	vadd.f32 v1, v0;
	v1 =	vmul.f32 v52, v20;
	_ =	sdelay $0x1  }
0x109: {  	v1 =	vadd.f32 v1, v2;
	v0 =	vadd.f32 v3, v0;
	_ =	sdelay $0x1  }
0x10a: {  	v0 =	vadd.f32 v0, v1;
	_ =	sdelay $0x1  }
0x10b: {  	[tilespmem:v21+s25+$0x0] =	vst.idx.msk $0xffff, v0  }
0x10c: {  	v0 =	vld.idx.msk [tilespmem:v33+s22+$0x0], $0xffff  }
0x10d: {  	v1 =	vld.idx.msk [tilespmem:v39+s21+$0x0], $0xffff  }
0x10e: {  	v3 =	vor.u32 $0x56, v11;
	v2 =	vld.idx.msk [tilespmem:v43+s21+$0x0], $0xffff  }
0x10f: {  	v55 =	vor.u32 $0x57, v11;
	v54 =	vld.idx.msk [tilespmem:v40+s21+$0x0], $0xffff  }
0x110: {  	v57 =	vor.u32 $0x58, v11;
	v56 =	vld.idx.msk [tilespmem:v41+s21+$0x0], $0xffff  }
0x111: {  	v59 =	vor.u32 $0x59, v11;
	v58 =	vld.idx.msk [tilespmem:v42+s21+$0x0], $0xffff  }
0x112: {  	v60 =	vor.u32 $0x5A, v11;
	v38 =	vld.idx.msk [tilespmem:v38+s21+$0x0], $0xffff  }
0x113: {  	v63 =	vor.u32 $0x5C, v11;
	v3 =	vld.idx.msk [tilespmem:v3+s21+$0x0], $0xffff;
	v1 =	vmul.f32 v1, v18  }
0x114: {  	v61 =	vor.u32 $0x5B, v11;
	v62 =	vld.idx.msk [tilespmem:v55+s21+$0x0], $0xffff  }
0x115: {  	v45 =	vor.u32 $0x5D, v11;
	v21 =	vld.idx.msk [tilespmem:v57+s21+$0x0], $0xffff;
	v0 =	vadd.f32 v1, v0;
	v1 =	vmul.f32 v54, v17  }
0x116: {  	v46 =	vld.idx.msk [tilespmem:v59+s21+$0x0], $0xffff;
	v2 =	vmul.f32 v2, v14;
	v6 =	vmul.f32 v56, v16  }
0x117: {  	v48 =	vld.idx.msk [tilespmem:v60+s21+$0x0], $0xffff;
	v0 =	vadd.f32 v1, v0;
	v1 =	vmul.f32 v58, v15  }
0x118: {  	v5 =	vld.idx.msk [tilespmem:v63+s21+$0x0], $0xffff;
	v47 =	vmul.f32 v38, v13;
	v2 =	vadd.f32 v6, v2  }
0x119: {  	v0 =	vadd.f32 v1, v0;
	v1 =	vmul.f32 v3, v12;
	v3 =	vld.idx.msk [tilespmem:v61+s21+$0x0], $0xffff  }
0x11a: {  	v49 =	vld.idx.msk [tilespmem:v45+s21+$0x0], $0xffff;
	v4 =	vmul.f32 v62, v7;
	v2 =	vadd.f32 v47, v2  }
0x11b: {  	v38 =	vld [tilespmem:$0x1FFA0];
	v0 =	vadd.f32 v1, v0;
	v1 =	vmul.f32 v21, v8  }
0x11c: {  	v50 =	vmul.f32 v46, v10;
	v2 =	vadd.f32 v4, v2  }
0x11d: {  	v0 =	vadd.f32 v1, v0;
	v1 =	vmul.f32 v48, v19  }
0x11e: {  	v2 =	vadd.f32 v50, v2;
	v3 =	vmul.f32 v3, v20  }
0x11f: {  	v51 =	vld [tilespmem:$0x1FFB0];
	v0 =	vadd.f32 v1, v0  }
0x120: {  	v1 =	vadd.f32 v3, v2;
	v2 =	vmul.f32 v5, v32;
	v3 =	vmul.f32 v49, v38;
	_ =	sdelay $0x1  }
0x121: {  	v0 =	vadd.f32 v2, v0;
	v1 =	vadd.f32 v3, v1;
	_ =	sdelay $0x1  }
0x122: {  	v0 =	vadd.f32 v1, v0  }
0x123: {  	v43 =	vld [tilespmem:$0x1FFD0]  }
0x124: {  	v58 =	vld [tilespmem:$0x1FFC0];
	[tilespmem:v33+s25+$0x0] =	vst.idx.msk $0xffff, v0  }
0x125: {  	v0 =	vld.idx.msk [tilespmem:v51+s22+$0x0], $0xffff  }
0x126: {  	v1 =	vld.idx.msk [tilespmem:v31+s21+$0x0], $0xffff  }
0x127: {  	v2 =	vld.idx.msk [tilespmem:v34+s21+$0x0], $0xffff  }
0x128: {  	v52 =	vor.u32 $0x67, v11;
	v3 =	vld.idx.msk [tilespmem:v35+s21+$0x0], $0xffff  }
0x129: {  	v54 =	vor.u32 $0x68, v11;
	v53 =	vld.idx.msk [tilespmem:v36+s21+$0x0], $0xffff  }
0x12a: {  	v56 =	vor.u32 $0x69, v11;
	v55 =	vld.idx.msk [tilespmem:v37+s21+$0x0], $0xffff  }
0x12b: {  	v57 =	vor.u32 $0x6A, v11;
	v9 =	vld.idx.msk [tilespmem:v9+s21+$0x0], $0xffff;
	v1 =	vmul.f32 v1, v18  }
0x12c: {  	v59 =	vor.u32 $0x6B, v11;
	v33 =	vld.idx.msk [tilespmem:v58+s21+$0x0], $0xffff  }
0x12d: {  	v60 =	vor.u32 $0x6C, v11;
	v0 =	vadd.f32 v1, v0;
	v1 =	vmul.f32 v3, v17;
	v3 =	vld.idx.msk [tilespmem:v52+s21+$0x0], $0xffff  }
0x12e: {  	v61 =	vor.u32 $0x6D, v11;
	v6 =	vld.idx.msk [tilespmem:v54+s21+$0x0], $0xffff;
	v2 =	vmul.f32 v2, v14;
	v5 =	vmul.f32 v53, v16  }
0x12f: {  	v63 =	vor.u32 $0x6E, v11;
	v62 =	vld.idx.msk [tilespmem:v56+s21+$0x0], $0xffff;
	v0 =	vadd.f32 v1, v0;
	v1 =	vmul.f32 v55, v15  }
0x130: {  	v37 =	vld.idx.msk [tilespmem:v57+s21+$0x0], $0xffff;
	v36 =	vmul.f32 v9, v13;
	v2 =	vadd.f32 v5, v2  }
0x131: {  	v40 =	vld.idx.msk [tilespmem:v59+s21+$0x0], $0xffff;
	v0 =	vadd.f32 v1, v0;
	v1 =	vmul.f32 v33, v12  }
0x132: {  	v4 =	vld.idx.msk [tilespmem:v60+s21+$0x0], $0xffff;
	v2 =	vadd.f32 v36, v2;
	v3 =	vmul.f32 v3, v7  }
0x133: {  	v41 =	vld.idx.msk [tilespmem:v61+s21+$0x0], $0xffff;
	v0 =	vadd.f32 v1, v0;
	v1 =	vmul.f32 v6, v8  }
0x134: {  	v42 =	vld.idx.msk [tilespmem:v63+s21+$0x0], $0xffff;
	v2 =	vadd.f32 v3, v2;
	v3 =	vmul.f32 v62, v10  }
0x135: {  	v0 =	vadd.f32 v1, v0;
	v1 =	vmul.f32 v37, v19  }
0x136: {  	v2 =	vadd.f32 v3, v2;
	v3 =	vmul.f32 v40, v20  }
0x137: {  	v0 =	vadd.f32 v1, v0;
	v1 =	vmul.f32 v4, v32  }
0x138: {  	v44 =	vld [tilespmem:$0x1FFE0];
	v2 =	vadd.f32 v3, v2  }
0x139: {  	v3 =	vmul.f32 v42, v43;
	v0 =	vadd.f32 v1, v0;
	v1 =	vmul.f32 v41, v38;
	_ =	sdelay $0x1  }
0x13a: {  	v1 =	vadd.f32 v1, v2;
	v0 =	vadd.f32 v3, v0;
	_ =	sdelay $0x1  }
0x13b: {  	v0 =	vadd.f32 v0, v1;
	_ =	sdelay $0x1  }
0x13c: {  	[tilespmem:v51+s25+$0x0] =	vst.idx.msk $0xffff, v0  }
0x13d: {  	v0 =	vld.idx.msk [tilespmem:v44+s22+$0x0], $0xffff  }
0x13e: {  	v1 =	vld.idx.msk [tilespmem:v23+s21+$0x0], $0xffff  }
0x13f: {  	v2 =	vld.idx.msk [tilespmem:v24+s21+$0x0], $0xffff  }
0x140: {  	v3 =	vld.idx.msk [tilespmem:v25+s21+$0x0], $0xffff  }
0x141: {  	v46 =	vor.u32 $0x78, v11;
	v45 =	vld.idx.msk [tilespmem:v28+s21+$0x0], $0xffff  }
0x142: {  	v48 =	vor.u32 $0x79, v11;
	v47 =	vld.idx.msk [tilespmem:v29+s21+$0x0], $0xffff  }
0x143: {  	v50 =	vor.u32 $0x7A, v11;
	v49 =	vld.idx.msk [tilespmem:v26+s21+$0x0], $0xffff;
	v1 =	vmul.f32 v1, v18  }
0x144: {  	v52 =	vor.u32 $0x7B, v11;
	v51 =	vld.idx.msk [tilespmem:v27+s21+$0x0], $0xffff  }
0x145: {  	v53 =	vor.u32 $0x7C, v11;
	v0 =	vadd.f32 v1, v0;
	v1 =	vmul.f32 v3, v17;
	v3 =	vld.idx.msk [tilespmem:v22+s21+$0x0], $0xffff  }
0x146: {  	v54 =	vor.u32 $0x7D, v11;
	v5 =	vld.idx.msk [tilespmem:v46+s21+$0x0], $0xffff;
	v2 =	vmul.f32 v2, v14;
	v4 =	vmul.f32 v45, v16  }
0x147: {  	v55 =	vld.idx.msk [tilespmem:v48+s21+$0x0], $0xffff;
	v0 =	vadd.f32 v1, v0;
	v1 =	vmul.f32 v47, v15  }
0x148: {  	v58 =	vld.idx.msk [tilespmem:v50+s21+$0x0], $0xffff;
	v57 =	vmul.f32 v49, v13;
	v2 =	vadd.f32 v4, v2  }
0x149: {  	v59 =	vld.idx.msk [tilespmem:v52+s21+$0x0], $0xffff;
	v0 =	vadd.f32 v1, v0;
	v1 =	vmul.f32 v51, v12  }
0x14a: {  	v60 =	vld.idx.msk [tilespmem:v53+s21+$0x0], $0xffff;
	v2 =	vadd.f32 v57, v2;
	v3 =	vmul.f32 v3, v7  }
0x14b: {  	v56 =	vor.u32 $0x7E, v11;
	v61 =	vld.idx.msk [tilespmem:v54+s21+$0x0], $0xffff;
	v0 =	vadd.f32 v1, v0;
	v1 =	vmul.f32 v5, v8  }
0x14c: {  	v11 =	vor.u32 $0x7F, v11;
	v2 =	vadd.f32 v3, v2;
	v3 =	vmul.f32 v55, v10  }
0x14d: {  	v0 =	vadd.f32 v1, v0;
	v1 =	vmul.f32 v58, v19  }
0x14e: {  	v2 =	vadd.f32 v3, v2;
	v3 =	vmul.f32 v59, v20  }
0x14f: {  	v0 =	vadd.f32 v1, v0  }
0x150: {  	v62 =	vld.idx.msk [tilespmem:v56+s21+$0x0], $0xffff;
	v1 =	vmul.f32 v60, v32;
	v2 =	vadd.f32 v3, v2;
	v3 =	vmul.f32 v61, v38  }
0x151: {  	v63 =	vld.idx.msk [tilespmem:v11+s21+$0x0], $0xffff  }
0x152: {  	v0 =	vadd.f32 v1, v0;
	v1 =	vadd.f32 v3, v2;
	v3 =	vld [tilespmem:$0x1FFF0];
	_ =	sdelay $0x4  }
0x153: {  	v2 =	vmul.f32 v62, v43;
	v3 =	vmul.f32 v63, v3  }
0x154: {  	p0 =	sne.s32 s28, $0x70  }
.Ltmp0:
0x155: {  	v0 =	vadd.f32 v2, v0;
	v1 =	vadd.f32 v3, v1;
	(pc) =	sbr.rel @p0 .LBB2_2-.Ltmp0, $3  }
0x156: {  	_ = 	snop  }
0x157: {  	v0 =	vadd.f32 v1, v0;
	_ =	sdelay $0x1  }
0x158: {  	s28 =	sadd.s32 $0x10, s28;
	[tilespmem:v44+s25+$0x0] =	vst.idx.msk $0xffff, v0;
	v0 =	vlaneseq.u32  }
0x159: {  	s28 =	simm.s32 $0x0  }
0x15a: {  	[hbm4b:s8+s28] =	stream.linear.scatter [tilespmem:s25], [sflag:$0x2], $0x800, $0x38;
	[tilespmem:$0x9880] =	vst v63  }
0x15b: {  	_ =	swait.ge [sflag:s19], $0x800  }
0x15c: {  	[sflag:s19] =	ssyncset.done $0x0  }
0x15d: {  	[sflag:s19] =	ssyncadd.s32 $0xFFFFF800  }
0x15e: {  	[tilespmem:s28], [sflag:$0x2] =	stream.linear.gather [hbm4b:s9+s28], $0x80, $0x38;
	[tilespmem:$0x9880] =	vst v63  }
0x15f: {  	_ =	swait.ge [sflag:s19], $0x80  }
0x160: {  	[sflag:s19] =	ssyncset.done $0x0  }
0x161: {  	[sflag:s19] =	ssyncadd.s32 $0xFFFFFF80  }
0x162: {  	[tilespmem:s20], [sflag:$0x1] =	stream.indirect.gather [hbm4b:s4+s20], $0x80, s28, s20, $0xb8;
	[tilespmem:$0x9880] =	vst v63  }
0x163: {  	_ = 	snop  }
0x164: {  	[tilespmem:s21], [sflag:$0x1] =	stream.indirect.gather [hbm4b:s5+s20], $0x80, s28, s20, $0xb8;
	[tilespmem:$0x9880] =	vst v63  }
0x165: {  	_ = 	snop  }
0x166: {  	[tilespmem:s22], [sflag:$0x1] =	stream.indirect.gather [hbm4b:s3+s20], $0x10, s28, s20, $0xb8;
	[tilespmem:$0x9880] =	vst v63  }
0x167: {  	_ = 	snop  }
0x168: {  	[tilespmem:s23], [sflag:$0x2] =	stream.linear.gather [hbm4b:s10+s28], $0x800, $0x38;
	[tilespmem:$0x9880] =	vst v63  }
0x169: {  	_ =	swait.ge [sflag:s19], $0x800  }
0x16a: {  	[sflag:s19] =	ssyncset.done $0x0  }
0x16b: {  	[sflag:s19] =	ssyncadd.s32 $0xFFFFF800  }
0x16c: {  	_ =	swait.ge [sflag:s24], $0x4000  }
0x16d: {  	[sflag:s24] =	ssyncset.done $0x0  }
0x16e: {  	[sflag:s24] =	ssyncadd.s32 $0xFFFFC000  }
0x16f: {  	_ =	swait.ge [sflag:s24], $0x4000  }
0x170: {  	[sflag:s24] =	ssyncset.done $0x0  }
0x171: {  	[sflag:s24] =	ssyncadd.s32 $0xFFFFC000  }
0x172: {  	_ =	swait.ge [sflag:s24], $0x800  }
0x173: {  	[sflag:s24] =	ssyncset.done $0x0  }
0x174: {  	[sflag:s24] =	ssyncadd.s32 $0xFFFFF800  }
.LBB2_4:
0x175: {  	v0 =	vlaneseq.u32  }
0x176: {  	v0 =	vor.u32 s28, v0  }
0x177: {  	v23 =	vshll.u32 v0, $0x4  }
0x178: {  	v11 =	vshll.u32 v0, $0x7;
	_ =	sdelay $0x1  }
0x179: {  	v24 =	vor.u32 $0x1, v23  }
0x17a: {  	v25 =	vor.u32 $0x2, v23  }
0x17b: {  	v26 =	vor.u32 $0x3, v23;
	v18 =	vld.idx.msk [tilespmem:v23+s23+$0x0], $0xffff  }
0x17c: {  	v27 =	vor.u32 $0x4, v23;
	v0 =	vld.idx.msk [tilespmem:v11+s20+$0x0], $0xffff  }
0x17d: {  	v28 =	vor.u32 $0x5, v23;
	v9 =	vld.idx.msk [tilespmem:v23+s22+$0x0], $0xffff  }
0x17e: {  	v22 =	vor.u32 $0x6, v23;
	v14 =	vld.idx.msk [tilespmem:v24+s23+$0x0], $0xffff  }
0x17f: {  	v61 =	vor.u32 $0x7, v23;
	v17 =	vld.idx.msk [tilespmem:v25+s23+$0x0], $0xffff  }
0x180: {  	v58 =	vor.u32 $0x8, v23;
	v16 =	vld.idx.msk [tilespmem:v26+s23+$0x0], $0xffff  }
0x181: {  	v54 =	vor.u32 $0x9, v23;
	v15 =	vld.idx.msk [tilespmem:v27+s23+$0x0], $0xffff  }
0x182: {  	v44 =	vor.u32 $0xA, v23;
	v13 =	vld.idx.msk [tilespmem:v28+s23+$0x0], $0xffff  }
0x183: {  	v30 =	vor.u32 $0xB, v23;
	v12 =	vld.idx.msk [tilespmem:v22+s23+$0x0], $0xffff  }
0x184: {  	v21 =	vor.u32 $0xC, v23;
	v7 =	vld.idx.msk [tilespmem:v61+s23+$0x0], $0xffff  }
0x185: {  	v32 =	vor.u32 $0xD, v23;
	v8 =	vld.idx.msk [tilespmem:v58+s23+$0x0], $0xffff  }
0x186: {  	v2 =	vor.u32 $0xE, v23;
	v10 =	vld.idx.msk [tilespmem:v54+s23+$0x0], $0xffff  }
0x187: {  	v1 =	vor.u32 $0xF, v23;
	v19 =	vld.idx.msk [tilespmem:v44+s23+$0x0], $0xffff  }
0x188: {  	v59 =	vor.u32 $0x10, v11;
	v20 =	vld.idx.msk [tilespmem:v30+s23+$0x0], $0xffff;
	v0 =	vmul.f32 v0, v18  }
0x189: {  	v31 =	vld.idx.msk [tilespmem:v21+s23+$0x0], $0xffff  }
0x18a: {  	v60 =	vor.u32 $0x11, v11;
	v3 =	vld.idx.msk [tilespmem:v32+s23+$0x0], $0xffff;
	v0 =	vadd.f32 v0, v9  }
0x18b: {  	v63 =	vld.idx.msk [tilespmem:v2+s23+$0x0], $0xffff  }
0x18c: {  	v5 =	vld.idx.msk [tilespmem:v1+s23+$0x0], $0xffff;
	[tilespmem:v23+s25+$0x0] =	vst.idx.msk $0xffff, v0  }
0x18d: {  	v0 =	vld.idx.msk [tilespmem:v59+s20+$0x0], $0xffff  }
0x18e: {  	v23 =	vld.idx.msk [tilespmem:v24+s22+$0x0], $0xffff  }
0x18f: {  	v29 =	vld.idx.msk [tilespmem:v60+s20+$0x0], $0xffff;
	_ =	sdelay $0x2  }
0x190: {  	v0 =	vmul.f32 v0, v18;
	_ =	sdelay $0x1  }
0x191: {  	v56 =	vor.u32 $0x20, v11;
	v6 =	vmul.f32 v29, v14;
	v0 =	vadd.f32 v0, v23;
	_ =	sdelay $0x1  }
0x192: {  	v55 =	vor.u32 $0x22, v11;
	v0 =	vadd.f32 v6, v0;
	_ =	sdelay $0x1  }
0x193: {  	v57 =	vor.u32 $0x21, v11;
	[tilespmem:v24+s25+$0x0] =	vst.idx.msk $0xffff, v0  }
0x194: {  	v0 =	vld.idx.msk [tilespmem:v56+s20+$0x0], $0xffff  }
0x195: {  	v9 =	vld.idx.msk [tilespmem:v25+s22+$0x0], $0xffff  }
0x196: {  	v24 =	vld.idx.msk [tilespmem:v55+s20+$0x0], $0xffff;
	_ =	sdelay $0x1  }
0x197: {  	v33 =	vld.idx.msk [tilespmem:v57+s20+$0x0], $0xffff  }
0x198: {  	v0 =	vmul.f32 v0, v18;
	_ =	sdelay $0x1  }
0x199: {  	v34 =	vmul.f32 v24, v17;
	v0 =	vadd.f32 v0, v9;
	_ =	sdelay $0x1  }
0x19a: {  	v35 =	vmul.f32 v33, v14;
	v0 =	vadd.f32 v34, v0  }
0x19b: {  	v52 =	vor.u32 $0x30, v11  }
0x19c: {  	v53 =	vor.u32 $0x31, v11;
	v0 =	vadd.f32 v0, v35  }
0x19d: {  	v50 =	vor.u32 $0x32, v11  }
0x19e: {  	v51 =	vor.u32 $0x33, v11;
	[tilespmem:v25+s25+$0x0] =	vst.idx.msk $0xffff, v0  }
0x19f: {  	v0 =	vld.idx.msk [tilespmem:v26+s22+$0x0], $0xffff  }
0x1a0: {  	v36 =	vld.idx.msk [tilespmem:v52+s20+$0x0], $0xffff  }
0x1a1: {  	v37 =	vld.idx.msk [tilespmem:v53+s20+$0x0], $0xffff  }
0x1a2: {  	v25 =	vld.idx.msk [tilespmem:v50+s20+$0x0], $0xffff  }
0x1a3: {  	v38 =	vld.idx.msk [tilespmem:v51+s20+$0x0], $0xffff;
	_ =	sdelay $0x2  }
0x1a4: {  	v23 =	vmul.f32 v36, v18  }
0x1a5: {  	v24 =	vmul.f32 v37, v14  }
0x1a6: {  	v39 =	vmul.f32 v25, v17;
	v40 =	vmul.f32 v38, v16;
	v0 =	vadd.f32 v23, v0;
	_ =	sdelay $0x1  }
0x1a7: {  	v41 =	vadd.f32 v40, v24;
	v0 =	vadd.f32 v39, v0  }
0x1a8: {  	v48 =	vor.u32 $0x40, v11  }
0x1a9: {  	v49 =	vor.u32 $0x41, v11;
	v0 =	vadd.f32 v41, v0  }
0x1aa: {  	v45 =	vor.u32 $0x42, v11  }
0x1ab: {  	v46 =	vor.u32 $0x43, v11;
	[tilespmem:v26+s25+$0x0] =	vst.idx.msk $0xffff, v0  }
0x1ac: {  	v47 =	vor.u32 $0x44, v11;
	v0 =	vld.idx.msk [tilespmem:v27+s22+$0x0], $0xffff  }
0x1ad: {  	v42 =	vld.idx.msk [tilespmem:v48+s20+$0x0], $0xffff  }
0x1ae: {  	v43 =	vld.idx.msk [tilespmem:v49+s20+$0x0], $0xffff  }
0x1af: {  	v62 =	vld.idx.msk [tilespmem:v45+s20+$0x0], $0xffff  }
0x1b0: {  	v26 =	vld.idx.msk [tilespmem:v46+s20+$0x0], $0xffff  }
0x1b1: {  	[tilespmem:$0x1FF70] =	vst v63;
	v63 =	vld.idx.msk [tilespmem:v47+s20+$0x0], $0xffff  }
0x1b2: {  	v23 =	vmul.f32 v42, v18;
	_ =	sdelay $0x1  }
0x1b3: {  	v4 =	vmul.f32 v62, v17;
	v0 =	vadd.f32 v23, v0  }
0x1b4: {  	v24 =	vmul.f32 v43, v14  }
0x1b5: {  	[tilespmem:$0x1FF90] =	vst v5;
	v5 =	vmul.f32 v26, v16;
	v6 =	vmul.f32 v63, v15;
	v0 =	vadd.f32 v4, v0;
	_ =	sdelay $0x1  }
0x1b6: {  	v23 =	vadd.f32 v5, v24;
	v0 =	vadd.f32 v6, v0  }
0x1b7: {  	v39 =	vor.u32 $0x50, v11  }
0x1b8: {  	v43 =	vor.u32 $0x51, v11;
	v0 =	vadd.f32 v0, v23  }
0x1b9: {  	v40 =	vor.u32 $0x52, v11  }
0x1ba: {  	v41 =	vor.u32 $0x53, v11;
	[tilespmem:v27+s25+$0x0] =	vst.idx.msk $0xffff, v0  }
0x1bb: {  	v42 =	vor.u32 $0x54, v11;
	v0 =	vld.idx.msk [tilespmem:v28+s22+$0x0], $0xffff  }
0x1bc: {  	v38 =	vor.u32 $0x55, v11;
	v9 =	vld.idx.msk [tilespmem:v39+s20+$0x0], $0xffff  }
0x1bd: {  	v33 =	vld.idx.msk [tilespmem:v43+s20+$0x0], $0xffff  }
0x1be: {  	v34 =	vld.idx.msk [tilespmem:v40+s20+$0x0], $0xffff  }
0x1bf: {  	v35 =	vld.idx.msk [tilespmem:v41+s20+$0x0], $0xffff  }
0x1c0: {  	v27 =	vld.idx.msk [tilespmem:v42+s20+$0x0], $0xffff  }
0x1c1: {  	v36 =	vld.idx.msk [tilespmem:v38+s20+$0x0], $0xffff  }
0x1c2: {  	v23 =	vmul.f32 v9, v18  }
0x1c3: {  	v37 =	vmul.f32 v34, v17  }
0x1c4: {  	v24 =	vmul.f32 v33, v14;
	v62 =	vmul.f32 v35, v16;
	v0 =	vadd.f32 v23, v0  }
0x1c5: {  	v4 =	vmul.f32 v27, v15  }
0x1c6: {  	v5 =	vmul.f32 v36, v13;
	v63 =	vadd.f32 v62, v24;
	v0 =	vadd.f32 v37, v0;
	_ =	sdelay $0x1  }
0x1c7: {  	v23 =	vadd.f32 v5, v63;
	v0 =	vadd.f32 v4, v0  }
0x1c8: {  	v9 =	vor.u32 $0x60, v11  }
0x1c9: {  	v34 =	vor.u32 $0x61, v11;
	v0 =	vadd.f32 v23, v0  }
0x1ca: {  	v35 =	vor.u32 $0x62, v11  }
0x1cb: {  	v36 =	vor.u32 $0x63, v11;
	[tilespmem:v28+s25+$0x0] =	vst.idx.msk $0xffff, v0  }
0x1cc: {  	v37 =	vor.u32 $0x64, v11;
	v0 =	vld.idx.msk [tilespmem:v22+s22+$0x0], $0xffff  }
0x1cd: {  	v62 =	vor.u32 $0x65, v11;
	v6 =	vld.idx.msk [tilespmem:v9+s20+$0x0], $0xffff  }
0x1ce: {  	v33 =	vor.u32 $0x66, v11;
	v24 =	vld.idx.msk [tilespmem:v34+s20+$0x0], $0xffff  }
0x1cf: {  	v63 =	vld.idx.msk [tilespmem:v35+s20+$0x0], $0xffff  }
0x1d0: {  	v4 =	vld.idx.msk [tilespmem:v36+s20+$0x0], $0xffff  }
0x1d1: {  	v5 =	vld.idx.msk [tilespmem:v37+s20+$0x0], $0xffff  }
0x1d2: {  	v28 =	vld.idx.msk [tilespmem:v62+s20+$0x0], $0xffff;
	v23 =	vmul.f32 v6, v18  }
0x1d3: {  	v6 =	vld.idx.msk [tilespmem:v33+s20+$0x0], $0xffff  }
0x1d4: {  	[tilespmem:$0x1FF60] =	vst v62;
	v62 =	vmul.f32 v63, v17;
	v0 =	vadd.f32 v23, v0  }
0x1d5: {  	v24 =	vmul.f32 v24, v14  }
0x1d6: {  	[tilespmem:$0x1FF40] =	vst v3;
	v63 =	vmul.f32 v4, v16;
	v3 =	vmul.f32 v5, v15;
	v0 =	vadd.f32 v62, v0  }
0x1d7: {  	v4 =	vmul.f32 v28, v13  }
0x1d8: {  	v24 =	vadd.f32 v63, v24;
	v5 =	vmul.f32 v6, v12;
	v0 =	vadd.f32 v3, v0;
	_ =	sdelay $0x1  }
0x1d9: {  	v24 =	vadd.f32 v4, v24;
	v0 =	vadd.f32 v5, v0  }
0x1da: {  	v23 =	vor.u32 $0x70, v11  }
0x1db: {  	v25 =	vor.u32 $0x72, v11;
	v0 =	vadd.f32 v0, v24  }
0x1dc: {  	v28 =	vor.u32 $0x73, v11  }
0x1dd: {  	v24 =	vor.u32 $0x71, v11;
	[tilespmem:v22+s25+$0x0] =	vst.idx.msk $0xffff, v0  }
0x1de: {  	v29 =	vor.u32 $0x74, v11;
	v5 =	vld.idx.msk [tilespmem:v61+s22+$0x0], $0xffff  }
0x1df: {  	v26 =	vor.u32 $0x75, v11;
	v62 =	vld.idx.msk [tilespmem:v23+s20+$0x0], $0xffff  }
0x1e0: {  	v27 =	vor.u32 $0x76, v11;
	v0 =	vld.idx.msk [tilespmem:v25+s20+$0x0], $0xffff  }
0x1e1: {  	[tilespmem:$0x1FF80] =	vst v1;
	v22 =	vor.u32 $0x77, v11;
	v1 =	vld.idx.msk [tilespmem:v28+s20+$0x0], $0xffff  }
0x1e2: {  	v63 =	vld.idx.msk [tilespmem:v24+s20+$0x0], $0xffff  }
0x1e3: {  	[tilespmem:$0x1FF50] =	vst v2;
	v2 =	vld.idx.msk [tilespmem:v29+s20+$0x0], $0xffff  }
0x1e4: {  	v3 =	vld.idx.msk [tilespmem:v26+s20+$0x0], $0xffff;
	v62 =	vmul.f32 v62, v18  }
0x1e5: {  	v4 =	vld.idx.msk [tilespmem:v27+s20+$0x0], $0xffff  }
0x1e6: {  	v0 =	vmul.f32 v0, v17;
	v5 =	vadd.f32 v62, v5;
	v62 =	vld.idx.msk [tilespmem:v22+s20+$0x0], $0xffff  }
0x1e7: {  	v1 =	vmul.f32 v1, v16;
	v63 =	vmul.f32 v63, v14  }
0x1e8: {  	v2 =	vmul.f32 v2, v15  }
0x1e9: {  	v3 =	vmul.f32 v3, v13;
	v0 =	vadd.f32 v0, v5;
	v1 =	vadd.f32 v1, v63  }
0x1ea: {  	v6 =	vmul.f32 v4, v12  }
0x1eb: {  	v0 =	vadd.f32 v2, v0;
	v1 =	vadd.f32 v3, v1;
	v63 =	vmul.f32 v62, v7;
	_ =	sdelay $0x1  }
0x1ec: {  	v0 =	vadd.f32 v6, v0;
	v6 =	vor.u32 $0x1, v11;
	v1 =	vadd.f32 v63, v1;
	_ =	sdelay $0x1  }
0x1ed: {  	v62 =	vor.u32 $0x2, v11;
	v0 =	vadd.f32 v1, v0;
	_ =	sdelay $0x1  }
0x1ee: {  	v3 =	vor.u32 $0x4, v11;
	[tilespmem:v61+s25+$0x0] =	vst.idx.msk $0xffff, v0  }
0x1ef: {  	v0 =	vor.u32 $0x3, v11;
	v6 =	vld.idx.msk [tilespmem:v6+s21+$0x0], $0xffff  }
0x1f0: {  	v5 =	vor.u32 $0x5, v11;
	v4 =	vld.idx.msk [tilespmem:v11+s21+$0x0], $0xffff  }
0x1f1: {  	v61 =	vor.u32 $0x6, v11;
	v2 =	vld.idx.msk [tilespmem:v62+s21+$0x0], $0xffff  }
0x1f2: {  	v1 =	vor.u32 $0x8, v11;
	v62 =	vld.idx.msk [tilespmem:v58+s22+$0x0], $0xffff  }
0x1f3: {  	v63 =	vor.u32 $0x7, v11;
	v3 =	vld.idx.msk [tilespmem:v3+s21+$0x0], $0xffff  }
0x1f4: {  	v0 =	vld.idx.msk [tilespmem:v0+s21+$0x0], $0xffff  }
0x1f5: {  	v5 =	vld.idx.msk [tilespmem:v5+s21+$0x0], $0xffff;
	v4 =	vmul.f32 v4, v18  }
0x1f6: {  	v61 =	vld.idx.msk [tilespmem:v61+s21+$0x0], $0xffff  }
0x1f7: {  	v1 =	vld.idx.msk [tilespmem:v1+s21+$0x0], $0xffff;
	v2 =	vmul.f32 v2, v17;
	v4 =	vadd.f32 v4, v62  }
0x1f8: {  	v6 =	vmul.f32 v6, v14;
	v62 =	vld.idx.msk [tilespmem:v63+s21+$0x0], $0xffff  }
0x1f9: {  	v3 =	vmul.f32 v3, v15;
	v0 =	vmul.f32 v0, v16;
	v2 =	vadd.f32 v2, v4  }
0x1fa: {  	v63 =	vmul.f32 v5, v13  }
0x1fb: {  	v0 =	vadd.f32 v0, v6;
	v2 =	vadd.f32 v3, v2;
	v6 =	vmul.f32 v61, v12  }
0x1fc: {  	v1 =	vmul.f32 v1, v8  }
0x1fd: {  	v61 =	vmul.f32 v62, v7;
	v0 =	vadd.f32 v63, v0;
	v2 =	vadd.f32 v6, v2;
	_ =	sdelay $0x1  }
0x1fe: {  	v0 =	vadd.f32 v61, v0;
	v1 =	vadd.f32 v1, v2;
	_ =	sdelay $0x1  }
0x1ff: {  	v62 =	vor.u32 $0x12, v11;
	v0 =	vadd.f32 v1, v0;
	_ =	sdelay $0x1  }
0x200: {  	v63 =	vor.u32 $0x13, v11;
	[tilespmem:v58+s25+$0x0] =	vst.idx.msk $0xffff, v0  }
0x201: {  	v5 =	vor.u32 $0x15, v11;
	v2 =	vld.idx.msk [tilespmem:v59+s21+$0x0], $0xffff  }
0x202: {  	v3 =	vor.u32 $0x14, v11;
	v4 =	vld.idx.msk [tilespmem:v60+s21+$0x0], $0xffff  }
0x203: {  	v6 =	vor.u32 $0x16, v11;
	v1 =	vld.idx.msk [tilespmem:v62+s21+$0x0], $0xffff  }
0x204: {  	v58 =	vld.idx.msk [tilespmem:v54+s22+$0x0], $0xffff;
	v59 =	vor.u32 $0x17, v11  }
0x205: {  	v61 =	vor.u32 $0x19, v11;
	v0 =	vld.idx.msk [tilespmem:v63+s21+$0x0], $0xffff  }
0x206: {  	v60 =	vor.u32 $0x18, v11;
	v5 =	vld.idx.msk [tilespmem:v5+s21+$0x0], $0xffff  }
0x207: {  	v3 =	vld.idx.msk [tilespmem:v3+s21+$0x0], $0xffff;
	v2 =	vmul.f32 v2, v18  }
0x208: {  	v6 =	vld.idx.msk [tilespmem:v6+s21+$0x0], $0xffff  }
0x209: {  	v1 =	vmul.f32 v1, v17;
	v2 =	vadd.f32 v2, v58;
	v58 =	vld.idx.msk [tilespmem:v59+s21+$0x0], $0xffff  }
0x20a: {  	v61 =	vld.idx.msk [tilespmem:v61+s21+$0x0], $0xffff;
	v4 =	vmul.f32 v4, v14;
	v0 =	vmul.f32 v0, v16  }
0x20b: {  	v62 =	vmul.f32 v5, v13;
	v59 =	vld.idx.msk [tilespmem:v60+s21+$0x0], $0xffff  }
0x20c: {  	v60 =	vmul.f32 v3, v15;
	v0 =	vadd.f32 v0, v4;
	v1 =	vadd.f32 v1, v2  }
0x20d: {  	v63 =	vmul.f32 v6, v12  }
0x20e: {  	v0 =	vadd.f32 v62, v0;
	v1 =	vadd.f32 v60, v1;
	v58 =	vmul.f32 v58, v7  }
0x20f: {  	v3 =	vmul.f32 v61, v10  }
0x210: {  	v60 =	vmul.f32 v59, v8;
	v1 =	vadd.f32 v63, v1;
	v0 =	vadd.f32 v58, v0;
	_ =	sdelay $0x1  }
0x211: {  	v1 =	vadd.f32 v60, v1;
	v0 =	vadd.f32 v3, v0;
	_ =	sdelay $0x1  }
0x212: {  	v0 =	vadd.f32 v0, v1;
	_ =	sdelay $0x1  }
0x213: {  	v61 =	vor.u32 $0x23, v11;
	[tilespmem:v54+s25+$0x0] =	vst.idx.msk $0xffff, v0  }
0x214: {  	v62 =	vor.u32 $0x24, v11;
	v1 =	vld.idx.msk [tilespmem:v44+s22+$0x0], $0xffff  }
0x215: {  	v63 =	vor.u32 $0x25, v11;
	v3 =	vld.idx.msk [tilespmem:v56+s21+$0x0], $0xffff  }
0x216: {  	v6 =	vor.u32 $0x26, v11;
	v5 =	vld.idx.msk [tilespmem:v57+s21+$0x0], $0xffff  }
0x217: {  	v60 =	vor.u32 $0x27, v11;
	v54 =	vld.idx.msk [tilespmem:v55+s21+$0x0], $0xffff  }
0x218: {  	v0 =	vld.idx.msk [tilespmem:v61+s21+$0x0], $0xffff;
	v61 =	vor.u32 $0x28, v11  }
0x219: {  	v2 =	vld.idx.msk [tilespmem:v62+s21+$0x0], $0xffff;
	v62 =	vor.u32 $0x29, v11  }
0x21a: {  	v4 =	vld.idx.msk [tilespmem:v63+s21+$0x0], $0xffff;
	v63 =	vor.u32 $0x2A, v11;
	v3 =	vmul.f32 v3, v18  }
0x21b: {  	v6 =	vld.idx.msk [tilespmem:v6+s21+$0x0], $0xffff  }
0x21c: {  	v60 =	vld.idx.msk [tilespmem:v60+s21+$0x0], $0xffff;
	v59 =	vmul.f32 v54, v17;
	v1 =	vadd.f32 v3, v1  }
0x21d: {  	v5 =	vmul.f32 v5, v14;
	v61 =	vld.idx.msk [tilespmem:v61+s21+$0x0], $0xffff  }
0x21e: {  	v0 =	vmul.f32 v0, v16;
	v2 =	vmul.f32 v2, v15;
	v62 =	vld.idx.msk [tilespmem:v62+s21+$0x0], $0xffff;
	v1 =	vadd.f32 v59, v1  }
0x21f: {  	v4 =	vmul.f32 v4, v13;
	v63 =	vld.idx.msk [tilespmem:v63+s21+$0x0], $0xffff  }
0x220: {  	v56 =	vmul.f32 v6, v12;
	v0 =	vadd.f32 v0, v5;
	v1 =	vadd.f32 v2, v1  }
0x221: {  	v57 =	vmul.f32 v60, v7  }
0x222: {  	v0 =	vadd.f32 v4, v0;
	v58 =	vmul.f32 v61, v8;
	v1 =	vadd.f32 v56, v1  }
0x223: {  	v59 =	vmul.f32 v62, v10  }
0x224: {  	v60 =	vmul.f32 v63, v19;
	v0 =	vadd.f32 v57, v0;
	v1 =	vadd.f32 v58, v1;
	_ =	sdelay $0x1  }
0x225: {  	v0 =	vadd.f32 v59, v0;
	v1 =	vadd.f32 v60, v1;
	_ =	sdelay $0x1  }
0x226: {  	v0 =	vadd.f32 v1, v0;
	_ =	sdelay $0x1  }
0x227: {  	[tilespmem:v44+s25+$0x0] =	vst.idx.msk $0xffff, v0  }
0x228: {  	v61 =	vor.u32 $0x34, v11;
	v0 =	vld.idx.msk [tilespmem:v30+s22+$0x0], $0xffff  }
0x229: {  	v63 =	vor.u32 $0x35, v11;
	v62 =	vld.idx.msk [tilespmem:v52+s21+$0x0], $0xffff  }
0x22a: {  	v56 =	vor.u32 $0x36, v11;
	v4 =	vld.idx.msk [tilespmem:v53+s21+$0x0], $0xffff  }
0x22b: {  	v58 =	vor.u32 $0x37, v11;
	v57 =	vld.idx.msk [tilespmem:v50+s21+$0x0], $0xffff  }
0x22c: {  	v59 =	vld.idx.msk [tilespmem:v51+s21+$0x0], $0xffff  }
0x22d: {  	v1 =	vld.idx.msk [tilespmem:v61+s21+$0x0], $0xffff;
	v61 =	vor.u32 $0x39, v11  }
0x22e: {  	v60 =	vor.u32 $0x38, v11;
	v3 =	vld.idx.msk [tilespmem:v63+s21+$0x0], $0xffff  }
0x22f: {  	v5 =	vld.idx.msk [tilespmem:v56+s21+$0x0], $0xffff;
	v2 =	vmul.f32 v62, v18;
	v62 =	vor.u32 $0x3A, v11  }
0x230: {  	v63 =	vor.u32 $0x3B, v11;
	v56 =	vld.idx.msk [tilespmem:v58+s21+$0x0], $0xffff;
	v55 =	vmul.f32 v57, v17  }
0x231: {  	v4 =	vmul.f32 v4, v14;
	v57 =	vmul.f32 v59, v16  }
0x232: {  	v59 =	vld.idx.msk [tilespmem:v61+s21+$0x0], $0xffff;
	v0 =	vadd.f32 v2, v0  }
0x233: {  	v58 =	vld.idx.msk [tilespmem:v60+s21+$0x0], $0xffff;
	v3 =	vmul.f32 v3, v13;
	v4 =	vadd.f32 v57, v4  }
0x234: {  	v1 =	vmul.f32 v1, v15;
	v0 =	vadd.f32 v55, v0;
	v60 =	vld.idx.msk [tilespmem:v62+s21+$0x0], $0xffff  }
0x235: {  	v3 =	vadd.f32 v3, v4;
	v62 =	vld.idx.msk [tilespmem:v63+s21+$0x0], $0xffff;
	v63 =	vmul.f32 v56, v7  }
0x236: {  	v61 =	vmul.f32 v5, v12;
	v0 =	vadd.f32 v1, v0  }
0x237: {  	v2 =	vmul.f32 v59, v10;
	v3 =	vadd.f32 v63, v3  }
0x238: {  	v51 =	vmul.f32 v58, v8;
	v0 =	vadd.f32 v61, v0  }
0x239: {  	v52 =	vadd.f32 v2, v3  }
0x23a: {  	v0 =	vadd.f32 v51, v0;
	v53 =	vmul.f32 v60, v19;
	v54 =	vmul.f32 v62, v20;
	_ =	sdelay $0x1  }
0x23b: {  	v0 =	vadd.f32 v53, v0;
	v1 =	vadd.f32 v54, v52;
	_ =	sdelay $0x1  }
0x23c: {  	v0 =	vadd.f32 v1, v0;
	_ =	sdelay $0x1  }
0x23d: {  	[tilespmem:v30+s25+$0x0] =	vst.idx.msk $0xffff, v0  }
0x23e: {  	v0 =	vld.idx.msk [tilespmem:v21+s22+$0x0], $0xffff  }
0x23f: {  	v56 =	vor.u32 $0x45, v11;
	v55 =	vld.idx.msk [tilespmem:v48+s21+$0x0], $0xffff  }
0x240: {  	v58 =	vor.u32 $0x46, v11;
	v57 =	vld.idx.msk [tilespmem:v49+s21+$0x0], $0xffff  }
0x241: {  	v61 =	vor.u32 $0x48, v11;
	v59 =	vld.idx.msk [tilespmem:v45+s21+$0x0], $0xffff  }
0x242: {  	v60 =	vor.u32 $0x47, v11;
	v30 =	vld.idx.msk [tilespmem:v46+s21+$0x0], $0xffff  }
0x243: {  	v63 =	vor.u32 $0x49, v11;
	v62 =	vld.idx.msk [tilespmem:v47+s21+$0x0], $0xffff  }
0x244: {  	v52 =	vor.u32 $0x4A, v11;
	v2 =	vld.idx.msk [tilespmem:v56+s21+$0x0], $0xffff;
	v1 =	vmul.f32 v55, v18  }
0x245: {  	v53 =	vor.u32 $0x4B, v11;
	v4 =	vld.idx.msk [tilespmem:v58+s21+$0x0], $0xffff  }
0x246: {  	v56 =	vor.u32 $0x4C, v11;
	v44 =	vld.idx.msk [tilespmem:v61+s21+$0x0], $0xffff;
	v54 =	vmul.f32 v59, v17;
	v0 =	vadd.f32 v1, v0  }
0x247: {  	v55 =	vld.idx.msk [tilespmem:v60+s21+$0x0], $0xffff;
	v3 =	vmul.f32 v57, v14  }
0x248: {  	v58 =	vld.idx.msk [tilespmem:v63+s21+$0x0], $0xffff;
	v30 =	vmul.f32 v30, v16;
	v57 =	vmul.f32 v62, v15;
	v0 =	vadd.f32 v54, v0  }
0x249: {  	v2 =	vmul.f32 v2, v13;
	v59 =	vld.idx.msk [tilespmem:v52+s21+$0x0], $0xffff  }
0x24a: {  	v61 =	vld.idx.msk [tilespmem:v53+s21+$0x0], $0xffff;
	v60 =	vmul.f32 v4, v12;
	v3 =	vadd.f32 v30, v3;
	v0 =	vadd.f32 v57, v0  }
0x24b: {  	v63 =	vld.idx.msk [tilespmem:v56+s21+$0x0], $0xffff;
	v44 =	vmul.f32 v44, v8  }
0x24c: {  	v2 =	vadd.f32 v2, v3;
	v62 =	vmul.f32 v55, v7;
	v0 =	vadd.f32 v60, v0  }
0x24d: {  	v45 =	vmul.f32 v58, v10  }
0x24e: {  	v46 =	vmul.f32 v59, v19;
	v2 =	vadd.f32 v62, v2;
	v0 =	vadd.f32 v44, v0  }
0x24f: {  	v47 =	vmul.f32 v61, v20  }
0x250: {  	v48 =	vmul.f32 v63, v31;
	v2 =	vadd.f32 v45, v2;
	v0 =	vadd.f32 v46, v0;
	_ =	sdelay $0x1  }
0x251: {  	v1 =	vadd.f32 v47, v2;
	v0 =	vadd.f32 v48, v0;
	_ =	sdelay $0x1  }
0x252: {  	v0 =	vadd.f32 v0, v1;
	_ =	sdelay $0x1  }
0x253: {  	[tilespmem:v21+s25+$0x0] =	vst.idx.msk $0xffff, v0  }
0x254: {  	v0 =	vld.idx.msk [tilespmem:v32+s22+$0x0], $0xffff  }
0x255: {  	v49 =	vld.idx.msk [tilespmem:v39+s21+$0x0], $0xffff  }
0x256: {  	v51 =	vor.u32 $0x56, v11;
	v50 =	vld.idx.msk [tilespmem:v43+s21+$0x0], $0xffff  }
0x257: {  	v53 =	vor.u32 $0x57, v11;
	v52 =	vld.idx.msk [tilespmem:v40+s21+$0x0], $0xffff  }
0x258: {  	v55 =	vor.u32 $0x58, v11;
	v54 =	vld.idx.msk [tilespmem:v41+s21+$0x0], $0xffff  }
0x259: {  	v57 =	vor.u32 $0x59, v11;
	v56 =	vld.idx.msk [tilespmem:v42+s21+$0x0], $0xffff  }
0x25a: {  	v58 =	vor.u32 $0x5A, v11;
	v38 =	vld.idx.msk [tilespmem:v38+s21+$0x0], $0xffff  }
0x25b: {  	v59 =	vor.u32 $0x5B, v11;
	v3 =	vld.idx.msk [tilespmem:v51+s21+$0x0], $0xffff  }
0x25c: {  	v62 =	vor.u32 $0x5C, v11;
	v61 =	vld.idx.msk [tilespmem:v53+s21+$0x0], $0xffff;
	v1 =	vmul.f32 v49, v18  }
0x25d: {  	v63 =	vor.u32 $0x5D, v11;
	v21 =	vld.idx.msk [tilespmem:v55+s21+$0x0], $0xffff;
	v60 =	vmul.f32 v52, v17  }
0x25e: {  	v44 =	vld.idx.msk [tilespmem:v57+s21+$0x0], $0xffff;
	v2 =	vmul.f32 v50, v14;
	v6 =	vmul.f32 v54, v16;
	v0 =	vadd.f32 v1, v0  }
0x25f: {  	v46 =	vld.idx.msk [tilespmem:v58+s21+$0x0], $0xffff;
	v43 =	vmul.f32 v56, v15  }
0x260: {  	v48 =	vld.idx.msk [tilespmem:v59+s21+$0x0], $0xffff;
	v45 =	vmul.f32 v38, v13;
	v2 =	vadd.f32 v6, v2;
	v0 =	vadd.f32 v60, v0  }
0x261: {  	v5 =	vld.idx.msk [tilespmem:v62+s21+$0x0], $0xffff;
	v47 =	vmul.f32 v3, v12  }
0x262: {  	v4 =	vmul.f32 v61, v7;
	v50 =	vld.idx.msk [tilespmem:v63+s21+$0x0], $0xffff;
	v2 =	vadd.f32 v45, v2;
	v0 =	vadd.f32 v43, v0  }
0x263: {  	v49 =	vmul.f32 v21, v8;
	v38 =	vld [tilespmem:$0x1FF40]  }
0x264: {  	v51 =	vmul.f32 v44, v10;
	v2 =	vadd.f32 v4, v2;
	v0 =	vadd.f32 v47, v0  }
0x265: {  	v52 =	vmul.f32 v46, v19  }
0x266: {  	v3 =	vmul.f32 v48, v20;
	v2 =	vadd.f32 v51, v2;
	v0 =	vadd.f32 v49, v0  }
0x267: {  	v54 =	vmul.f32 v5, v31  }
0x268: {  	v55 =	vmul.f32 v50, v38;
	v53 =	vadd.f32 v3, v2;
	v0 =	vadd.f32 v52, v0;
	_ =	sdelay $0x1  }
0x269: {  	v1 =	vadd.f32 v55, v53;
	v0 =	vadd.f32 v54, v0  }
0x26a: {  	v39 =	vld [tilespmem:$0x1FF50]  }
0x26b: {  	v0 =	vadd.f32 v1, v0;
	_ =	sdelay $0x1  }
0x26c: {  	[tilespmem:v32+s25+$0x0] =	vst.idx.msk $0xffff, v0  }
0x26d: {  	v58 =	vld.idx.msk [tilespmem:v35+s21+$0x0], $0xffff  }
0x26e: {  	v35 =	vld [tilespmem:$0x1FF60]  }
0x26f: {  	v32 =	vld [tilespmem:$0x1FF70]  }
0x270: {  	v56 =	vld.idx.msk [tilespmem:v9+s21+$0x0], $0xffff  }
0x271: {  	v0 =	vld.idx.msk [tilespmem:v39+s22+$0x0], $0xffff  }
0x272: {  	v59 =	vor.u32 $0x67, v11;
	v57 =	vld.idx.msk [tilespmem:v34+s21+$0x0], $0xffff  }
0x273: {  	v61 =	vor.u32 $0x68, v11;
	v60 =	vld.idx.msk [tilespmem:v36+s21+$0x0], $0xffff  }
0x274: {  	v63 =	vor.u32 $0x69, v11;
	v62 =	vld.idx.msk [tilespmem:v37+s21+$0x0], $0xffff  }
0x275: {  	v36 =	vor.u32 $0x6A, v11;
	v33 =	vld.idx.msk [tilespmem:v33+s21+$0x0], $0xffff;
	v1 =	vmul.f32 v56, v18  }
0x276: {  	v42 =	vor.u32 $0x6C, v11;
	v30 =	vld.idx.msk [tilespmem:v35+s21+$0x0], $0xffff  }
0x277: {  	v37 =	vor.u32 $0x6B, v11;
	v41 =	vld.idx.msk [tilespmem:v59+s21+$0x0], $0xffff;
	v40 =	vmul.f32 v58, v17;
	v0 =	vadd.f32 v1, v0  }
0x278: {  	v46 =	vor.u32 $0x6E, v11;
	v43 =	vor.u32 $0x6D, v11;
	v6 =	vld.idx.msk [tilespmem:v61+s21+$0x0], $0xffff;
	v2 =	vmul.f32 v57, v14  }
0x279: {  	v45 =	vld.idx.msk [tilespmem:v63+s21+$0x0], $0xffff;
	v5 =	vmul.f32 v60, v16;
	v44 =	vmul.f32 v62, v15;
	v0 =	vadd.f32 v40, v0  }
0x27a: {  	v48 =	vld.idx.msk [tilespmem:v36+s21+$0x0], $0xffff;
	v49 =	vmul.f32 v33, v12  }
0x27b: {  	v4 =	vld.idx.msk [tilespmem:v42+s21+$0x0], $0xffff;
	v2 =	vadd.f32 v5, v2;
	v0 =	vadd.f32 v44, v0;
	v47 =	vmul.f32 v30, v13  }
0x27c: {  	v50 =	vld.idx.msk [tilespmem:v37+s21+$0x0], $0xffff;
	v3 =	vmul.f32 v41, v7  }
0x27d: {  	v52 =	vld.idx.msk [tilespmem:v43+s21+$0x0], $0xffff;
	v51 =	vmul.f32 v6, v8;
	v0 =	vadd.f32 v49, v0;
	v2 =	vadd.f32 v47, v2  }
0x27e: {  	v54 =	vld.idx.msk [tilespmem:v46+s21+$0x0], $0xffff;
	v53 =	vmul.f32 v45, v10  }
0x27f: {  	v55 =	vmul.f32 v48, v19;
	v0 =	vadd.f32 v51, v0;
	v2 =	vadd.f32 v3, v2  }
0x280: {  	v57 =	vmul.f32 v4, v31  }
0x281: {  	v56 =	vmul.f32 v50, v20;
	v0 =	vadd.f32 v55, v0;
	v2 =	vadd.f32 v53, v2  }
0x282: {  	v58 =	vmul.f32 v52, v38;
	v30 =	vld [tilespmem:$0x1FF80]  }
0x283: {  	v59 =	vmul.f32 v54, v32;
	v0 =	vadd.f32 v57, v0;
	v2 =	vadd.f32 v56, v2;
	_ =	sdelay $0x1  }
0x284: {  	v0 =	vadd.f32 v59, v0;
	v1 =	vadd.f32 v58, v2;
	_ =	sdelay $0x1  }
0x285: {  	v0 =	vadd.f32 v0, v1;
	_ =	sdelay $0x1  }
0x286: {  	[tilespmem:v39+s25+$0x0] =	vst.idx.msk $0xffff, v0  }
0x287: {  	v0 =	vld.idx.msk [tilespmem:v30+s22+$0x0], $0xffff  }
0x288: {  	v60 =	vld.idx.msk [tilespmem:v23+s21+$0x0], $0xffff  }
0x289: {  	v61 =	vld.idx.msk [tilespmem:v24+s21+$0x0], $0xffff  }
0x28a: {  	v62 =	vld.idx.msk [tilespmem:v25+s21+$0x0], $0xffff  }
0x28b: {  	v34 =	vor.u32 $0x79, v11;
	v63 =	vld.idx.msk [tilespmem:v28+s21+$0x0], $0xffff  }
0x28c: {  	v36 =	vor.u32 $0x7A, v11;
	v33 =	vld.idx.msk [tilespmem:v29+s21+$0x0], $0xffff  }
0x28d: {  	v28 =	vor.u32 $0x78, v11;
	v35 =	vld.idx.msk [tilespmem:v26+s21+$0x0], $0xffff  }
0x28e: {  	v42 =	vor.u32 $0x7C, v11;
	v37 =	vld.idx.msk [tilespmem:v27+s21+$0x0], $0xffff  }
0x28f: {  	v39 =	vor.u32 $0x7B, v11;
	v41 =	vld.idx.msk [tilespmem:v22+s21+$0x0], $0xffff;
	v1 =	vmul.f32 v60, v18  }
0x290: {  	v43 =	vor.u32 $0x7D, v11;
	v46 =	vor.u32 $0x7E, v11;
	v45 =	vld.idx.msk [tilespmem:v34+s21+$0x0], $0xffff;
	v40 =	vmul.f32 v62, v17  }
0x291: {  	v48 =	vld.idx.msk [tilespmem:v36+s21+$0x0], $0xffff;
	v2 =	vmul.f32 v61, v14;
	v4 =	vmul.f32 v63, v16;
	v0 =	vadd.f32 v1, v0  }
0x292: {  	v11 =	vor.u32 $0x7F, v11;
	v5 =	vld.idx.msk [tilespmem:v28+s21+$0x0], $0xffff;
	v44 =	vmul.f32 v33, v15  }
0x293: {  	v51 =	vld.idx.msk [tilespmem:v42+s21+$0x0], $0xffff;
	v47 =	vmul.f32 v35, v13;
	v2 =	vadd.f32 v4, v2;
	v0 =	vadd.f32 v40, v0  }
0x294: {  	v50 =	vld.idx.msk [tilespmem:v39+s21+$0x0], $0xffff;
	v49 =	vmul.f32 v37, v12  }
0x295: {  	v53 =	vld.idx.msk [tilespmem:v43+s21+$0x0], $0xffff;
	v3 =	vmul.f32 v41, v7;
	v2 =	vadd.f32 v47, v2;
	v0 =	vadd.f32 v44, v0  }
0x296: {  	v55 =	vld.idx.msk [tilespmem:v46+s21+$0x0], $0xffff;
	v54 =	vmul.f32 v45, v10  }
0x297: {  	v57 =	vld.idx.msk [tilespmem:v11+s21+$0x0], $0xffff;
	v52 =	vmul.f32 v5, v8;
	v2 =	vadd.f32 v3, v2;
	v0 =	vadd.f32 v49, v0  }
0x298: {  	v56 =	vmul.f32 v48, v19;
	v63 =	vld [tilespmem:$0x1FF90]  }
0x299: {  	v58 =	vmul.f32 v50, v20;
	v2 =	vadd.f32 v54, v2;
	v0 =	vadd.f32 v52, v0  }
0x29a: {  	v59 =	vmul.f32 v51, v31  }
0x29b: {  	v60 =	vmul.f32 v53, v38;
	v2 =	vadd.f32 v58, v2;
	v0 =	vadd.f32 v56, v0  }
0x29c: {  	v62 =	vmul.f32 v55, v32  }
0x29d: {  	v3 =	vmul.f32 v57, v63;
	v61 =	vadd.f32 v60, v2;
	v0 =	vadd.f32 v59, v0  }
0x29e: {  	p0 =	sne.s32 s28, $0x70  }
.Ltmp1:
0x29f: {  	v1 =	vadd.f32 v3, v61;
	v0 =	vadd.f32 v62, v0;
	(pc) =	sbr.rel @p0 .LBB2_4-.Ltmp1, $3  }
0x2a0: {  	_ = 	snop  }
0x2a1: {  	v0 =	vadd.f32 v1, v0;
	_ =	sdelay $0x1  }
0x2a2: {  	s28 =	sadd.s32 $0x10, s28;
	[tilespmem:v30+s25+$0x0] =	vst.idx.msk $0xffff, v0  }
0x2a3: {  	s28 =	simm.s32 $0x0  }
0x2a4: {  	[hbm4b:s11+s28] =	stream.linear.scatter [tilespmem:s25], [sflag:$0x2], $0x800, $0x38;
	[tilespmem:$0x9880] =	vst v63  }
0x2a5: {  	_ =	swait.ge [sflag:s19], $0x800  }
0x2a6: {  	[sflag:s19] =	ssyncset.done $0x0  }
0x2a7: {  	[sflag:s19] =	ssyncadd.s32 $0xFFFFF800  }
0x2a8: {  	[tilespmem:s28], [sflag:$0x2] =	stream.linear.gather [hbm4b:s12+s28], $0x80, $0x38;
	[tilespmem:$0x9880] =	vst v63  }
0x2a9: {  	_ =	swait.ge [sflag:s19], $0x80  }
0x2aa: {  	[sflag:s19] =	ssyncset.done $0x0  }
0x2ab: {  	[sflag:s19] =	ssyncadd.s32 $0xFFFFFF80  }
0x2ac: {  	[tilespmem:s20], [sflag:$0x1] =	stream.indirect.gather [hbm4b:s4+s20], $0x80, s28, s20, $0xb8;
	[tilespmem:$0x9880] =	vst v63  }
0x2ad: {  	_ = 	snop  }
0x2ae: {  	[tilespmem:s21], [sflag:$0x1] =	stream.indirect.gather [hbm4b:s5+s20], $0x80, s28, s20, $0xb8;
	[tilespmem:$0x9880] =	vst v63  }
0x2af: {  	_ = 	snop  }
0x2b0: {  	[tilespmem:s22], [sflag:$0x1] =	stream.indirect.gather [hbm4b:s3+s20], $0x10, s28, s20, $0xb8;
	[tilespmem:$0x9880] =	vst v63  }
0x2b1: {  	_ = 	snop  }
0x2b2: {  	[tilespmem:s23], [sflag:$0x2] =	stream.linear.gather [hbm4b:s13+s28], $0x800, $0x38;
	[tilespmem:$0x9880] =	vst v63  }
0x2b3: {  	_ =	swait.ge [sflag:s19], $0x800  }
0x2b4: {  	[sflag:s19] =	ssyncset.done $0x0  }
0x2b5: {  	[sflag:s19] =	ssyncadd.s32 $0xFFFFF800  }
0x2b6: {  	_ =	swait.ge [sflag:s24], $0x4000  }
0x2b7: {  	[sflag:s24] =	ssyncset.done $0x0  }
0x2b8: {  	[sflag:s24] =	ssyncadd.s32 $0xFFFFC000  }
0x2b9: {  	_ =	swait.ge [sflag:s24], $0x4000  }
0x2ba: {  	[sflag:s24] =	ssyncset.done $0x0  }
0x2bb: {  	[sflag:s24] =	ssyncadd.s32 $0xFFFFC000  }
0x2bc: {  	_ =	swait.ge [sflag:s24], $0x800  }
0x2bd: {  	[sflag:s24] =	ssyncset.done $0x0  }
0x2be: {  	[sflag:s24] =	ssyncadd.s32 $0xFFFFF800  }
.LBB2_6:
0x2bf: {  	v0 =	vlaneseq.u32  }
0x2c0: {  	v0 =	vor.u32 s28, v0  }
0x2c1: {  	v23 =	vshll.u32 v0, $0x4  }
0x2c2: {  	v11 =	vshll.u32 v0, $0x7;
	_ =	sdelay $0x1  }
0x2c3: {  	v24 =	vor.u32 $0x1, v23  }
0x2c4: {  	v25 =	vor.u32 $0x2, v23  }
0x2c5: {  	v26 =	vor.u32 $0x3, v23;
	v18 =	vld.idx.msk [tilespmem:v23+s23+$0x0], $0xffff  }
0x2c6: {  	v27 =	vor.u32 $0x4, v23;
	v0 =	vld.idx.msk [tilespmem:v11+s20+$0x0], $0xffff  }
0x2c7: {  	v28 =	vor.u32 $0x5, v23;
	v9 =	vld.idx.msk [tilespmem:v23+s22+$0x0], $0xffff  }
0x2c8: {  	v22 =	vor.u32 $0x6, v23;
	v14 =	vld.idx.msk [tilespmem:v24+s23+$0x0], $0xffff  }
0x2c9: {  	v61 =	vor.u32 $0x7, v23;
	v17 =	vld.idx.msk [tilespmem:v25+s23+$0x0], $0xffff  }
0x2ca: {  	v58 =	vor.u32 $0x8, v23;
	v16 =	vld.idx.msk [tilespmem:v26+s23+$0x0], $0xffff  }
0x2cb: {  	v54 =	vor.u32 $0x9, v23;
	v15 =	vld.idx.msk [tilespmem:v27+s23+$0x0], $0xffff  }
0x2cc: {  	v44 =	vor.u32 $0xA, v23;
	v13 =	vld.idx.msk [tilespmem:v28+s23+$0x0], $0xffff  }
0x2cd: {  	v30 =	vor.u32 $0xB, v23;
	v12 =	vld.idx.msk [tilespmem:v22+s23+$0x0], $0xffff  }
0x2ce: {  	v21 =	vor.u32 $0xC, v23;
	v7 =	vld.idx.msk [tilespmem:v61+s23+$0x0], $0xffff  }
0x2cf: {  	v32 =	vor.u32 $0xD, v23;
	v8 =	vld.idx.msk [tilespmem:v58+s23+$0x0], $0xffff  }
0x2d0: {  	v2 =	vor.u32 $0xE, v23;
	v10 =	vld.idx.msk [tilespmem:v54+s23+$0x0], $0xffff  }
0x2d1: {  	v1 =	vor.u32 $0xF, v23;
	v19 =	vld.idx.msk [tilespmem:v44+s23+$0x0], $0xffff  }
0x2d2: {  	v59 =	vor.u32 $0x10, v11;
	v20 =	vld.idx.msk [tilespmem:v30+s23+$0x0], $0xffff;
	v0 =	vmul.f32 v0, v18  }
0x2d3: {  	v31 =	vld.idx.msk [tilespmem:v21+s23+$0x0], $0xffff  }
0x2d4: {  	v60 =	vor.u32 $0x11, v11;
	v3 =	vld.idx.msk [tilespmem:v32+s23+$0x0], $0xffff;
	v0 =	vadd.f32 v0, v9  }
0x2d5: {  	v63 =	vld.idx.msk [tilespmem:v2+s23+$0x0], $0xffff  }
0x2d6: {  	v5 =	vld.idx.msk [tilespmem:v1+s23+$0x0], $0xffff;
	[tilespmem:v23+s25+$0x0] =	vst.idx.msk $0xffff, v0  }
0x2d7: {  	v0 =	vld.idx.msk [tilespmem:v59+s20+$0x0], $0xffff  }
0x2d8: {  	v23 =	vld.idx.msk [tilespmem:v24+s22+$0x0], $0xffff  }
0x2d9: {  	v29 =	vld.idx.msk [tilespmem:v60+s20+$0x0], $0xffff;
	_ =	sdelay $0x2  }
0x2da: {  	v0 =	vmul.f32 v0, v18;
	_ =	sdelay $0x1  }
0x2db: {  	v56 =	vor.u32 $0x20, v11;
	v6 =	vmul.f32 v29, v14;
	v0 =	vadd.f32 v0, v23;
	_ =	sdelay $0x1  }
0x2dc: {  	v55 =	vor.u32 $0x22, v11;
	v0 =	vadd.f32 v6, v0;
	_ =	sdelay $0x1  }
0x2dd: {  	v57 =	vor.u32 $0x21, v11;
	[tilespmem:v24+s25+$0x0] =	vst.idx.msk $0xffff, v0  }
0x2de: {  	v0 =	vld.idx.msk [tilespmem:v56+s20+$0x0], $0xffff  }
0x2df: {  	v9 =	vld.idx.msk [tilespmem:v25+s22+$0x0], $0xffff  }
0x2e0: {  	v24 =	vld.idx.msk [tilespmem:v55+s20+$0x0], $0xffff;
	_ =	sdelay $0x1  }
0x2e1: {  	v33 =	vld.idx.msk [tilespmem:v57+s20+$0x0], $0xffff  }
0x2e2: {  	v0 =	vmul.f32 v0, v18;
	_ =	sdelay $0x1  }
0x2e3: {  	v34 =	vmul.f32 v24, v17;
	v0 =	vadd.f32 v0, v9;
	_ =	sdelay $0x1  }
0x2e4: {  	v35 =	vmul.f32 v33, v14;
	v0 =	vadd.f32 v34, v0  }
0x2e5: {  	v52 =	vor.u32 $0x30, v11  }
0x2e6: {  	v53 =	vor.u32 $0x31, v11;
	v0 =	vadd.f32 v0, v35  }
0x2e7: {  	v50 =	vor.u32 $0x32, v11  }
0x2e8: {  	v51 =	vor.u32 $0x33, v11;
	[tilespmem:v25+s25+$0x0] =	vst.idx.msk $0xffff, v0  }
0x2e9: {  	v0 =	vld.idx.msk [tilespmem:v26+s22+$0x0], $0xffff  }
0x2ea: {  	v36 =	vld.idx.msk [tilespmem:v52+s20+$0x0], $0xffff  }
0x2eb: {  	v37 =	vld.idx.msk [tilespmem:v53+s20+$0x0], $0xffff  }
0x2ec: {  	v25 =	vld.idx.msk [tilespmem:v50+s20+$0x0], $0xffff  }
0x2ed: {  	v38 =	vld.idx.msk [tilespmem:v51+s20+$0x0], $0xffff;
	_ =	sdelay $0x2  }
0x2ee: {  	v23 =	vmul.f32 v36, v18  }
0x2ef: {  	v24 =	vmul.f32 v37, v14  }
0x2f0: {  	v39 =	vmul.f32 v25, v17;
	v40 =	vmul.f32 v38, v16;
	v0 =	vadd.f32 v23, v0;
	_ =	sdelay $0x1  }
0x2f1: {  	v41 =	vadd.f32 v40, v24;
	v0 =	vadd.f32 v39, v0  }
0x2f2: {  	v48 =	vor.u32 $0x40, v11  }
0x2f3: {  	v49 =	vor.u32 $0x41, v11;
	v0 =	vadd.f32 v41, v0  }
0x2f4: {  	v45 =	vor.u32 $0x42, v11  }
0x2f5: {  	v46 =	vor.u32 $0x43, v11;
	[tilespmem:v26+s25+$0x0] =	vst.idx.msk $0xffff, v0  }
0x2f6: {  	v47 =	vor.u32 $0x44, v11;
	v0 =	vld.idx.msk [tilespmem:v27+s22+$0x0], $0xffff  }
0x2f7: {  	v42 =	vld.idx.msk [tilespmem:v48+s20+$0x0], $0xffff  }
0x2f8: {  	v43 =	vld.idx.msk [tilespmem:v49+s20+$0x0], $0xffff  }
0x2f9: {  	v62 =	vld.idx.msk [tilespmem:v45+s20+$0x0], $0xffff  }
0x2fa: {  	v26 =	vld.idx.msk [tilespmem:v46+s20+$0x0], $0xffff  }
0x2fb: {  	[tilespmem:$0x1FF10] =	vst v63;
	v63 =	vld.idx.msk [tilespmem:v47+s20+$0x0], $0xffff  }
0x2fc: {  	v23 =	vmul.f32 v42, v18;
	_ =	sdelay $0x1  }
0x2fd: {  	v4 =	vmul.f32 v62, v17;
	v0 =	vadd.f32 v23, v0  }
0x2fe: {  	v24 =	vmul.f32 v43, v14  }
0x2ff: {  	[tilespmem:$0x1FF30] =	vst v5;
	v5 =	vmul.f32 v26, v16;
	v6 =	vmul.f32 v63, v15;
	v0 =	vadd.f32 v4, v0;
	_ =	sdelay $0x1  }
0x300: {  	v23 =	vadd.f32 v5, v24;
	v0 =	vadd.f32 v6, v0  }
0x301: {  	v39 =	vor.u32 $0x50, v11  }
0x302: {  	v43 =	vor.u32 $0x51, v11;
	v0 =	vadd.f32 v0, v23  }
0x303: {  	v40 =	vor.u32 $0x52, v11  }
0x304: {  	v41 =	vor.u32 $0x53, v11;
	[tilespmem:v27+s25+$0x0] =	vst.idx.msk $0xffff, v0  }
0x305: {  	v42 =	vor.u32 $0x54, v11;
	v0 =	vld.idx.msk [tilespmem:v28+s22+$0x0], $0xffff  }
0x306: {  	v38 =	vor.u32 $0x55, v11;
	v9 =	vld.idx.msk [tilespmem:v39+s20+$0x0], $0xffff  }
0x307: {  	v33 =	vld.idx.msk [tilespmem:v43+s20+$0x0], $0xffff  }
0x308: {  	v34 =	vld.idx.msk [tilespmem:v40+s20+$0x0], $0xffff  }
0x309: {  	v35 =	vld.idx.msk [tilespmem:v41+s20+$0x0], $0xffff  }
0x30a: {  	v27 =	vld.idx.msk [tilespmem:v42+s20+$0x0], $0xffff  }
0x30b: {  	v36 =	vld.idx.msk [tilespmem:v38+s20+$0x0], $0xffff  }
0x30c: {  	v23 =	vmul.f32 v9, v18  }
0x30d: {  	v37 =	vmul.f32 v34, v17  }
0x30e: {  	v24 =	vmul.f32 v33, v14;
	v62 =	vmul.f32 v35, v16;
	v0 =	vadd.f32 v23, v0  }
0x30f: {  	v4 =	vmul.f32 v27, v15  }
0x310: {  	v5 =	vmul.f32 v36, v13;
	v63 =	vadd.f32 v62, v24;
	v0 =	vadd.f32 v37, v0;
	_ =	sdelay $0x1  }
0x311: {  	v23 =	vadd.f32 v5, v63;
	v0 =	vadd.f32 v4, v0  }
0x312: {  	v9 =	vor.u32 $0x60, v11  }
0x313: {  	v34 =	vor.u32 $0x61, v11;
	v0 =	vadd.f32 v23, v0  }
0x314: {  	v35 =	vor.u32 $0x62, v11  }
0x315: {  	v36 =	vor.u32 $0x63, v11;
	[tilespmem:v28+s25+$0x0] =	vst.idx.msk $0xffff, v0  }
0x316: {  	v37 =	vor.u32 $0x64, v11;
	v0 =	vld.idx.msk [tilespmem:v22+s22+$0x0], $0xffff  }
0x317: {  	v62 =	vor.u32 $0x65, v11;
	v6 =	vld.idx.msk [tilespmem:v9+s20+$0x0], $0xffff  }
0x318: {  	v33 =	vor.u32 $0x66, v11;
	v24 =	vld.idx.msk [tilespmem:v34+s20+$0x0], $0xffff  }
0x319: {  	v63 =	vld.idx.msk [tilespmem:v35+s20+$0x0], $0xffff  }
0x31a: {  	v4 =	vld.idx.msk [tilespmem:v36+s20+$0x0], $0xffff  }
0x31b: {  	v5 =	vld.idx.msk [tilespmem:v37+s20+$0x0], $0xffff  }
0x31c: {  	v28 =	vld.idx.msk [tilespmem:v62+s20+$0x0], $0xffff;
	v23 =	vmul.f32 v6, v18  }
0x31d: {  	v6 =	vld.idx.msk [tilespmem:v33+s20+$0x0], $0xffff  }
0x31e: {  	[tilespmem:$0x1FF00] =	vst v62;
	v62 =	vmul.f32 v63, v17;
	v0 =	vadd.f32 v23, v0  }
0x31f: {  	v24 =	vmul.f32 v24, v14  }
0x320: {  	[tilespmem:$0x1FEE0] =	vst v3;
	v63 =	vmul.f32 v4, v16;
	v3 =	vmul.f32 v5, v15;
	v0 =	vadd.f32 v62, v0  }
0x321: {  	v4 =	vmul.f32 v28, v13  }
0x322: {  	v24 =	vadd.f32 v63, v24;
	v5 =	vmul.f32 v6, v12;
	v0 =	vadd.f32 v3, v0;
	_ =	sdelay $0x1  }
0x323: {  	v24 =	vadd.f32 v4, v24;
	v0 =	vadd.f32 v5, v0  }
0x324: {  	v23 =	vor.u32 $0x70, v11  }
0x325: {  	v25 =	vor.u32 $0x72, v11;
	v0 =	vadd.f32 v0, v24  }
0x326: {  	v28 =	vor.u32 $0x73, v11  }
0x327: {  	v24 =	vor.u32 $0x71, v11;
	[tilespmem:v22+s25+$0x0] =	vst.idx.msk $0xffff, v0  }
0x328: {  	v29 =	vor.u32 $0x74, v11;
	v5 =	vld.idx.msk [tilespmem:v61+s22+$0x0], $0xffff  }
0x329: {  	v26 =	vor.u32 $0x75, v11;
	v62 =	vld.idx.msk [tilespmem:v23+s20+$0x0], $0xffff  }
0x32a: {  	v27 =	vor.u32 $0x76, v11;
	v0 =	vld.idx.msk [tilespmem:v25+s20+$0x0], $0xffff  }
0x32b: {  	[tilespmem:$0x1FF20] =	vst v1;
	v22 =	vor.u32 $0x77, v11;
	v1 =	vld.idx.msk [tilespmem:v28+s20+$0x0], $0xffff  }
0x32c: {  	v63 =	vld.idx.msk [tilespmem:v24+s20+$0x0], $0xffff  }
0x32d: {  	[tilespmem:$0x1FEF0] =	vst v2;
	v2 =	vld.idx.msk [tilespmem:v29+s20+$0x0], $0xffff  }
0x32e: {  	v3 =	vld.idx.msk [tilespmem:v26+s20+$0x0], $0xffff;
	v62 =	vmul.f32 v62, v18  }
0x32f: {  	v4 =	vld.idx.msk [tilespmem:v27+s20+$0x0], $0xffff  }
0x330: {  	v0 =	vmul.f32 v0, v17;
	v5 =	vadd.f32 v62, v5;
	v62 =	vld.idx.msk [tilespmem:v22+s20+$0x0], $0xffff  }
0x331: {  	v1 =	vmul.f32 v1, v16;
	v63 =	vmul.f32 v63, v14  }
0x332: {  	v2 =	vmul.f32 v2, v15  }
0x333: {  	v3 =	vmul.f32 v3, v13;
	v0 =	vadd.f32 v0, v5;
	v1 =	vadd.f32 v1, v63  }
0x334: {  	v6 =	vmul.f32 v4, v12  }
0x335: {  	v0 =	vadd.f32 v2, v0;
	v1 =	vadd.f32 v3, v1;
	v63 =	vmul.f32 v62, v7;
	_ =	sdelay $0x1  }
0x336: {  	v0 =	vadd.f32 v6, v0;
	v6 =	vor.u32 $0x1, v11;
	v1 =	vadd.f32 v63, v1;
	_ =	sdelay $0x1  }
0x337: {  	v62 =	vor.u32 $0x2, v11;
	v0 =	vadd.f32 v1, v0;
	_ =	sdelay $0x1  }
0x338: {  	v3 =	vor.u32 $0x4, v11;
	[tilespmem:v61+s25+$0x0] =	vst.idx.msk $0xffff, v0  }
0x339: {  	v0 =	vor.u32 $0x3, v11;
	v6 =	vld.idx.msk [tilespmem:v6+s21+$0x0], $0xffff  }
0x33a: {  	v5 =	vor.u32 $0x5, v11;
	v4 =	vld.idx.msk [tilespmem:v11+s21+$0x0], $0xffff  }
0x33b: {  	v61 =	vor.u32 $0x6, v11;
	v2 =	vld.idx.msk [tilespmem:v62+s21+$0x0], $0xffff  }
0x33c: {  	v1 =	vor.u32 $0x8, v11;
	v62 =	vld.idx.msk [tilespmem:v58+s22+$0x0], $0xffff  }
0x33d: {  	v63 =	vor.u32 $0x7, v11;
	v3 =	vld.idx.msk [tilespmem:v3+s21+$0x0], $0xffff  }
0x33e: {  	v0 =	vld.idx.msk [tilespmem:v0+s21+$0x0], $0xffff  }
0x33f: {  	v5 =	vld.idx.msk [tilespmem:v5+s21+$0x0], $0xffff;
	v4 =	vmul.f32 v4, v18  }
0x340: {  	v61 =	vld.idx.msk [tilespmem:v61+s21+$0x0], $0xffff  }
0x341: {  	v1 =	vld.idx.msk [tilespmem:v1+s21+$0x0], $0xffff;
	v2 =	vmul.f32 v2, v17;
	v4 =	vadd.f32 v4, v62  }
0x342: {  	v6 =	vmul.f32 v6, v14;
	v62 =	vld.idx.msk [tilespmem:v63+s21+$0x0], $0xffff  }
0x343: {  	v3 =	vmul.f32 v3, v15;
	v0 =	vmul.f32 v0, v16;
	v2 =	vadd.f32 v2, v4  }
0x344: {  	v63 =	vmul.f32 v5, v13  }
0x345: {  	v0 =	vadd.f32 v0, v6;
	v2 =	vadd.f32 v3, v2;
	v6 =	vmul.f32 v61, v12  }
0x346: {  	v1 =	vmul.f32 v1, v8  }
0x347: {  	v61 =	vmul.f32 v62, v7;
	v0 =	vadd.f32 v63, v0;
	v2 =	vadd.f32 v6, v2;
	_ =	sdelay $0x1  }
0x348: {  	v0 =	vadd.f32 v61, v0;
	v1 =	vadd.f32 v1, v2;
	_ =	sdelay $0x1  }
0x349: {  	v62 =	vor.u32 $0x12, v11;
	v0 =	vadd.f32 v1, v0;
	_ =	sdelay $0x1  }
0x34a: {  	v63 =	vor.u32 $0x13, v11;
	[tilespmem:v58+s25+$0x0] =	vst.idx.msk $0xffff, v0  }
0x34b: {  	v5 =	vor.u32 $0x15, v11;
	v2 =	vld.idx.msk [tilespmem:v59+s21+$0x0], $0xffff  }
0x34c: {  	v3 =	vor.u32 $0x14, v11;
	v4 =	vld.idx.msk [tilespmem:v60+s21+$0x0], $0xffff  }
0x34d: {  	v6 =	vor.u32 $0x16, v11;
	v1 =	vld.idx.msk [tilespmem:v62+s21+$0x0], $0xffff  }
0x34e: {  	v58 =	vld.idx.msk [tilespmem:v54+s22+$0x0], $0xffff;
	v59 =	vor.u32 $0x17, v11  }
0x34f: {  	v61 =	vor.u32 $0x19, v11;
	v0 =	vld.idx.msk [tilespmem:v63+s21+$0x0], $0xffff  }
0x350: {  	v60 =	vor.u32 $0x18, v11;
	v5 =	vld.idx.msk [tilespmem:v5+s21+$0x0], $0xffff  }
0x351: {  	v3 =	vld.idx.msk [tilespmem:v3+s21+$0x0], $0xffff;
	v2 =	vmul.f32 v2, v18  }
0x352: {  	v6 =	vld.idx.msk [tilespmem:v6+s21+$0x0], $0xffff  }
0x353: {  	v1 =	vmul.f32 v1, v17;
	v2 =	vadd.f32 v2, v58;
	v58 =	vld.idx.msk [tilespmem:v59+s21+$0x0], $0xffff  }
0x354: {  	v61 =	vld.idx.msk [tilespmem:v61+s21+$0x0], $0xffff;
	v4 =	vmul.f32 v4, v14;
	v0 =	vmul.f32 v0, v16  }
0x355: {  	v62 =	vmul.f32 v5, v13;
	v59 =	vld.idx.msk [tilespmem:v60+s21+$0x0], $0xffff  }
0x356: {  	v60 =	vmul.f32 v3, v15;
	v0 =	vadd.f32 v0, v4;
	v1 =	vadd.f32 v1, v2  }
0x357: {  	v63 =	vmul.f32 v6, v12  }
0x358: {  	v0 =	vadd.f32 v62, v0;
	v1 =	vadd.f32 v60, v1;
	v58 =	vmul.f32 v58, v7  }
0x359: {  	v3 =	vmul.f32 v61, v10  }
0x35a: {  	v60 =	vmul.f32 v59, v8;
	v1 =	vadd.f32 v63, v1;
	v0 =	vadd.f32 v58, v0;
	_ =	sdelay $0x1  }
0x35b: {  	v1 =	vadd.f32 v60, v1;
	v0 =	vadd.f32 v3, v0;
	_ =	sdelay $0x1  }
0x35c: {  	v0 =	vadd.f32 v0, v1;
	_ =	sdelay $0x1  }
0x35d: {  	v61 =	vor.u32 $0x23, v11;
	[tilespmem:v54+s25+$0x0] =	vst.idx.msk $0xffff, v0  }
0x35e: {  	v62 =	vor.u32 $0x24, v11;
	v1 =	vld.idx.msk [tilespmem:v44+s22+$0x0], $0xffff  }
0x35f: {  	v63 =	vor.u32 $0x25, v11;
	v3 =	vld.idx.msk [tilespmem:v56+s21+$0x0], $0xffff  }
0x360: {  	v6 =	vor.u32 $0x26, v11;
	v5 =	vld.idx.msk [tilespmem:v57+s21+$0x0], $0xffff  }
0x361: {  	v60 =	vor.u32 $0x27, v11;
	v54 =	vld.idx.msk [tilespmem:v55+s21+$0x0], $0xffff  }
0x362: {  	v0 =	vld.idx.msk [tilespmem:v61+s21+$0x0], $0xffff;
	v61 =	vor.u32 $0x28, v11  }
0x363: {  	v2 =	vld.idx.msk [tilespmem:v62+s21+$0x0], $0xffff;
	v62 =	vor.u32 $0x29, v11  }
0x364: {  	v4 =	vld.idx.msk [tilespmem:v63+s21+$0x0], $0xffff;
	v63 =	vor.u32 $0x2A, v11;
	v3 =	vmul.f32 v3, v18  }
0x365: {  	v6 =	vld.idx.msk [tilespmem:v6+s21+$0x0], $0xffff  }
0x366: {  	v60 =	vld.idx.msk [tilespmem:v60+s21+$0x0], $0xffff;
	v59 =	vmul.f32 v54, v17;
	v1 =	vadd.f32 v3, v1  }
0x367: {  	v5 =	vmul.f32 v5, v14;
	v61 =	vld.idx.msk [tilespmem:v61+s21+$0x0], $0xffff  }
0x368: {  	v0 =	vmul.f32 v0, v16;
	v2 =	vmul.f32 v2, v15;
	v62 =	vld.idx.msk [tilespmem:v62+s21+$0x0], $0xffff;
	v1 =	vadd.f32 v59, v1  }
0x369: {  	v4 =	vmul.f32 v4, v13;
	v63 =	vld.idx.msk [tilespmem:v63+s21+$0x0], $0xffff  }
0x36a: {  	v56 =	vmul.f32 v6, v12;
	v0 =	vadd.f32 v0, v5;
	v1 =	vadd.f32 v2, v1  }
0x36b: {  	v57 =	vmul.f32 v60, v7  }
0x36c: {  	v0 =	vadd.f32 v4, v0;
	v58 =	vmul.f32 v61, v8;
	v1 =	vadd.f32 v56, v1  }
0x36d: {  	v59 =	vmul.f32 v62, v10  }
0x36e: {  	v60 =	vmul.f32 v63, v19;
	v0 =	vadd.f32 v57, v0;
	v1 =	vadd.f32 v58, v1;
	_ =	sdelay $0x1  }
0x36f: {  	v0 =	vadd.f32 v59, v0;
	v1 =	vadd.f32 v60, v1;
	_ =	sdelay $0x1  }
0x370: {  	v0 =	vadd.f32 v1, v0;
	_ =	sdelay $0x1  }
0x371: {  	[tilespmem:v44+s25+$0x0] =	vst.idx.msk $0xffff, v0  }
0x372: {  	v61 =	vor.u32 $0x34, v11;
	v0 =	vld.idx.msk [tilespmem:v30+s22+$0x0], $0xffff  }
0x373: {  	v63 =	vor.u32 $0x35, v11;
	v62 =	vld.idx.msk [tilespmem:v52+s21+$0x0], $0xffff  }
0x374: {  	v56 =	vor.u32 $0x36, v11;
	v4 =	vld.idx.msk [tilespmem:v53+s21+$0x0], $0xffff  }
0x375: {  	v58 =	vor.u32 $0x37, v11;
	v57 =	vld.idx.msk [tilespmem:v50+s21+$0x0], $0xffff  }
0x376: {  	v59 =	vld.idx.msk [tilespmem:v51+s21+$0x0], $0xffff  }
0x377: {  	v1 =	vld.idx.msk [tilespmem:v61+s21+$0x0], $0xffff;
	v61 =	vor.u32 $0x39, v11  }
0x378: {  	v60 =	vor.u32 $0x38, v11;
	v3 =	vld.idx.msk [tilespmem:v63+s21+$0x0], $0xffff  }
0x379: {  	v5 =	vld.idx.msk [tilespmem:v56+s21+$0x0], $0xffff;
	v2 =	vmul.f32 v62, v18;
	v62 =	vor.u32 $0x3A, v11  }
0x37a: {  	v63 =	vor.u32 $0x3B, v11;
	v56 =	vld.idx.msk [tilespmem:v58+s21+$0x0], $0xffff;
	v55 =	vmul.f32 v57, v17  }
0x37b: {  	v4 =	vmul.f32 v4, v14;
	v57 =	vmul.f32 v59, v16  }
0x37c: {  	v59 =	vld.idx.msk [tilespmem:v61+s21+$0x0], $0xffff;
	v0 =	vadd.f32 v2, v0  }
0x37d: {  	v58 =	vld.idx.msk [tilespmem:v60+s21+$0x0], $0xffff;
	v3 =	vmul.f32 v3, v13;
	v4 =	vadd.f32 v57, v4  }
0x37e: {  	v1 =	vmul.f32 v1, v15;
	v0 =	vadd.f32 v55, v0;
	v60 =	vld.idx.msk [tilespmem:v62+s21+$0x0], $0xffff  }
0x37f: {  	v3 =	vadd.f32 v3, v4;
	v62 =	vld.idx.msk [tilespmem:v63+s21+$0x0], $0xffff;
	v63 =	vmul.f32 v56, v7  }
0x380: {  	v61 =	vmul.f32 v5, v12;
	v0 =	vadd.f32 v1, v0  }
0x381: {  	v2 =	vmul.f32 v59, v10;
	v3 =	vadd.f32 v63, v3  }
0x382: {  	v51 =	vmul.f32 v58, v8;
	v0 =	vadd.f32 v61, v0  }
0x383: {  	v52 =	vadd.f32 v2, v3  }
0x384: {  	v0 =	vadd.f32 v51, v0;
	v53 =	vmul.f32 v60, v19;
	v54 =	vmul.f32 v62, v20;
	_ =	sdelay $0x1  }
0x385: {  	v0 =	vadd.f32 v53, v0;
	v1 =	vadd.f32 v54, v52;
	_ =	sdelay $0x1  }
0x386: {  	v0 =	vadd.f32 v1, v0;
	_ =	sdelay $0x1  }
0x387: {  	[tilespmem:v30+s25+$0x0] =	vst.idx.msk $0xffff, v0  }
0x388: {  	v0 =	vld.idx.msk [tilespmem:v21+s22+$0x0], $0xffff  }
0x389: {  	v56 =	vor.u32 $0x45, v11;
	v55 =	vld.idx.msk [tilespmem:v48+s21+$0x0], $0xffff  }
0x38a: {  	v58 =	vor.u32 $0x46, v11;
	v57 =	vld.idx.msk [tilespmem:v49+s21+$0x0], $0xffff  }
0x38b: {  	v61 =	vor.u32 $0x48, v11;
	v59 =	vld.idx.msk [tilespmem:v45+s21+$0x0], $0xffff  }
0x38c: {  	v60 =	vor.u32 $0x47, v11;
	v30 =	vld.idx.msk [tilespmem:v46+s21+$0x0], $0xffff  }
0x38d: {  	v63 =	vor.u32 $0x49, v11;
	v62 =	vld.idx.msk [tilespmem:v47+s21+$0x0], $0xffff  }
0x38e: {  	v52 =	vor.u32 $0x4A, v11;
	v2 =	vld.idx.msk [tilespmem:v56+s21+$0x0], $0xffff;
	v1 =	vmul.f32 v55, v18  }
0x38f: {  	v53 =	vor.u32 $0x4B, v11;
	v4 =	vld.idx.msk [tilespmem:v58+s21+$0x0], $0xffff  }
0x390: {  	v56 =	vor.u32 $0x4C, v11;
	v44 =	vld.idx.msk [tilespmem:v61+s21+$0x0], $0xffff;
	v54 =	vmul.f32 v59, v17;
	v0 =	vadd.f32 v1, v0  }
0x391: {  	v55 =	vld.idx.msk [tilespmem:v60+s21+$0x0], $0xffff;
	v3 =	vmul.f32 v57, v14  }
0x392: {  	v58 =	vld.idx.msk [tilespmem:v63+s21+$0x0], $0xffff;
	v30 =	vmul.f32 v30, v16;
	v57 =	vmul.f32 v62, v15;
	v0 =	vadd.f32 v54, v0  }
0x393: {  	v2 =	vmul.f32 v2, v13;
	v59 =	vld.idx.msk [tilespmem:v52+s21+$0x0], $0xffff  }
0x394: {  	v61 =	vld.idx.msk [tilespmem:v53+s21+$0x0], $0xffff;
	v60 =	vmul.f32 v4, v12;
	v3 =	vadd.f32 v30, v3;
	v0 =	vadd.f32 v57, v0  }
0x395: {  	v63 =	vld.idx.msk [tilespmem:v56+s21+$0x0], $0xffff;
	v44 =	vmul.f32 v44, v8  }
0x396: {  	v2 =	vadd.f32 v2, v3;
	v62 =	vmul.f32 v55, v7;
	v0 =	vadd.f32 v60, v0  }
0x397: {  	v45 =	vmul.f32 v58, v10  }
0x398: {  	v46 =	vmul.f32 v59, v19;
	v2 =	vadd.f32 v62, v2;
	v0 =	vadd.f32 v44, v0  }
0x399: {  	v47 =	vmul.f32 v61, v20  }
0x39a: {  	v48 =	vmul.f32 v63, v31;
	v2 =	vadd.f32 v45, v2;
	v0 =	vadd.f32 v46, v0;
	_ =	sdelay $0x1  }
0x39b: {  	v1 =	vadd.f32 v47, v2;
	v0 =	vadd.f32 v48, v0;
	_ =	sdelay $0x1  }
0x39c: {  	v0 =	vadd.f32 v0, v1;
	_ =	sdelay $0x1  }
0x39d: {  	[tilespmem:v21+s25+$0x0] =	vst.idx.msk $0xffff, v0  }
0x39e: {  	v0 =	vld.idx.msk [tilespmem:v32+s22+$0x0], $0xffff  }
0x39f: {  	v49 =	vld.idx.msk [tilespmem:v39+s21+$0x0], $0xffff  }
0x3a0: {  	v51 =	vor.u32 $0x56, v11;
	v50 =	vld.idx.msk [tilespmem:v43+s21+$0x0], $0xffff  }
0x3a1: {  	v53 =	vor.u32 $0x57, v11;
	v52 =	vld.idx.msk [tilespmem:v40+s21+$0x0], $0xffff  }
0x3a2: {  	v55 =	vor.u32 $0x58, v11;
	v54 =	vld.idx.msk [tilespmem:v41+s21+$0x0], $0xffff  }
0x3a3: {  	v57 =	vor.u32 $0x59, v11;
	v56 =	vld.idx.msk [tilespmem:v42+s21+$0x0], $0xffff  }
0x3a4: {  	v58 =	vor.u32 $0x5A, v11;
	v38 =	vld.idx.msk [tilespmem:v38+s21+$0x0], $0xffff  }
0x3a5: {  	v59 =	vor.u32 $0x5B, v11;
	v3 =	vld.idx.msk [tilespmem:v51+s21+$0x0], $0xffff  }
0x3a6: {  	v62 =	vor.u32 $0x5C, v11;
	v61 =	vld.idx.msk [tilespmem:v53+s21+$0x0], $0xffff;
	v1 =	vmul.f32 v49, v18  }
0x3a7: {  	v63 =	vor.u32 $0x5D, v11;
	v21 =	vld.idx.msk [tilespmem:v55+s21+$0x0], $0xffff;
	v60 =	vmul.f32 v52, v17  }
0x3a8: {  	v44 =	vld.idx.msk [tilespmem:v57+s21+$0x0], $0xffff;
	v2 =	vmul.f32 v50, v14;
	v6 =	vmul.f32 v54, v16;
	v0 =	vadd.f32 v1, v0  }
0x3a9: {  	v46 =	vld.idx.msk [tilespmem:v58+s21+$0x0], $0xffff;
	v43 =	vmul.f32 v56, v15  }
0x3aa: {  	v48 =	vld.idx.msk [tilespmem:v59+s21+$0x0], $0xffff;
	v45 =	vmul.f32 v38, v13;
	v2 =	vadd.f32 v6, v2;
	v0 =	vadd.f32 v60, v0  }
0x3ab: {  	v5 =	vld.idx.msk [tilespmem:v62+s21+$0x0], $0xffff;
	v47 =	vmul.f32 v3, v12  }
0x3ac: {  	v4 =	vmul.f32 v61, v7;
	v50 =	vld.idx.msk [tilespmem:v63+s21+$0x0], $0xffff;
	v2 =	vadd.f32 v45, v2;
	v0 =	vadd.f32 v43, v0  }
0x3ad: {  	v49 =	vmul.f32 v21, v8;
	v38 =	vld [tilespmem:$0x1FEE0]  }
0x3ae: {  	v51 =	vmul.f32 v44, v10;
	v2 =	vadd.f32 v4, v2;
	v0 =	vadd.f32 v47, v0  }
0x3af: {  	v52 =	vmul.f32 v46, v19  }
0x3b0: {  	v3 =	vmul.f32 v48, v20;
	v2 =	vadd.f32 v51, v2;
	v0 =	vadd.f32 v49, v0  }
0x3b1: {  	v54 =	vmul.f32 v5, v31  }
0x3b2: {  	v55 =	vmul.f32 v50, v38;
	v53 =	vadd.f32 v3, v2;
	v0 =	vadd.f32 v52, v0;
	_ =	sdelay $0x1  }
0x3b3: {  	v1 =	vadd.f32 v55, v53;
	v0 =	vadd.f32 v54, v0  }
0x3b4: {  	v39 =	vld [tilespmem:$0x1FEF0]  }
0x3b5: {  	v0 =	vadd.f32 v1, v0;
	_ =	sdelay $0x1  }
0x3b6: {  	[tilespmem:v32+s25+$0x0] =	vst.idx.msk $0xffff, v0  }
0x3b7: {  	v58 =	vld.idx.msk [tilespmem:v35+s21+$0x0], $0xffff  }
0x3b8: {  	v35 =	vld [tilespmem:$0x1FF00]  }
0x3b9: {  	v32 =	vld [tilespmem:$0x1FF10]  }
0x3ba: {  	v56 =	vld.idx.msk [tilespmem:v9+s21+$0x0], $0xffff  }
0x3bb: {  	v0 =	vld.idx.msk [tilespmem:v39+s22+$0x0], $0xffff  }
0x3bc: {  	v59 =	vor.u32 $0x67, v11;
	v57 =	vld.idx.msk [tilespmem:v34+s21+$0x0], $0xffff  }
0x3bd: {  	v61 =	vor.u32 $0x68, v11;
	v60 =	vld.idx.msk [tilespmem:v36+s21+$0x0], $0xffff  }
0x3be: {  	v63 =	vor.u32 $0x69, v11;
	v62 =	vld.idx.msk [tilespmem:v37+s21+$0x0], $0xffff  }
0x3bf: {  	v36 =	vor.u32 $0x6A, v11;
	v33 =	vld.idx.msk [tilespmem:v33+s21+$0x0], $0xffff;
	v1 =	vmul.f32 v56, v18  }
0x3c0: {  	v42 =	vor.u32 $0x6C, v11;
	v30 =	vld.idx.msk [tilespmem:v35+s21+$0x0], $0xffff  }
0x3c1: {  	v37 =	vor.u32 $0x6B, v11;
	v41 =	vld.idx.msk [tilespmem:v59+s21+$0x0], $0xffff;
	v40 =	vmul.f32 v58, v17;
	v0 =	vadd.f32 v1, v0  }
0x3c2: {  	v46 =	vor.u32 $0x6E, v11;
	v43 =	vor.u32 $0x6D, v11;
	v6 =	vld.idx.msk [tilespmem:v61+s21+$0x0], $0xffff;
	v2 =	vmul.f32 v57, v14  }
0x3c3: {  	v45 =	vld.idx.msk [tilespmem:v63+s21+$0x0], $0xffff;
	v5 =	vmul.f32 v60, v16;
	v44 =	vmul.f32 v62, v15;
	v0 =	vadd.f32 v40, v0  }
0x3c4: {  	v48 =	vld.idx.msk [tilespmem:v36+s21+$0x0], $0xffff;
	v49 =	vmul.f32 v33, v12  }
0x3c5: {  	v4 =	vld.idx.msk [tilespmem:v42+s21+$0x0], $0xffff;
	v2 =	vadd.f32 v5, v2;
	v0 =	vadd.f32 v44, v0;
	v47 =	vmul.f32 v30, v13  }
0x3c6: {  	v50 =	vld.idx.msk [tilespmem:v37+s21+$0x0], $0xffff;
	v3 =	vmul.f32 v41, v7  }
0x3c7: {  	v52 =	vld.idx.msk [tilespmem:v43+s21+$0x0], $0xffff;
	v51 =	vmul.f32 v6, v8;
	v0 =	vadd.f32 v49, v0;
	v2 =	vadd.f32 v47, v2  }
0x3c8: {  	v54 =	vld.idx.msk [tilespmem:v46+s21+$0x0], $0xffff;
	v53 =	vmul.f32 v45, v10  }
0x3c9: {  	v55 =	vmul.f32 v48, v19;
	v0 =	vadd.f32 v51, v0;
	v2 =	vadd.f32 v3, v2  }
0x3ca: {  	v57 =	vmul.f32 v4, v31  }
0x3cb: {  	v56 =	vmul.f32 v50, v20;
	v0 =	vadd.f32 v55, v0;
	v2 =	vadd.f32 v53, v2  }
0x3cc: {  	v58 =	vmul.f32 v52, v38;
	v30 =	vld [tilespmem:$0x1FF20]  }
0x3cd: {  	v59 =	vmul.f32 v54, v32;
	v0 =	vadd.f32 v57, v0;
	v2 =	vadd.f32 v56, v2;
	_ =	sdelay $0x1  }
0x3ce: {  	v0 =	vadd.f32 v59, v0;
	v1 =	vadd.f32 v58, v2;
	_ =	sdelay $0x1  }
0x3cf: {  	v0 =	vadd.f32 v0, v1;
	_ =	sdelay $0x1  }
0x3d0: {  	[tilespmem:v39+s25+$0x0] =	vst.idx.msk $0xffff, v0  }
0x3d1: {  	v0 =	vld.idx.msk [tilespmem:v30+s22+$0x0], $0xffff  }
0x3d2: {  	v60 =	vld.idx.msk [tilespmem:v23+s21+$0x0], $0xffff  }
0x3d3: {  	v61 =	vld.idx.msk [tilespmem:v24+s21+$0x0], $0xffff  }
0x3d4: {  	v62 =	vld.idx.msk [tilespmem:v25+s21+$0x0], $0xffff  }
0x3d5: {  	v34 =	vor.u32 $0x79, v11;
	v63 =	vld.idx.msk [tilespmem:v28+s21+$0x0], $0xffff  }
0x3d6: {  	v36 =	vor.u32 $0x7A, v11;
	v33 =	vld.idx.msk [tilespmem:v29+s21+$0x0], $0xffff  }
0x3d7: {  	v28 =	vor.u32 $0x78, v11;
	v35 =	vld.idx.msk [tilespmem:v26+s21+$0x0], $0xffff  }
0x3d8: {  	v42 =	vor.u32 $0x7C, v11;
	v37 =	vld.idx.msk [tilespmem:v27+s21+$0x0], $0xffff  }
0x3d9: {  	v39 =	vor.u32 $0x7B, v11;
	v41 =	vld.idx.msk [tilespmem:v22+s21+$0x0], $0xffff;
	v1 =	vmul.f32 v60, v18  }
0x3da: {  	v43 =	vor.u32 $0x7D, v11;
	v46 =	vor.u32 $0x7E, v11;
	v45 =	vld.idx.msk [tilespmem:v34+s21+$0x0], $0xffff;
	v40 =	vmul.f32 v62, v17  }
0x3db: {  	v48 =	vld.idx.msk [tilespmem:v36+s21+$0x0], $0xffff;
	v2 =	vmul.f32 v61, v14;
	v4 =	vmul.f32 v63, v16;
	v0 =	vadd.f32 v1, v0  }
0x3dc: {  	v11 =	vor.u32 $0x7F, v11;
	v5 =	vld.idx.msk [tilespmem:v28+s21+$0x0], $0xffff;
	v44 =	vmul.f32 v33, v15  }
0x3dd: {  	v51 =	vld.idx.msk [tilespmem:v42+s21+$0x0], $0xffff;
	v47 =	vmul.f32 v35, v13;
	v2 =	vadd.f32 v4, v2;
	v0 =	vadd.f32 v40, v0  }
0x3de: {  	v50 =	vld.idx.msk [tilespmem:v39+s21+$0x0], $0xffff;
	v49 =	vmul.f32 v37, v12  }
0x3df: {  	v53 =	vld.idx.msk [tilespmem:v43+s21+$0x0], $0xffff;
	v3 =	vmul.f32 v41, v7;
	v2 =	vadd.f32 v47, v2;
	v0 =	vadd.f32 v44, v0  }
0x3e0: {  	v55 =	vld.idx.msk [tilespmem:v46+s21+$0x0], $0xffff;
	v54 =	vmul.f32 v45, v10  }
0x3e1: {  	v57 =	vld.idx.msk [tilespmem:v11+s21+$0x0], $0xffff;
	v52 =	vmul.f32 v5, v8;
	v2 =	vadd.f32 v3, v2;
	v0 =	vadd.f32 v49, v0  }
0x3e2: {  	v56 =	vmul.f32 v48, v19;
	v63 =	vld [tilespmem:$0x1FF30]  }
0x3e3: {  	v58 =	vmul.f32 v50, v20;
	v2 =	vadd.f32 v54, v2;
	v0 =	vadd.f32 v52, v0  }
0x3e4: {  	v59 =	vmul.f32 v51, v31  }
0x3e5: {  	v60 =	vmul.f32 v53, v38;
	v2 =	vadd.f32 v58, v2;
	v0 =	vadd.f32 v56, v0  }
0x3e6: {  	v62 =	vmul.f32 v55, v32  }
0x3e7: {  	v3 =	vmul.f32 v57, v63;
	v61 =	vadd.f32 v60, v2;
	v0 =	vadd.f32 v59, v0  }
0x3e8: {  	p0 =	sne.s32 s28, $0x70  }
.Ltmp2:
0x3e9: {  	v1 =	vadd.f32 v3, v61;
	v0 =	vadd.f32 v62, v0;
	(pc) =	sbr.rel @p0 .LBB2_6-.Ltmp2, $3  }
0x3ea: {  	_ = 	snop  }
0x3eb: {  	v0 =	vadd.f32 v1, v0;
	_ =	sdelay $0x1  }
0x3ec: {  	s28 =	sadd.s32 $0x10, s28;
	[tilespmem:v30+s25+$0x0] =	vst.idx.msk $0xffff, v0  }
0x3ed: {  	s28 =	simm.s32 $0x0  }
0x3ee: {  	[hbm4b:s14+s28] =	stream.linear.scatter [tilespmem:s25], [sflag:$0x2], $0x800, $0x38;
	[tilespmem:$0x9880] =	vst v63  }
0x3ef: {  	_ =	swait.ge [sflag:s19], $0x800  }
0x3f0: {  	[sflag:s19] =	ssyncset.done $0x0  }
0x3f1: {  	[sflag:s19] =	ssyncadd.s32 $0xFFFFF800  }
0x3f2: {  	[tilespmem:s28], [sflag:$0x2] =	stream.linear.gather [hbm4b:s15+s28], $0x80, $0x38;
	[tilespmem:$0x9880] =	vst v63  }
0x3f3: {  	_ =	swait.ge [sflag:s19], $0x80  }
0x3f4: {  	[sflag:s19] =	ssyncset.done $0x0  }
0x3f5: {  	[sflag:s19] =	ssyncadd.s32 $0xFFFFFF80  }
0x3f6: {  	[tilespmem:s20], [sflag:$0x1] =	stream.indirect.gather [hbm4b:s4+s20], $0x80, s28, s20, $0xb8;
	[tilespmem:$0x9880] =	vst v63  }
0x3f7: {  	_ = 	snop  }
0x3f8: {  	[tilespmem:s21], [sflag:$0x1] =	stream.indirect.gather [hbm4b:s5+s20], $0x80, s28, s20, $0xb8;
	[tilespmem:$0x9880] =	vst v63  }
0x3f9: {  	_ = 	snop  }
0x3fa: {  	[tilespmem:s22], [sflag:$0x1] =	stream.indirect.gather [hbm4b:s3+s20], $0x10, s28, s20, $0xb8;
	[tilespmem:$0x9880] =	vst v63  }
0x3fb: {  	_ = 	snop  }
0x3fc: {  	[tilespmem:s23], [sflag:$0x2] =	stream.linear.gather [hbm4b:s16+s28], $0x800, $0x38;
	[tilespmem:$0x9880] =	vst v63  }
0x3fd: {  	_ =	swait.ge [sflag:s19], $0x800  }
0x3fe: {  	[sflag:s19] =	ssyncset.done $0x0  }
0x3ff: {  	[sflag:s19] =	ssyncadd.s32 $0xFFFFF800  }
0x400: {  	_ =	swait.ge [sflag:s24], $0x4000  }
0x401: {  	[sflag:s24] =	ssyncset.done $0x0  }
0x402: {  	[sflag:s24] =	ssyncadd.s32 $0xFFFFC000  }
0x403: {  	_ =	swait.ge [sflag:s24], $0x4000  }
0x404: {  	[sflag:s24] =	ssyncset.done $0x0  }
0x405: {  	[sflag:s24] =	ssyncadd.s32 $0xFFFFC000  }
0x406: {  	_ =	swait.ge [sflag:s24], $0x800  }
0x407: {  	[sflag:s24] =	ssyncset.done $0x0  }
0x408: {  	[sflag:s24] =	ssyncadd.s32 $0xFFFFF800  }
.LBB2_8:
0x409: {  	v0 =	vlaneseq.u32  }
0x40a: {  	v0 =	vor.u32 s28, v0  }
0x40b: {  	v23 =	vshll.u32 v0, $0x4  }
0x40c: {  	v11 =	vshll.u32 v0, $0x7;
	_ =	sdelay $0x1  }
0x40d: {  	v24 =	vor.u32 $0x1, v23  }
0x40e: {  	v25 =	vor.u32 $0x2, v23  }
0x40f: {  	v26 =	vor.u32 $0x3, v23;
	v18 =	vld.idx.msk [tilespmem:v23+s23+$0x0], $0xffff  }
0x410: {  	v27 =	vor.u32 $0x4, v23;
	v0 =	vld.idx.msk [tilespmem:v11+s20+$0x0], $0xffff  }
0x411: {  	v28 =	vor.u32 $0x5, v23;
	v9 =	vld.idx.msk [tilespmem:v23+s22+$0x0], $0xffff  }
0x412: {  	v22 =	vor.u32 $0x6, v23;
	v14 =	vld.idx.msk [tilespmem:v24+s23+$0x0], $0xffff  }
0x413: {  	v61 =	vor.u32 $0x7, v23;
	v17 =	vld.idx.msk [tilespmem:v25+s23+$0x0], $0xffff  }
0x414: {  	v58 =	vor.u32 $0x8, v23;
	v16 =	vld.idx.msk [tilespmem:v26+s23+$0x0], $0xffff  }
0x415: {  	v32 =	vor.u32 $0xD, v23;
	v15 =	vld.idx.msk [tilespmem:v27+s23+$0x0], $0xffff  }
0x416: {  	v54 =	vor.u32 $0x9, v23;
	v13 =	vld.idx.msk [tilespmem:v28+s23+$0x0], $0xffff  }
0x417: {  	v44 =	vor.u32 $0xA, v23;
	v12 =	vld.idx.msk [tilespmem:v22+s23+$0x0], $0xffff  }
0x418: {  	v30 =	vor.u32 $0xB, v23;
	v7 =	vld.idx.msk [tilespmem:v61+s23+$0x0], $0xffff  }
0x419: {  	v21 =	vor.u32 $0xC, v23;
	v8 =	vld.idx.msk [tilespmem:v58+s23+$0x0], $0xffff  }
0x41a: {  	v2 =	vor.u32 $0xE, v23;
	v3 =	vld.idx.msk [tilespmem:v32+s23+$0x0], $0xffff  }
0x41b: {  	v1 =	vor.u32 $0xF, v23;
	v10 =	vld.idx.msk [tilespmem:v54+s23+$0x0], $0xffff  }
0x41c: {  	v59 =	vor.u32 $0x10, v11;
	v19 =	vld.idx.msk [tilespmem:v44+s23+$0x0], $0xffff;
	v0 =	vmul.f32 v0, v18  }
0x41d: {  	v20 =	vld.idx.msk [tilespmem:v30+s23+$0x0], $0xffff  }
0x41e: {  	v60 =	vor.u32 $0x11, v11;
	[tilespmem:$0x1FE90] =	vst v2;
	v31 =	vld.idx.msk [tilespmem:v21+s23+$0x0], $0xffff;
	v0 =	vadd.f32 v0, v9  }
0x41f: {  	[tilespmem:$0x1FE80] =	vst v3;
	v3 =	vld.idx.msk [tilespmem:v2+s23+$0x0], $0xffff  }
0x420: {  	v2 =	vld.idx.msk [tilespmem:v1+s23+$0x0], $0xffff;
	[tilespmem:v23+s25+$0x0] =	vst.idx.msk $0xffff, v0  }
0x421: {  	v0 =	vld.idx.msk [tilespmem:v59+s20+$0x0], $0xffff  }
0x422: {  	v23 =	vld.idx.msk [tilespmem:v24+s22+$0x0], $0xffff  }
0x423: {  	v29 =	vld.idx.msk [tilespmem:v60+s20+$0x0], $0xffff;
	_ =	sdelay $0x2  }
0x424: {  	v0 =	vmul.f32 v0, v18;
	_ =	sdelay $0x1  }
0x425: {  	v56 =	vor.u32 $0x20, v11;
	v6 =	vmul.f32 v29, v14;
	v0 =	vadd.f32 v0, v23;
	_ =	sdelay $0x1  }
0x426: {  	v55 =	vor.u32 $0x22, v11;
	v0 =	vadd.f32 v6, v0;
	_ =	sdelay $0x1  }
0x427: {  	v57 =	vor.u32 $0x21, v11;
	[tilespmem:v24+s25+$0x0] =	vst.idx.msk $0xffff, v0  }
0x428: {  	v0 =	vld.idx.msk [tilespmem:v56+s20+$0x0], $0xffff  }
0x429: {  	v9 =	vld.idx.msk [tilespmem:v25+s22+$0x0], $0xffff  }
0x42a: {  	v24 =	vld.idx.msk [tilespmem:v55+s20+$0x0], $0xffff;
	_ =	sdelay $0x1  }
0x42b: {  	v33 =	vld.idx.msk [tilespmem:v57+s20+$0x0], $0xffff  }
0x42c: {  	v0 =	vmul.f32 v0, v18;
	_ =	sdelay $0x1  }
0x42d: {  	v34 =	vmul.f32 v24, v17;
	v0 =	vadd.f32 v0, v9;
	_ =	sdelay $0x1  }
0x42e: {  	v35 =	vmul.f32 v33, v14;
	v0 =	vadd.f32 v34, v0  }
0x42f: {  	v52 =	vor.u32 $0x30, v11  }
0x430: {  	v53 =	vor.u32 $0x31, v11;
	v0 =	vadd.f32 v0, v35  }
0x431: {  	v50 =	vor.u32 $0x32, v11  }
0x432: {  	v51 =	vor.u32 $0x33, v11;
	[tilespmem:v25+s25+$0x0] =	vst.idx.msk $0xffff, v0  }
0x433: {  	v0 =	vld.idx.msk [tilespmem:v26+s22+$0x0], $0xffff  }
0x434: {  	v36 =	vld.idx.msk [tilespmem:v52+s20+$0x0], $0xffff  }
0x435: {  	v37 =	vld.idx.msk [tilespmem:v53+s20+$0x0], $0xffff  }
0x436: {  	v25 =	vld.idx.msk [tilespmem:v50+s20+$0x0], $0xffff  }
0x437: {  	v38 =	vld.idx.msk [tilespmem:v51+s20+$0x0], $0xffff;
	_ =	sdelay $0x2  }
0x438: {  	v23 =	vmul.f32 v36, v18  }
0x439: {  	v24 =	vmul.f32 v37, v14  }
0x43a: {  	v39 =	vmul.f32 v25, v17;
	v40 =	vmul.f32 v38, v16;
	v0 =	vadd.f32 v23, v0;
	_ =	sdelay $0x1  }
0x43b: {  	v41 =	vadd.f32 v40, v24;
	v0 =	vadd.f32 v39, v0  }
0x43c: {  	v48 =	vor.u32 $0x40, v11  }
0x43d: {  	v49 =	vor.u32 $0x41, v11;
	v0 =	vadd.f32 v41, v0  }
0x43e: {  	v45 =	vor.u32 $0x42, v11  }
0x43f: {  	v46 =	vor.u32 $0x43, v11;
	[tilespmem:v26+s25+$0x0] =	vst.idx.msk $0xffff, v0  }
0x440: {  	v47 =	vor.u32 $0x44, v11;
	v0 =	vld.idx.msk [tilespmem:v27+s22+$0x0], $0xffff  }
0x441: {  	v42 =	vld.idx.msk [tilespmem:v48+s20+$0x0], $0xffff  }
0x442: {  	v43 =	vld.idx.msk [tilespmem:v49+s20+$0x0], $0xffff  }
0x443: {  	v62 =	vld.idx.msk [tilespmem:v45+s20+$0x0], $0xffff  }
0x444: {  	v26 =	vld.idx.msk [tilespmem:v46+s20+$0x0], $0xffff  }
0x445: {  	v63 =	vld.idx.msk [tilespmem:v47+s20+$0x0], $0xffff  }
0x446: {  	v23 =	vmul.f32 v42, v18;
	_ =	sdelay $0x1  }
0x447: {  	v4 =	vmul.f32 v62, v17;
	v0 =	vadd.f32 v23, v0  }
0x448: {  	v24 =	vmul.f32 v43, v14  }
0x449: {  	v5 =	vmul.f32 v26, v16;
	v6 =	vmul.f32 v63, v15;
	v0 =	vadd.f32 v4, v0;
	_ =	sdelay $0x1  }
0x44a: {  	v23 =	vadd.f32 v5, v24;
	v0 =	vadd.f32 v6, v0  }
0x44b: {  	v39 =	vor.u32 $0x50, v11  }
0x44c: {  	v43 =	vor.u32 $0x51, v11;
	v0 =	vadd.f32 v0, v23  }
0x44d: {  	v40 =	vor.u32 $0x52, v11  }
0x44e: {  	v41 =	vor.u32 $0x53, v11;
	[tilespmem:v27+s25+$0x0] =	vst.idx.msk $0xffff, v0  }
0x44f: {  	v42 =	vor.u32 $0x54, v11;
	v0 =	vld.idx.msk [tilespmem:v28+s22+$0x0], $0xffff  }
0x450: {  	v38 =	vor.u32 $0x55, v11;
	v9 =	vld.idx.msk [tilespmem:v39+s20+$0x0], $0xffff  }
0x451: {  	v33 =	vld.idx.msk [tilespmem:v43+s20+$0x0], $0xffff  }
0x452: {  	v34 =	vld.idx.msk [tilespmem:v40+s20+$0x0], $0xffff  }
0x453: {  	v35 =	vld.idx.msk [tilespmem:v41+s20+$0x0], $0xffff  }
0x454: {  	v27 =	vld.idx.msk [tilespmem:v42+s20+$0x0], $0xffff  }
0x455: {  	v36 =	vld.idx.msk [tilespmem:v38+s20+$0x0], $0xffff  }
0x456: {  	v23 =	vmul.f32 v9, v18  }
0x457: {  	v37 =	vmul.f32 v34, v17  }
0x458: {  	v24 =	vmul.f32 v33, v14;
	v62 =	vmul.f32 v35, v16;
	v0 =	vadd.f32 v23, v0  }
0x459: {  	v4 =	vmul.f32 v27, v15  }
0x45a: {  	v5 =	vmul.f32 v36, v13;
	v63 =	vadd.f32 v62, v24;
	v0 =	vadd.f32 v37, v0;
	_ =	sdelay $0x1  }
0x45b: {  	v23 =	vadd.f32 v5, v63;
	v0 =	vadd.f32 v4, v0  }
0x45c: {  	v9 =	vor.u32 $0x60, v11  }
0x45d: {  	v34 =	vor.u32 $0x61, v11;
	v0 =	vadd.f32 v23, v0  }
0x45e: {  	v35 =	vor.u32 $0x62, v11  }
0x45f: {  	v36 =	vor.u32 $0x63, v11;
	[tilespmem:v28+s25+$0x0] =	vst.idx.msk $0xffff, v0  }
0x460: {  	v37 =	vor.u32 $0x64, v11;
	v0 =	vld.idx.msk [tilespmem:v22+s22+$0x0], $0xffff  }
0x461: {  	[tilespmem:$0x1FEC0] =	vst v1;
	v1 =	vor.u32 $0x65, v11;
	v6 =	vld.idx.msk [tilespmem:v9+s20+$0x0], $0xffff  }
0x462: {  	v33 =	vor.u32 $0x66, v11;
	v24 =	vld.idx.msk [tilespmem:v34+s20+$0x0], $0xffff  }
0x463: {  	v62 =	vld.idx.msk [tilespmem:v35+s20+$0x0], $0xffff  }
0x464: {  	v63 =	vld.idx.msk [tilespmem:v36+s20+$0x0], $0xffff  }
0x465: {  	v4 =	vld.idx.msk [tilespmem:v37+s20+$0x0], $0xffff  }
0x466: {  	v28 =	vld.idx.msk [tilespmem:v1+s20+$0x0], $0xffff;
	v23 =	vmul.f32 v6, v18  }
0x467: {  	v5 =	vld.idx.msk [tilespmem:v33+s20+$0x0], $0xffff  }
0x468: {  	v6 =	vmul.f32 v62, v17;
	v0 =	vadd.f32 v23, v0  }
0x469: {  	v24 =	vmul.f32 v24, v14  }
0x46a: {  	v62 =	vmul.f32 v63, v16;
	v63 =	vmul.f32 v4, v15;
	v0 =	vadd.f32 v6, v0  }
0x46b: {  	v4 =	vmul.f32 v28, v13  }
0x46c: {  	v5 =	vmul.f32 v5, v12;
	v24 =	vadd.f32 v62, v24;
	v0 =	vadd.f32 v63, v0;
	_ =	sdelay $0x1  }
0x46d: {  	v24 =	vadd.f32 v4, v24;
	v0 =	vadd.f32 v5, v0  }
0x46e: {  	v23 =	vor.u32 $0x70, v11  }
0x46f: {  	v25 =	vor.u32 $0x72, v11;
	v0 =	vadd.f32 v0, v24  }
0x470: {  	v28 =	vor.u32 $0x73, v11  }
0x471: {  	v24 =	vor.u32 $0x71, v11;
	[tilespmem:v22+s25+$0x0] =	vst.idx.msk $0xffff, v0  }
0x472: {  	v29 =	vor.u32 $0x74, v11;
	v5 =	vld.idx.msk [tilespmem:v61+s22+$0x0], $0xffff  }
0x473: {  	v26 =	vor.u32 $0x75, v11;
	v62 =	vld.idx.msk [tilespmem:v23+s20+$0x0], $0xffff  }
0x474: {  	v27 =	vor.u32 $0x76, v11;
	v0 =	vld.idx.msk [tilespmem:v25+s20+$0x0], $0xffff  }
0x475: {  	[tilespmem:$0x1FEA0] =	vst v1;
	v22 =	vor.u32 $0x77, v11;
	v1 =	vld.idx.msk [tilespmem:v28+s20+$0x0], $0xffff  }
0x476: {  	v63 =	vld.idx.msk [tilespmem:v24+s20+$0x0], $0xffff  }
0x477: {  	[tilespmem:$0x1FED0] =	vst v2;
	v2 =	vld.idx.msk [tilespmem:v29+s20+$0x0], $0xffff  }
0x478: {  	[tilespmem:$0x1FEB0] =	vst v3;
	v3 =	vld.idx.msk [tilespmem:v26+s20+$0x0], $0xffff;
	v62 =	vmul.f32 v62, v18  }
0x479: {  	v4 =	vld.idx.msk [tilespmem:v27+s20+$0x0], $0xffff  }
0x47a: {  	v6 =	vld.idx.msk [tilespmem:v22+s20+$0x0], $0xffff;
	v0 =	vmul.f32 v0, v17;
	v5 =	vadd.f32 v62, v5  }
0x47b: {  	v1 =	vmul.f32 v1, v16;
	v63 =	vmul.f32 v63, v14  }
0x47c: {  	v2 =	vmul.f32 v2, v15;
	v0 =	vadd.f32 v0, v5  }
0x47d: {  	v3 =	vmul.f32 v3, v13;
	v1 =	vadd.f32 v1, v63  }
0x47e: {  	v0 =	vadd.f32 v2, v0  }
0x47f: {  	v1 =	vadd.f32 v3, v1;
	v2 =	vmul.f32 v4, v12;
	v3 =	vmul.f32 v6, v7;
	_ =	sdelay $0x1  }
0x480: {  	v0 =	vadd.f32 v2, v0;
	v1 =	vadd.f32 v3, v1;
	v2 =	vor.u32 $0x1, v11;
	_ =	sdelay $0x1  }
0x481: {  	v0 =	vadd.f32 v1, v0  }
0x482: {  	v1 =	vor.u32 $0x2, v11  }
0x483: {  	v3 =	vor.u32 $0x4, v11;
	[tilespmem:v61+s25+$0x0] =	vst.idx.msk $0xffff, v0  }
0x484: {  	v0 =	vor.u32 $0x3, v11;
	v6 =	vld.idx.msk [tilespmem:v2+s21+$0x0], $0xffff  }
0x485: {  	v5 =	vor.u32 $0x5, v11;
	v4 =	vld.idx.msk [tilespmem:v11+s21+$0x0], $0xffff  }
0x486: {  	v61 =	vor.u32 $0x6, v11;
	v62 =	vld.idx.msk [tilespmem:v58+s22+$0x0], $0xffff  }
0x487: {  	v2 =	vld.idx.msk [tilespmem:v1+s21+$0x0], $0xffff;
	v1 =	vor.u32 $0x8, v11  }
0x488: {  	v63 =	vor.u32 $0x7, v11;
	v3 =	vld.idx.msk [tilespmem:v3+s21+$0x0], $0xffff  }
0x489: {  	v0 =	vld.idx.msk [tilespmem:v0+s21+$0x0], $0xffff  }
0x48a: {  	v5 =	vld.idx.msk [tilespmem:v5+s21+$0x0], $0xffff;
	v4 =	vmul.f32 v4, v18  }
0x48b: {  	v61 =	vld.idx.msk [tilespmem:v61+s21+$0x0], $0xffff  }
0x48c: {  	v4 =	vadd.f32 v4, v62;
	v2 =	vmul.f32 v2, v17;
	v1 =	vld.idx.msk [tilespmem:v1+s21+$0x0], $0xffff  }
0x48d: {  	v6 =	vmul.f32 v6, v14;
	v62 =	vld.idx.msk [tilespmem:v63+s21+$0x0], $0xffff  }
0x48e: {  	v3 =	vmul.f32 v3, v15;
	v0 =	vmul.f32 v0, v16;
	v2 =	vadd.f32 v2, v4  }
0x48f: {  	v63 =	vmul.f32 v5, v13  }
0x490: {  	v0 =	vadd.f32 v0, v6;
	v2 =	vadd.f32 v3, v2;
	v3 =	vmul.f32 v61, v12  }
0x491: {  	v1 =	vmul.f32 v1, v8  }
0x492: {  	v0 =	vadd.f32 v63, v0;
	v2 =	vadd.f32 v3, v2;
	v3 =	vmul.f32 v62, v7;
	_ =	sdelay $0x1  }
0x493: {  	v0 =	vadd.f32 v3, v0;
	v1 =	vadd.f32 v1, v2;
	_ =	sdelay $0x1  }
0x494: {  	v0 =	vadd.f32 v1, v0  }
0x495: {  	v1 =	vor.u32 $0x12, v11  }
0x496: {  	[tilespmem:v58+s25+$0x0] =	vst.idx.msk $0xffff, v0;
	v0 =	vor.u32 $0x13, v11  }
0x497: {  	v3 =	vor.u32 $0x14, v11;
	v2 =	vld.idx.msk [tilespmem:v59+s21+$0x0], $0xffff  }
0x498: {  	v5 =	vor.u32 $0x15, v11;
	v4 =	vld.idx.msk [tilespmem:v60+s21+$0x0], $0xffff  }
0x499: {  	v6 =	vor.u32 $0x16, v11;
	v58 =	vld.idx.msk [tilespmem:v54+s22+$0x0], $0xffff  }
0x49a: {  	v59 =	vor.u32 $0x17, v11;
	v1 =	vld.idx.msk [tilespmem:v1+s21+$0x0], $0xffff  }
0x49b: {  	v60 =	vor.u32 $0x18, v11;
	v0 =	vld.idx.msk [tilespmem:v0+s21+$0x0], $0xffff  }
0x49c: {  	v61 =	vor.u32 $0x19, v11;
	v3 =	vld.idx.msk [tilespmem:v3+s21+$0x0], $0xffff  }
0x49d: {  	v5 =	vld.idx.msk [tilespmem:v5+s21+$0x0], $0xffff;
	v2 =	vmul.f32 v2, v18  }
0x49e: {  	v6 =	vld.idx.msk [tilespmem:v6+s21+$0x0], $0xffff  }
0x49f: {  	v2 =	vadd.f32 v2, v58;
	v1 =	vmul.f32 v1, v17;
	v58 =	vld.idx.msk [tilespmem:v59+s21+$0x0], $0xffff  }
0x4a0: {  	v4 =	vmul.f32 v4, v14;
	v62 =	vld.idx.msk [tilespmem:v60+s21+$0x0], $0xffff;
	v0 =	vmul.f32 v0, v16  }
0x4a1: {  	v1 =	vadd.f32 v1, v2;
	v2 =	vmul.f32 v3, v15;
	v3 =	vld.idx.msk [tilespmem:v61+s21+$0x0], $0xffff  }
0x4a2: {  	v63 =	vmul.f32 v5, v13;
	v0 =	vadd.f32 v0, v4  }
0x4a3: {  	v1 =	vadd.f32 v2, v1;
	v2 =	vmul.f32 v6, v12  }
0x4a4: {  	v60 =	vmul.f32 v58, v7;
	v0 =	vadd.f32 v63, v0  }
0x4a5: {  	v1 =	vadd.f32 v2, v1  }
0x4a6: {  	v2 =	vmul.f32 v62, v8;
	v3 =	vmul.f32 v3, v10;
	v0 =	vadd.f32 v60, v0;
	_ =	sdelay $0x1  }
0x4a7: {  	v1 =	vadd.f32 v2, v1;
	v0 =	vadd.f32 v3, v0;
	_ =	sdelay $0x1  }
0x4a8: {  	v0 =	vadd.f32 v0, v1;
	_ =	sdelay $0x1  }
0x4a9: {  	v2 =	vor.u32 $0x24, v11;
	[tilespmem:v54+s25+$0x0] =	vst.idx.msk $0xffff, v0  }
0x4aa: {  	v0 =	vor.u32 $0x23, v11;
	v1 =	vld.idx.msk [tilespmem:v44+s22+$0x0], $0xffff  }
0x4ab: {  	v61 =	vor.u32 $0x25, v11;
	v3 =	vld.idx.msk [tilespmem:v56+s21+$0x0], $0xffff  }
0x4ac: {  	v5 =	vld.idx.msk [tilespmem:v57+s21+$0x0], $0xffff  }
0x4ad: {  	v6 =	vor.u32 $0x26, v11;
	v54 =	vld.idx.msk [tilespmem:v55+s21+$0x0], $0xffff  }
0x4ae: {  	v62 =	vor.u32 $0x27, v11;
	v2 =	vld.idx.msk [tilespmem:v2+s21+$0x0], $0xffff  }
0x4af: {  	v63 =	vor.u32 $0x28, v11;
	v0 =	vld.idx.msk [tilespmem:v0+s21+$0x0], $0xffff  }
0x4b0: {  	v4 =	vld.idx.msk [tilespmem:v61+s21+$0x0], $0xffff;
	v61 =	vor.u32 $0x2A, v11  }
0x4b1: {  	v60 =	vor.u32 $0x29, v11;
	v3 =	vmul.f32 v3, v18  }
0x4b2: {  	v6 =	vld.idx.msk [tilespmem:v6+s21+$0x0], $0xffff  }
0x4b3: {  	v62 =	vld.idx.msk [tilespmem:v62+s21+$0x0], $0xffff;
	v1 =	vadd.f32 v3, v1;
	v3 =	vmul.f32 v54, v17  }
0x4b4: {  	v63 =	vld.idx.msk [tilespmem:v63+s21+$0x0], $0xffff;
	v5 =	vmul.f32 v5, v14;
	v0 =	vmul.f32 v0, v16  }
0x4b5: {  	v2 =	vmul.f32 v2, v15;
	v58 =	vld.idx.msk [tilespmem:v61+s21+$0x0], $0xffff;
	v1 =	vadd.f32 v3, v1  }
0x4b6: {  	v4 =	vmul.f32 v4, v13;
	v3 =	vld.idx.msk [tilespmem:v60+s21+$0x0], $0xffff;
	v0 =	vadd.f32 v0, v5  }
0x4b7: {  	v1 =	vadd.f32 v2, v1;
	v2 =	vmul.f32 v6, v12  }
0x4b8: {  	v59 =	vmul.f32 v62, v7;
	v0 =	vadd.f32 v4, v0  }
0x4b9: {  	v1 =	vadd.f32 v2, v1;
	v2 =	vmul.f32 v63, v8  }
0x4ba: {  	v0 =	vadd.f32 v59, v0  }
0x4bb: {  	v1 =	vadd.f32 v2, v1;
	v2 =	vmul.f32 v3, v10;
	v3 =	vmul.f32 v58, v19;
	_ =	sdelay $0x1  }
0x4bc: {  	v0 =	vadd.f32 v2, v0;
	v1 =	vadd.f32 v3, v1;
	_ =	sdelay $0x1  }
0x4bd: {  	v0 =	vadd.f32 v1, v0;
	_ =	sdelay $0x1  }
0x4be: {  	[tilespmem:v44+s25+$0x0] =	vst.idx.msk $0xffff, v0  }
0x4bf: {  	v1 =	vor.u32 $0x34, v11;
	v0 =	vld.idx.msk [tilespmem:v30+s22+$0x0], $0xffff  }
0x4c0: {  	v3 =	vor.u32 $0x35, v11;
	v2 =	vld.idx.msk [tilespmem:v52+s21+$0x0], $0xffff  }
0x4c1: {  	v60 =	vor.u32 $0x36, v11;
	v4 =	vld.idx.msk [tilespmem:v53+s21+$0x0], $0xffff  }
0x4c2: {  	v62 =	vor.u32 $0x37, v11;
	v61 =	vld.idx.msk [tilespmem:v50+s21+$0x0], $0xffff  }
0x4c3: {  	v57 =	vor.u32 $0x38, v11;
	v63 =	vld.idx.msk [tilespmem:v51+s21+$0x0], $0xffff  }
0x4c4: {  	v58 =	vor.u32 $0x39, v11;
	v1 =	vld.idx.msk [tilespmem:v1+s21+$0x0], $0xffff  }
0x4c5: {  	v59 =	vor.u32 $0x3A, v11;
	v3 =	vld.idx.msk [tilespmem:v3+s21+$0x0], $0xffff;
	v2 =	vmul.f32 v2, v18  }
0x4c6: {  	v5 =	vld.idx.msk [tilespmem:v60+s21+$0x0], $0xffff;
	v60 =	vor.u32 $0x3B, v11  }
0x4c7: {  	v0 =	vadd.f32 v2, v0;
	v2 =	vmul.f32 v61, v17;
	v61 =	vld.idx.msk [tilespmem:v62+s21+$0x0], $0xffff  }
0x4c8: {  	v4 =	vmul.f32 v4, v14;
	v62 =	vmul.f32 v63, v16;
	v63 =	vld.idx.msk [tilespmem:v57+s21+$0x0], $0xffff  }
0x4c9: {  	v1 =	vmul.f32 v1, v15;
	v0 =	vadd.f32 v2, v0;
	v2 =	vld.idx.msk [tilespmem:v58+s21+$0x0], $0xffff  }
0x4ca: {  	v52 =	vld.idx.msk [tilespmem:v59+s21+$0x0], $0xffff;
	v3 =	vmul.f32 v3, v13;
	v4 =	vadd.f32 v62, v4  }
0x4cb: {  	v53 =	vld.idx.msk [tilespmem:v60+s21+$0x0], $0xffff;
	v0 =	vadd.f32 v1, v0;
	v1 =	vmul.f32 v5, v12  }
0x4cc: {  	v3 =	vadd.f32 v3, v4;
	v54 =	vmul.f32 v61, v7  }
0x4cd: {  	v0 =	vadd.f32 v1, v0;
	v1 =	vmul.f32 v63, v8  }
0x4ce: {  	v3 =	vadd.f32 v54, v3;
	v2 =	vmul.f32 v2, v10  }
0x4cf: {  	v0 =	vadd.f32 v1, v0  }
0x4d0: {  	v1 =	vadd.f32 v2, v3;
	v2 =	vmul.f32 v52, v19;
	v3 =	vmul.f32 v53, v20;
	_ =	sdelay $0x1  }
0x4d1: {  	v0 =	vadd.f32 v2, v0;
	v1 =	vadd.f32 v3, v1;
	_ =	sdelay $0x1  }
0x4d2: {  	v0 =	vadd.f32 v1, v0;
	_ =	sdelay $0x1  }
0x4d3: {  	[tilespmem:v30+s25+$0x0] =	vst.idx.msk $0xffff, v0  }
0x4d4: {  	v0 =	vld.idx.msk [tilespmem:v21+s22+$0x0], $0xffff  }
0x4d5: {  	v2 =	vor.u32 $0x45, v11;
	v1 =	vld.idx.msk [tilespmem:v48+s21+$0x0], $0xffff  }
0x4d6: {  	v55 =	vor.u32 $0x46, v11;
	v3 =	vld.idx.msk [tilespmem:v49+s21+$0x0], $0xffff  }
0x4d7: {  	v57 =	vor.u32 $0x47, v11;
	v56 =	vld.idx.msk [tilespmem:v45+s21+$0x0], $0xffff  }
0x4d8: {  	v58 =	vor.u32 $0x48, v11;
	v30 =	vld.idx.msk [tilespmem:v46+s21+$0x0], $0xffff  }
0x4d9: {  	v60 =	vor.u32 $0x49, v11;
	v59 =	vld.idx.msk [tilespmem:v47+s21+$0x0], $0xffff  }
0x4da: {  	v61 =	vor.u32 $0x4A, v11;
	v2 =	vld.idx.msk [tilespmem:v2+s21+$0x0], $0xffff;
	v1 =	vmul.f32 v1, v18  }
0x4db: {  	v62 =	vor.u32 $0x4B, v11;
	v4 =	vld.idx.msk [tilespmem:v55+s21+$0x0], $0xffff  }
0x4dc: {  	v63 =	vld.idx.msk [tilespmem:v57+s21+$0x0], $0xffff;
	v49 =	vor.u32 $0x4C, v11;
	v0 =	vadd.f32 v1, v0;
	v1 =	vmul.f32 v56, v17  }
0x4dd: {  	v44 =	vld.idx.msk [tilespmem:v58+s21+$0x0], $0xffff;
	v3 =	vmul.f32 v3, v14;
	v30 =	vmul.f32 v30, v16  }
0x4de: {  	v50 =	vld.idx.msk [tilespmem:v60+s21+$0x0], $0xffff;
	v0 =	vadd.f32 v1, v0;
	v1 =	vmul.f32 v59, v15  }
0x4df: {  	v51 =	vld.idx.msk [tilespmem:v61+s21+$0x0], $0xffff;
	v2 =	vmul.f32 v2, v13;
	v3 =	vadd.f32 v30, v3  }
0x4e0: {  	v52 =	vld.idx.msk [tilespmem:v62+s21+$0x0], $0xffff;
	v0 =	vadd.f32 v1, v0;
	v1 =	vmul.f32 v4, v12  }
0x4e1: {  	v53 =	vld.idx.msk [tilespmem:v49+s21+$0x0], $0xffff;
	v2 =	vadd.f32 v2, v3;
	v3 =	vmul.f32 v63, v7  }
0x4e2: {  	v0 =	vadd.f32 v1, v0;
	v1 =	vmul.f32 v44, v8  }
0x4e3: {  	v2 =	vadd.f32 v3, v2;
	v3 =	vmul.f32 v50, v10  }
0x4e4: {  	v0 =	vadd.f32 v1, v0;
	v1 =	vmul.f32 v51, v19  }
0x4e5: {  	v2 =	vadd.f32 v3, v2  }
0x4e6: {  	v3 =	vmul.f32 v53, v31;
	v0 =	vadd.f32 v1, v0;
	v1 =	vmul.f32 v52, v20;
	_ =	sdelay $0x1  }
0x4e7: {  	v1 =	vadd.f32 v1, v2;
	v0 =	vadd.f32 v3, v0;
	_ =	sdelay $0x1  }
0x4e8: {  	v0 =	vadd.f32 v0, v1;
	_ =	sdelay $0x1  }
0x4e9: {  	[tilespmem:v21+s25+$0x0] =	vst.idx.msk $0xffff, v0  }
0x4ea: {  	v0 =	vld.idx.msk [tilespmem:v32+s22+$0x0], $0xffff  }
0x4eb: {  	v1 =	vld.idx.msk [tilespmem:v39+s21+$0x0], $0xffff  }
0x4ec: {  	v3 =	vor.u32 $0x56, v11;
	v2 =	vld.idx.msk [tilespmem:v43+s21+$0x0], $0xffff  }
0x4ed: {  	v55 =	vor.u32 $0x57, v11;
	v54 =	vld.idx.msk [tilespmem:v40+s21+$0x0], $0xffff  }
0x4ee: {  	v57 =	vor.u32 $0x58, v11;
	v56 =	vld.idx.msk [tilespmem:v41+s21+$0x0], $0xffff  }
0x4ef: {  	v59 =	vor.u32 $0x59, v11;
	v58 =	vld.idx.msk [tilespmem:v42+s21+$0x0], $0xffff  }
0x4f0: {  	v60 =	vor.u32 $0x5A, v11;
	v38 =	vld.idx.msk [tilespmem:v38+s21+$0x0], $0xffff  }
0x4f1: {  	v63 =	vor.u32 $0x5C, v11;
	v3 =	vld.idx.msk [tilespmem:v3+s21+$0x0], $0xffff;
	v1 =	vmul.f32 v1, v18  }
0x4f2: {  	v61 =	vor.u32 $0x5B, v11;
	v62 =	vld.idx.msk [tilespmem:v55+s21+$0x0], $0xffff  }
0x4f3: {  	v45 =	vor.u32 $0x5D, v11;
	v21 =	vld.idx.msk [tilespmem:v57+s21+$0x0], $0xffff;
	v0 =	vadd.f32 v1, v0;
	v1 =	vmul.f32 v54, v17  }
0x4f4: {  	v46 =	vld.idx.msk [tilespmem:v59+s21+$0x0], $0xffff;
	v2 =	vmul.f32 v2, v14;
	v6 =	vmul.f32 v56, v16  }
0x4f5: {  	v48 =	vld.idx.msk [tilespmem:v60+s21+$0x0], $0xffff;
	v0 =	vadd.f32 v1, v0;
	v1 =	vmul.f32 v58, v15  }
0x4f6: {  	v5 =	vld.idx.msk [tilespmem:v63+s21+$0x0], $0xffff;
	v47 =	vmul.f32 v38, v13;
	v2 =	vadd.f32 v6, v2  }
0x4f7: {  	v0 =	vadd.f32 v1, v0;
	v1 =	vmul.f32 v3, v12;
	v3 =	vld.idx.msk [tilespmem:v61+s21+$0x0], $0xffff  }
0x4f8: {  	v49 =	vld.idx.msk [tilespmem:v45+s21+$0x0], $0xffff;
	v4 =	vmul.f32 v62, v7;
	v2 =	vadd.f32 v47, v2  }
0x4f9: {  	v38 =	vld [tilespmem:$0x1FE80];
	v0 =	vadd.f32 v1, v0;
	v1 =	vmul.f32 v21, v8  }
0x4fa: {  	v50 =	vmul.f32 v46, v10;
	v2 =	vadd.f32 v4, v2  }
0x4fb: {  	v0 =	vadd.f32 v1, v0;
	v1 =	vmul.f32 v48, v19  }
0x4fc: {  	v2 =	vadd.f32 v50, v2;
	v3 =	vmul.f32 v3, v20  }
0x4fd: {  	v51 =	vld [tilespmem:$0x1FE90];
	v0 =	vadd.f32 v1, v0  }
0x4fe: {  	v1 =	vadd.f32 v3, v2;
	v2 =	vmul.f32 v5, v31;
	v3 =	vmul.f32 v49, v38;
	_ =	sdelay $0x1  }
0x4ff: {  	v0 =	vadd.f32 v2, v0;
	v1 =	vadd.f32 v3, v1;
	_ =	sdelay $0x1  }
0x500: {  	v0 =	vadd.f32 v1, v0  }
0x501: {  	v57 =	vld [tilespmem:$0x1FEA0]  }
0x502: {  	v43 =	vld [tilespmem:$0x1FEB0];
	[tilespmem:v32+s25+$0x0] =	vst.idx.msk $0xffff, v0  }
0x503: {  	v0 =	vld.idx.msk [tilespmem:v51+s22+$0x0], $0xffff  }
0x504: {  	v1 =	vld.idx.msk [tilespmem:v9+s21+$0x0], $0xffff  }
0x505: {  	v2 =	vld.idx.msk [tilespmem:v34+s21+$0x0], $0xffff  }
0x506: {  	v52 =	vor.u32 $0x67, v11;
	v3 =	vld.idx.msk [tilespmem:v35+s21+$0x0], $0xffff  }
0x507: {  	v54 =	vor.u32 $0x68, v11;
	v53 =	vld.idx.msk [tilespmem:v36+s21+$0x0], $0xffff  }
0x508: {  	v56 =	vor.u32 $0x69, v11;
	v55 =	vld.idx.msk [tilespmem:v37+s21+$0x0], $0xffff  }
0x509: {  	v58 =	vor.u32 $0x6A, v11;
	v30 =	vld.idx.msk [tilespmem:v57+s21+$0x0], $0xffff;
	v1 =	vmul.f32 v1, v18  }
0x50a: {  	v59 =	vor.u32 $0x6B, v11;
	v33 =	vld.idx.msk [tilespmem:v33+s21+$0x0], $0xffff  }
0x50b: {  	v60 =	vor.u32 $0x6C, v11;
	v0 =	vadd.f32 v1, v0;
	v1 =	vmul.f32 v3, v17;
	v3 =	vld.idx.msk [tilespmem:v52+s21+$0x0], $0xffff  }
0x50c: {  	v61 =	vor.u32 $0x6D, v11;
	v6 =	vld.idx.msk [tilespmem:v54+s21+$0x0], $0xffff;
	v2 =	vmul.f32 v2, v14;
	v5 =	vmul.f32 v53, v16  }
0x50d: {  	v63 =	vor.u32 $0x6E, v11;
	v62 =	vld.idx.msk [tilespmem:v56+s21+$0x0], $0xffff;
	v0 =	vadd.f32 v1, v0;
	v1 =	vmul.f32 v55, v15  }
0x50e: {  	v37 =	vld.idx.msk [tilespmem:v58+s21+$0x0], $0xffff;
	v36 =	vmul.f32 v30, v13;
	v2 =	vadd.f32 v5, v2  }
0x50f: {  	v40 =	vld.idx.msk [tilespmem:v59+s21+$0x0], $0xffff;
	v0 =	vadd.f32 v1, v0;
	v1 =	vmul.f32 v33, v12  }
0x510: {  	v4 =	vld.idx.msk [tilespmem:v60+s21+$0x0], $0xffff;
	v2 =	vadd.f32 v36, v2;
	v3 =	vmul.f32 v3, v7  }
0x511: {  	v41 =	vld.idx.msk [tilespmem:v61+s21+$0x0], $0xffff;
	v0 =	vadd.f32 v1, v0;
	v1 =	vmul.f32 v6, v8  }
0x512: {  	v42 =	vld.idx.msk [tilespmem:v63+s21+$0x0], $0xffff;
	v2 =	vadd.f32 v3, v2;
	v3 =	vmul.f32 v62, v10  }
0x513: {  	v0 =	vadd.f32 v1, v0;
	v1 =	vmul.f32 v37, v19  }
0x514: {  	v2 =	vadd.f32 v3, v2;
	v3 =	vmul.f32 v40, v20  }
0x515: {  	v0 =	vadd.f32 v1, v0;
	v1 =	vmul.f32 v4, v31  }
0x516: {  	v44 =	vld [tilespmem:$0x1FEC0];
	v2 =	vadd.f32 v3, v2  }
0x517: {  	v3 =	vmul.f32 v42, v43;
	v0 =	vadd.f32 v1, v0;
	v1 =	vmul.f32 v41, v38;
	_ =	sdelay $0x1  }
0x518: {  	v1 =	vadd.f32 v1, v2;
	v0 =	vadd.f32 v3, v0;
	_ =	sdelay $0x1  }
0x519: {  	v0 =	vadd.f32 v0, v1;
	_ =	sdelay $0x1  }
0x51a: {  	[tilespmem:v51+s25+$0x0] =	vst.idx.msk $0xffff, v0  }
0x51b: {  	v0 =	vld.idx.msk [tilespmem:v44+s22+$0x0], $0xffff  }
0x51c: {  	v1 =	vld.idx.msk [tilespmem:v23+s21+$0x0], $0xffff  }
0x51d: {  	v2 =	vld.idx.msk [tilespmem:v24+s21+$0x0], $0xffff  }
0x51e: {  	v3 =	vld.idx.msk [tilespmem:v25+s21+$0x0], $0xffff  }
0x51f: {  	v46 =	vor.u32 $0x78, v11;
	v45 =	vld.idx.msk [tilespmem:v28+s21+$0x0], $0xffff  }
0x520: {  	v48 =	vor.u32 $0x79, v11;
	v47 =	vld.idx.msk [tilespmem:v29+s21+$0x0], $0xffff  }
0x521: {  	v50 =	vor.u32 $0x7A, v11;
	v49 =	vld.idx.msk [tilespmem:v26+s21+$0x0], $0xffff;
	v1 =	vmul.f32 v1, v18  }
0x522: {  	v52 =	vor.u32 $0x7B, v11;
	v51 =	vld.idx.msk [tilespmem:v27+s21+$0x0], $0xffff  }
0x523: {  	v53 =	vor.u32 $0x7C, v11;
	v0 =	vadd.f32 v1, v0;
	v1 =	vmul.f32 v3, v17;
	v3 =	vld.idx.msk [tilespmem:v22+s21+$0x0], $0xffff  }
0x524: {  	v54 =	vor.u32 $0x7D, v11;
	v5 =	vld.idx.msk [tilespmem:v46+s21+$0x0], $0xffff;
	v2 =	vmul.f32 v2, v14;
	v4 =	vmul.f32 v45, v16  }
0x525: {  	v55 =	vld.idx.msk [tilespmem:v48+s21+$0x0], $0xffff;
	v0 =	vadd.f32 v1, v0;
	v1 =	vmul.f32 v47, v15  }
0x526: {  	v58 =	vld.idx.msk [tilespmem:v50+s21+$0x0], $0xffff;
	v57 =	vmul.f32 v49, v13;
	v2 =	vadd.f32 v4, v2  }
0x527: {  	v59 =	vld.idx.msk [tilespmem:v52+s21+$0x0], $0xffff;
	v0 =	vadd.f32 v1, v0;
	v1 =	vmul.f32 v51, v12  }
0x528: {  	v60 =	vld.idx.msk [tilespmem:v53+s21+$0x0], $0xffff;
	v2 =	vadd.f32 v57, v2;
	v3 =	vmul.f32 v3, v7  }
0x529: {  	v56 =	vor.u32 $0x7E, v11;
	v61 =	vld.idx.msk [tilespmem:v54+s21+$0x0], $0xffff;
	v0 =	vadd.f32 v1, v0;
	v1 =	vmul.f32 v5, v8  }
0x52a: {  	v11 =	vor.u32 $0x7F, v11;
	v2 =	vadd.f32 v3, v2;
	v3 =	vmul.f32 v55, v10  }
0x52b: {  	v0 =	vadd.f32 v1, v0;
	v1 =	vmul.f32 v58, v19  }
0x52c: {  	v2 =	vadd.f32 v3, v2;
	v3 =	vmul.f32 v59, v20  }
0x52d: {  	v0 =	vadd.f32 v1, v0  }
0x52e: {  	v62 =	vld.idx.msk [tilespmem:v56+s21+$0x0], $0xffff;
	v1 =	vmul.f32 v60, v31;
	v2 =	vadd.f32 v3, v2;
	v3 =	vmul.f32 v61, v38  }
0x52f: {  	v63 =	vld.idx.msk [tilespmem:v11+s21+$0x0], $0xffff  }
0x530: {  	v0 =	vadd.f32 v1, v0;
	v1 =	vadd.f32 v3, v2;
	v3 =	vld [tilespmem:$0x1FED0];
	_ =	sdelay $0x4  }
0x531: {  	v2 =	vmul.f32 v62, v43;
	v3 =	vmul.f32 v63, v3  }
0x532: {  	p0 =	sne.s32 s28, $0x70  }
.Ltmp3:
0x533: {  	v0 =	vadd.f32 v2, v0;
	v1 =	vadd.f32 v3, v1;
	(pc) =	sbr.rel @p0 .LBB2_8-.Ltmp3, $3  }
0x534: {  	_ = 	snop  }
0x535: {  	v0 =	vadd.f32 v1, v0;
	_ =	sdelay $0x1  }
0x536: {  	s28 =	sadd.s32 $0x10, s28;
	[tilespmem:v44+s25+$0x0] =	vst.idx.msk $0xffff, v0;
	v0 =	vlaneseq.u32  }
0x537: {  	s26 =	sadd.s32 $0x1, s26  }
0x538: {  	p0 =	sne.s32 s26, s18  }
.Ltmp4:
0x539: {  	_ = 	snop;
	(pc) =	sbr.rel @p0 .LBB2_1-.Ltmp4, $4  }
0x53a: {  	[hbm4b:s17+s1] =	stream.linear.scatter [tilespmem:s25], [sflag:$0x2], $0x800, $0x38;
	[tilespmem:$0x9880] =	vst v63  }
0x53b: {  	_ =	swait.ge [sflag:s19], $0x800  }
0x53c: {  	[sflag:s19] =	ssyncset.done $0x0  }
0x53d: {  	[sflag:s19] =	ssyncadd.s32 $0xFFFFF800  }
0x53e: {  	_ =	sfence.sel $0x180000  }
0x53f: {  	[bflag:$0x0] =	sbarrier.arrive $0xFFFF  }
0x540: {  	p0 =	sne.s32 s2, $0x0;
	_ =	strace $0x90000047  }
0x541: {  	s0 =	sadd.s32 @!p0 $0x100000, s0;
	[bflag:$0x2] =	sbarrier.arrive $0xFFFF  }
0x542: {  	[sflag:s0] =	ssyncadd.tile.s32 @!p0 $0x1;
	_ =	shalt  }
.Lfunc_end2:
_tile_overlayer_lowered:
.L_overlay_start_2:
0x543: {  	(tag) =	ssettag $0x2  }
0x544: {  	s0 =	rddreg [dreg:$0x0];
	s2 =	stileid.u32  }
0x545: {  	s1 =	rddreg [dreg:$0x1];
	p0 =	sne.s32 s2, $0x0  }
0x546: {  	s3 =	rddreg [dreg:$0x2];
	[bflag:$0x3] =	sbarrier.arrive $0xFFFF;
	s2 =	simm.s32 @!p0 $0x1C02  }
0x547: {  	[timem:s3], [sflag:s2] =	dma.local @!p0 [hbm:s0], s1  }
0x548: {  	s0 =	simm.s32 @!p0 $0x2  }
0x549: {  	_ =	swait.ge @!p0 [sflag:s0], s1  }
0x54a: {  	s1 =	ssub.s32 @!p0 $0x0, s1;
	[sflag:s0] =	ssyncset.done @!p0 $0x0  }
0x54b: {  	[sflag:s0] =	ssyncadd.s32 @!p0 s1  }
0x54c: {  	[bflag:$0x3] =	sbarrier.arrive $0xFFFF  }
0x54d: {  	_ =	shalt  }

</sc_bundles>
